<compile_context>
chip_gen: v7x
topology: tpu7x:2x2x1
jax: 0.10.2.dev20260603
libtpu: 0.0.44.dev20260713+nightly
codegen_flags: <defaults>
</compile_context>

<pallas_src>
import functools

import jax
import jax.numpy as jnp
from jax import lax
from jax.experimental import pallas as pl
from jax.experimental.pallas import tpu as pltpu
from jax.experimental.pallas import tpu_sc as plsc

N = 10000
NP = 10240
E = 160000
EP = 163840
PAD_ROW = 10000
D_IN = 256
D_HID = 512
D_OUT = 32
K = 128
NB_A = EP // 16 // K
NB_E = EP // 32 // K
RPS = NP // 16

_mesh = plsc.VectorSubcoreMesh(core_axis_name="c", subcore_axis_name="s",
                               num_cores=2, num_subcores=16)

f32 = jnp.float32



def _sc_hist(dst32, zeros128, ones128):

  @functools.partial(
      pl.kernel,
      out_type=jax.ShapeDtypeStruct((2, NP, 128), f32),
      mesh=_mesh,
      scratch_types=[
          pltpu.VMEM((NB_E, K), jnp.int32),
          pltpu.VMEM((K, 128), f32),
          pltpu.VMEM_SHARED((NP, 128), f32),
      ],
  )
  def hist(dst_hbm, z_hbm, ones_hbm, out, dst_v, ones_v, acc):
    c = lax.axis_index("c")
    s = lax.axis_index("s")
    w = s * 2 + c
    rows = pl.ds(s * RPS, RPS)
    pltpu.sync_copy(dst_hbm.at[w], dst_v)
    pltpu.sync_copy(ones_hbm, ones_v)
    pltpu.sync_copy(z_hbm.at[rows], acc.at[rows])
    plsc.subcore_barrier()

    def body(b, carry):
      pltpu.sync_copy(ones_v, acc.at[dst_v.at[b]], add=True)
      return carry

    lax.fori_loop(0, NB_E, body, 0)
    plsc.subcore_barrier()
    pltpu.sync_copy(acc.at[rows], out.at[c, rows])

  h = hist(dst32, zeros128, ones128)
  return h[0], h[1]


HB = 40


def _agg_chunk(t_hbm, init_hbm, o_hbm, acc, src_hbm, dst_hbm, row_i,
               src_v, dst_v, buf0, buf1, sem0, sem1, s, nb):
  rows = pl.ds(s * RPS, RPS)
  pltpu.sync_copy(init_hbm.at[rows], acc.at[rows])
  plsc.subcore_barrier()

  for h in range(nb // HB):
    pltpu.sync_copy(src_hbm.at[row_i, pl.ds(h * HB, HB)], src_v)
    pltpu.sync_copy(dst_hbm.at[row_i, pl.ds(h * HB, HB)], dst_v)
    pltpu.async_copy(t_hbm.at[src_v.at[0]], buf0, sem0)

    def body(i, carry):
      b = 2 * i
      pltpu.async_copy(t_hbm.at[src_v.at[b + 1]], buf1, sem1)
      pltpu.make_async_copy(t_hbm.at[src_v.at[b]], buf0, sem0).wait()
      pltpu.sync_copy(buf0, acc.at[dst_v.at[b]], add=True)

      @pl.when(b + 2 < HB)
      def _():
        pltpu.async_copy(t_hbm.at[src_v.at[b + 2]], buf0, sem0)

      pltpu.make_async_copy(t_hbm.at[src_v.at[b + 1]], buf1, sem1).wait()
      pltpu.sync_copy(buf1, acc.at[dst_v.at[b + 1]], add=True)
      return carry

    lax.fori_loop(0, HB // 2, body, 0)

  plsc.subcore_barrier()
  pltpu.sync_copy(acc.at[rows], o_hbm.at[rows])


def _sc_agg_cols(tables, src16, dst16):
  n = len(tables)
  per_core = n // 2

  @functools.partial(
      pl.kernel,
      out_type=[jax.ShapeDtypeStruct((NP, 128), f32)] * n,
      mesh=_mesh,
      scratch_types=[
          pltpu.VMEM((HB, K), jnp.int32),
          pltpu.VMEM((HB, K), jnp.int32),
          pltpu.VMEM((K, 128), f32),
          pltpu.VMEM((K, 128), f32),
          pltpu.VMEM_SHARED((NP, 128), f32),
          pltpu.SemaphoreType.DMA,
          pltpu.SemaphoreType.DMA,
      ],
  )
  def agg(*refs):
    t_refs = refs[:n]
    src_hbm, dst_hbm = refs[n], refs[n + 1]
    o_refs = refs[n + 2:2 * n + 2]
    src_v, dst_v, buf0, buf1, acc, sem0, sem1 = refs[2 * n + 2:]
    c = lax.axis_index("c")
    s = lax.axis_index("s")

    @pl.when(c == 0)
    def _():
      for j in range(per_core):
        _agg_chunk(t_refs[j], t_refs[j], o_refs[j], acc, src_hbm, dst_hbm, s,
                   src_v, dst_v, buf0, buf1, sem0, sem1, s, NB_A)
        if j + 1 < per_core:
          plsc.subcore_barrier()

    @pl.when(c == 1)
    def _():
      for j in range(per_core, n):
        _agg_chunk(t_refs[j], t_refs[j], o_refs[j], acc, src_hbm, dst_hbm, s,
                   src_v, dst_v, buf0, buf1, sem0, sem1, s, NB_A)
        if j + 1 < n:
          plsc.subcore_barrier()

  return agg(*tables, src16, dst16)


def _sc_agg_edges(table, zeros128, src32, dst32):

  @functools.partial(
      pl.kernel,
      out_type=[jax.ShapeDtypeStruct((NP, 128), f32)] * 2,
      mesh=_mesh,
      scratch_types=[
          pltpu.VMEM((HB, K), jnp.int32),
          pltpu.VMEM((HB, K), jnp.int32),
          pltpu.VMEM((K, 128), f32),
          pltpu.VMEM((K, 128), f32),
          pltpu.VMEM_SHARED((NP, 128), f32),
          pltpu.SemaphoreType.DMA,
          pltpu.SemaphoreType.DMA,
      ],
  )
  def agg(t_hbm, z_hbm, src_hbm, dst_hbm, out0, out1,
          src_v, dst_v, buf0, buf1, acc, sem0, sem1):
    c = lax.axis_index("c")
    s = lax.axis_index("s")
    w = s * 2 + c

    @pl.when(c == 0)
    def _():
      _agg_chunk(t_hbm, t_hbm, out0, acc, src_hbm, dst_hbm, w,
                 src_v, dst_v, buf0, buf1, sem0, sem1, s, NB_E)

    @pl.when(c == 1)
    def _():
      _agg_chunk(t_hbm, z_hbm, out1, acc, src_hbm, dst_hbm, w,
                 src_v, dst_v, buf0, buf1, sem0, sem1, s, NB_E)

  return agg(table, zeros128, src32, dst32)



def _tc_pre(histA, histB, xpad):
  blk = 1024

  def body(hA, hB, x_ref, dinv_ref, o0, o1):
    m = pl.program_id(0)
    deg = hA[...][:, :16] + hB[...][:, :16] + 1.0
    rows = lax.broadcasted_iota(jnp.int32, (blk, 16), 0) + m * blk
    dinv = jnp.where(rows < N, lax.rsqrt(deg), 0.0)
    dinv_ref[...] = dinv
    d1 = dinv[:, :1]
    xv = x_ref[...]
    o0[...] = xv[:, :128] * d1
    o1[...] = xv[:, 128:] * d1

  return pl.pallas_call(
      body,
      grid=(NP // blk,),
      in_specs=[
          pl.BlockSpec((blk, 128), lambda m: (m, 0)),
          pl.BlockSpec((blk, 128), lambda m: (m, 0)),
          pl.BlockSpec((blk, D_IN), lambda m: (m, 0)),
      ],
      out_specs=[
          pl.BlockSpec((blk, 16), lambda m: (m, 0)),
          pl.BlockSpec((blk, 128), lambda m: (m, 0)),
          pl.BlockSpec((blk, 128), lambda m: (m, 0)),
      ],
      out_shape=[
          jax.ShapeDtypeStruct((NP, 16), f32),
          jax.ShapeDtypeStruct((NP, 128), f32),
          jax.ShapeDtypeStruct((NP, 128), f32),
      ],
  )(histA, histB, xpad)


def _tc_l1(a0, a1, dinv, W1, b1):
  blk = 256

  def body(r0, r1, dinv_ref, w_ref, b_ref, o0, o1, o2, o3):
    d1 = dinv_ref[...][:, :1]
    bf = jnp.bfloat16
    z0 = (r0[...] * d1).astype(bf)
    z1 = (r1[...] * d1).astype(bf)
    w = w_ref[...].astype(bf)
    h = (jnp.dot(z0, w[0:128, :], preferred_element_type=f32)
         + jnp.dot(z1, w[128:256, :], preferred_element_type=f32)
         + b_ref[...])
    h = jnp.maximum(h, 0.0) * d1
    o0[...] = h[:, 0:128]
    o1[...] = h[:, 128:256]
    o2[...] = h[:, 256:384]
    o3[...] = h[:, 384:512]

  return pl.pallas_call(
      body,
      grid=(NP // blk,),
      in_specs=[
          pl.BlockSpec((blk, 128), lambda m: (m, 0)),
          pl.BlockSpec((blk, 128), lambda m: (m, 0)),
          pl.BlockSpec((blk, 16), lambda m: (m, 0)),
          pl.BlockSpec((D_IN, D_HID), lambda m: (0, 0)),
          pl.BlockSpec((1, D_HID), lambda m: (0, 0)),
      ],
      out_specs=[pl.BlockSpec((blk, 128), lambda m: (m, 0))] * 4,
      out_shape=[jax.ShapeDtypeStruct((NP, 128), f32)] * 4,
  )(a0, a1, dinv, W1, b1)


def _tc_l2(a0, a1, a2, a3, dinv, W2, b2, W3):
  blk = 256

  def body(r0, r1, r2, r3, dinv_ref, w2_ref, b2_ref, w3_ref, o):
    d1 = dinv_ref[...][:, :1]
    bf = jnp.bfloat16
    w2 = w2_ref[...].astype(bf)
    h = b2_ref[...] + jnp.zeros((blk, D_HID), f32)
    for j, r in enumerate((r0, r1, r2, r3)):
      h = h + jnp.dot((r[...] * d1).astype(bf), w2[j * 128:(j + 1) * 128, :],
                      preferred_element_type=f32)
    h = jnp.maximum(h, 0.0)
    g = jnp.dot(h.astype(bf), w3_ref[...].astype(bf),
                preferred_element_type=f32)
    o[:, 0:D_OUT] = g * d1
    o[:, D_OUT:] = jnp.zeros((blk, 128 - D_OUT), f32)

  return pl.pallas_call(
      body,
      grid=(NP // blk,),
      in_specs=[
          pl.BlockSpec((blk, 128), lambda m: (m, 0)),
          pl.BlockSpec((blk, 128), lambda m: (m, 0)),
          pl.BlockSpec((blk, 128), lambda m: (m, 0)),
          pl.BlockSpec((blk, 128), lambda m: (m, 0)),
          pl.BlockSpec((blk, 16), lambda m: (m, 0)),
          pl.BlockSpec((D_HID, D_HID), lambda m: (0, 0)),
          pl.BlockSpec((1, D_HID), lambda m: (0, 0)),
          pl.BlockSpec((D_HID, D_OUT), lambda m: (0, 0)),
      ],
      out_specs=pl.BlockSpec((blk, 128), lambda m: (m, 0)),
      out_shape=jax.ShapeDtypeStruct((NP, 128), f32),
  )(a0, a1, a2, a3, dinv, W2, b2, W3)


def _tc_out(p0, p1, dinv, b3):
  blk = 1024

  def body(r0, r1, dinv_ref, b_ref, o):
    d1 = dinv_ref[...][:, :1]
    o[...] = (r0[...][:, :D_OUT] + r1[...][:, :D_OUT]) * d1 + b_ref[...]

  return pl.pallas_call(
      body,
      grid=(NP // blk,),
      in_specs=[
          pl.BlockSpec((blk, 128), lambda m: (m, 0)),
          pl.BlockSpec((blk, 128), lambda m: (m, 0)),
          pl.BlockSpec((blk, 16), lambda m: (m, 0)),
          pl.BlockSpec((1, D_OUT), lambda m: (0, 0)),
      ],
      out_specs=pl.BlockSpec((blk, D_OUT), lambda m: (m, 0)),
      out_shape=jax.ShapeDtypeStruct((NP, D_OUT), f32),
  )(p0, p1, dinv, b3)



def kernel(x, edge_index, W1, b1, W2, b2, W3, b3):
  x = x.astype(f32)
  src = edge_index[0].astype(jnp.int32)
  dst = edge_index[1].astype(jnp.int32)
  pad = EP - E
  srcp = jnp.concatenate([src, jnp.zeros((pad,), jnp.int32)])
  dstp = jnp.concatenate([dst, jnp.full((pad,), PAD_ROW, jnp.int32)])
  src16 = srcp.reshape(16, NB_A, K)
  dst16 = dstp.reshape(16, NB_A, K)
  src32 = srcp.reshape(32, NB_E, K)
  dst32 = dstp.reshape(32, NB_E, K)
  xpad = jnp.pad(x, ((0, NP - N), (0, 0)))

  zeros128 = jnp.zeros((NP, 128), f32)
  ones128 = jnp.ones((K, 128), f32)

  hA, hB = _sc_hist(dst32, zeros128, ones128)
  dinv, xt0, xt1 = _tc_pre(hA, hB, xpad)
  g0, g1 = _sc_agg_cols([xt0, xt1], src16, dst16)
  h0, h1, h2, h3 = _tc_l1(g0, g1, dinv, W1, b1.reshape(1, -1))
  a0, a1, a2, a3 = _sc_agg_cols([h0, h1, h2, h3], src16, dst16)
  gt = _tc_l2(a0, a1, a2, a3, dinv, W2, b2.reshape(1, -1), W3)
  p0, p1 = _sc_agg_edges(gt, zeros128, src32, dst32)
  out = _tc_out(p0, p1, dinv, b3.reshape(1, -1))
  return out[:N]

# --- scband reference (transcript-rebuilt; emitter-appended) ---
"""Pipeline reference for scband-gnnreinforcement-learning-model-33827162423320 (READ-ONLY COPY).

The authoritative reference and input builder live on the scoring server;
editing this copy changes nothing except your own understanding.
"""

import jax, jax.numpy as jnp
import numpy as np

N_NODES = 10000
N_EDGES = 160000
D_IN = 256
D_HID = 512
D_OUT = 32


def glorot(key, shape):
    fan_in, fan_out = shape[0], shape[1]
    limit = np.sqrt(6.0 / (fan_in + fan_out))
    return jax.random.uniform(key, shape, jnp.float32, -limit, limit)


def setup_inputs(seed: int = 0) -> dict:
    key = jax.random.key(seed)
    ks = jax.random.split(key, 8)
    x = jax.random.normal(ks[0], (N_NODES, D_IN), dtype=jnp.float32)
    edge_index = jax.random.randint(ks[1], (2, N_EDGES), 0, N_NODES, dtype=jnp.int64)
    W1 = glorot(ks[2], (D_IN, D_HID))
    b1 = jnp.zeros((D_HID,), dtype=jnp.float32)
    W2 = glorot(ks[3], (D_HID, D_HID))
    b2 = jnp.zeros((D_HID,), dtype=jnp.float32)
    W3 = glorot(ks[4], (D_HID, D_OUT))
    b3 = jnp.zeros((D_OUT,), dtype=jnp.float32)
    return {"x": x, "edge_index": edge_index, "W1": W1, "b1": b1, "W2": W2, "b2": b2, "W3": W3, "b3": b3}


def gcn_conv(x, src, dst, norm, W, b):
    # PyG GCNConv: linear transform, then normalized scatter-add aggregation
    h = x @ W
    msgs = h[src] * norm[:, None]
    out = jnp.zeros((x.shape[0], W.shape[1]), dtype=h.dtype).at[dst].add(msgs)
    return out + b


def reference(x, edge_index, W1, b1, W2, b2, W3, b3):
    N = x.shape[0]
    # add self loops
    loop = jnp.arange(N, dtype=edge_index.dtype)
    src = jnp.concatenate([edge_index[0], loop])
    dst = jnp.concatenate([edge_index[1], loop])
    # symmetric normalization D^{-1/2} (A+I) D^{-1/2}
    deg = jnp.zeros((N,), dtype=jnp.float32).at[dst].add(1.0)
    deg_inv_sqrt = jnp.where(deg > 0, deg ** -0.5, 0.0)
    norm = deg_inv_sqrt[src] * deg_inv_sqrt[dst]

    h = gcn_conv(x, src, dst, norm, W1, b1)
    h = jax.nn.relu(h)
    # dropout p=0.1 is identity in eval mode
    h = gcn_conv(h, src, dst, norm, W2, b2)
    h = jax.nn.relu(h)
    out = gcn_conv(h, src, dst, norm, W3, b3)
    return out

if __name__ == "__main__":
    import jax
    _d = setup_inputs()
    print(jax.jit(kernel)(*tuple(_d.values())))

</pallas_src>

<mosaic_0001>
#map = affine_map<(d0, d1) -> (0, 0, 0)>
#map1 = affine_map<(d0, d1) -> (0, 0)>
module attributes {stable_mosaic.version = 14 : i64} {
  func.func @hist(%arg0: i32, %arg1: i32, %arg2: memref<32x40x128xi32, #tpu.memory_space<hbm>>, %arg3: memref<10240x128xf32, #tpu.memory_space<hbm>>, %arg4: memref<128x128xf32, #tpu.memory_space<hbm>>, %arg5: memref<2x10240x128xf32, #tpu.memory_space<hbm>>, %arg6: memref<40x128xi32, #tpu.memory_space<vmem>>, %arg7: memref<128x128xf32, #tpu.memory_space<vmem>>, %arg8: memref<10240x128xf32, #tpu.memory_space<vmem_shared>>) attributes {dimension_semantics = [#tpu.dimension_semantics<core_parallel>, #tpu.dimension_semantics<subcore_parallel>], iteration_bounds = array<i64: 2, 16>, scalar_prefetch = 0 : i64, scratch_operands = 3 : i64, tpu.core_type = #tpu.core_type<sc_vector_subcore>, window_params = [{transform_indices = #map}, {transform_indices = #map1}, {transform_indices = #map1}, {transform_indices = #map}]} {
    %mul3A = arith.constant 2 : i32
    %mul3A_0 = arith.muli %arg1, %mul3A : i32
    %add3A = arith.addi %mul3A_0, %arg0 : i32
    %mul3A_1 = arith.constant 640 : i32
    %mul3A_2 = arith.muli %arg1, %mul3A_1 : i32
    "tpu.region"() ({
      %run_scoped3A = tpu.sem_alloc : memref<!tpu.dma_semaphore, #tpu.memory_space<semaphore_mem>>
      %dma_start3A = arith.constant 0 : i32
      %dma_start3A_9 = arith.constant 0 : i32
      %dma_start3A_10 = tpu.memref_slice %arg2[%add3A, %dma_start3A, %dma_start3A_9] : memref<32x40x128xi32, #tpu.memory_space<hbm>> -> memref<1x40x128xi32, #tpu.memory_space<hbm>>
      %dma_start3A_11 = tpu.memref_squeeze %dma_start3A_10 : memref<1x40x128xi32, #tpu.memory_space<hbm>> -> memref<40x128xi32, #tpu.memory_space<hbm>>
      %dma_start3A_12 = arith.constant 0 : i32
      %dma_start3A_13 = arith.constant 0 : i32
      %dma_start3A_14 = tpu.memref_slice %arg2[%add3A, %dma_start3A_12, %dma_start3A_13] : memref<32x40x128xi32, #tpu.memory_space<hbm>> -> memref<1x40x128xi32, #tpu.memory_space<hbm>>
      %dma_start3A_15 = tpu.memref_squeeze %dma_start3A_14 : memref<1x40x128xi32, #tpu.memory_space<hbm>> -> memref<40x128xi32, #tpu.memory_space<hbm>>
      tpu.enqueue_dma source(%dma_start3A_15 : memref<40x128xi32, #tpu.memory_space<hbm>>) target(%arg6 : memref<40x128xi32, #tpu.memory_space<vmem>>) target_semaphore(%run_scoped3A : memref<!tpu.dma_semaphore, #tpu.memory_space<semaphore_mem>>)
      %dma_wait3A = arith.constant 0 : i32
      %dma_wait3A_16 = arith.constant 0 : i32
      %dma_wait3A_17 = tpu.memref_slice %arg2[%add3A, %dma_wait3A, %dma_wait3A_16] : memref<32x40x128xi32, #tpu.memory_space<hbm>> -> memref<1x40x128xi32, #tpu.memory_space<hbm>>
      %dma_wait3A_18 = tpu.memref_squeeze %dma_wait3A_17 : memref<1x40x128xi32, #tpu.memory_space<hbm>> -> memref<40x128xi32, #tpu.memory_space<hbm>>
      %dma_wait3A_19 = arith.constant 0 : i32
      %dma_wait3A_20 = arith.constant 0 : i32
      %dma_wait3A_21 = tpu.memref_slice %arg2[%add3A, %dma_wait3A_19, %dma_wait3A_20] : memref<32x40x128xi32, #tpu.memory_space<hbm>> -> memref<1x40x128xi32, #tpu.memory_space<hbm>>
      %dma_wait3A_22 = tpu.memref_squeeze %dma_wait3A_21 : memref<1x40x128xi32, #tpu.memory_space<hbm>> -> memref<40x128xi32, #tpu.memory_space<hbm>>
      tpu.wait_dma2 semaphore(%run_scoped3A : memref<!tpu.dma_semaphore, #tpu.memory_space<semaphore_mem>>) src(%dma_wait3A_22 : memref<40x128xi32, #tpu.memory_space<hbm>>) dst(%arg6 : memref<40x128xi32, #tpu.memory_space<vmem>>)
      tpu.yield
    }) : () -> ()
    "tpu.region"() ({
      %run_scoped3A = tpu.sem_alloc : memref<!tpu.dma_semaphore, #tpu.memory_space<semaphore_mem>>
      tpu.enqueue_dma source(%arg4 : memref<128x128xf32, #tpu.memory_space<hbm>>) target(%arg7 : memref<128x128xf32, #tpu.memory_space<vmem>>) target_semaphore(%run_scoped3A : memref<!tpu.dma_semaphore, #tpu.memory_space<semaphore_mem>>)
      tpu.wait_dma2 semaphore(%run_scoped3A : memref<!tpu.dma_semaphore, #tpu.memory_space<semaphore_mem>>) src(%arg4 : memref<128x128xf32, #tpu.memory_space<hbm>>) dst(%arg7 : memref<128x128xf32, #tpu.memory_space<vmem>>)
      tpu.yield
    }) : () -> ()
    "tpu.region"() ({
      %run_scoped3A = tpu.sem_alloc : memref<!tpu.dma_semaphore, #tpu.memory_space<semaphore_mem>>
      %dma_start3A = arith.constant 0 : i32
      %dma_start3A_9 = tpu.memref_slice %arg8[%mul3A_2, %dma_start3A] : memref<10240x128xf32, #tpu.memory_space<vmem_shared>> -> memref<640x128xf32, #tpu.memory_space<vmem_shared>>
      %dma_start3A_10 = arith.constant 0 : i32
      %dma_start3A_11 = tpu.memref_slice %arg3[%mul3A_2, %dma_start3A_10] : memref<10240x128xf32, #tpu.memory_space<hbm>> -> memref<640x128xf32, #tpu.memory_space<hbm>>
      tpu.enqueue_dma source(%dma_start3A_11 : memref<640x128xf32, #tpu.memory_space<hbm>>) target(%dma_start3A_9 : memref<640x128xf32, #tpu.memory_space<vmem_shared>>) target_semaphore(%run_scoped3A : memref<!tpu.dma_semaphore, #tpu.memory_space<semaphore_mem>>)
      %dma_wait3A = arith.constant 0 : i32
      %dma_wait3A_12 = tpu.memref_slice %arg8[%mul3A_2, %dma_wait3A] : memref<10240x128xf32, #tpu.memory_space<vmem_shared>> -> memref<640x128xf32, #tpu.memory_space<vmem_shared>>
      %dma_wait3A_13 = arith.constant 0 : i32
      %dma_wait3A_14 = tpu.memref_slice %arg3[%mul3A_2, %dma_wait3A_13] : memref<10240x128xf32, #tpu.memory_space<hbm>> -> memref<640x128xf32, #tpu.memory_space<hbm>>
      tpu.wait_dma2 semaphore(%run_scoped3A : memref<!tpu.dma_semaphore, #tpu.memory_space<semaphore_mem>>) src(%dma_wait3A_14 : memref<640x128xf32, #tpu.memory_space<hbm>>) dst(%dma_wait3A_12 : memref<640x128xf32, #tpu.memory_space<vmem_shared>>)
      tpu.yield
    }) : () -> ()
    %barrier3A = arith.constant 0 : index
    tpu.barrier barrier_id(%barrier3A)
    %scan3A = arith.constant 0 : i32
    %scan3A_3 = arith.constant 0 : i32
    %scan3A_4 = arith.constant 40 : i32
    %scan3A_5 = arith.addi %scan3A_3, %scan3A_4 : i32
    %scan3A_6 = arith.constant 1 : i32
    scf.for %scan3A_9 = %scan3A_3 to %scan3A_5 step %scan3A_6  : i32 {
      "tpu.region"() ({
        %run_scoped3A = tpu.sem_alloc : memref<!tpu.dma_semaphore, #tpu.memory_space<semaphore_mem>>
        %dma_start3A = arith.constant 0 : i32
        %dma_start3A_10 = tpu.memref_slice %arg6[%scan3A_9, %dma_start3A] : memref<40x128xi32, #tpu.memory_space<vmem>> -> memref<1x128xi32, #tpu.memory_space<vmem>>
        %dma_start3A_11 = tpu.memref_squeeze %dma_start3A_10 : memref<1x128xi32, #tpu.memory_space<vmem>> -> memref<128xi32, #tpu.memory_space<vmem>>
        %dma_start3A_12 = arith.constant 0 : i32
        %dma_start3A_13 = arith.constant 0 : i32
        %dma_start3A_14 = tpu.memref_slice %arg8[%dma_start3A_12, %dma_start3A_13] : memref<10240x128xf32, #tpu.memory_space<vmem_shared>> -> memref<10240x128xf32, #tpu.memory_space<vmem_shared>>
        tpu.enqueue_indirect_dma source(%arg7 : memref<128x128xf32, #tpu.memory_space<vmem>>) target(%dma_start3A_14 : memref<10240x128xf32, #tpu.memory_space<vmem_shared>>) offsets(%dma_start3A_11 : memref<128xi32, #tpu.memory_space<vmem>>) semaphore(%run_scoped3A : memref<!tpu.dma_semaphore, #tpu.memory_space<semaphore_mem>>) {add = true}
        %dma_wait3A = arith.constant 0 : i32
        %dma_wait3A_15 = tpu.memref_slice %arg6[%scan3A_9, %dma_wait3A] : memref<40x128xi32, #tpu.memory_space<vmem>> -> memref<1x128xi32, #tpu.memory_space<vmem>>
        %dma_wait3A_16 = tpu.memref_squeeze %dma_wait3A_15 : memref<1x128xi32, #tpu.memory_space<vmem>> -> memref<128xi32, #tpu.memory_space<vmem>>
        %dma_wait3A_17 = arith.constant 0 : i32
        %dma_wait3A_18 = arith.constant 0 : i32
        %dma_wait3A_19 = tpu.memref_slice %arg8[%dma_wait3A_17, %dma_wait3A_18] : memref<10240x128xf32, #tpu.memory_space<vmem_shared>> -> memref<10240x128xf32, #tpu.memory_space<vmem_shared>>
        tpu.wait_indirect_dma semaphore(%run_scoped3A : memref<!tpu.dma_semaphore, #tpu.memory_space<semaphore_mem>>) src(%arg7 : memref<128x128xf32, #tpu.memory_space<vmem>>) dst(%dma_wait3A_19 : memref<10240x128xf32, #tpu.memory_space<vmem_shared>>)
        tpu.yield
      }) : () -> ()
    }
    %scan3A_7 = arith.constant 40 : i32
    %barrier3A_8 = arith.constant 0 : index
    tpu.barrier barrier_id(%barrier3A_8)
    "tpu.region"() ({
      %run_scoped3A = tpu.sem_alloc : memref<!tpu.dma_semaphore, #tpu.memory_space<semaphore_mem>>
      %dma_start3A = arith.constant 0 : i32
      %dma_start3A_9 = tpu.memref_slice %arg5[%arg0, %mul3A_2, %dma_start3A] : memref<2x10240x128xf32, #tpu.memory_space<hbm>> -> memref<1x640x128xf32, #tpu.memory_space<hbm>>
      %dma_start3A_10 = tpu.memref_squeeze %dma_start3A_9 : memref<1x640x128xf32, #tpu.memory_space<hbm>> -> memref<640x128xf32, #tpu.memory_space<hbm>>
      %dma_start3A_11 = arith.constant 0 : i32
      %dma_start3A_12 = tpu.memref_slice %arg8[%mul3A_2, %dma_start3A_11] : memref<10240x128xf32, #tpu.memory_space<vmem_shared>> -> memref<640x128xf32, #tpu.memory_space<vmem_shared>>
      tpu.enqueue_dma source(%dma_start3A_12 : memref<640x128xf32, #tpu.memory_space<vmem_shared>>) target(%dma_start3A_10 : memref<640x128xf32, #tpu.memory_space<hbm>>) target_semaphore(%run_scoped3A : memref<!tpu.dma_semaphore, #tpu.memory_space<semaphore_mem>>)
      %dma_wait3A = arith.constant 0 : i32
      %dma_wait3A_13 = tpu.memref_slice %arg5[%arg0, %mul3A_2, %dma_wait3A] : memref<2x10240x128xf32, #tpu.memory_space<hbm>> -> memref<1x640x128xf32, #tpu.memory_space<hbm>>
      %dma_wait3A_14 = tpu.memref_squeeze %dma_wait3A_13 : memref<1x640x128xf32, #tpu.memory_space<hbm>> -> memref<640x128xf32, #tpu.memory_space<hbm>>
      %dma_wait3A_15 = arith.constant 0 : i32
      %dma_wait3A_16 = tpu.memref_slice %arg8[%mul3A_2, %dma_wait3A_15] : memref<10240x128xf32, #tpu.memory_space<vmem_shared>> -> memref<640x128xf32, #tpu.memory_space<vmem_shared>>
      tpu.wait_dma2 semaphore(%run_scoped3A : memref<!tpu.dma_semaphore, #tpu.memory_space<semaphore_mem>>) src(%dma_wait3A_16 : memref<640x128xf32, #tpu.memory_space<vmem_shared>>) dst(%dma_wait3A_14 : memref<640x128xf32, #tpu.memory_space<hbm>>)
      tpu.yield
    }) : () -> ()
    return
  }
}

#map = affine_map<(d0, d1) -> (0, 0)>
#map1 = affine_map<(d0, d1) -> (0, 0, 0)>
module attributes {stable_mosaic.version = 14 : i64} {
  func.func @agg(%arg0: i32, %arg1: i32, %arg2: memref<10240x128xf32, #tpu.memory_space<hbm>>, %arg3: memref<10240x128xf32, #tpu.memory_space<hbm>>, %arg4: memref<16x80x128xi32, #tpu.memory_space<hbm>>, %arg5: memref<16x80x128xi32, #tpu.memory_space<hbm>>, %arg6: memref<10240x128xf32, #tpu.memory_space<hbm>>, %arg7: memref<10240x128xf32, #tpu.memory_space<hbm>>, %arg8: memref<40x128xi32, #tpu.memory_space<vmem>>, %arg9: memref<40x128xi32, #tpu.memory_space<vmem>>, %arg10: memref<128x128xf32, #tpu.memory_space<vmem>>, %arg11: memref<128x128xf32, #tpu.memory_space<vmem>>, %arg12: memref<10240x128xf32, #tpu.memory_space<vmem_shared>>, %arg13: memref<!tpu.dma_semaphore, #tpu.memory_space<semaphore_mem>>, %arg14: memref<!tpu.dma_semaphore, #tpu.memory_space<semaphore_mem>>) attributes {dimension_semantics = [#tpu.dimension_semantics<core_parallel>, #tpu.dimension_semantics<subcore_parallel>], iteration_bounds = array<i64: 2, 16>, scalar_prefetch = 0 : i64, scratch_operands = 7 : i64, tpu.core_type = #tpu.core_type<sc_vector_subcore>, window_params = [{transform_indices = #map}, {transform_indices = #map}, {transform_indices = #map1}, {transform_indices = #map1}, {transform_indices = #map}, {transform_indices = #map}]} {
    %eq3A = arith.constant 0 : i32
    %eq3A_0 = arith.cmpi eq, %arg0, %eq3A : i32
    %convert_element_type3A = arith.extui %eq3A_0 : i1 to i32
    %cond3A = arith.constant 0 : i32
    %cond3A_1 = arith.cmpi ne, %convert_element_type3A, %cond3A : i32
    scf.if %cond3A_1 {
      %mul3A = arith.constant 640 : i32
      %mul3A_7 = arith.muli %arg1, %mul3A : i32
      "tpu.region"() ({
        %run_scoped3A = tpu.sem_alloc : memref<!tpu.dma_semaphore, #tpu.memory_space<semaphore_mem>>
        %dma_start3A_33 = arith.constant 0 : i32
        %dma_start3A_34 = tpu.memref_slice %arg12[%mul3A_7, %dma_start3A_33] : memref<10240x128xf32, #tpu.memory_space<vmem_shared>> -> memref<640x128xf32, #tpu.memory_space<vmem_shared>>
        %dma_start3A_35 = arith.constant 0 : i32
        %dma_start3A_36 = tpu.memref_slice %arg2[%mul3A_7, %dma_start3A_35] : memref<10240x128xf32, #tpu.memory_space<hbm>> -> memref<640x128xf32, #tpu.memory_space<hbm>>
        tpu.enqueue_dma source(%dma_start3A_36 : memref<640x128xf32, #tpu.memory_space<hbm>>) target(%dma_start3A_34 : memref<640x128xf32, #tpu.memory_space<vmem_shared>>) target_semaphore(%run_scoped3A : memref<!tpu.dma_semaphore, #tpu.memory_space<semaphore_mem>>)
        %dma_wait3A = arith.constant 0 : i32
        %dma_wait3A_37 = tpu.memref_slice %arg12[%mul3A_7, %dma_wait3A] : memref<10240x128xf32, #tpu.memory_space<vmem_shared>> -> memref<640x128xf32, #tpu.memory_space<vmem_shared>>
        %dma_wait3A_38 = arith.constant 0 : i32
        %dma_wait3A_39 = tpu.memref_slice %arg2[%mul3A_7, %dma_wait3A_38] : memref<10240x128xf32, #tpu.memory_space<hbm>> -> memref<640x128xf32, #tpu.memory_space<hbm>>
        tpu.wait_dma2 semaphore(%run_scoped3A : memref<!tpu.dma_semaphore, #tpu.memory_space<semaphore_mem>>) src(%dma_wait3A_39 : memref<640x128xf32, #tpu.memory_space<hbm>>) dst(%dma_wait3A_37 : memref<640x128xf32, #tpu.memory_space<vmem_shared>>)
        tpu.yield
      }) : () -> ()
      %barrier3A = arith.constant 0 : index
      tpu.barrier barrier_id(%barrier3A)
      "tpu.region"() ({
        %run_scoped3A = tpu.sem_alloc : memref<!tpu.dma_semaphore, #tpu.memory_space<semaphore_mem>>
        %dma_start3A_33 = arith.constant 0 : i32
        %dma_start3A_34 = arith.constant 0 : i32
        %dma_start3A_35 = tpu.memref_slice %arg4[%arg1, %dma_start3A_33, %dma_start3A_34] : memref<16x80x128xi32, #tpu.memory_space<hbm>> -> memref<1x40x128xi32, #tpu.memory_space<hbm>>
        %dma_start3A_36 = tpu.memref_squeeze %dma_start3A_35 : memref<1x40x128xi32, #tpu.memory_space<hbm>> -> memref<40x128xi32, #tpu.memory_space<hbm>>
        %dma_start3A_37 = arith.constant 0 : i32
        %dma_start3A_38 = arith.constant 0 : i32
        %dma_start3A_39 = tpu.memref_slice %arg4[%arg1, %dma_start3A_37, %dma_start3A_38] : memref<16x80x128xi32, #tpu.memory_space<hbm>> -> memref<1x40x128xi32, #tpu.memory_space<hbm>>
        %dma_start3A_40 = tpu.memref_squeeze %dma_start3A_39 : memref<1x40x128xi32, #tpu.memory_space<hbm>> -> memref<40x128xi32, #tpu.memory_space<hbm>>
        tpu.enqueue_dma source(%dma_start3A_40 : memref<40x128xi32, #tpu.memory_space<hbm>>) target(%arg8 : memref<40x128xi32, #tpu.memory_space<vmem>>) target_semaphore(%run_scoped3A : memref<!tpu.dma_semaphore, #tpu.memory_space<semaphore_mem>>)
        %dma_wait3A = arith.constant 0 : i32
        %dma_wait3A_41 = arith.constant 0 : i32
        %dma_wait3A_42 = tpu.memref_slice %arg4[%arg1, %dma_wait3A, %dma_wait3A_41] : memref<16x80x128xi32, #tpu.memory_space<hbm>> -> memref<1x40x128xi32, #tpu.memory_space<hbm>>
        %dma_wait3A_43 = tpu.memref_squeeze %dma_wait3A_42 : memref<1x40x128xi32, #tpu.memory_space<hbm>> -> memref<40x128xi32, #tpu.memory_space<hbm>>
        %dma_wait3A_44 = arith.constant 0 : i32
        %dma_wait3A_45 = arith.constant 0 : i32
        %dma_wait3A_46 = tpu.memref_slice %arg4[%arg1, %dma_wait3A_44, %dma_wait3A_45] : memref<16x80x128xi32, #tpu.memory_space<hbm>> -> memref<1x40x128xi32, #tpu.memory_space<hbm>>
        %dma_wait3A_47 = tpu.memref_squeeze %dma_wait3A_46 : memref<1x40x128xi32, #tpu.memory_space<hbm>> -> memref<40x128xi32, #tpu.memory_space<hbm>>
        tpu.wait_dma2 semaphore(%run_scoped3A : memref<!tpu.dma_semaphore, #tpu.memory_space<semaphore_mem>>) src(%dma_wait3A_47 : memref<40x128xi32, #tpu.memory_space<hbm>>) dst(%arg8 : memref<40x128xi32, #tpu.memory_space<vmem>>)
        tpu.yield
      }) : () -> ()
      "tpu.region"() ({
        %run_scoped3A = tpu.sem_alloc : memref<!tpu.dma_semaphore, #tpu.memory_space<semaphore_mem>>
        %dma_start3A_33 = arith.constant 0 : i32
        %dma_start3A_34 = arith.constant 0 : i32
        %dma_start3A_35 = tpu.memref_slice %arg5[%arg1, %dma_start3A_33, %dma_start3A_34] : memref<16x80x128xi32, #tpu.memory_space<hbm>> -> memref<1x40x128xi32, #tpu.memory_space<hbm>>
        %dma_start3A_36 = tpu.memref_squeeze %dma_start3A_35 : memref<1x40x128xi32, #tpu.memory_space<hbm>> -> memref<40x128xi32, #tpu.memory_space<hbm>>
        %dma_start3A_37 = arith.constant 0 : i32
        %dma_start3A_38 = arith.constant 0 : i32
        %dma_start3A_39 = tpu.memref_slice %arg5[%arg1, %dma_start3A_37, %dma_start3A_38] : memref<16x80x128xi32, #tpu.memory_space<hbm>> -> memref<1x40x128xi32, #tpu.memory_space<hbm>>
        %dma_start3A_40 = tpu.memref_squeeze %dma_start3A_39 : memref<1x40x128xi32, #tpu.memory_space<hbm>> -> memref<40x128xi32, #tpu.memory_space<hbm>>
        tpu.enqueue_dma source(%dma_start3A_40 : memref<40x128xi32, #tpu.memory_space<hbm>>) target(%arg9 : memref<40x128xi32, #tpu.memory_space<vmem>>) target_semaphore(%run_scoped3A : memref<!tpu.dma_semaphore, #tpu.memory_space<semaphore_mem>>)
        %dma_wait3A = arith.constant 0 : i32
        %dma_wait3A_41 = arith.constant 0 : i32
        %dma_wait3A_42 = tpu.memref_slice %arg5[%arg1, %dma_wait3A, %dma_wait3A_41] : memref<16x80x128xi32, #tpu.memory_space<hbm>> -> memref<1x40x128xi32, #tpu.memory_space<hbm>>
        %dma_wait3A_43 = tpu.memref_squeeze %dma_wait3A_42 : memref<1x40x128xi32, #tpu.memory_space<hbm>> -> memref<40x128xi32, #tpu.memory_space<hbm>>
        %dma_wait3A_44 = arith.constant 0 : i32
        %dma_wait3A_45 = arith.constant 0 : i32
        %dma_wait3A_46 = tpu.memref_slice %arg5[%arg1, %dma_wait3A_44, %dma_wait3A_45] : memref<16x80x128xi32, #tpu.memory_space<hbm>> -> memref<1x40x128xi32, #tpu.memory_space<hbm>>
        %dma_wait3A_47 = tpu.memref_squeeze %dma_wait3A_46 : memref<1x40x128xi32, #tpu.memory_space<hbm>> -> memref<40x128xi32, #tpu.memory_space<hbm>>
        tpu.wait_dma2 semaphore(%run_scoped3A : memref<!tpu.dma_semaphore, #tpu.memory_space<semaphore_mem>>) src(%dma_wait3A_47 : memref<40x128xi32, #tpu.memory_space<hbm>>) dst(%arg9 : memref<40x128xi32, #tpu.memory_space<vmem>>)
        tpu.yield
      }) : () -> ()
      %dma_start3A = arith.constant 0 : i32
      %dma_start3A_8 = arith.constant 0 : i32
      %dma_start3A_9 = tpu.memref_slice %arg8[%dma_start3A, %dma_start3A_8] : memref<40x128xi32, #tpu.memory_space<vmem>> -> memref<1x128xi32, #tpu.memory_space<vmem>>
      %dma_start3A_10 = tpu.memref_squeeze %dma_start3A_9 : memref<1x128xi32, #tpu.memory_space<vmem>> -> memref<128xi32, #tpu.memory_space<vmem>>
      %dma_start3A_11 = arith.constant 0 : i32
      %dma_start3A_12 = arith.constant 0 : i32
      %dma_start3A_13 = tpu.memref_slice %arg2[%dma_start3A_11, %dma_start3A_12] : memref<10240x128xf32, #tpu.memory_space<hbm>> -> memref<10240x128xf32, #tpu.memory_space<hbm>>
      tpu.enqueue_indirect_dma source(%dma_start3A_13 : memref<10240x128xf32, #tpu.memory_space<hbm>>) target(%arg10 : memref<128x128xf32, #tpu.memory_space<vmem>>) offsets(%dma_start3A_10 : memref<128xi32, #tpu.memory_space<vmem>>) semaphore(%arg13 : memref<!tpu.dma_semaphore, #tpu.memory_space<semaphore_mem>>)
      %scan3A = arith.constant 0 : i32
      %scan3A_14 = arith.constant 0 : i32
      %scan3A_15 = arith.constant 20 : i32
      %scan3A_16 = arith.addi %scan3A_14, %scan3A_15 : i32
      %scan3A_17 = arith.constant 1 : i32
      scf.for %scan3A_33 = %scan3A_14 to %scan3A_16 step %scan3A_17  : i32 {
        %mul3A_34 = arith.constant 2 : i32
        %mul3A_35 = arith.muli %mul3A_34, %scan3A_33 : i32
        %add3A = arith.constant 1 : i32
        %add3A_36 = arith.addi %mul3A_35, %add3A : i32
        %dma_start3A_37 = arith.constant 0 : i32
        %dma_start3A_38 = tpu.memref_slice %arg8[%add3A_36, %dma_start3A_37] : memref<40x128xi32, #tpu.memory_space<vmem>> -> memref<1x128xi32, #tpu.memory_space<vmem>>
        %dma_start3A_39 = tpu.memref_squeeze %dma_start3A_38 : memref<1x128xi32, #tpu.memory_space<vmem>> -> memref<128xi32, #tpu.memory_space<vmem>>
        %dma_start3A_40 = arith.constant 0 : i32
        %dma_start3A_41 = arith.constant 0 : i32
        %dma_start3A_42 = tpu.memref_slice %arg2[%dma_start3A_40, %dma_start3A_41] : memref<10240x128xf32, #tpu.memory_space<hbm>> -> memref<10240x128xf32, #tpu.memory_space<hbm>>
        tpu.enqueue_indirect_dma source(%dma_start3A_42 : memref<10240x128xf32, #tpu.memory_space<hbm>>) target(%arg11 : memref<128x128xf32, #tpu.memory_space<vmem>>) offsets(%dma_start3A_39 : memref<128xi32, #tpu.memory_space<vmem>>) semaphore(%arg14 : memref<!tpu.dma_semaphore, #tpu.memory_space<semaphore_mem>>)
        %dma_wait3A = arith.constant 0 : i32
        %dma_wait3A_43 = tpu.memref_slice %arg8[%mul3A_35, %dma_wait3A] : memref<40x128xi32, #tpu.memory_space<vmem>> -> memref<1x128xi32, #tpu.memory_space<vmem>>
        %dma_wait3A_44 = tpu.memref_squeeze %dma_wait3A_43 : memref<1x128xi32, #tpu.memory_space<vmem>> -> memref<128xi32, #tpu.memory_space<vmem>>
        %dma_wait3A_45 = arith.constant 0 : i32
        %dma_wait3A_46 = arith.constant 0 : i32
        %dma_wait3A_47 = tpu.memref_slice %arg2[%dma_wait3A_45, %dma_wait3A_46] : memref<10240x128xf32, #tpu.memory_space<hbm>> -> memref<10240x128xf32, #tpu.memory_space<hbm>>
        tpu.wait_indirect_dma semaphore(%arg13 : memref<!tpu.dma_semaphore, #tpu.memory_space<semaphore_mem>>) src(%dma_wait3A_47 : memref<10240x128xf32, #tpu.memory_space<hbm>>) dst(%arg10 : memref<128x128xf32, #tpu.memory_space<vmem>>)
        "tpu.region"() ({
          %run_scoped3A = tpu.sem_alloc : memref<!tpu.dma_semaphore, #tpu.memory_space<semaphore_mem>>
          %dma_start3A_64 = arith.constant 0 : i32
          %dma_start3A_65 = tpu.memref_slice %arg9[%mul3A_35, %dma_start3A_64] : memref<40x128xi32, #tpu.memory_space<vmem>> -> memref<1x128xi32, #tpu.memory_space<vmem>>
          %dma_start3A_66 = tpu.memref_squeeze %dma_start3A_65 : memref<1x128xi32, #tpu.memory_space<vmem>> -> memref<128xi32, #tpu.memory_space<vmem>>
          %dma_start3A_67 = arith.constant 0 : i32
          %dma_start3A_68 = arith.constant 0 : i32
          %dma_start3A_69 = tpu.memref_slice %arg12[%dma_start3A_67, %dma_start3A_68] : memref<10240x128xf32, #tpu.memory_space<vmem_shared>> -> memref<10240x128xf32, #tpu.memory_space<vmem_shared>>
          tpu.enqueue_indirect_dma source(%arg10 : memref<128x128xf32, #tpu.memory_space<vmem>>) target(%dma_start3A_69 : memref<10240x128xf32, #tpu.memory_space<vmem_shared>>) offsets(%dma_start3A_66 : memref<128xi32, #tpu.memory_space<vmem>>) semaphore(%run_scoped3A : memref<!tpu.dma_semaphore, #tpu.memory_space<semaphore_mem>>) {add = true}
          %dma_wait3A_70 = arith.constant 0 : i32
          %dma_wait3A_71 = tpu.memref_slice %arg9[%mul3A_35, %dma_wait3A_70] : memref<40x128xi32, #tpu.memory_space<vmem>> -> memref<1x128xi32, #tpu.memory_space<vmem>>
          %dma_wait3A_72 = tpu.memref_squeeze %dma_wait3A_71 : memref<1x128xi32, #tpu.memory_space<vmem>> -> memref<128xi32, #tpu.memory_space<vmem>>
          %dma_wait3A_73 = arith.constant 0 : i32
          %dma_wait3A_74 = arith.constant 0 : i32
          %dma_wait3A_75 = tpu.memref_slice %arg12[%dma_wait3A_73, %dma_wait3A_74] : memref<10240x128xf32, #tpu.memory_space<vmem_shared>> -> memref<10240x128xf32, #tpu.memory_space<vmem_shared>>
          tpu.wait_indirect_dma semaphore(%run_scoped3A : memref<!tpu.dma_semaphore, #tpu.memory_space<semaphore_mem>>) src(%arg10 : memref<128x128xf32, #tpu.memory_space<vmem>>) dst(%dma_wait3A_75 : memref<10240x128xf32, #tpu.memory_space<vmem_shared>>)
          tpu.yield
        }) : () -> ()
        %add3A_48 = arith.constant 2 : i32
        %add3A_49 = arith.addi %mul3A_35, %add3A_48 : i32
        %lt3A = arith.constant 40 : i32
        %lt3A_50 = arith.cmpi slt, %add3A_49, %lt3A : i32
        %convert_element_type3A_51 = arith.extui %lt3A_50 : i1 to i32
        %cond3A_52 = arith.constant 0 : i32
        %cond3A_53 = arith.cmpi ne, %convert_element_type3A_51, %cond3A_52 : i32
        scf.if %cond3A_53 {
          %add3A_64 = arith.constant 2 : i32
          %add3A_65 = arith.addi %mul3A_35, %add3A_64 : i32
          %dma_start3A_66 = arith.constant 0 : i32
          %dma_start3A_67 = tpu.memref_slice %arg8[%add3A_65, %dma_start3A_66] : memref<40x128xi32, #tpu.memory_space<vmem>> -> memref<1x128xi32, #tpu.memory_space<vmem>>
          %dma_start3A_68 = tpu.memref_squeeze %dma_start3A_67 : memref<1x128xi32, #tpu.memory_space<vmem>> -> memref<128xi32, #tpu.memory_space<vmem>>
          %dma_start3A_69 = arith.constant 0 : i32
          %dma_start3A_70 = arith.constant 0 : i32
          %dma_start3A_71 = tpu.memref_slice %arg2[%dma_start3A_69, %dma_start3A_70] : memref<10240x128xf32, #tpu.memory_space<hbm>> -> memref<10240x128xf32, #tpu.memory_space<hbm>>
          tpu.enqueue_indirect_dma source(%dma_start3A_71 : memref<10240x128xf32, #tpu.memory_space<hbm>>) target(%arg10 : memref<128x128xf32, #tpu.memory_space<vmem>>) offsets(%dma_start3A_68 : memref<128xi32, #tpu.memory_space<vmem>>) semaphore(%arg13 : memref<!tpu.dma_semaphore, #tpu.memory_space<semaphore_mem>>)
        } else {
        }
        %add3A_54 = arith.constant 1 : i32
        %add3A_55 = arith.addi %mul3A_35, %add3A_54 : i32
        %dma_wait3A_56 = arith.constant 0 : i32
        %dma_wait3A_57 = tpu.memref_slice %arg8[%add3A_55, %dma_wait3A_56] : memref<40x128xi32, #tpu.memory_space<vmem>> -> memref<1x128xi32, #tpu.memory_space<vmem>>
        %dma_wait3A_58 = tpu.memref_squeeze %dma_wait3A_57 : memref<1x128xi32, #tpu.memory_space<vmem>> -> memref<128xi32, #tpu.memory_space<vmem>>
        %dma_wait3A_59 = arith.constant 0 : i32
        %dma_wait3A_60 = arith.constant 0 : i32
        %dma_wait3A_61 = tpu.memref_slice %arg2[%dma_wait3A_59, %dma_wait3A_60] : memref<10240x128xf32, #tpu.memory_space<hbm>> -> memref<10240x128xf32, #tpu.memory_space<hbm>>
        tpu.wait_indirect_dma semaphore(%arg14 : memref<!tpu.dma_semaphore, #tpu.memory_space<semaphore_mem>>) src(%dma_wait3A_61 : memref<10240x128xf32, #tpu.memory_space<hbm>>) dst(%arg11 : memref<128x128xf32, #tpu.memory_space<vmem>>)
        %add3A_62 = arith.constant 1 : i32
        %add3A_63 = arith.addi %mul3A_35, %add3A_62 : i32
        "tpu.region"() ({
          %run_scoped3A = tpu.sem_alloc : memref<!tpu.dma_semaphore, #tpu.memory_space<semaphore_mem>>
          %dma_start3A_64 = arith.constant 0 : i32
          %dma_start3A_65 = tpu.memref_slice %arg9[%add3A_63, %dma_start3A_64] : memref<40x128xi32, #tpu.memory_space<vmem>> -> memref<1x128xi32, #tpu.memory_space<vmem>>
          %dma_start3A_66 = tpu.memref_squeeze %dma_start3A_65 : memref<1x128xi32, #tpu.memory_space<vmem>> -> memref<128xi32, #tpu.memory_space<vmem>>
          %dma_start3A_67 = arith.constant 0 : i32
          %dma_start3A_68 = arith.constant 0 : i32
          %dma_start3A_69 = tpu.memref_slice %arg12[%dma_start3A_67, %dma_start3A_68] : memref<10240x128xf32, #tpu.memory_space<vmem_shared>> -> memref<10240x128xf32, #tpu.memory_space<vmem_shared>>
          tpu.enqueue_indirect_dma source(%arg11 : memref<128x128xf32, #tpu.memory_space<vmem>>) target(%dma_start3A_69 : memref<10240x128xf32, #tpu.memory_space<vmem_shared>>) offsets(%dma_start3A_66 : memref<128xi32, #tpu.memory_space<vmem>>) semaphore(%run_scoped3A : memref<!tpu.dma_semaphore, #tpu.memory_space<semaphore_mem>>) {add = true}
          %dma_wait3A_70 = arith.constant 0 : i32
          %dma_wait3A_71 = tpu.memref_slice %arg9[%add3A_63, %dma_wait3A_70] : memref<40x128xi32, #tpu.memory_space<vmem>> -> memref<1x128xi32, #tpu.memory_space<vmem>>
          %dma_wait3A_72 = tpu.memref_squeeze %dma_wait3A_71 : memref<1x128xi32, #tpu.memory_space<vmem>> -> memref<128xi32, #tpu.memory_space<vmem>>
          %dma_wait3A_73 = arith.constant 0 : i32
          %dma_wait3A_74 = arith.constant 0 : i32
          %dma_wait3A_75 = tpu.memref_slice %arg12[%dma_wait3A_73, %dma_wait3A_74] : memref<10240x128xf32, #tpu.memory_space<vmem_shared>> -> memref<10240x128xf32, #tpu.memory_space<vmem_shared>>
          tpu.wait_indirect_dma semaphore(%run_scoped3A : memref<!tpu.dma_semaphore, #tpu.memory_space<semaphore_mem>>) src(%arg11 : memref<128x128xf32, #tpu.memory_space<vmem>>) dst(%dma_wait3A_75 : memref<10240x128xf32, #tpu.memory_space<vmem_shared>>)
          tpu.yield
        }) : () -> ()
      }
      %scan3A_18 = arith.constant 20 : i32
      "tpu.region"() ({
        %run_scoped3A = tpu.sem_alloc : memref<!tpu.dma_semaphore, #tpu.memory_space<semaphore_mem>>
        %dma_start3A_33 = arith.constant 40 : i32
        %dma_start3A_34 = arith.constant 0 : i32
        %dma_start3A_35 = tpu.memref_slice %arg4[%arg1, %dma_start3A_33, %dma_start3A_34] : memref<16x80x128xi32, #tpu.memory_space<hbm>> -> memref<1x40x128xi32, #tpu.memory_space<hbm>>
        %dma_start3A_36 = tpu.memref_squeeze %dma_start3A_35 : memref<1x40x128xi32, #tpu.memory_space<hbm>> -> memref<40x128xi32, #tpu.memory_space<hbm>>
        %dma_start3A_37 = arith.constant 40 : i32
        %dma_start3A_38 = arith.constant 0 : i32
        %dma_start3A_39 = tpu.memref_slice %arg4[%arg1, %dma_start3A_37, %dma_start3A_38] : memref<16x80x128xi32, #tpu.memory_space<hbm>> -> memref<1x40x128xi32, #tpu.memory_space<hbm>>
        %dma_start3A_40 = tpu.memref_squeeze %dma_start3A_39 : memref<1x40x128xi32, #tpu.memory_space<hbm>> -> memref<40x128xi32, #tpu.memory_space<hbm>>
        tpu.enqueue_dma source(%dma_start3A_40 : memref<40x128xi32, #tpu.memory_space<hbm>>) target(%arg8 : memref<40x128xi32, #tpu.memory_space<vmem>>) target_semaphore(%run_scoped3A : memref<!tpu.dma_semaphore, #tpu.memory_space<semaphore_mem>>)
        %dma_wait3A = arith.constant 40 : i32
        %dma_wait3A_41 = arith.constant 0 : i32
        %dma_wait3A_42 = tpu.memref_slice %arg4[%arg1, %dma_wait3A, %dma_wait3A_41] : memref<16x80x128xi32, #tpu.memory_space<hbm>> -> memref<1x40x128xi32, #tpu.memory_space<hbm>>
        %dma_wait3A_43 = tpu.memref_squeeze %dma_wait3A_42 : memref<1x40x128xi32, #tpu.memory_space<hbm>> -> memref<40x128xi32, #tpu.memory_space<hbm>>
        %dma_wait3A_44 = arith.constant 40 : i32
        %dma_wait3A_45 = arith.constant 0 : i32
        %dma_wait3A_46 = tpu.memref_slice %arg4[%arg1, %dma_wait3A_44, %dma_wait3A_45] : memref<16x80x128xi32, #tpu.memory_space<hbm>> -> memref<1x40x128xi32, #tpu.memory_space<hbm>>
        %dma_wait3A_47 = tpu.memref_squeeze %dma_wait3A_46 : memref<1x40x128xi32, #tpu.memory_space<hbm>> -> memref<40x128xi32, #tpu.memory_space<hbm>>
        tpu.wait_dma2 semaphore(%run_scoped3A : memref<!tpu.dma_semaphore, #tpu.memory_space<semaphore_mem>>) src(%dma_wait3A_47 : memref<40x128xi32, #tpu.memory_space<hbm>>) dst(%arg8 : memref<40x128xi32, #tpu.memory_space<vmem>>)
        tpu.yield
      }) : () -> ()
      "tpu.region"() ({
        %run_scoped3A = tpu.sem_alloc : memref<!tpu.dma_semaphore, #tpu.memory_space<semaphore_mem>>
        %dma_start3A_33 = arith.constant 40 : i32
        %dma_start3A_34 = arith.constant 0 : i32
        %dma_start3A_35 = tpu.memref_slice %arg5[%arg1, %dma_start3A_33, %dma_start3A_34] : memref<16x80x128xi32, #tpu.memory_space<hbm>> -> memref<1x40x128xi32, #tpu.memory_space<hbm>>
        %dma_start3A_36 = tpu.memref_squeeze %dma_start3A_35 : memref<1x40x128xi32, #tpu.memory_space<hbm>> -> memref<40x128xi32, #tpu.memory_space<hbm>>
        %dma_start3A_37 = arith.constant 40 : i32
        %dma_start3A_38 = arith.constant 0 : i32
        %dma_start3A_39 = tpu.memref_slice %arg5[%arg1, %dma_start3A_37, %dma_start3A_38] : memref<16x80x128xi32, #tpu.memory_space<hbm>> -> memref<1x40x128xi32, #tpu.memory_space<hbm>>
        %dma_start3A_40 = tpu.memref_squeeze %dma_start3A_39 : memref<1x40x128xi32, #tpu.memory_space<hbm>> -> memref<40x128xi32, #tpu.memory_space<hbm>>
        tpu.enqueue_dma source(%dma_start3A_40 : memref<40x128xi32, #tpu.memory_space<hbm>>) target(%arg9 : memref<40x128xi32, #tpu.memory_space<vmem>>) target_semaphore(%run_scoped3A : memref<!tpu.dma_semaphore, #tpu.memory_space<semaphore_mem>>)
        %dma_wait3A = arith.constant 40 : i32
        %dma_wait3A_41 = arith.constant 0 : i32
        %dma_wait3A_42 = tpu.memref_slice %arg5[%arg1, %dma_wait3A, %dma_wait3A_41] : memref<16x80x128xi32, #tpu.memory_space<hbm>> -> memref<1x40x128xi32, #tpu.memory_space<hbm>>
        %dma_wait3A_43 = tpu.memref_squeeze %dma_wait3A_42 : memref<1x40x128xi32, #tpu.memory_space<hbm>> -> memref<40x128xi32, #tpu.memory_space<hbm>>
        %dma_wait3A_44 = arith.constant 40 : i32
        %dma_wait3A_45 = arith.constant 0 : i32
        %dma_wait3A_46 = tpu.memref_slice %arg5[%arg1, %dma_wait3A_44, %dma_wait3A_45] : memref<16x80x128xi32, #tpu.memory_space<hbm>> -> memref<1x40x128xi32, #tpu.memory_space<hbm>>
        %dma_wait3A_47 = tpu.memref_squeeze %dma_wait3A_46 : memref<1x40x128xi32, #tpu.memory_space<hbm>> -> memref<40x128xi32, #tpu.memory_space<hbm>>
        tpu.wait_dma2 semaphore(%run_scoped3A : memref<!tpu.dma_semaphore, #tpu.memory_space<semaphore_mem>>) src(%dma_wait3A_47 : memref<40x128xi32, #tpu.memory_space<hbm>>) dst(%arg9 : memref<40x128xi32, #tpu.memory_space<vmem>>)
        tpu.yield
      }) : () -> ()
      %dma_start3A_19 = arith.constant 0 : i32
      %dma_start3A_20 = arith.constant 0 : i32
      %dma_start3A_21 = tpu.memref_slice %arg8[%dma_start3A_19, %dma_start3A_20] : memref<40x128xi32, #tpu.memory_space<vmem>> -> memref<1x128xi32, #tpu.memory_space<vmem>>
      %dma_start3A_22 = tpu.memref_squeeze %dma_start3A_21 : memref<1x128xi32, #tpu.memory_space<vmem>> -> memref<128xi32, #tpu.memory_space<vmem>>
      %dma_start3A_23 = arith.constant 0 : i32
      %dma_start3A_24 = arith.constant 0 : i32
      %dma_start3A_25 = tpu.memref_slice %arg2[%dma_start3A_23, %dma_start3A_24] : memref<10240x128xf32, #tpu.memory_space<hbm>> -> memref<10240x128xf32, #tpu.memory_space<hbm>>
      tpu.enqueue_indirect_dma source(%dma_start3A_25 : memref<10240x128xf32, #tpu.memory_space<hbm>>) target(%arg10 : memref<128x128xf32, #tpu.memory_space<vmem>>) offsets(%dma_start3A_22 : memref<128xi32, #tpu.memory_space<vmem>>) semaphore(%arg13 : memref<!tpu.dma_semaphore, #tpu.memory_space<semaphore_mem>>)
      %scan3A_26 = arith.constant 0 : i32
      %scan3A_27 = arith.constant 0 : i32
      %scan3A_28 = arith.constant 20 : i32
      %scan3A_29 = arith.addi %scan3A_27, %scan3A_28 : i32
      %scan3A_30 = arith.constant 1 : i32
      scf.for %scan3A_33 = %scan3A_27 to %scan3A_29 step %scan3A_30  : i32 {
        %mul3A_34 = arith.constant 2 : i32
        %mul3A_35 = arith.muli %mul3A_34, %scan3A_33 : i32
        %add3A = arith.constant 1 : i32
        %add3A_36 = arith.addi %mul3A_35, %add3A : i32
        %dma_start3A_37 = arith.constant 0 : i32
        %dma_start3A_38 = tpu.memref_slice %arg8[%add3A_36, %dma_start3A_37] : memref<40x128xi32, #tpu.memory_space<vmem>> -> memref<1x128xi32, #tpu.memory_space<vmem>>
        %dma_start3A_39 = tpu.memref_squeeze %dma_start3A_38 : memref<1x128xi32, #tpu.memory_space<vmem>> -> memref<128xi32, #tpu.memory_space<vmem>>
        %dma_start3A_40 = arith.constant 0 : i32
        %dma_start3A_41 = arith.constant 0 : i32
        %dma_start3A_42 = tpu.memref_slice %arg2[%dma_start3A_40, %dma_start3A_41] : memref<10240x128xf32, #tpu.memory_space<hbm>> -> memref<10240x128xf32, #tpu.memory_space<hbm>>
        tpu.enqueue_indirect_dma source(%dma_start3A_42 : memref<10240x128xf32, #tpu.memory_space<hbm>>) target(%arg11 : memref<128x128xf32, #tpu.memory_space<vmem>>) offsets(%dma_start3A_39 : memref<128xi32, #tpu.memory_space<vmem>>) semaphore(%arg14 : memref<!tpu.dma_semaphore, #tpu.memory_space<semaphore_mem>>)
        %dma_wait3A = arith.constant 0 : i32
        %dma_wait3A_43 = tpu.memref_slice %arg8[%mul3A_35, %dma_wait3A] : memref<40x128xi32, #tpu.memory_space<vmem>> -> memref<1x128xi32, #tpu.memory_space<vmem>>
        %dma_wait3A_44 = tpu.memref_squeeze %dma_wait3A_43 : memref<1x128xi32, #tpu.memory_space<vmem>> -> memref<128xi32, #tpu.memory_space<vmem>>
        %dma_wait3A_45 = arith.constant 0 : i32
        %dma_wait3A_46 = arith.constant 0 : i32
        %dma_wait3A_47 = tpu.memref_slice %arg2[%dma_wait3A_45, %dma_wait3A_46] : memref<10240x128xf32, #tpu.memory_space<hbm>> -> memref<10240x128xf32, #tpu.memory_space<hbm>>
        tpu.wait_indirect_dma semaphore(%arg13 : memref<!tpu.dma_semaphore, #tpu.memory_space<semaphore_mem>>) src(%dma_wait3A_47 : memref<10240x128xf32, #tpu.memory_space<hbm>>) dst(%arg10 : memref<128x128xf32, #tpu.memory_space<vmem>>)
        "tpu.region"() ({
          %run_scoped3A = tpu.sem_alloc : memref<!tpu.dma_semaphore, #tpu.memory_space<semaphore_mem>>
          %dma_start3A_64 = arith.constant 0 : i32
          %dma_start3A_65 = tpu.memref_slice %arg9[%mul3A_35, %dma_start3A_64] : memref<40x128xi32, #tpu.memory_space<vmem>> -> memref<1x128xi32, #tpu.memory_space<vmem>>
          %dma_start3A_66 = tpu.memref_squeeze %dma_start3A_65 : memref<1x128xi32, #tpu.memory_space<vmem>> -> memref<128xi32, #tpu.memory_space<vmem>>
          %dma_start3A_67 = arith.constant 0 : i32
          %dma_start3A_68 = arith.constant 0 : i32
          %dma_start3A_69 = tpu.memref_slice %arg12[%dma_start3A_67, %dma_start3A_68] : memref<10240x128xf32, #tpu.memory_space<vmem_shared>> -> memref<10240x128xf32, #tpu.memory_space<vmem_shared>>
          tpu.enqueue_indirect_dma source(%arg10 : memref<128x128xf32, #tpu.memory_space<vmem>>) target(%dma_start3A_69 : memref<10240x128xf32, #tpu.memory_space<vmem_shared>>) offsets(%dma_start3A_66 : memref<128xi32, #tpu.memory_space<vmem>>) semaphore(%run_scoped3A : memref<!tpu.dma_semaphore, #tpu.memory_space<semaphore_mem>>) {add = true}
          %dma_wait3A_70 = arith.constant 0 : i32
          %dma_wait3A_71 = tpu.memref_slice %arg9[%mul3A_35, %dma_wait3A_70] : memref<40x128xi32, #tpu.memory_space<vmem>> -> memref<1x128xi32, #tpu.memory_space<vmem>>
          %dma_wait3A_72 = tpu.memref_squeeze %dma_wait3A_71 : memref<1x128xi32, #tpu.memory_space<vmem>> -> memref<128xi32, #tpu.memory_space<vmem>>
          %dma_wait3A_73 = arith.constant 0 : i32
          %dma_wait3A_74 = arith.constant 0 : i32
          %dma_wait3A_75 = tpu.memref_slice %arg12[%dma_wait3A_73, %dma_wait3A_74] : memref<10240x128xf32, #tpu.memory_space<vmem_shared>> -> memref<10240x128xf32, #tpu.memory_space<vmem_shared>>
          tpu.wait_indirect_dma semaphore(%run_scoped3A : memref<!tpu.dma_semaphore, #tpu.memory_space<semaphore_mem>>) src(%arg10 : memref<128x128xf32, #tpu.memory_space<vmem>>) dst(%dma_wait3A_75 : memref<10240x128xf32, #tpu.memory_space<vmem_shared>>)
          tpu.yield
        }) : () -> ()
        %add3A_48 = arith.constant 2 : i32
        %add3A_49 = arith.addi %mul3A_35, %add3A_48 : i32
        %lt3A = arith.constant 40 : i32
        %lt3A_50 = arith.cmpi slt, %add3A_49, %lt3A : i32
        %convert_element_type3A_51 = arith.extui %lt3A_50 : i1 to i32
        %cond3A_52 = arith.constant 0 : i32
        %cond3A_53 = arith.cmpi ne, %convert_element_type3A_51, %cond3A_52 : i32
        scf.if %cond3A_53 {
          %add3A_64 = arith.constant 2 : i32
          %add3A_65 = arith.addi %mul3A_35, %add3A_64 : i32
          %dma_start3A_66 = arith.constant 0 : i32
          %dma_start3A_67 = tpu.memref_slice %arg8[%add3A_65, %dma_start3A_66] : memref<40x128xi32, #tpu.memory_space<vmem>> -> memref<1x128xi32, #tpu.memory_space<vmem>>
          %dma_start3A_68 = tpu.memref_squeeze %dma_start3A_67 : memref<1x128xi32, #tpu.memory_space<vmem>> -> memref<128xi32, #tpu.memory_space<vmem>>
          %dma_start3A_69 = arith.constant 0 : i32
          %dma_start3A_70 = arith.constant 0 : i32
          %dma_start3A_71 = tpu.memref_slice %arg2[%dma_start3A_69, %dma_start3A_70] : memref<10240x128xf32, #tpu.memory_space<hbm>> -> memref<10240x128xf32, #tpu.memory_space<hbm>>
          tpu.enqueue_indirect_dma source(%dma_start3A_71 : memref<10240x128xf32, #tpu.memory_space<hbm>>) target(%arg10 : memref<128x128xf32, #tpu.memory_space<vmem>>) offsets(%dma_start3A_68 : memref<128xi32, #tpu.memory_space<vmem>>) semaphore(%arg13 : memref<!tpu.dma_semaphore, #tpu.memory_space<semaphore_mem>>)
        } else {
        }
        %add3A_54 = arith.constant 1 : i32
        %add3A_55 = arith.addi %mul3A_35, %add3A_54 : i32
        %dma_wait3A_56 = arith.constant 0 : i32
        %dma_wait3A_57 = tpu.memref_slice %arg8[%add3A_55, %dma_wait3A_56] : memref<40x128xi32, #tpu.memory_space<vmem>> -> memref<1x128xi32, #tpu.memory_space<vmem>>
        %dma_wait3A_58 = tpu.memref_squeeze %dma_wait3A_57 : memref<1x128xi32, #tpu.memory_space<vmem>> -> memref<128xi32, #tpu.memory_space<vmem>>
        %dma_wait3A_59 = arith.constant 0 : i32
        %dma_wait3A_60 = arith.constant 0 : i32
        %dma_wait3A_61 = tpu.memref_slice %arg2[%dma_wait3A_59, %dma_wait3A_60] : memref<10240x128xf32, #tpu.memory_space<hbm>> -> memref<10240x128xf32, #tpu.memory_space<hbm>>
        tpu.wait_indirect_dma semaphore(%arg14 : memref<!tpu.dma_semaphore, #tpu.memory_space<semaphore_mem>>) src(%dma_wait3A_61 : memref<10240x128xf32, #tpu.memory_space<hbm>>) dst(%arg11 : memref<128x128xf32, #tpu.memory_space<vmem>>)
        %add3A_62 = arith.constant 1 : i32
        %add3A_63 = arith.addi %mul3A_35, %add3A_62 : i32
        "tpu.region"() ({
          %run_scoped3A = tpu.sem_alloc : memref<!tpu.dma_semaphore, #tpu.memory_space<semaphore_mem>>
          %dma_start3A_64 = arith.constant 0 : i32
          %dma_start3A_65 = tpu.memref_slice %arg9[%add3A_63, %dma_start3A_64] : memref<40x128xi32, #tpu.memory_space<vmem>> -> memref<1x128xi32, #tpu.memory_space<vmem>>
          %dma_start3A_66 = tpu.memref_squeeze %dma_start3A_65 : memref<1x128xi32, #tpu.memory_space<vmem>> -> memref<128xi32, #tpu.memory_space<vmem>>
          %dma_start3A_67 = arith.constant 0 : i32
          %dma_start3A_68 = arith.constant 0 : i32
          %dma_start3A_69 = tpu.memref_slice %arg12[%dma_start3A_67, %dma_start3A_68] : memref<10240x128xf32, #tpu.memory_space<vmem_shared>> -> memref<10240x128xf32, #tpu.memory_space<vmem_shared>>
          tpu.enqueue_indirect_dma source(%arg11 : memref<128x128xf32, #tpu.memory_space<vmem>>) target(%dma_start3A_69 : memref<10240x128xf32, #tpu.memory_space<vmem_shared>>) offsets(%dma_start3A_66 : memref<128xi32, #tpu.memory_space<vmem>>) semaphore(%run_scoped3A : memref<!tpu.dma_semaphore, #tpu.memory_space<semaphore_mem>>) {add = true}
          %dma_wait3A_70 = arith.constant 0 : i32
          %dma_wait3A_71 = tpu.memref_slice %arg9[%add3A_63, %dma_wait3A_70] : memref<40x128xi32, #tpu.memory_space<vmem>> -> memref<1x128xi32, #tpu.memory_space<vmem>>
          %dma_wait3A_72 = tpu.memref_squeeze %dma_wait3A_71 : memref<1x128xi32, #tpu.memory_space<vmem>> -> memref<128xi32, #tpu.memory_space<vmem>>
          %dma_wait3A_73 = arith.constant 0 : i32
          %dma_wait3A_74 = arith.constant 0 : i32
          %dma_wait3A_75 = tpu.memref_slice %arg12[%dma_wait3A_73, %dma_wait3A_74] : memref<10240x128xf32, #tpu.memory_space<vmem_shared>> -> memref<10240x128xf32, #tpu.memory_space<vmem_shared>>
          tpu.wait_indirect_dma semaphore(%run_scoped3A : memref<!tpu.dma_semaphore, #tpu.memory_space<semaphore_mem>>) src(%arg11 : memref<128x128xf32, #tpu.memory_space<vmem>>) dst(%dma_wait3A_75 : memref<10240x128xf32, #tpu.memory_space<vmem_shared>>)
          tpu.yield
        }) : () -> ()
      }
      %scan3A_31 = arith.constant 20 : i32
      %barrier3A_32 = arith.constant 0 : index
      tpu.barrier barrier_id(%barrier3A_32)
      "tpu.region"() ({
        %run_scoped3A = tpu.sem_alloc : memref<!tpu.dma_semaphore, #tpu.memory_space<semaphore_mem>>
        %dma_start3A_33 = arith.constant 0 : i32
        %dma_start3A_34 = tpu.memref_slice %arg6[%mul3A_7, %dma_start3A_33] : memref<10240x128xf32, #tpu.memory_space<hbm>> -> memref<640x128xf32, #tpu.memory_space<hbm>>
        %dma_start3A_35 = arith.constant 0 : i32
        %dma_start3A_36 = tpu.memref_slice %arg12[%mul3A_7, %dma_start3A_35] : memref<10240x128xf32, #tpu.memory_space<vmem_shared>> -> memref<640x128xf32, #tpu.memory_space<vmem_shared>>
        tpu.enqueue_dma source(%dma_start3A_36 : memref<640x128xf32, #tpu.memory_space<vmem_shared>>) target(%dma_start3A_34 : memref<640x128xf32, #tpu.memory_space<hbm>>) target_semaphore(%run_scoped3A : memref<!tpu.dma_semaphore, #tpu.memory_space<semaphore_mem>>)
        %dma_wait3A = arith.constant 0 : i32
        %dma_wait3A_37 = tpu.memref_slice %arg6[%mul3A_7, %dma_wait3A] : memref<10240x128xf32, #tpu.memory_space<hbm>> -> memref<640x128xf32, #tpu.memory_space<hbm>>
        %dma_wait3A_38 = arith.constant 0 : i32
        %dma_wait3A_39 = tpu.memref_slice %arg12[%mul3A_7, %dma_wait3A_38] : memref<10240x128xf32, #tpu.memory_space<vmem_shared>> -> memref<640x128xf32, #tpu.memory_space<vmem_shared>>
        tpu.wait_dma2 semaphore(%run_scoped3A : memref<!tpu.dma_semaphore, #tpu.memory_space<semaphore_mem>>) src(%dma_wait3A_39 : memref<640x128xf32, #tpu.memory_space<vmem_shared>>) dst(%dma_wait3A_37 : memref<640x128xf32, #tpu.memory_space<hbm>>)
        tpu.yield
      }) : () -> ()
    } else {
    }
    %eq3A_2 = arith.constant 1 : i32
    %eq3A_3 = arith.cmpi eq, %arg0, %eq3A_2 : i32
    %convert_element_type3A_4 = arith.extui %eq3A_3 : i1 to i32
    %cond3A_5 = arith.constant 0 : i32
    %cond3A_6 = arith.cmpi ne, %convert_element_type3A_4, %cond3A_5 : i32
    scf.if %cond3A_6 {
      %mul3A = arith.constant 640 : i32
      %mul3A_7 = arith.muli %arg1, %mul3A : i32
      "tpu.region"() ({
        %run_scoped3A = tpu.sem_alloc : memref<!tpu.dma_semaphore, #tpu.memory_space<semaphore_mem>>
        %dma_start3A_33 = arith.constant 0 : i32
        %dma_start3A_34 = tpu.memref_slice %arg12[%mul3A_7, %dma_start3A_33] : memref<10240x128xf32, #tpu.memory_space<vmem_shared>> -> memref<640x128xf32, #tpu.memory_space<vmem_shared>>
        %dma_start3A_35 = arith.constant 0 : i32
        %dma_start3A_36 = tpu.memref_slice %arg3[%mul3A_7, %dma_start3A_35] : memref<10240x128xf32, #tpu.memory_space<hbm>> -> memref<640x128xf32, #tpu.memory_space<hbm>>
        tpu.enqueue_dma source(%dma_start3A_36 : memref<640x128xf32, #tpu.memory_space<hbm>>) target(%dma_start3A_34 : memref<640x128xf32, #tpu.memory_space<vmem_shared>>) target_semaphore(%run_scoped3A : memref<!tpu.dma_semaphore, #tpu.memory_space<semaphore_mem>>)
        %dma_wait3A = arith.constant 0 : i32
        %dma_wait3A_37 = tpu.memref_slice %arg12[%mul3A_7, %dma_wait3A] : memref<10240x128xf32, #tpu.memory_space<vmem_shared>> -> memref<640x128xf32, #tpu.memory_space<vmem_shared>>
        %dma_wait3A_38 = arith.constant 0 : i32
        %dma_wait3A_39 = tpu.memref_slice %arg3[%mul3A_7, %dma_wait3A_38] : memref<10240x128xf32, #tpu.memory_space<hbm>> -> memref<640x128xf32, #tpu.memory_space<hbm>>
        tpu.wait_dma2 semaphore(%run_scoped3A : memref<!tpu.dma_semaphore, #tpu.memory_space<semaphore_mem>>) src(%dma_wait3A_39 : memref<640x128xf32, #tpu.memory_space<hbm>>) dst(%dma_wait3A_37 : memref<640x128xf32, #tpu.memory_space<vmem_shared>>)
        tpu.yield
      }) : () -> ()
      %barrier3A = arith.constant 0 : index
      tpu.barrier barrier_id(%barrier3A)
      "tpu.region"() ({
        %run_scoped3A = tpu.sem_alloc : memref<!tpu.dma_semaphore, #tpu.memory_space<semaphore_mem>>
        %dma_start3A_33 = arith.constant 0 : i32
        %dma_start3A_34 = arith.constant 0 : i32
        %dma_start3A_35 = tpu.memref_slice %arg4[%arg1, %dma_start3A_33, %dma_start3A_34] : memref<16x80x128xi32, #tpu.memory_space<hbm>> -> memref<1x40x128xi32, #tpu.memory_space<hbm>>
        %dma_start3A_36 = tpu.memref_squeeze %dma_start3A_35 : memref<1x40x128xi32, #tpu.memory_space<hbm>> -> memref<40x128xi32, #tpu.memory_space<hbm>>
        %dma_start3A_37 = arith.constant 0 : i32
        %dma_start3A_38 = arith.constant 0 : i32
        %dma_start3A_39 = tpu.memref_slice %arg4[%arg1, %dma_start3A_37, %dma_start3A_38] : memref<16x80x128xi32, #tpu.memory_space<hbm>> -> memref<1x40x128xi32, #tpu.memory_space<hbm>>
        %dma_start3A_40 = tpu.memref_squeeze %dma_start3A_39 : memref<1x40x128xi32, #tpu.memory_space<hbm>> -> memref<40x128xi32, #tpu.memory_space<hbm>>
        tpu.enqueue_dma source(%dma_start3A_40 : memref<40x128xi32, #tpu.memory_space<hbm>>) target(%arg8 : memref<40x128xi32, #tpu.memory_space<vmem>>) target_semaphore(%run_scoped3A : memref<!tpu.dma_semaphore, #tpu.memory_space<semaphore_mem>>)
        %dma_wait3A = arith.constant 0 : i32
        %dma_wait3A_41 = arith.constant 0 : i32
        %dma_wait3A_42 = tpu.memref_slice %arg4[%arg1, %dma_wait3A, %dma_wait3A_41] : memref<16x80x128xi32, #tpu.memory_space<hbm>> -> memref<1x40x128xi32, #tpu.memory_space<hbm>>
        %dma_wait3A_43 = tpu.memref_squeeze %dma_wait3A_42 : memref<1x40x128xi32, #tpu.memory_space<hbm>> -> memref<40x128xi32, #tpu.memory_space<hbm>>
        %dma_wait3A_44 = arith.constant 0 : i32
        %dma_wait3A_45 = arith.constant 0 : i32
        %dma_wait3A_46 = tpu.memref_slice %arg4[%arg1, %dma_wait3A_44, %dma_wait3A_45] : memref<16x80x128xi32, #tpu.memory_space<hbm>> -> memref<1x40x128xi32, #tpu.memory_space<hbm>>
        %dma_wait3A_47 = tpu.memref_squeeze %dma_wait3A_46 : memref<1x40x128xi32, #tpu.memory_space<hbm>> -> memref<40x128xi32, #tpu.memory_space<hbm>>
        tpu.wait_dma2 semaphore(%run_scoped3A : memref<!tpu.dma_semaphore, #tpu.memory_space<semaphore_mem>>) src(%dma_wait3A_47 : memref<40x128xi32, #tpu.memory_space<hbm>>) dst(%arg8 : memref<40x128xi32, #tpu.memory_space<vmem>>)
        tpu.yield
      }) : () -> ()
      "tpu.region"() ({
        %run_scoped3A = tpu.sem_alloc : memref<!tpu.dma_semaphore, #tpu.memory_space<semaphore_mem>>
        %dma_start3A_33 = arith.constant 0 : i32
        %dma_start3A_34 = arith.constant 0 : i32
        %dma_start3A_35 = tpu.memref_slice %arg5[%arg1, %dma_start3A_33, %dma_start3A_34] : memref<16x80x128xi32, #tpu.memory_space<hbm>> -> memref<1x40x128xi32, #tpu.memory_space<hbm>>
        %dma_start3A_36 = tpu.memref_squeeze %dma_start3A_35 : memref<1x40x128xi32, #tpu.memory_space<hbm>> -> memref<40x128xi32, #tpu.memory_space<hbm>>
        %dma_start3A_37 = arith.constant 0 : i32
        %dma_start3A_38 = arith.constant 0 : i32
        %dma_start3A_39 = tpu.memref_slice %arg5[%arg1, %dma_start3A_37, %dma_start3A_38] : memref<16x80x128xi32, #tpu.memory_space<hbm>> -> memref<1x40x128xi32, #tpu.memory_space<hbm>>
        %dma_start3A_40 = tpu.memref_squeeze %dma_start3A_39 : memref<1x40x128xi32, #tpu.memory_space<hbm>> -> memref<40x128xi32, #tpu.memory_space<hbm>>
        tpu.enqueue_dma source(%dma_start3A_40 : memref<40x128xi32, #tpu.memory_space<hbm>>) target(%arg9 : memref<40x128xi32, #tpu.memory_space<vmem>>) target_semaphore(%run_scoped3A : memref<!tpu.dma_semaphore, #tpu.memory_space<semaphore_mem>>)
        %dma_wait3A = arith.constant 0 : i32
        %dma_wait3A_41 = arith.constant 0 : i32
        %dma_wait3A_42 = tpu.memref_slice %arg5[%arg1, %dma_wait3A, %dma_wait3A_41] : memref<16x80x128xi32, #tpu.memory_space<hbm>> -> memref<1x40x128xi32, #tpu.memory_space<hbm>>
        %dma_wait3A_43 = tpu.memref_squeeze %dma_wait3A_42 : memref<1x40x128xi32, #tpu.memory_space<hbm>> -> memref<40x128xi32, #tpu.memory_space<hbm>>
        %dma_wait3A_44 = arith.constant 0 : i32
        %dma_wait3A_45 = arith.constant 0 : i32
        %dma_wait3A_46 = tpu.memref_slice %arg5[%arg1, %dma_wait3A_44, %dma_wait3A_45] : memref<16x80x128xi32, #tpu.memory_space<hbm>> -> memref<1x40x128xi32, #tpu.memory_space<hbm>>
        %dma_wait3A_47 = tpu.memref_squeeze %dma_wait3A_46 : memref<1x40x128xi32, #tpu.memory_space<hbm>> -> memref<40x128xi32, #tpu.memory_space<hbm>>
        tpu.wait_dma2 semaphore(%run_scoped3A : memref<!tpu.dma_semaphore, #tpu.memory_space<semaphore_mem>>) src(%dma_wait3A_47 : memref<40x128xi32, #tpu.memory_space<hbm>>) dst(%arg9 : memref<40x128xi32, #tpu.memory_space<vmem>>)
        tpu.yield
      }) : () -> ()
      %dma_start3A = arith.constant 0 : i32
      %dma_start3A_8 = arith.constant 0 : i32
      %dma_start3A_9 = tpu.memref_slice %arg8[%dma_start3A, %dma_start3A_8] : memref<40x128xi32, #tpu.memory_space<vmem>> -> memref<1x128xi32, #tpu.memory_space<vmem>>
      %dma_start3A_10 = tpu.memref_squeeze %dma_start3A_9 : memref<1x128xi32, #tpu.memory_space<vmem>> -> memref<128xi32, #tpu.memory_space<vmem>>
      %dma_start3A_11 = arith.constant 0 : i32
      %dma_start3A_12 = arith.constant 0 : i32
      %dma_start3A_13 = tpu.memref_slice %arg3[%dma_start3A_11, %dma_start3A_12] : memref<10240x128xf32, #tpu.memory_space<hbm>> -> memref<10240x128xf32, #tpu.memory_space<hbm>>
      tpu.enqueue_indirect_dma source(%dma_start3A_13 : memref<10240x128xf32, #tpu.memory_space<hbm>>) target(%arg10 : memref<128x128xf32, #tpu.memory_space<vmem>>) offsets(%dma_start3A_10 : memref<128xi32, #tpu.memory_space<vmem>>) semaphore(%arg13 : memref<!tpu.dma_semaphore, #tpu.memory_space<semaphore_mem>>)
      %scan3A = arith.constant 0 : i32
      %scan3A_14 = arith.constant 0 : i32
      %scan3A_15 = arith.constant 20 : i32
      %scan3A_16 = arith.addi %scan3A_14, %scan3A_15 : i32
      %scan3A_17 = arith.constant 1 : i32
      scf.for %scan3A_33 = %scan3A_14 to %scan3A_16 step %scan3A_17  : i32 {
        %mul3A_34 = arith.constant 2 : i32
        %mul3A_35 = arith.muli %mul3A_34, %scan3A_33 : i32
        %add3A = arith.constant 1 : i32
        %add3A_36 = arith.addi %mul3A_35, %add3A : i32
        %dma_start3A_37 = arith.constant 0 : i32
        %dma_start3A_38 = tpu.memref_slice %arg8[%add3A_36, %dma_start3A_37] : memref<40x128xi32, #tpu.memory_space<vmem>> -> memref<1x128xi32, #tpu.memory_space<vmem>>
        %dma_start3A_39 = tpu.memref_squeeze %dma_start3A_38 : memref<1x128xi32, #tpu.memory_space<vmem>> -> memref<128xi32, #tpu.memory_space<vmem>>
        %dma_start3A_40 = arith.constant 0 : i32
        %dma_start3A_41 = arith.constant 0 : i32
        %dma_start3A_42 = tpu.memref_slice %arg3[%dma_start3A_40, %dma_start3A_41] : memref<10240x128xf32, #tpu.memory_space<hbm>> -> memref<10240x128xf32, #tpu.memory_space<hbm>>
        tpu.enqueue_indirect_dma source(%dma_start3A_42 : memref<10240x128xf32, #tpu.memory_space<hbm>>) target(%arg11 : memref<128x128xf32, #tpu.memory_space<vmem>>) offsets(%dma_start3A_39 : memref<128xi32, #tpu.memory_space<vmem>>) semaphore(%arg14 : memref<!tpu.dma_semaphore, #tpu.memory_space<semaphore_mem>>)
        %dma_wait3A = arith.constant 0 : i32
        %dma_wait3A_43 = tpu.memref_slice %arg8[%mul3A_35, %dma_wait3A] : memref<40x128xi32, #tpu.memory_space<vmem>> -> memref<1x128xi32, #tpu.memory_space<vmem>>
        %dma_wait3A_44 = tpu.memref_squeeze %dma_wait3A_43 : memref<1x128xi32, #tpu.memory_space<vmem>> -> memref<128xi32, #tpu.memory_space<vmem>>
        %dma_wait3A_45 = arith.constant 0 : i32
        %dma_wait3A_46 = arith.constant 0 : i32
        %dma_wait3A_47 = tpu.memref_slice %arg3[%dma_wait3A_45, %dma_wait3A_46] : memref<10240x128xf32, #tpu.memory_space<hbm>> -> memref<10240x128xf32, #tpu.memory_space<hbm>>
        tpu.wait_indirect_dma semaphore(%arg13 : memref<!tpu.dma_semaphore, #tpu.memory_space<semaphore_mem>>) src(%dma_wait3A_47 : memref<10240x128xf32, #tpu.memory_space<hbm>>) dst(%arg10 : memref<128x128xf32, #tpu.memory_space<vmem>>)
        "tpu.region"() ({
          %run_scoped3A = tpu.sem_alloc : memref<!tpu.dma_semaphore, #tpu.memory_space<semaphore_mem>>
          %dma_start3A_64 = arith.constant 0 : i32
          %dma_start3A_65 = tpu.memref_slice %arg9[%mul3A_35, %dma_start3A_64] : memref<40x128xi32, #tpu.memory_space<vmem>> -> memref<1x128xi32, #tpu.memory_space<vmem>>
          %dma_start3A_66 = tpu.memref_squeeze %dma_start3A_65 : memref<1x128xi32, #tpu.memory_space<vmem>> -> memref<128xi32, #tpu.memory_space<vmem>>
          %dma_start3A_67 = arith.constant 0 : i32
          %dma_start3A_68 = arith.constant 0 : i32
          %dma_start3A_69 = tpu.memref_slice %arg12[%dma_start3A_67, %dma_start3A_68] : memref<10240x128xf32, #tpu.memory_space<vmem_shared>> -> memref<10240x128xf32, #tpu.memory_space<vmem_shared>>
          tpu.enqueue_indirect_dma source(%arg10 : memref<128x128xf32, #tpu.memory_space<vmem>>) target(%dma_start3A_69 : memref<10240x128xf32, #tpu.memory_space<vmem_shared>>) offsets(%dma_start3A_66 : memref<128xi32, #tpu.memory_space<vmem>>) semaphore(%run_scoped3A : memref<!tpu.dma_semaphore, #tpu.memory_space<semaphore_mem>>) {add = true}
          %dma_wait3A_70 = arith.constant 0 : i32
          %dma_wait3A_71 = tpu.memref_slice %arg9[%mul3A_35, %dma_wait3A_70] : memref<40x128xi32, #tpu.memory_space<vmem>> -> memref<1x128xi32, #tpu.memory_space<vmem>>
          %dma_wait3A_72 = tpu.memref_squeeze %dma_wait3A_71 : memref<1x128xi32, #tpu.memory_space<vmem>> -> memref<128xi32, #tpu.memory_space<vmem>>
          %dma_wait3A_73 = arith.constant 0 : i32
          %dma_wait3A_74 = arith.constant 0 : i32
          %dma_wait3A_75 = tpu.memref_slice %arg12[%dma_wait3A_73, %dma_wait3A_74] : memref<10240x128xf32, #tpu.memory_space<vmem_shared>> -> memref<10240x128xf32, #tpu.memory_space<vmem_shared>>
          tpu.wait_indirect_dma semaphore(%run_scoped3A : memref<!tpu.dma_semaphore, #tpu.memory_space<semaphore_mem>>) src(%arg10 : memref<128x128xf32, #tpu.memory_space<vmem>>) dst(%dma_wait3A_75 : memref<10240x128xf32, #tpu.memory_space<vmem_shared>>)
          tpu.yield
        }) : () -> ()
        %add3A_48 = arith.constant 2 : i32
        %add3A_49 = arith.addi %mul3A_35, %add3A_48 : i32
        %lt3A = arith.constant 40 : i32
        %lt3A_50 = arith.cmpi slt, %add3A_49, %lt3A : i32
        %convert_element_type3A_51 = arith.extui %lt3A_50 : i1 to i32
        %cond3A_52 = arith.constant 0 : i32
        %cond3A_53 = arith.cmpi ne, %convert_element_type3A_51, %cond3A_52 : i32
        scf.if %cond3A_53 {
          %add3A_64 = arith.constant 2 : i32
          %add3A_65 = arith.addi %mul3A_35, %add3A_64 : i32
          %dma_start3A_66 = arith.constant 0 : i32
          %dma_start3A_67 = tpu.memref_slice %arg8[%add3A_65, %dma_start3A_66] : memref<40x128xi32, #tpu.memory_space<vmem>> -> memref<1x128xi32, #tpu.memory_space<vmem>>
          %dma_start3A_68 = tpu.memref_squeeze %dma_start3A_67 : memref<1x128xi32, #tpu.memory_space<vmem>> -> memref<128xi32, #tpu.memory_space<vmem>>
          %dma_start3A_69 = arith.constant 0 : i32
          %dma_start3A_70 = arith.constant 0 : i32
          %dma_start3A_71 = tpu.memref_slice %arg3[%dma_start3A_69, %dma_start3A_70] : memref<10240x128xf32, #tpu.memory_space<hbm>> -> memref<10240x128xf32, #tpu.memory_space<hbm>>
          tpu.enqueue_indirect_dma source(%dma_start3A_71 : memref<10240x128xf32, #tpu.memory_space<hbm>>) target(%arg10 : memref<128x128xf32, #tpu.memory_space<vmem>>) offsets(%dma_start3A_68 : memref<128xi32, #tpu.memory_space<vmem>>) semaphore(%arg13 : memref<!tpu.dma_semaphore, #tpu.memory_space<semaphore_mem>>)
        } else {
        }
        %add3A_54 = arith.constant 1 : i32
        %add3A_55 = arith.addi %mul3A_35, %add3A_54 : i32
        %dma_wait3A_56 = arith.constant 0 : i32
        %dma_wait3A_57 = tpu.memref_slice %arg8[%add3A_55, %dma_wait3A_56] : memref<40x128xi32, #tpu.memory_space<vmem>> -> memref<1x128xi32, #tpu.memory_space<vmem>>
        %dma_wait3A_58 = tpu.memref_squeeze %dma_wait3A_57 : memref<1x128xi32, #tpu.memory_space<vmem>> -> memref<128xi32, #tpu.memory_space<vmem>>
        %dma_wait3A_59 = arith.constant 0 : i32
        %dma_wait3A_60 = arith.constant 0 : i32
        %dma_wait3A_61 = tpu.memref_slice %arg3[%dma_wait3A_59, %dma_wait3A_60] : memref<10240x128xf32, #tpu.memory_space<hbm>> -> memref<10240x128xf32, #tpu.memory_space<hbm>>
        tpu.wait_indirect_dma semaphore(%arg14 : memref<!tpu.dma_semaphore, #tpu.memory_space<semaphore_mem>>) src(%dma_wait3A_61 : memref<10240x128xf32, #tpu.memory_space<hbm>>) dst(%arg11 : memref<128x128xf32, #tpu.memory_space<vmem>>)
        %add3A_62 = arith.constant 1 : i32
        %add3A_63 = arith.addi %mul3A_35, %add3A_62 : i32
        "tpu.region"() ({
          %run_scoped3A = tpu.sem_alloc : memref<!tpu.dma_semaphore, #tpu.memory_space<semaphore_mem>>
          %dma_start3A_64 = arith.constant 0 : i32
          %dma_start3A_65 = tpu.memref_slice %arg9[%add3A_63, %dma_start3A_64] : memref<40x128xi32, #tpu.memory_space<vmem>> -> memref<1x128xi32, #tpu.memory_space<vmem>>
          %dma_start3A_66 = tpu.memref_squeeze %dma_start3A_65 : memref<1x128xi32, #tpu.memory_space<vmem>> -> memref<128xi32, #tpu.memory_space<vmem>>
          %dma_start3A_67 = arith.constant 0 : i32
          %dma_start3A_68 = arith.constant 0 : i32
          %dma_start3A_69 = tpu.memref_slice %arg12[%dma_start3A_67, %dma_start3A_68] : memref<10240x128xf32, #tpu.memory_space<vmem_shared>> -> memref<10240x128xf32, #tpu.memory_space<vmem_shared>>
          tpu.enqueue_indirect_dma source(%arg11 : memref<128x128xf32, #tpu.memory_space<vmem>>) target(%dma_start3A_69 : memref<10240x128xf32, #tpu.memory_space<vmem_shared>>) offsets(%dma_start3A_66 : memref<128xi32, #tpu.memory_space<vmem>>) semaphore(%run_scoped3A : memref<!tpu.dma_semaphore, #tpu.memory_space<semaphore_mem>>) {add = true}
          %dma_wait3A_70 = arith.constant 0 : i32
          %dma_wait3A_71 = tpu.memref_slice %arg9[%add3A_63, %dma_wait3A_70] : memref<40x128xi32, #tpu.memory_space<vmem>> -> memref<1x128xi32, #tpu.memory_space<vmem>>
          %dma_wait3A_72 = tpu.memref_squeeze %dma_wait3A_71 : memref<1x128xi32, #tpu.memory_space<vmem>> -> memref<128xi32, #tpu.memory_space<vmem>>
          %dma_wait3A_73 = arith.constant 0 : i32
          %dma_wait3A_74 = arith.constant 0 : i32
          %dma_wait3A_75 = tpu.memref_slice %arg12[%dma_wait3A_73, %dma_wait3A_74] : memref<10240x128xf32, #tpu.memory_space<vmem_shared>> -> memref<10240x128xf32, #tpu.memory_space<vmem_shared>>
          tpu.wait_indirect_dma semaphore(%run_scoped3A : memref<!tpu.dma_semaphore, #tpu.memory_space<semaphore_mem>>) src(%arg11 : memref<128x128xf32, #tpu.memory_space<vmem>>) dst(%dma_wait3A_75 : memref<10240x128xf32, #tpu.memory_space<vmem_shared>>)
          tpu.yield
        }) : () -> ()
      }
      %scan3A_18 = arith.constant 20 : i32
      "tpu.region"() ({
        %run_scoped3A = tpu.sem_alloc : memref<!tpu.dma_semaphore, #tpu.memory_space<semaphore_mem>>
        %dma_start3A_33 = arith.constant 40 : i32
        %dma_start3A_34 = arith.constant 0 : i32
        %dma_start3A_35 = tpu.memref_slice %arg4[%arg1, %dma_start3A_33, %dma_start3A_34] : memref<16x80x128xi32, #tpu.memory_space<hbm>> -> memref<1x40x128xi32, #tpu.memory_space<hbm>>
        %dma_start3A_36 = tpu.memref_squeeze %dma_start3A_35 : memref<1x40x128xi32, #tpu.memory_space<hbm>> -> memref<40x128xi32, #tpu.memory_space<hbm>>
        %dma_start3A_37 = arith.constant 40 : i32
        %dma_start3A_38 = arith.constant 0 : i32
        %dma_start3A_39 = tpu.memref_slice %arg4[%arg1, %dma_start3A_37, %dma_start3A_38] : memref<16x80x128xi32, #tpu.memory_space<hbm>> -> memref<1x40x128xi32, #tpu.memory_space<hbm>>
        %dma_start3A_40 = tpu.memref_squeeze %dma_start3A_39 : memref<1x40x128xi32, #tpu.memory_space<hbm>> -> memref<40x128xi32, #tpu.memory_space<hbm>>
        tpu.enqueue_dma source(%dma_start3A_40 : memref<40x128xi32, #tpu.memory_space<hbm>>) target(%arg8 : memref<40x128xi32, #tpu.memory_space<vmem>>) target_semaphore(%run_scoped3A : memref<!tpu.dma_semaphore, #tpu.memory_space<semaphore_mem>>)
        %dma_wait3A = arith.constant 40 : i32
        %dma_wait3A_41 = arith.constant 0 : i32
        %dma_wait3A_42 = tpu.memref_slice %arg4[%arg1, %dma_wait3A, %dma_wait3A_41] : memref<16x80x128xi32, #tpu.memory_space<hbm>> -> memref<1x40x128xi32, #tpu.memory_space<hbm>>
        %dma_wait3A_43 = tpu.memref_squeeze %dma_wait3A_42 : memref<1x40x128xi32, #tpu.memory_space<hbm>> -> memref<40x128xi32, #tpu.memory_space<hbm>>
        %dma_wait3A_44 = arith.constant 40 : i32
        %dma_wait3A_45 = arith.constant 0 : i32
        %dma_wait3A_46 = tpu.memref_slice %arg4[%arg1, %dma_wait3A_44, %dma_wait3A_45] : memref<16x80x128xi32, #tpu.memory_space<hbm>> -> memref<1x40x128xi32, #tpu.memory_space<hbm>>
        %dma_wait3A_47 = tpu.memref_squeeze %dma_wait3A_46 : memref<1x40x128xi32, #tpu.memory_space<hbm>> -> memref<40x128xi32, #tpu.memory_space<hbm>>
        tpu.wait_dma2 semaphore(%run_scoped3A : memref<!tpu.dma_semaphore, #tpu.memory_space<semaphore_mem>>) src(%dma_wait3A_47 : memref<40x128xi32, #tpu.memory_space<hbm>>) dst(%arg8 : memref<40x128xi32, #tpu.memory_space<vmem>>)
        tpu.yield
      }) : () -> ()
      "tpu.region"() ({
        %run_scoped3A = tpu.sem_alloc : memref<!tpu.dma_semaphore, #tpu.memory_space<semaphore_mem>>
        %dma_start3A_33 = arith.constant 40 : i32
        %dma_start3A_34 = arith.constant 0 : i32
        %dma_start3A_35 = tpu.memref_slice %arg5[%arg1, %dma_start3A_33, %dma_start3A_34] : memref<16x80x128xi32, #tpu.memory_space<hbm>> -> memref<1x40x128xi32, #tpu.memory_space<hbm>>
        %dma_start3A_36 = tpu.memref_squeeze %dma_start3A_35 : memref<1x40x128xi32, #tpu.memory_space<hbm>> -> memref<40x128xi32, #tpu.memory_space<hbm>>
        %dma_start3A_37 = arith.constant 40 : i32
        %dma_start3A_38 = arith.constant 0 : i32
        %dma_start3A_39 = tpu.memref_slice %arg5[%arg1, %dma_start3A_37, %dma_start3A_38] : memref<16x80x128xi32, #tpu.memory_space<hbm>> -> memref<1x40x128xi32, #tpu.memory_space<hbm>>
        %dma_start3A_40 = tpu.memref_squeeze %dma_start3A_39 : memref<1x40x128xi32, #tpu.memory_space<hbm>> -> memref<40x128xi32, #tpu.memory_space<hbm>>
        tpu.enqueue_dma source(%dma_start3A_40 : memref<40x128xi32, #tpu.memory_space<hbm>>) target(%arg9 : memref<40x128xi32, #tpu.memory_space<vmem>>) target_semaphore(%run_scoped3A : memref<!tpu.dma_semaphore, #tpu.memory_space<semaphore_mem>>)
        %dma_wait3A = arith.constant 40 : i32
        %dma_wait3A_41 = arith.constant 0 : i32
        %dma_wait3A_42 = tpu.memref_slice %arg5[%arg1, %dma_wait3A, %dma_wait3A_41] : memref<16x80x128xi32, #tpu.memory_space<hbm>> -> memref<1x40x128xi32, #tpu.memory_space<hbm>>
        %dma_wait3A_43 = tpu.memref_squeeze %dma_wait3A_42 : memref<1x40x128xi32, #tpu.memory_space<hbm>> -> memref<40x128xi32, #tpu.memory_space<hbm>>
        %dma_wait3A_44 = arith.constant 40 : i32
        %dma_wait3A_45 = arith.constant 0 : i32
        %dma_wait3A_46 = tpu.memref_slice %arg5[%arg1, %dma_wait3A_44, %dma_wait3A_45] : memref<16x80x128xi32, #tpu.memory_space<hbm>> -> memref<1x40x128xi32, #tpu.memory_space<hbm>>
        %dma_wait3A_47 = tpu.memref_squeeze %dma_wait3A_46 : memref<1x40x128xi32, #tpu.memory_space<hbm>> -> memref<40x128xi32, #tpu.memory_space<hbm>>
        tpu.wait_dma2 semaphore(%run_scoped3A : memref<!tpu.dma_semaphore, #tpu.memory_space<semaphore_mem>>) src(%dma_wait3A_47 : memref<40x128xi32, #tpu.memory_space<hbm>>) dst(%arg9 : memref<40x128xi32, #tpu.memory_space<vmem>>)
        tpu.yield
      }) : () -> ()
      %dma_start3A_19 = arith.constant 0 : i32
      %dma_start3A_20 = arith.constant 0 : i32
      %dma_start3A_21 = tpu.memref_slice %arg8[%dma_start3A_19, %dma_start3A_20] : memref<40x128xi32, #tpu.memory_space<vmem>> -> memref<1x128xi32, #tpu.memory_space<vmem>>
      %dma_start3A_22 = tpu.memref_squeeze %dma_start3A_21 : memref<1x128xi32, #tpu.memory_space<vmem>> -> memref<128xi32, #tpu.memory_space<vmem>>
      %dma_start3A_23 = arith.constant 0 : i32
      %dma_start3A_24 = arith.constant 0 : i32
      %dma_start3A_25 = tpu.memref_slice %arg3[%dma_start3A_23, %dma_start3A_24] : memref<10240x128xf32, #tpu.memory_space<hbm>> -> memref<10240x128xf32, #tpu.memory_space<hbm>>
      tpu.enqueue_indirect_dma source(%dma_start3A_25 : memref<10240x128xf32, #tpu.memory_space<hbm>>) target(%arg10 : memref<128x128xf32, #tpu.memory_space<vmem>>) offsets(%dma_start3A_22 : memref<128xi32, #tpu.memory_space<vmem>>) semaphore(%arg13 : memref<!tpu.dma_semaphore, #tpu.memory_space<semaphore_mem>>)
      %scan3A_26 = arith.constant 0 : i32
      %scan3A_27 = arith.constant 0 : i32
      %scan3A_28 = arith.constant 20 : i32
      %scan3A_29 = arith.addi %scan3A_27, %scan3A_28 : i32
      %scan3A_30 = arith.constant 1 : i32
      scf.for %scan3A_33 = %scan3A_27 to %scan3A_29 step %scan3A_30  : i32 {
        %mul3A_34 = arith.constant 2 : i32
        %mul3A_35 = arith.muli %mul3A_34, %scan3A_33 : i32
        %add3A = arith.constant 1 : i32
        %add3A_36 = arith.addi %mul3A_35, %add3A : i32
        %dma_start3A_37 = arith.constant 0 : i32
        %dma_start3A_38 = tpu.memref_slice %arg8[%add3A_36, %dma_start3A_37] : memref<40x128xi32, #tpu.memory_space<vmem>> -> memref<1x128xi32, #tpu.memory_space<vmem>>
        %dma_start3A_39 = tpu.memref_squeeze %dma_start3A_38 : memref<1x128xi32, #tpu.memory_space<vmem>> -> memref<128xi32, #tpu.memory_space<vmem>>
        %dma_start3A_40 = arith.constant 0 : i32
        %dma_start3A_41 = arith.constant 0 : i32
        %dma_start3A_42 = tpu.memref_slice %arg3[%dma_start3A_40, %dma_start3A_41] : memref<10240x128xf32, #tpu.memory_space<hbm>> -> memref<10240x128xf32, #tpu.memory_space<hbm>>
        tpu.enqueue_indirect_dma source(%dma_start3A_42 : memref<10240x128xf32, #tpu.memory_space<hbm>>) target(%arg11 : memref<128x128xf32, #tpu.memory_space<vmem>>) offsets(%dma_start3A_39 : memref<128xi32, #tpu.memory_space<vmem>>) semaphore(%arg14 : memref<!tpu.dma_semaphore, #tpu.memory_space<semaphore_mem>>)
        %dma_wait3A = arith.constant 0 : i32
        %dma_wait3A_43 = tpu.memref_slice %arg8[%mul3A_35, %dma_wait3A] : memref<40x128xi32, #tpu.memory_space<vmem>> -> memref<1x128xi32, #tpu.memory_space<vmem>>
        %dma_wait3A_44 = tpu.memref_squeeze %dma_wait3A_43 : memref<1x128xi32, #tpu.memory_space<vmem>> -> memref<128xi32, #tpu.memory_space<vmem>>
        %dma_wait3A_45 = arith.constant 0 : i32
        %dma_wait3A_46 = arith.constant 0 : i32
        %dma_wait3A_47 = tpu.memref_slice %arg3[%dma_wait3A_45, %dma_wait3A_46] : memref<10240x128xf32, #tpu.memory_space<hbm>> -> memref<10240x128xf32, #tpu.memory_space<hbm>>
        tpu.wait_indirect_dma semaphore(%arg13 : memref<!tpu.dma_semaphore, #tpu.memory_space<semaphore_mem>>) src(%dma_wait3A_47 : memref<10240x128xf32, #tpu.memory_space<hbm>>) dst(%arg10 : memref<128x128xf32, #tpu.memory_space<vmem>>)
        "tpu.region"() ({
          %run_scoped3A = tpu.sem_alloc : memref<!tpu.dma_semaphore, #tpu.memory_space<semaphore_mem>>
          %dma_start3A_64 = arith.constant 0 : i32
          %dma_start3A_65 = tpu.memref_slice %arg9[%mul3A_35, %dma_start3A_64] : memref<40x128xi32, #tpu.memory_space<vmem>> -> memref<1x128xi32, #tpu.memory_space<vmem>>
          %dma_start3A_66 = tpu.memref_squeeze %dma_start3A_65 : memref<1x128xi32, #tpu.memory_space<vmem>> -> memref<128xi32, #tpu.memory_space<vmem>>
          %dma_start3A_67 = arith.constant 0 : i32
          %dma_start3A_68 = arith.constant 0 : i32
          %dma_start3A_69 = tpu.memref_slice %arg12[%dma_start3A_67, %dma_start3A_68] : memref<10240x128xf32, #tpu.memory_space<vmem_shared>> -> memref<10240x128xf32, #tpu.memory_space<vmem_shared>>
          tpu.enqueue_indirect_dma source(%arg10 : memref<128x128xf32, #tpu.memory_space<vmem>>) target(%dma_start3A_69 : memref<10240x128xf32, #tpu.memory_space<vmem_shared>>) offsets(%dma_start3A_66 : memref<128xi32, #tpu.memory_space<vmem>>) semaphore(%run_scoped3A : memref<!tpu.dma_semaphore, #tpu.memory_space<semaphore_mem>>) {add = true}
          %dma_wait3A_70 = arith.constant 0 : i32
          %dma_wait3A_71 = tpu.memref_slice %arg9[%mul3A_35, %dma_wait3A_70] : memref<40x128xi32, #tpu.memory_space<vmem>> -> memref<1x128xi32, #tpu.memory_space<vmem>>
          %dma_wait3A_72 = tpu.memref_squeeze %dma_wait3A_71 : memref<1x128xi32, #tpu.memory_space<vmem>> -> memref<128xi32, #tpu.memory_space<vmem>>
          %dma_wait3A_73 = arith.constant 0 : i32
          %dma_wait3A_74 = arith.constant 0 : i32
          %dma_wait3A_75 = tpu.memref_slice %arg12[%dma_wait3A_73, %dma_wait3A_74] : memref<10240x128xf32, #tpu.memory_space<vmem_shared>> -> memref<10240x128xf32, #tpu.memory_space<vmem_shared>>
          tpu.wait_indirect_dma semaphore(%run_scoped3A : memref<!tpu.dma_semaphore, #tpu.memory_space<semaphore_mem>>) src(%arg10 : memref<128x128xf32, #tpu.memory_space<vmem>>) dst(%dma_wait3A_75 : memref<10240x128xf32, #tpu.memory_space<vmem_shared>>)
          tpu.yield
        }) : () -> ()
        %add3A_48 = arith.constant 2 : i32
        %add3A_49 = arith.addi %mul3A_35, %add3A_48 : i32
        %lt3A = arith.constant 40 : i32
        %lt3A_50 = arith.cmpi slt, %add3A_49, %lt3A : i32
        %convert_element_type3A_51 = arith.extui %lt3A_50 : i1 to i32
        %cond3A_52 = arith.constant 0 : i32
        %cond3A_53 = arith.cmpi ne, %convert_element_type3A_51, %cond3A_52 : i32
        scf.if %cond3A_53 {
          %add3A_64 = arith.constant 2 : i32
          %add3A_65 = arith.addi %mul3A_35, %add3A_64 : i32
          %dma_start3A_66 = arith.constant 0 : i32
          %dma_start3A_67 = tpu.memref_slice %arg8[%add3A_65, %dma_start3A_66] : memref<40x128xi32, #tpu.memory_space<vmem>> -> memref<1x128xi32, #tpu.memory_space<vmem>>
          %dma_start3A_68 = tpu.memref_squeeze %dma_start3A_67 : memref<1x128xi32, #tpu.memory_space<vmem>> -> memref<128xi32, #tpu.memory_space<vmem>>
          %dma_start3A_69 = arith.constant 0 : i32
          %dma_start3A_70 = arith.constant 0 : i32
          %dma_start3A_71 = tpu.memref_slice %arg3[%dma_start3A_69, %dma_start3A_70] : memref<10240x128xf32, #tpu.memory_space<hbm>> -> memref<10240x128xf32, #tpu.memory_space<hbm>>
          tpu.enqueue_indirect_dma source(%dma_start3A_71 : memref<10240x128xf32, #tpu.memory_space<hbm>>) target(%arg10 : memref<128x128xf32, #tpu.memory_space<vmem>>) offsets(%dma_start3A_68 : memref<128xi32, #tpu.memory_space<vmem>>) semaphore(%arg13 : memref<!tpu.dma_semaphore, #tpu.memory_space<semaphore_mem>>)
        } else {
        }
        %add3A_54 = arith.constant 1 : i32
        %add3A_55 = arith.addi %mul3A_35, %add3A_54 : i32
        %dma_wait3A_56 = arith.constant 0 : i32
        %dma_wait3A_57 = tpu.memref_slice %arg8[%add3A_55, %dma_wait3A_56] : memref<40x128xi32, #tpu.memory_space<vmem>> -> memref<1x128xi32, #tpu.memory_space<vmem>>
        %dma_wait3A_58 = tpu.memref_squeeze %dma_wait3A_57 : memref<1x128xi32, #tpu.memory_space<vmem>> -> memref<128xi32, #tpu.memory_space<vmem>>
        %dma_wait3A_59 = arith.constant 0 : i32
        %dma_wait3A_60 = arith.constant 0 : i32
        %dma_wait3A_61 = tpu.memref_slice %arg3[%dma_wait3A_59, %dma_wait3A_60] : memref<10240x128xf32, #tpu.memory_space<hbm>> -> memref<10240x128xf32, #tpu.memory_space<hbm>>
        tpu.wait_indirect_dma semaphore(%arg14 : memref<!tpu.dma_semaphore, #tpu.memory_space<semaphore_mem>>) src(%dma_wait3A_61 : memref<10240x128xf32, #tpu.memory_space<hbm>>) dst(%arg11 : memref<128x128xf32, #tpu.memory_space<vmem>>)
        %add3A_62 = arith.constant 1 : i32
        %add3A_63 = arith.addi %mul3A_35, %add3A_62 : i32
        "tpu.region"() ({
          %run_scoped3A = tpu.sem_alloc : memref<!tpu.dma_semaphore, #tpu.memory_space<semaphore_mem>>
          %dma_start3A_64 = arith.constant 0 : i32
          %dma_start3A_65 = tpu.memref_slice %arg9[%add3A_63, %dma_start3A_64] : memref<40x128xi32, #tpu.memory_space<vmem>> -> memref<1x128xi32, #tpu.memory_space<vmem>>
          %dma_start3A_66 = tpu.memref_squeeze %dma_start3A_65 : memref<1x128xi32, #tpu.memory_space<vmem>> -> memref<128xi32, #tpu.memory_space<vmem>>
          %dma_start3A_67 = arith.constant 0 : i32
          %dma_start3A_68 = arith.constant 0 : i32
          %dma_start3A_69 = tpu.memref_slice %arg12[%dma_start3A_67, %dma_start3A_68] : memref<10240x128xf32, #tpu.memory_space<vmem_shared>> -> memref<10240x128xf32, #tpu.memory_space<vmem_shared>>
          tpu.enqueue_indirect_dma source(%arg11 : memref<128x128xf32, #tpu.memory_space<vmem>>) target(%dma_start3A_69 : memref<10240x128xf32, #tpu.memory_space<vmem_shared>>) offsets(%dma_start3A_66 : memref<128xi32, #tpu.memory_space<vmem>>) semaphore(%run_scoped3A : memref<!tpu.dma_semaphore, #tpu.memory_space<semaphore_mem>>) {add = true}
          %dma_wait3A_70 = arith.constant 0 : i32
          %dma_wait3A_71 = tpu.memref_slice %arg9[%add3A_63, %dma_wait3A_70] : memref<40x128xi32, #tpu.memory_space<vmem>> -> memref<1x128xi32, #tpu.memory_space<vmem>>
          %dma_wait3A_72 = tpu.memref_squeeze %dma_wait3A_71 : memref<1x128xi32, #tpu.memory_space<vmem>> -> memref<128xi32, #tpu.memory_space<vmem>>
          %dma_wait3A_73 = arith.constant 0 : i32
          %dma_wait3A_74 = arith.constant 0 : i32
          %dma_wait3A_75 = tpu.memref_slice %arg12[%dma_wait3A_73, %dma_wait3A_74] : memref<10240x128xf32, #tpu.memory_space<vmem_shared>> -> memref<10240x128xf32, #tpu.memory_space<vmem_shared>>
          tpu.wait_indirect_dma semaphore(%run_scoped3A : memref<!tpu.dma_semaphore, #tpu.memory_space<semaphore_mem>>) src(%arg11 : memref<128x128xf32, #tpu.memory_space<vmem>>) dst(%dma_wait3A_75 : memref<10240x128xf32, #tpu.memory_space<vmem_shared>>)
          tpu.yield
        }) : () -> ()
      }
      %scan3A_31 = arith.constant 20 : i32
      %barrier3A_32 = arith.constant 0 : index
      tpu.barrier barrier_id(%barrier3A_32)
      "tpu.region"() ({
        %run_scoped3A = tpu.sem_alloc : memref<!tpu.dma_semaphore, #tpu.memory_space<semaphore_mem>>
        %dma_start3A_33 = arith.constant 0 : i32
        %dma_start3A_34 = tpu.memref_slice %arg7[%mul3A_7, %dma_start3A_33] : memref<10240x128xf32, #tpu.memory_space<hbm>> -> memref<640x128xf32, #tpu.memory_space<hbm>>
        %dma_start3A_35 = arith.constant 0 : i32
        %dma_start3A_36 = tpu.memref_slice %arg12[%mul3A_7, %dma_start3A_35] : memref<10240x128xf32, #tpu.memory_space<vmem_shared>> -> memref<640x128xf32, #tpu.memory_space<vmem_shared>>
        tpu.enqueue_dma source(%dma_start3A_36 : memref<640x128xf32, #tpu.memory_space<vmem_shared>>) target(%dma_start3A_34 : memref<640x128xf32, #tpu.memory_space<hbm>>) target_semaphore(%run_scoped3A : memref<!tpu.dma_semaphore, #tpu.memory_space<semaphore_mem>>)
        %dma_wait3A = arith.constant 0 : i32
        %dma_wait3A_37 = tpu.memref_slice %arg7[%mul3A_7, %dma_wait3A] : memref<10240x128xf32, #tpu.memory_space<hbm>> -> memref<640x128xf32, #tpu.memory_space<hbm>>
        %dma_wait3A_38 = arith.constant 0 : i32
        %dma_wait3A_39 = tpu.memref_slice %arg12[%mul3A_7, %dma_wait3A_38] : memref<10240x128xf32, #tpu.memory_space<vmem_shared>> -> memref<640x128xf32, #tpu.memory_space<vmem_shared>>
        tpu.wait_dma2 semaphore(%run_scoped3A : memref<!tpu.dma_semaphore, #tpu.memory_space<semaphore_mem>>) src(%dma_wait3A_39 : memref<640x128xf32, #tpu.memory_space<vmem_shared>>) dst(%dma_wait3A_37 : memref<640x128xf32, #tpu.memory_space<hbm>>)
        tpu.yield
      }) : () -> ()
    } else {
    }
    return
  }
}

#map = affine_map<(d0, d1) -> (0, 0)>
#map1 = affine_map<(d0, d1) -> (0, 0, 0)>
module attributes {stable_mosaic.version = 14 : i64} {
  func.func @agg(%arg0: i32, %arg1: i32, %arg2: memref<10240x128xf32, #tpu.memory_space<hbm>>, %arg3: memref<10240x128xf32, #tpu.memory_space<hbm>>, %arg4: memref<32x40x128xi32, #tpu.memory_space<hbm>>, %arg5: memref<32x40x128xi32, #tpu.memory_space<hbm>>, %arg6: memref<10240x128xf32, #tpu.memory_space<hbm>>, %arg7: memref<10240x128xf32, #tpu.memory_space<hbm>>, %arg8: memref<40x128xi32, #tpu.memory_space<vmem>>, %arg9: memref<40x128xi32, #tpu.memory_space<vmem>>, %arg10: memref<128x128xf32, #tpu.memory_space<vmem>>, %arg11: memref<128x128xf32, #tpu.memory_space<vmem>>, %arg12: memref<10240x128xf32, #tpu.memory_space<vmem_shared>>, %arg13: memref<!tpu.dma_semaphore, #tpu.memory_space<semaphore_mem>>, %arg14: memref<!tpu.dma_semaphore, #tpu.memory_space<semaphore_mem>>) attributes {dimension_semantics = [#tpu.dimension_semantics<core_parallel>, #tpu.dimension_semantics<subcore_parallel>], iteration_bounds = array<i64: 2, 16>, scalar_prefetch = 0 : i64, scratch_operands = 7 : i64, tpu.core_type = #tpu.core_type<sc_vector_subcore>, window_params = [{transform_indices = #map}, {transform_indices = #map}, {transform_indices = #map1}, {transform_indices = #map1}, {transform_indices = #map}, {transform_indices = #map}]} {
    %mul3A = arith.constant 2 : i32
    %mul3A_0 = arith.muli %arg1, %mul3A : i32
    %add3A = arith.addi %mul3A_0, %arg0 : i32
    %eq3A = arith.constant 0 : i32
    %eq3A_1 = arith.cmpi eq, %arg0, %eq3A : i32
    %convert_element_type3A = arith.extui %eq3A_1 : i1 to i32
    %cond3A = arith.constant 0 : i32
    %cond3A_2 = arith.cmpi ne, %convert_element_type3A, %cond3A : i32
    scf.if %cond3A_2 {
      %mul3A_8 = arith.constant 640 : i32
      %mul3A_9 = arith.muli %arg1, %mul3A_8 : i32
      "tpu.region"() ({
        %run_scoped3A = tpu.sem_alloc : memref<!tpu.dma_semaphore, #tpu.memory_space<semaphore_mem>>
        %dma_start3A_22 = arith.constant 0 : i32
        %dma_start3A_23 = tpu.memref_slice %arg12[%mul3A_9, %dma_start3A_22] : memref<10240x128xf32, #tpu.memory_space<vmem_shared>> -> memref<640x128xf32, #tpu.memory_space<vmem_shared>>
        %dma_start3A_24 = arith.constant 0 : i32
        %dma_start3A_25 = tpu.memref_slice %arg2[%mul3A_9, %dma_start3A_24] : memref<10240x128xf32, #tpu.memory_space<hbm>> -> memref<640x128xf32, #tpu.memory_space<hbm>>
        tpu.enqueue_dma source(%dma_start3A_25 : memref<640x128xf32, #tpu.memory_space<hbm>>) target(%dma_start3A_23 : memref<640x128xf32, #tpu.memory_space<vmem_shared>>) target_semaphore(%run_scoped3A : memref<!tpu.dma_semaphore, #tpu.memory_space<semaphore_mem>>)
        %dma_wait3A = arith.constant 0 : i32
        %dma_wait3A_26 = tpu.memref_slice %arg12[%mul3A_9, %dma_wait3A] : memref<10240x128xf32, #tpu.memory_space<vmem_shared>> -> memref<640x128xf32, #tpu.memory_space<vmem_shared>>
        %dma_wait3A_27 = arith.constant 0 : i32
        %dma_wait3A_28 = tpu.memref_slice %arg2[%mul3A_9, %dma_wait3A_27] : memref<10240x128xf32, #tpu.memory_space<hbm>> -> memref<640x128xf32, #tpu.memory_space<hbm>>
        tpu.wait_dma2 semaphore(%run_scoped3A : memref<!tpu.dma_semaphore, #tpu.memory_space<semaphore_mem>>) src(%dma_wait3A_28 : memref<640x128xf32, #tpu.memory_space<hbm>>) dst(%dma_wait3A_26 : memref<640x128xf32, #tpu.memory_space<vmem_shared>>)
        tpu.yield
      }) : () -> ()
      %barrier3A = arith.constant 0 : index
      tpu.barrier barrier_id(%barrier3A)
      "tpu.region"() ({
        %run_scoped3A = tpu.sem_alloc : memref<!tpu.dma_semaphore, #tpu.memory_space<semaphore_mem>>
        %dma_start3A_22 = arith.constant 0 : i32
        %dma_start3A_23 = arith.constant 0 : i32
        %dma_start3A_24 = tpu.memref_slice %arg4[%add3A, %dma_start3A_22, %dma_start3A_23] : memref<32x40x128xi32, #tpu.memory_space<hbm>> -> memref<1x40x128xi32, #tpu.memory_space<hbm>>
        %dma_start3A_25 = tpu.memref_squeeze %dma_start3A_24 : memref<1x40x128xi32, #tpu.memory_space<hbm>> -> memref<40x128xi32, #tpu.memory_space<hbm>>
        %dma_start3A_26 = arith.constant 0 : i32
        %dma_start3A_27 = arith.constant 0 : i32
        %dma_start3A_28 = tpu.memref_slice %arg4[%add3A, %dma_start3A_26, %dma_start3A_27] : memref<32x40x128xi32, #tpu.memory_space<hbm>> -> memref<1x40x128xi32, #tpu.memory_space<hbm>>
        %dma_start3A_29 = tpu.memref_squeeze %dma_start3A_28 : memref<1x40x128xi32, #tpu.memory_space<hbm>> -> memref<40x128xi32, #tpu.memory_space<hbm>>
        tpu.enqueue_dma source(%dma_start3A_29 : memref<40x128xi32, #tpu.memory_space<hbm>>) target(%arg8 : memref<40x128xi32, #tpu.memory_space<vmem>>) target_semaphore(%run_scoped3A : memref<!tpu.dma_semaphore, #tpu.memory_space<semaphore_mem>>)
        %dma_wait3A = arith.constant 0 : i32
        %dma_wait3A_30 = arith.constant 0 : i32
        %dma_wait3A_31 = tpu.memref_slice %arg4[%add3A, %dma_wait3A, %dma_wait3A_30] : memref<32x40x128xi32, #tpu.memory_space<hbm>> -> memref<1x40x128xi32, #tpu.memory_space<hbm>>
        %dma_wait3A_32 = tpu.memref_squeeze %dma_wait3A_31 : memref<1x40x128xi32, #tpu.memory_space<hbm>> -> memref<40x128xi32, #tpu.memory_space<hbm>>
        %dma_wait3A_33 = arith.constant 0 : i32
        %dma_wait3A_34 = arith.constant 0 : i32
        %dma_wait3A_35 = tpu.memref_slice %arg4[%add3A, %dma_wait3A_33, %dma_wait3A_34] : memref<32x40x128xi32, #tpu.memory_space<hbm>> -> memref<1x40x128xi32, #tpu.memory_space<hbm>>
        %dma_wait3A_36 = tpu.memref_squeeze %dma_wait3A_35 : memref<1x40x128xi32, #tpu.memory_space<hbm>> -> memref<40x128xi32, #tpu.memory_space<hbm>>
        tpu.wait_dma2 semaphore(%run_scoped3A : memref<!tpu.dma_semaphore, #tpu.memory_space<semaphore_mem>>) src(%dma_wait3A_36 : memref<40x128xi32, #tpu.memory_space<hbm>>) dst(%arg8 : memref<40x128xi32, #tpu.memory_space<vmem>>)
        tpu.yield
      }) : () -> ()
      "tpu.region"() ({
        %run_scoped3A = tpu.sem_alloc : memref<!tpu.dma_semaphore, #tpu.memory_space<semaphore_mem>>
        %dma_start3A_22 = arith.constant 0 : i32
        %dma_start3A_23 = arith.constant 0 : i32
        %dma_start3A_24 = tpu.memref_slice %arg5[%add3A, %dma_start3A_22, %dma_start3A_23] : memref<32x40x128xi32, #tpu.memory_space<hbm>> -> memref<1x40x128xi32, #tpu.memory_space<hbm>>
        %dma_start3A_25 = tpu.memref_squeeze %dma_start3A_24 : memref<1x40x128xi32, #tpu.memory_space<hbm>> -> memref<40x128xi32, #tpu.memory_space<hbm>>
        %dma_start3A_26 = arith.constant 0 : i32
        %dma_start3A_27 = arith.constant 0 : i32
        %dma_start3A_28 = tpu.memref_slice %arg5[%add3A, %dma_start3A_26, %dma_start3A_27] : memref<32x40x128xi32, #tpu.memory_space<hbm>> -> memref<1x40x128xi32, #tpu.memory_space<hbm>>
        %dma_start3A_29 = tpu.memref_squeeze %dma_start3A_28 : memref<1x40x128xi32, #tpu.memory_space<hbm>> -> memref<40x128xi32, #tpu.memory_space<hbm>>
        tpu.enqueue_dma source(%dma_start3A_29 : memref<40x128xi32, #tpu.memory_space<hbm>>) target(%arg9 : memref<40x128xi32, #tpu.memory_space<vmem>>) target_semaphore(%run_scoped3A : memref<!tpu.dma_semaphore, #tpu.memory_space<semaphore_mem>>)
        %dma_wait3A = arith.constant 0 : i32
        %dma_wait3A_30 = arith.constant 0 : i32
        %dma_wait3A_31 = tpu.memref_slice %arg5[%add3A, %dma_wait3A, %dma_wait3A_30] : memref<32x40x128xi32, #tpu.memory_space<hbm>> -> memref<1x40x128xi32, #tpu.memory_space<hbm>>
        %dma_wait3A_32 = tpu.memref_squeeze %dma_wait3A_31 : memref<1x40x128xi32, #tpu.memory_space<hbm>> -> memref<40x128xi32, #tpu.memory_space<hbm>>
        %dma_wait3A_33 = arith.constant 0 : i32
        %dma_wait3A_34 = arith.constant 0 : i32
        %dma_wait3A_35 = tpu.memref_slice %arg5[%add3A, %dma_wait3A_33, %dma_wait3A_34] : memref<32x40x128xi32, #tpu.memory_space<hbm>> -> memref<1x40x128xi32, #tpu.memory_space<hbm>>
        %dma_wait3A_36 = tpu.memref_squeeze %dma_wait3A_35 : memref<1x40x128xi32, #tpu.memory_space<hbm>> -> memref<40x128xi32, #tpu.memory_space<hbm>>
        tpu.wait_dma2 semaphore(%run_scoped3A : memref<!tpu.dma_semaphore, #tpu.memory_space<semaphore_mem>>) src(%dma_wait3A_36 : memref<40x128xi32, #tpu.memory_space<hbm>>) dst(%arg9 : memref<40x128xi32, #tpu.memory_space<vmem>>)
        tpu.yield
      }) : () -> ()
      %dma_start3A = arith.constant 0 : i32
      %dma_start3A_10 = arith.constant 0 : i32
      %dma_start3A_11 = tpu.memref_slice %arg8[%dma_start3A, %dma_start3A_10] : memref<40x128xi32, #tpu.memory_space<vmem>> -> memref<1x128xi32, #tpu.memory_space<vmem>>
      %dma_start3A_12 = tpu.memref_squeeze %dma_start3A_11 : memref<1x128xi32, #tpu.memory_space<vmem>> -> memref<128xi32, #tpu.memory_space<vmem>>
      %dma_start3A_13 = arith.constant 0 : i32
      %dma_start3A_14 = arith.constant 0 : i32
      %dma_start3A_15 = tpu.memref_slice %arg2[%dma_start3A_13, %dma_start3A_14] : memref<10240x128xf32, #tpu.memory_space<hbm>> -> memref<10240x128xf32, #tpu.memory_space<hbm>>
      tpu.enqueue_indirect_dma source(%dma_start3A_15 : memref<10240x128xf32, #tpu.memory_space<hbm>>) target(%arg10 : memref<128x128xf32, #tpu.memory_space<vmem>>) offsets(%dma_start3A_12 : memref<128xi32, #tpu.memory_space<vmem>>) semaphore(%arg13 : memref<!tpu.dma_semaphore, #tpu.memory_space<semaphore_mem>>)
      %scan3A = arith.constant 0 : i32
      %scan3A_16 = arith.constant 0 : i32
      %scan3A_17 = arith.constant 20 : i32
      %scan3A_18 = arith.addi %scan3A_16, %scan3A_17 : i32
      %scan3A_19 = arith.constant 1 : i32
      scf.for %scan3A_22 = %scan3A_16 to %scan3A_18 step %scan3A_19  : i32 {
        %mul3A_23 = arith.constant 2 : i32
        %mul3A_24 = arith.muli %mul3A_23, %scan3A_22 : i32
        %add3A_25 = arith.constant 1 : i32
        %add3A_26 = arith.addi %mul3A_24, %add3A_25 : i32
        %dma_start3A_27 = arith.constant 0 : i32
        %dma_start3A_28 = tpu.memref_slice %arg8[%add3A_26, %dma_start3A_27] : memref<40x128xi32, #tpu.memory_space<vmem>> -> memref<1x128xi32, #tpu.memory_space<vmem>>
        %dma_start3A_29 = tpu.memref_squeeze %dma_start3A_28 : memref<1x128xi32, #tpu.memory_space<vmem>> -> memref<128xi32, #tpu.memory_space<vmem>>
        %dma_start3A_30 = arith.constant 0 : i32
        %dma_start3A_31 = arith.constant 0 : i32
        %dma_start3A_32 = tpu.memref_slice %arg2[%dma_start3A_30, %dma_start3A_31] : memref<10240x128xf32, #tpu.memory_space<hbm>> -> memref<10240x128xf32, #tpu.memory_space<hbm>>
        tpu.enqueue_indirect_dma source(%dma_start3A_32 : memref<10240x128xf32, #tpu.memory_space<hbm>>) target(%arg11 : memref<128x128xf32, #tpu.memory_space<vmem>>) offsets(%dma_start3A_29 : memref<128xi32, #tpu.memory_space<vmem>>) semaphore(%arg14 : memref<!tpu.dma_semaphore, #tpu.memory_space<semaphore_mem>>)
        %dma_wait3A = arith.constant 0 : i32
        %dma_wait3A_33 = tpu.memref_slice %arg8[%mul3A_24, %dma_wait3A] : memref<40x128xi32, #tpu.memory_space<vmem>> -> memref<1x128xi32, #tpu.memory_space<vmem>>
        %dma_wait3A_34 = tpu.memref_squeeze %dma_wait3A_33 : memref<1x128xi32, #tpu.memory_space<vmem>> -> memref<128xi32, #tpu.memory_space<vmem>>
        %dma_wait3A_35 = arith.constant 0 : i32
        %dma_wait3A_36 = arith.constant 0 : i32
        %dma_wait3A_37 = tpu.memref_slice %arg2[%dma_wait3A_35, %dma_wait3A_36] : memref<10240x128xf32, #tpu.memory_space<hbm>> -> memref<10240x128xf32, #tpu.memory_space<hbm>>
        tpu.wait_indirect_dma semaphore(%arg13 : memref<!tpu.dma_semaphore, #tpu.memory_space<semaphore_mem>>) src(%dma_wait3A_37 : memref<10240x128xf32, #tpu.memory_space<hbm>>) dst(%arg10 : memref<128x128xf32, #tpu.memory_space<vmem>>)
        "tpu.region"() ({
          %run_scoped3A = tpu.sem_alloc : memref<!tpu.dma_semaphore, #tpu.memory_space<semaphore_mem>>
          %dma_start3A_54 = arith.constant 0 : i32
          %dma_start3A_55 = tpu.memref_slice %arg9[%mul3A_24, %dma_start3A_54] : memref<40x128xi32, #tpu.memory_space<vmem>> -> memref<1x128xi32, #tpu.memory_space<vmem>>
          %dma_start3A_56 = tpu.memref_squeeze %dma_start3A_55 : memref<1x128xi32, #tpu.memory_space<vmem>> -> memref<128xi32, #tpu.memory_space<vmem>>
          %dma_start3A_57 = arith.constant 0 : i32
          %dma_start3A_58 = arith.constant 0 : i32
          %dma_start3A_59 = tpu.memref_slice %arg12[%dma_start3A_57, %dma_start3A_58] : memref<10240x128xf32, #tpu.memory_space<vmem_shared>> -> memref<10240x128xf32, #tpu.memory_space<vmem_shared>>
          tpu.enqueue_indirect_dma source(%arg10 : memref<128x128xf32, #tpu.memory_space<vmem>>) target(%dma_start3A_59 : memref<10240x128xf32, #tpu.memory_space<vmem_shared>>) offsets(%dma_start3A_56 : memref<128xi32, #tpu.memory_space<vmem>>) semaphore(%run_scoped3A : memref<!tpu.dma_semaphore, #tpu.memory_space<semaphore_mem>>) {add = true}
          %dma_wait3A_60 = arith.constant 0 : i32
          %dma_wait3A_61 = tpu.memref_slice %arg9[%mul3A_24, %dma_wait3A_60] : memref<40x128xi32, #tpu.memory_space<vmem>> -> memref<1x128xi32, #tpu.memory_space<vmem>>
          %dma_wait3A_62 = tpu.memref_squeeze %dma_wait3A_61 : memref<1x128xi32, #tpu.memory_space<vmem>> -> memref<128xi32, #tpu.memory_space<vmem>>
          %dma_wait3A_63 = arith.constant 0 : i32
          %dma_wait3A_64 = arith.constant 0 : i32
          %dma_wait3A_65 = tpu.memref_slice %arg12[%dma_wait3A_63, %dma_wait3A_64] : memref<10240x128xf32, #tpu.memory_space<vmem_shared>> -> memref<10240x128xf32, #tpu.memory_space<vmem_shared>>
          tpu.wait_indirect_dma semaphore(%run_scoped3A : memref<!tpu.dma_semaphore, #tpu.memory_space<semaphore_mem>>) src(%arg10 : memref<128x128xf32, #tpu.memory_space<vmem>>) dst(%dma_wait3A_65 : memref<10240x128xf32, #tpu.memory_space<vmem_shared>>)
          tpu.yield
        }) : () -> ()
        %add3A_38 = arith.constant 2 : i32
        %add3A_39 = arith.addi %mul3A_24, %add3A_38 : i32
        %lt3A = arith.constant 40 : i32
        %lt3A_40 = arith.cmpi slt, %add3A_39, %lt3A : i32
        %convert_element_type3A_41 = arith.extui %lt3A_40 : i1 to i32
        %cond3A_42 = arith.constant 0 : i32
        %cond3A_43 = arith.cmpi ne, %convert_element_type3A_41, %cond3A_42 : i32
        scf.if %cond3A_43 {
          %add3A_54 = arith.constant 2 : i32
          %add3A_55 = arith.addi %mul3A_24, %add3A_54 : i32
          %dma_start3A_56 = arith.constant 0 : i32
          %dma_start3A_57 = tpu.memref_slice %arg8[%add3A_55, %dma_start3A_56] : memref<40x128xi32, #tpu.memory_space<vmem>> -> memref<1x128xi32, #tpu.memory_space<vmem>>
          %dma_start3A_58 = tpu.memref_squeeze %dma_start3A_57 : memref<1x128xi32, #tpu.memory_space<vmem>> -> memref<128xi32, #tpu.memory_space<vmem>>
          %dma_start3A_59 = arith.constant 0 : i32
          %dma_start3A_60 = arith.constant 0 : i32
          %dma_start3A_61 = tpu.memref_slice %arg2[%dma_start3A_59, %dma_start3A_60] : memref<10240x128xf32, #tpu.memory_space<hbm>> -> memref<10240x128xf32, #tpu.memory_space<hbm>>
          tpu.enqueue_indirect_dma source(%dma_start3A_61 : memref<10240x128xf32, #tpu.memory_space<hbm>>) target(%arg10 : memref<128x128xf32, #tpu.memory_space<vmem>>) offsets(%dma_start3A_58 : memref<128xi32, #tpu.memory_space<vmem>>) semaphore(%arg13 : memref<!tpu.dma_semaphore, #tpu.memory_space<semaphore_mem>>)
        } else {
        }
        %add3A_44 = arith.constant 1 : i32
        %add3A_45 = arith.addi %mul3A_24, %add3A_44 : i32
        %dma_wait3A_46 = arith.constant 0 : i32
        %dma_wait3A_47 = tpu.memref_slice %arg8[%add3A_45, %dma_wait3A_46] : memref<40x128xi32, #tpu.memory_space<vmem>> -> memref<1x128xi32, #tpu.memory_space<vmem>>
        %dma_wait3A_48 = tpu.memref_squeeze %dma_wait3A_47 : memref<1x128xi32, #tpu.memory_space<vmem>> -> memref<128xi32, #tpu.memory_space<vmem>>
        %dma_wait3A_49 = arith.constant 0 : i32
        %dma_wait3A_50 = arith.constant 0 : i32
        %dma_wait3A_51 = tpu.memref_slice %arg2[%dma_wait3A_49, %dma_wait3A_50] : memref<10240x128xf32, #tpu.memory_space<hbm>> -> memref<10240x128xf32, #tpu.memory_space<hbm>>
        tpu.wait_indirect_dma semaphore(%arg14 : memref<!tpu.dma_semaphore, #tpu.memory_space<semaphore_mem>>) src(%dma_wait3A_51 : memref<10240x128xf32, #tpu.memory_space<hbm>>) dst(%arg11 : memref<128x128xf32, #tpu.memory_space<vmem>>)
        %add3A_52 = arith.constant 1 : i32
        %add3A_53 = arith.addi %mul3A_24, %add3A_52 : i32
        "tpu.region"() ({
          %run_scoped3A = tpu.sem_alloc : memref<!tpu.dma_semaphore, #tpu.memory_space<semaphore_mem>>
          %dma_start3A_54 = arith.constant 0 : i32
          %dma_start3A_55 = tpu.memref_slice %arg9[%add3A_53, %dma_start3A_54] : memref<40x128xi32, #tpu.memory_space<vmem>> -> memref<1x128xi32, #tpu.memory_space<vmem>>
          %dma_start3A_56 = tpu.memref_squeeze %dma_start3A_55 : memref<1x128xi32, #tpu.memory_space<vmem>> -> memref<128xi32, #tpu.memory_space<vmem>>
          %dma_start3A_57 = arith.constant 0 : i32
          %dma_start3A_58 = arith.constant 0 : i32
          %dma_start3A_59 = tpu.memref_slice %arg12[%dma_start3A_57, %dma_start3A_58] : memref<10240x128xf32, #tpu.memory_space<vmem_shared>> -> memref<10240x128xf32, #tpu.memory_space<vmem_shared>>
          tpu.enqueue_indirect_dma source(%arg11 : memref<128x128xf32, #tpu.memory_space<vmem>>) target(%dma_start3A_59 : memref<10240x128xf32, #tpu.memory_space<vmem_shared>>) offsets(%dma_start3A_56 : memref<128xi32, #tpu.memory_space<vmem>>) semaphore(%run_scoped3A : memref<!tpu.dma_semaphore, #tpu.memory_space<semaphore_mem>>) {add = true}
          %dma_wait3A_60 = arith.constant 0 : i32
          %dma_wait3A_61 = tpu.memref_slice %arg9[%add3A_53, %dma_wait3A_60] : memref<40x128xi32, #tpu.memory_space<vmem>> -> memref<1x128xi32, #tpu.memory_space<vmem>>
          %dma_wait3A_62 = tpu.memref_squeeze %dma_wait3A_61 : memref<1x128xi32, #tpu.memory_space<vmem>> -> memref<128xi32, #tpu.memory_space<vmem>>
          %dma_wait3A_63 = arith.constant 0 : i32
          %dma_wait3A_64 = arith.constant 0 : i32
          %dma_wait3A_65 = tpu.memref_slice %arg12[%dma_wait3A_63, %dma_wait3A_64] : memref<10240x128xf32, #tpu.memory_space<vmem_shared>> -> memref<10240x128xf32, #tpu.memory_space<vmem_shared>>
          tpu.wait_indirect_dma semaphore(%run_scoped3A : memref<!tpu.dma_semaphore, #tpu.memory_space<semaphore_mem>>) src(%arg11 : memref<128x128xf32, #tpu.memory_space<vmem>>) dst(%dma_wait3A_65 : memref<10240x128xf32, #tpu.memory_space<vmem_shared>>)
          tpu.yield
        }) : () -> ()
      }
      %scan3A_20 = arith.constant 20 : i32
      %barrier3A_21 = arith.constant 0 : index
      tpu.barrier barrier_id(%barrier3A_21)
      "tpu.region"() ({
        %run_scoped3A = tpu.sem_alloc : memref<!tpu.dma_semaphore, #tpu.memory_space<semaphore_mem>>
        %dma_start3A_22 = arith.constant 0 : i32
        %dma_start3A_23 = tpu.memref_slice %arg6[%mul3A_9, %dma_start3A_22] : memref<10240x128xf32, #tpu.memory_space<hbm>> -> memref<640x128xf32, #tpu.memory_space<hbm>>
        %dma_start3A_24 = arith.constant 0 : i32
        %dma_start3A_25 = tpu.memref_slice %arg12[%mul3A_9, %dma_start3A_24] : memref<10240x128xf32, #tpu.memory_space<vmem_shared>> -> memref<640x128xf32, #tpu.memory_space<vmem_shared>>
        tpu.enqueue_dma source(%dma_start3A_25 : memref<640x128xf32, #tpu.memory_space<vmem_shared>>) target(%dma_start3A_23 : memref<640x128xf32, #tpu.memory_space<hbm>>) target_semaphore(%run_scoped3A : memref<!tpu.dma_semaphore, #tpu.memory_space<semaphore_mem>>)
        %dma_wait3A = arith.constant 0 : i32
        %dma_wait3A_26 = tpu.memref_slice %arg6[%mul3A_9, %dma_wait3A] : memref<10240x128xf32, #tpu.memory_space<hbm>> -> memref<640x128xf32, #tpu.memory_space<hbm>>
        %dma_wait3A_27 = arith.constant 0 : i32
        %dma_wait3A_28 = tpu.memref_slice %arg12[%mul3A_9, %dma_wait3A_27] : memref<10240x128xf32, #tpu.memory_space<vmem_shared>> -> memref<640x128xf32, #tpu.memory_space<vmem_shared>>
        tpu.wait_dma2 semaphore(%run_scoped3A : memref<!tpu.dma_semaphore, #tpu.memory_space<semaphore_mem>>) src(%dma_wait3A_28 : memref<640x128xf32, #tpu.memory_space<vmem_shared>>) dst(%dma_wait3A_26 : memref<640x128xf32, #tpu.memory_space<hbm>>)
        tpu.yield
      }) : () -> ()
    } else {
    }
    %eq3A_3 = arith.constant 1 : i32
    %eq3A_4 = arith.cmpi eq, %arg0, %eq3A_3 : i32
    %convert_element_type3A_5 = arith.extui %eq3A_4 : i1 to i32
    %cond3A_6 = arith.constant 0 : i32
    %cond3A_7 = arith.cmpi ne, %convert_element_type3A_5, %cond3A_6 : i32
    scf.if %cond3A_7 {
      %mul3A_8 = arith.constant 640 : i32
      %mul3A_9 = arith.muli %arg1, %mul3A_8 : i32
      "tpu.region"() ({
        %run_scoped3A = tpu.sem_alloc : memref<!tpu.dma_semaphore, #tpu.memory_space<semaphore_mem>>
        %dma_start3A_22 = arith.constant 0 : i32
        %dma_start3A_23 = tpu.memref_slice %arg12[%mul3A_9, %dma_start3A_22] : memref<10240x128xf32, #tpu.memory_space<vmem_shared>> -> memref<640x128xf32, #tpu.memory_space<vmem_shared>>
        %dma_start3A_24 = arith.constant 0 : i32
        %dma_start3A_25 = tpu.memref_slice %arg3[%mul3A_9, %dma_start3A_24] : memref<10240x128xf32, #tpu.memory_space<hbm>> -> memref<640x128xf32, #tpu.memory_space<hbm>>
        tpu.enqueue_dma source(%dma_start3A_25 : memref<640x128xf32, #tpu.memory_space<hbm>>) target(%dma_start3A_23 : memref<640x128xf32, #tpu.memory_space<vmem_shared>>) target_semaphore(%run_scoped3A : memref<!tpu.dma_semaphore, #tpu.memory_space<semaphore_mem>>)
        %dma_wait3A = arith.constant 0 : i32
        %dma_wait3A_26 = tpu.memref_slice %arg12[%mul3A_9, %dma_wait3A] : memref<10240x128xf32, #tpu.memory_space<vmem_shared>> -> memref<640x128xf32, #tpu.memory_space<vmem_shared>>
        %dma_wait3A_27 = arith.constant 0 : i32
        %dma_wait3A_28 = tpu.memref_slice %arg3[%mul3A_9, %dma_wait3A_27] : memref<10240x128xf32, #tpu.memory_space<hbm>> -> memref<640x128xf32, #tpu.memory_space<hbm>>
        tpu.wait_dma2 semaphore(%run_scoped3A : memref<!tpu.dma_semaphore, #tpu.memory_space<semaphore_mem>>) src(%dma_wait3A_28 : memref<640x128xf32, #tpu.memory_space<hbm>>) dst(%dma_wait3A_26 : memref<640x128xf32, #tpu.memory_space<vmem_shared>>)
        tpu.yield
      }) : () -> ()
      %barrier3A = arith.constant 0 : index
      tpu.barrier barrier_id(%barrier3A)
      "tpu.region"() ({
        %run_scoped3A = tpu.sem_alloc : memref<!tpu.dma_semaphore, #tpu.memory_space<semaphore_mem>>
        %dma_start3A_22 = arith.constant 0 : i32
        %dma_start3A_23 = arith.constant 0 : i32
        %dma_start3A_24 = tpu.memref_slice %arg4[%add3A, %dma_start3A_22, %dma_start3A_23] : memref<32x40x128xi32, #tpu.memory_space<hbm>> -> memref<1x40x128xi32, #tpu.memory_space<hbm>>
        %dma_start3A_25 = tpu.memref_squeeze %dma_start3A_24 : memref<1x40x128xi32, #tpu.memory_space<hbm>> -> memref<40x128xi32, #tpu.memory_space<hbm>>
        %dma_start3A_26 = arith.constant 0 : i32
        %dma_start3A_27 = arith.constant 0 : i32
        %dma_start3A_28 = tpu.memref_slice %arg4[%add3A, %dma_start3A_26, %dma_start3A_27] : memref<32x40x128xi32, #tpu.memory_space<hbm>> -> memref<1x40x128xi32, #tpu.memory_space<hbm>>
        %dma_start3A_29 = tpu.memref_squeeze %dma_start3A_28 : memref<1x40x128xi32, #tpu.memory_space<hbm>> -> memref<40x128xi32, #tpu.memory_space<hbm>>
        tpu.enqueue_dma source(%dma_start3A_29 : memref<40x128xi32, #tpu.memory_space<hbm>>) target(%arg8 : memref<40x128xi32, #tpu.memory_space<vmem>>) target_semaphore(%run_scoped3A : memref<!tpu.dma_semaphore, #tpu.memory_space<semaphore_mem>>)
        %dma_wait3A = arith.constant 0 : i32
        %dma_wait3A_30 = arith.constant 0 : i32
        %dma_wait3A_31 = tpu.memref_slice %arg4[%add3A, %dma_wait3A, %dma_wait3A_30] : memref<32x40x128xi32, #tpu.memory_space<hbm>> -> memref<1x40x128xi32, #tpu.memory_space<hbm>>
        %dma_wait3A_32 = tpu.memref_squeeze %dma_wait3A_31 : memref<1x40x128xi32, #tpu.memory_space<hbm>> -> memref<40x128xi32, #tpu.memory_space<hbm>>
        %dma_wait3A_33 = arith.constant 0 : i32
        %dma_wait3A_34 = arith.constant 0 : i32
        %dma_wait3A_35 = tpu.memref_slice %arg4[%add3A, %dma_wait3A_33, %dma_wait3A_34] : memref<32x40x128xi32, #tpu.memory_space<hbm>> -> memref<1x40x128xi32, #tpu.memory_space<hbm>>
        %dma_wait3A_36 = tpu.memref_squeeze %dma_wait3A_35 : memref<1x40x128xi32, #tpu.memory_space<hbm>> -> memref<40x128xi32, #tpu.memory_space<hbm>>
        tpu.wait_dma2 semaphore(%run_scoped3A : memref<!tpu.dma_semaphore, #tpu.memory_space<semaphore_mem>>) src(%dma_wait3A_36 : memref<40x128xi32, #tpu.memory_space<hbm>>) dst(%arg8 : memref<40x128xi32, #tpu.memory_space<vmem>>)
        tpu.yield
      }) : () -> ()
      "tpu.region"() ({
        %run_scoped3A = tpu.sem_alloc : memref<!tpu.dma_semaphore, #tpu.memory_space<semaphore_mem>>
        %dma_start3A_22 = arith.constant 0 : i32
        %dma_start3A_23 = arith.constant 0 : i32
        %dma_start3A_24 = tpu.memref_slice %arg5[%add3A, %dma_start3A_22, %dma_start3A_23] : memref<32x40x128xi32, #tpu.memory_space<hbm>> -> memref<1x40x128xi32, #tpu.memory_space<hbm>>
        %dma_start3A_25 = tpu.memref_squeeze %dma_start3A_24 : memref<1x40x128xi32, #tpu.memory_space<hbm>> -> memref<40x128xi32, #tpu.memory_space<hbm>>
        %dma_start3A_26 = arith.constant 0 : i32
        %dma_start3A_27 = arith.constant 0 : i32
        %dma_start3A_28 = tpu.memref_slice %arg5[%add3A, %dma_start3A_26, %dma_start3A_27] : memref<32x40x128xi32, #tpu.memory_space<hbm>> -> memref<1x40x128xi32, #tpu.memory_space<hbm>>
        %dma_start3A_29 = tpu.memref_squeeze %dma_start3A_28 : memref<1x40x128xi32, #tpu.memory_space<hbm>> -> memref<40x128xi32, #tpu.memory_space<hbm>>
        tpu.enqueue_dma source(%dma_start3A_29 : memref<40x128xi32, #tpu.memory_space<hbm>>) target(%arg9 : memref<40x128xi32, #tpu.memory_space<vmem>>) target_semaphore(%run_scoped3A : memref<!tpu.dma_semaphore, #tpu.memory_space<semaphore_mem>>)
        %dma_wait3A = arith.constant 0 : i32
        %dma_wait3A_30 = arith.constant 0 : i32
        %dma_wait3A_31 = tpu.memref_slice %arg5[%add3A, %dma_wait3A, %dma_wait3A_30] : memref<32x40x128xi32, #tpu.memory_space<hbm>> -> memref<1x40x128xi32, #tpu.memory_space<hbm>>
        %dma_wait3A_32 = tpu.memref_squeeze %dma_wait3A_31 : memref<1x40x128xi32, #tpu.memory_space<hbm>> -> memref<40x128xi32, #tpu.memory_space<hbm>>
        %dma_wait3A_33 = arith.constant 0 : i32
        %dma_wait3A_34 = arith.constant 0 : i32
        %dma_wait3A_35 = tpu.memref_slice %arg5[%add3A, %dma_wait3A_33, %dma_wait3A_34] : memref<32x40x128xi32, #tpu.memory_space<hbm>> -> memref<1x40x128xi32, #tpu.memory_space<hbm>>
        %dma_wait3A_36 = tpu.memref_squeeze %dma_wait3A_35 : memref<1x40x128xi32, #tpu.memory_space<hbm>> -> memref<40x128xi32, #tpu.memory_space<hbm>>
        tpu.wait_dma2 semaphore(%run_scoped3A : memref<!tpu.dma_semaphore, #tpu.memory_space<semaphore_mem>>) src(%dma_wait3A_36 : memref<40x128xi32, #tpu.memory_space<hbm>>) dst(%arg9 : memref<40x128xi32, #tpu.memory_space<vmem>>)
        tpu.yield
      }) : () -> ()
      %dma_start3A = arith.constant 0 : i32
      %dma_start3A_10 = arith.constant 0 : i32
      %dma_start3A_11 = tpu.memref_slice %arg8[%dma_start3A, %dma_start3A_10] : memref<40x128xi32, #tpu.memory_space<vmem>> -> memref<1x128xi32, #tpu.memory_space<vmem>>
      %dma_start3A_12 = tpu.memref_squeeze %dma_start3A_11 : memref<1x128xi32, #tpu.memory_space<vmem>> -> memref<128xi32, #tpu.memory_space<vmem>>
      %dma_start3A_13 = arith.constant 0 : i32
      %dma_start3A_14 = arith.constant 0 : i32
      %dma_start3A_15 = tpu.memref_slice %arg2[%dma_start3A_13, %dma_start3A_14] : memref<10240x128xf32, #tpu.memory_space<hbm>> -> memref<10240x128xf32, #tpu.memory_space<hbm>>
      tpu.enqueue_indirect_dma source(%dma_start3A_15 : memref<10240x128xf32, #tpu.memory_space<hbm>>) target(%arg10 : memref<128x128xf32, #tpu.memory_space<vmem>>) offsets(%dma_start3A_12 : memref<128xi32, #tpu.memory_space<vmem>>) semaphore(%arg13 : memref<!tpu.dma_semaphore, #tpu.memory_space<semaphore_mem>>)
      %scan3A = arith.constant 0 : i32
      %scan3A_16 = arith.constant 0 : i32
      %scan3A_17 = arith.constant 20 : i32
      %scan3A_18 = arith.addi %scan3A_16, %scan3A_17 : i32
      %scan3A_19 = arith.constant 1 : i32
      scf.for %scan3A_22 = %scan3A_16 to %scan3A_18 step %scan3A_19  : i32 {
        %mul3A_23 = arith.constant 2 : i32
        %mul3A_24 = arith.muli %mul3A_23, %scan3A_22 : i32
        %add3A_25 = arith.constant 1 : i32
        %add3A_26 = arith.addi %mul3A_24, %add3A_25 : i32
        %dma_start3A_27 = arith.constant 0 : i32
        %dma_start3A_28 = tpu.memref_slice %arg8[%add3A_26, %dma_start3A_27] : memref<40x128xi32, #tpu.memory_space<vmem>> -> memref<1x128xi32, #tpu.memory_space<vmem>>
        %dma_start3A_29 = tpu.memref_squeeze %dma_start3A_28 : memref<1x128xi32, #tpu.memory_space<vmem>> -> memref<128xi32, #tpu.memory_space<vmem>>
        %dma_start3A_30 = arith.constant 0 : i32
        %dma_start3A_31 = arith.constant 0 : i32
        %dma_start3A_32 = tpu.memref_slice %arg2[%dma_start3A_30, %dma_start3A_31] : memref<10240x128xf32, #tpu.memory_space<hbm>> -> memref<10240x128xf32, #tpu.memory_space<hbm>>
        tpu.enqueue_indirect_dma source(%dma_start3A_32 : memref<10240x128xf32, #tpu.memory_space<hbm>>) target(%arg11 : memref<128x128xf32, #tpu.memory_space<vmem>>) offsets(%dma_start3A_29 : memref<128xi32, #tpu.memory_space<vmem>>) semaphore(%arg14 : memref<!tpu.dma_semaphore, #tpu.memory_space<semaphore_mem>>)
        %dma_wait3A = arith.constant 0 : i32
        %dma_wait3A_33 = tpu.memref_slice %arg8[%mul3A_24, %dma_wait3A] : memref<40x128xi32, #tpu.memory_space<vmem>> -> memref<1x128xi32, #tpu.memory_space<vmem>>
        %dma_wait3A_34 = tpu.memref_squeeze %dma_wait3A_33 : memref<1x128xi32, #tpu.memory_space<vmem>> -> memref<128xi32, #tpu.memory_space<vmem>>
        %dma_wait3A_35 = arith.constant 0 : i32
        %dma_wait3A_36 = arith.constant 0 : i32
        %dma_wait3A_37 = tpu.memref_slice %arg2[%dma_wait3A_35, %dma_wait3A_36] : memref<10240x128xf32, #tpu.memory_space<hbm>> -> memref<10240x128xf32, #tpu.memory_space<hbm>>
        tpu.wait_indirect_dma semaphore(%arg13 : memref<!tpu.dma_semaphore, #tpu.memory_space<semaphore_mem>>) src(%dma_wait3A_37 : memref<10240x128xf32, #tpu.memory_space<hbm>>) dst(%arg10 : memref<128x128xf32, #tpu.memory_space<vmem>>)
        "tpu.region"() ({
          %run_scoped3A = tpu.sem_alloc : memref<!tpu.dma_semaphore, #tpu.memory_space<semaphore_mem>>
          %dma_start3A_54 = arith.constant 0 : i32
          %dma_start3A_55 = tpu.memref_slice %arg9[%mul3A_24, %dma_start3A_54] : memref<40x128xi32, #tpu.memory_space<vmem>> -> memref<1x128xi32, #tpu.memory_space<vmem>>
          %dma_start3A_56 = tpu.memref_squeeze %dma_start3A_55 : memref<1x128xi32, #tpu.memory_space<vmem>> -> memref<128xi32, #tpu.memory_space<vmem>>
          %dma_start3A_57 = arith.constant 0 : i32
          %dma_start3A_58 = arith.constant 0 : i32
          %dma_start3A_59 = tpu.memref_slice %arg12[%dma_start3A_57, %dma_start3A_58] : memref<10240x128xf32, #tpu.memory_space<vmem_shared>> -> memref<10240x128xf32, #tpu.memory_space<vmem_shared>>
          tpu.enqueue_indirect_dma source(%arg10 : memref<128x128xf32, #tpu.memory_space<vmem>>) target(%dma_start3A_59 : memref<10240x128xf32, #tpu.memory_space<vmem_shared>>) offsets(%dma_start3A_56 : memref<128xi32, #tpu.memory_space<vmem>>) semaphore(%run_scoped3A : memref<!tpu.dma_semaphore, #tpu.memory_space<semaphore_mem>>) {add = true}
          %dma_wait3A_60 = arith.constant 0 : i32
          %dma_wait3A_61 = tpu.memref_slice %arg9[%mul3A_24, %dma_wait3A_60] : memref<40x128xi32, #tpu.memory_space<vmem>> -> memref<1x128xi32, #tpu.memory_space<vmem>>
          %dma_wait3A_62 = tpu.memref_squeeze %dma_wait3A_61 : memref<1x128xi32, #tpu.memory_space<vmem>> -> memref<128xi32, #tpu.memory_space<vmem>>
          %dma_wait3A_63 = arith.constant 0 : i32
          %dma_wait3A_64 = arith.constant 0 : i32
          %dma_wait3A_65 = tpu.memref_slice %arg12[%dma_wait3A_63, %dma_wait3A_64] : memref<10240x128xf32, #tpu.memory_space<vmem_shared>> -> memref<10240x128xf32, #tpu.memory_space<vmem_shared>>
          tpu.wait_indirect_dma semaphore(%run_scoped3A : memref<!tpu.dma_semaphore, #tpu.memory_space<semaphore_mem>>) src(%arg10 : memref<128x128xf32, #tpu.memory_space<vmem>>) dst(%dma_wait3A_65 : memref<10240x128xf32, #tpu.memory_space<vmem_shared>>)
          tpu.yield
        }) : () -> ()
        %add3A_38 = arith.constant 2 : i32
        %add3A_39 = arith.addi %mul3A_24, %add3A_38 : i32
        %lt3A = arith.constant 40 : i32
        %lt3A_40 = arith.cmpi slt, %add3A_39, %lt3A : i32
        %convert_element_type3A_41 = arith.extui %lt3A_40 : i1 to i32
        %cond3A_42 = arith.constant 0 : i32
        %cond3A_43 = arith.cmpi ne, %convert_element_type3A_41, %cond3A_42 : i32
        scf.if %cond3A_43 {
          %add3A_54 = arith.constant 2 : i32
          %add3A_55 = arith.addi %mul3A_24, %add3A_54 : i32
          %dma_start3A_56 = arith.constant 0 : i32
          %dma_start3A_57 = tpu.memref_slice %arg8[%add3A_55, %dma_start3A_56] : memref<40x128xi32, #tpu.memory_space<vmem>> -> memref<1x128xi32, #tpu.memory_space<vmem>>
          %dma_start3A_58 = tpu.memref_squeeze %dma_start3A_57 : memref<1x128xi32, #tpu.memory_space<vmem>> -> memref<128xi32, #tpu.memory_space<vmem>>
          %dma_start3A_59 = arith.constant 0 : i32
          %dma_start3A_60 = arith.constant 0 : i32
          %dma_start3A_61 = tpu.memref_slice %arg2[%dma_start3A_59, %dma_start3A_60] : memref<10240x128xf32, #tpu.memory_space<hbm>> -> memref<10240x128xf32, #tpu.memory_space<hbm>>
          tpu.enqueue_indirect_dma source(%dma_start3A_61 : memref<10240x128xf32, #tpu.memory_space<hbm>>) target(%arg10 : memref<128x128xf32, #tpu.memory_space<vmem>>) offsets(%dma_start3A_58 : memref<128xi32, #tpu.memory_space<vmem>>) semaphore(%arg13 : memref<!tpu.dma_semaphore, #tpu.memory_space<semaphore_mem>>)
        } else {
        }
        %add3A_44 = arith.constant 1 : i32
        %add3A_45 = arith.addi %mul3A_24, %add3A_44 : i32
        %dma_wait3A_46 = arith.constant 0 : i32
        %dma_wait3A_47 = tpu.memref_slice %arg8[%add3A_45, %dma_wait3A_46] : memref<40x128xi32, #tpu.memory_space<vmem>> -> memref<1x128xi32, #tpu.memory_space<vmem>>
        %dma_wait3A_48 = tpu.memref_squeeze %dma_wait3A_47 : memref<1x128xi32, #tpu.memory_space<vmem>> -> memref<128xi32, #tpu.memory_space<vmem>>
        %dma_wait3A_49 = arith.constant 0 : i32
        %dma_wait3A_50 = arith.constant 0 : i32
        %dma_wait3A_51 = tpu.memref_slice %arg2[%dma_wait3A_49, %dma_wait3A_50] : memref<10240x128xf32, #tpu.memory_space<hbm>> -> memref<10240x128xf32, #tpu.memory_space<hbm>>
        tpu.wait_indirect_dma semaphore(%arg14 : memref<!tpu.dma_semaphore, #tpu.memory_space<semaphore_mem>>) src(%dma_wait3A_51 : memref<10240x128xf32, #tpu.memory_space<hbm>>) dst(%arg11 : memref<128x128xf32, #tpu.memory_space<vmem>>)
        %add3A_52 = arith.constant 1 : i32
        %add3A_53 = arith.addi %mul3A_24, %add3A_52 : i32
        "tpu.region"() ({
          %run_scoped3A = tpu.sem_alloc : memref<!tpu.dma_semaphore, #tpu.memory_space<semaphore_mem>>
          %dma_start3A_54 = arith.constant 0 : i32
          %dma_start3A_55 = tpu.memref_slice %arg9[%add3A_53, %dma_start3A_54] : memref<40x128xi32, #tpu.memory_space<vmem>> -> memref<1x128xi32, #tpu.memory_space<vmem>>
          %dma_start3A_56 = tpu.memref_squeeze %dma_start3A_55 : memref<1x128xi32, #tpu.memory_space<vmem>> -> memref<128xi32, #tpu.memory_space<vmem>>
          %dma_start3A_57 = arith.constant 0 : i32
          %dma_start3A_58 = arith.constant 0 : i32
          %dma_start3A_59 = tpu.memref_slice %arg12[%dma_start3A_57, %dma_start3A_58] : memref<10240x128xf32, #tpu.memory_space<vmem_shared>> -> memref<10240x128xf32, #tpu.memory_space<vmem_shared>>
          tpu.enqueue_indirect_dma source(%arg11 : memref<128x128xf32, #tpu.memory_space<vmem>>) target(%dma_start3A_59 : memref<10240x128xf32, #tpu.memory_space<vmem_shared>>) offsets(%dma_start3A_56 : memref<128xi32, #tpu.memory_space<vmem>>) semaphore(%run_scoped3A : memref<!tpu.dma_semaphore, #tpu.memory_space<semaphore_mem>>) {add = true}
          %dma_wait3A_60 = arith.constant 0 : i32
          %dma_wait3A_61 = tpu.memref_slice %arg9[%add3A_53, %dma_wait3A_60] : memref<40x128xi32, #tpu.memory_space<vmem>> -> memref<1x128xi32, #tpu.memory_space<vmem>>
          %dma_wait3A_62 = tpu.memref_squeeze %dma_wait3A_61 : memref<1x128xi32, #tpu.memory_space<vmem>> -> memref<128xi32, #tpu.memory_space<vmem>>
          %dma_wait3A_63 = arith.constant 0 : i32
          %dma_wait3A_64 = arith.constant 0 : i32
          %dma_wait3A_65 = tpu.memref_slice %arg12[%dma_wait3A_63, %dma_wait3A_64] : memref<10240x128xf32, #tpu.memory_space<vmem_shared>> -> memref<10240x128xf32, #tpu.memory_space<vmem_shared>>
          tpu.wait_indirect_dma semaphore(%run_scoped3A : memref<!tpu.dma_semaphore, #tpu.memory_space<semaphore_mem>>) src(%arg11 : memref<128x128xf32, #tpu.memory_space<vmem>>) dst(%dma_wait3A_65 : memref<10240x128xf32, #tpu.memory_space<vmem_shared>>)
          tpu.yield
        }) : () -> ()
      }
      %scan3A_20 = arith.constant 20 : i32
      %barrier3A_21 = arith.constant 0 : index
      tpu.barrier barrier_id(%barrier3A_21)
      "tpu.region"() ({
        %run_scoped3A = tpu.sem_alloc : memref<!tpu.dma_semaphore, #tpu.memory_space<semaphore_mem>>
        %dma_start3A_22 = arith.constant 0 : i32
        %dma_start3A_23 = tpu.memref_slice %arg7[%mul3A_9, %dma_start3A_22] : memref<10240x128xf32, #tpu.memory_space<hbm>> -> memref<640x128xf32, #tpu.memory_space<hbm>>
        %dma_start3A_24 = arith.constant 0 : i32
        %dma_start3A_25 = tpu.memref_slice %arg12[%mul3A_9, %dma_start3A_24] : memref<10240x128xf32, #tpu.memory_space<vmem_shared>> -> memref<640x128xf32, #tpu.memory_space<vmem_shared>>
        tpu.enqueue_dma source(%dma_start3A_25 : memref<640x128xf32, #tpu.memory_space<vmem_shared>>) target(%dma_start3A_23 : memref<640x128xf32, #tpu.memory_space<hbm>>) target_semaphore(%run_scoped3A : memref<!tpu.dma_semaphore, #tpu.memory_space<semaphore_mem>>)
        %dma_wait3A = arith.constant 0 : i32
        %dma_wait3A_26 = tpu.memref_slice %arg7[%mul3A_9, %dma_wait3A] : memref<10240x128xf32, #tpu.memory_space<hbm>> -> memref<640x128xf32, #tpu.memory_space<hbm>>
        %dma_wait3A_27 = arith.constant 0 : i32
        %dma_wait3A_28 = tpu.memref_slice %arg12[%mul3A_9, %dma_wait3A_27] : memref<10240x128xf32, #tpu.memory_space<vmem_shared>> -> memref<640x128xf32, #tpu.memory_space<vmem_shared>>
        tpu.wait_dma2 semaphore(%run_scoped3A : memref<!tpu.dma_semaphore, #tpu.memory_space<semaphore_mem>>) src(%dma_wait3A_28 : memref<640x128xf32, #tpu.memory_space<vmem_shared>>) dst(%dma_wait3A_26 : memref<640x128xf32, #tpu.memory_space<hbm>>)
        tpu.yield
      }) : () -> ()
    } else {
    }
    return
  }
}

#map = affine_map<(d0, d1) -> (0, 0)>
#map1 = affine_map<(d0, d1) -> (0, 0, 0)>
module attributes {stable_mosaic.version = 14 : i64} {
  func.func @agg(%arg0: i32, %arg1: i32, %arg2: memref<10240x128xf32, #tpu.memory_space<hbm>>, %arg3: memref<10240x128xf32, #tpu.memory_space<hbm>>, %arg4: memref<10240x128xf32, #tpu.memory_space<hbm>>, %arg5: memref<10240x128xf32, #tpu.memory_space<hbm>>, %arg6: memref<16x80x128xi32, #tpu.memory_space<hbm>>, %arg7: memref<16x80x128xi32, #tpu.memory_space<hbm>>, %arg8: memref<10240x128xf32, #tpu.memory_space<hbm>>, %arg9: memref<10240x128xf32, #tpu.memory_space<hbm>>, %arg10: memref<10240x128xf32, #tpu.memory_space<hbm>>, %arg11: memref<10240x128xf32, #tpu.memory_space<hbm>>, %arg12: memref<40x128xi32, #tpu.memory_space<vmem>>, %arg13: memref<40x128xi32, #tpu.memory_space<vmem>>, %arg14: memref<128x128xf32, #tpu.memory_space<vmem>>, %arg15: memref<128x128xf32, #tpu.memory_space<vmem>>, %arg16: memref<10240x128xf32, #tpu.memory_space<vmem_shared>>, %arg17: memref<!tpu.dma_semaphore, #tpu.memory_space<semaphore_mem>>, %arg18: memref<!tpu.dma_semaphore, #tpu.memory_space<semaphore_mem>>) attributes {dimension_semantics = [#tpu.dimension_semantics<core_parallel>, #tpu.dimension_semantics<subcore_parallel>], iteration_bounds = array<i64: 2, 16>, scalar_prefetch = 0 : i64, scratch_operands = 7 : i64, tpu.core_type = #tpu.core_type<sc_vector_subcore>, window_params = [{transform_indices = #map}, {transform_indices = #map}, {transform_indices = #map}, {transform_indices = #map}, {transform_indices = #map1}, {transform_indices = #map1}, {transform_indices = #map}, {transform_indices = #map}, {transform_indices = #map}, {transform_indices = #map}]} {
    %eq3A = arith.constant 0 : i32
    %eq3A_0 = arith.cmpi eq, %arg0, %eq3A : i32
    %convert_element_type3A = arith.extui %eq3A_0 : i1 to i32
    %cond3A = arith.constant 0 : i32
    %cond3A_1 = arith.cmpi ne, %convert_element_type3A, %cond3A : i32
    scf.if %cond3A_1 {
      %mul3A = arith.constant 640 : i32
      %mul3A_7 = arith.muli %arg1, %mul3A : i32
      "tpu.region"() ({
        %run_scoped3A = tpu.sem_alloc : memref<!tpu.dma_semaphore, #tpu.memory_space<semaphore_mem>>
        %dma_start3A_64 = arith.constant 0 : i32
        %dma_start3A_65 = tpu.memref_slice %arg16[%mul3A_7, %dma_start3A_64] : memref<10240x128xf32, #tpu.memory_space<vmem_shared>> -> memref<640x128xf32, #tpu.memory_space<vmem_shared>>
        %dma_start3A_66 = arith.constant 0 : i32
        %dma_start3A_67 = tpu.memref_slice %arg2[%mul3A_7, %dma_start3A_66] : memref<10240x128xf32, #tpu.memory_space<hbm>> -> memref<640x128xf32, #tpu.memory_space<hbm>>
        tpu.enqueue_dma source(%dma_start3A_67 : memref<640x128xf32, #tpu.memory_space<hbm>>) target(%dma_start3A_65 : memref<640x128xf32, #tpu.memory_space<vmem_shared>>) target_semaphore(%run_scoped3A : memref<!tpu.dma_semaphore, #tpu.memory_space<semaphore_mem>>)
        %dma_wait3A = arith.constant 0 : i32
        %dma_wait3A_68 = tpu.memref_slice %arg16[%mul3A_7, %dma_wait3A] : memref<10240x128xf32, #tpu.memory_space<vmem_shared>> -> memref<640x128xf32, #tpu.memory_space<vmem_shared>>
        %dma_wait3A_69 = arith.constant 0 : i32
        %dma_wait3A_70 = tpu.memref_slice %arg2[%mul3A_7, %dma_wait3A_69] : memref<10240x128xf32, #tpu.memory_space<hbm>> -> memref<640x128xf32, #tpu.memory_space<hbm>>
        tpu.wait_dma2 semaphore(%run_scoped3A : memref<!tpu.dma_semaphore, #tpu.memory_space<semaphore_mem>>) src(%dma_wait3A_70 : memref<640x128xf32, #tpu.memory_space<hbm>>) dst(%dma_wait3A_68 : memref<640x128xf32, #tpu.memory_space<vmem_shared>>)
        tpu.yield
      }) : () -> ()
      %barrier3A = arith.constant 0 : index
      tpu.barrier barrier_id(%barrier3A)
      "tpu.region"() ({
        %run_scoped3A = tpu.sem_alloc : memref<!tpu.dma_semaphore, #tpu.memory_space<semaphore_mem>>
        %dma_start3A_64 = arith.constant 0 : i32
        %dma_start3A_65 = arith.constant 0 : i32
        %dma_start3A_66 = tpu.memref_slice %arg6[%arg1, %dma_start3A_64, %dma_start3A_65] : memref<16x80x128xi32, #tpu.memory_space<hbm>> -> memref<1x40x128xi32, #tpu.memory_space<hbm>>
        %dma_start3A_67 = tpu.memref_squeeze %dma_start3A_66 : memref<1x40x128xi32, #tpu.memory_space<hbm>> -> memref<40x128xi32, #tpu.memory_space<hbm>>
        %dma_start3A_68 = arith.constant 0 : i32
        %dma_start3A_69 = arith.constant 0 : i32
        %dma_start3A_70 = tpu.memref_slice %arg6[%arg1, %dma_start3A_68, %dma_start3A_69] : memref<16x80x128xi32, #tpu.memory_space<hbm>> -> memref<1x40x128xi32, #tpu.memory_space<hbm>>
        %dma_start3A_71 = tpu.memref_squeeze %dma_start3A_70 : memref<1x40x128xi32, #tpu.memory_space<hbm>> -> memref<40x128xi32, #tpu.memory_space<hbm>>
        tpu.enqueue_dma source(%dma_start3A_71 : memref<40x128xi32, #tpu.memory_space<hbm>>) target(%arg12 : memref<40x128xi32, #tpu.memory_space<vmem>>) target_semaphore(%run_scoped3A : memref<!tpu.dma_semaphore, #tpu.memory_space<semaphore_mem>>)
        %dma_wait3A = arith.constant 0 : i32
        %dma_wait3A_72 = arith.constant 0 : i32
        %dma_wait3A_73 = tpu.memref_slice %arg6[%arg1, %dma_wait3A, %dma_wait3A_72] : memref<16x80x128xi32, #tpu.memory_space<hbm>> -> memref<1x40x128xi32, #tpu.memory_space<hbm>>
        %dma_wait3A_74 = tpu.memref_squeeze %dma_wait3A_73 : memref<1x40x128xi32, #tpu.memory_space<hbm>> -> memref<40x128xi32, #tpu.memory_space<hbm>>
        %dma_wait3A_75 = arith.constant 0 : i32
        %dma_wait3A_76 = arith.constant 0 : i32
        %dma_wait3A_77 = tpu.memref_slice %arg6[%arg1, %dma_wait3A_75, %dma_wait3A_76] : memref<16x80x128xi32, #tpu.memory_space<hbm>> -> memref<1x40x128xi32, #tpu.memory_space<hbm>>
        %dma_wait3A_78 = tpu.memref_squeeze %dma_wait3A_77 : memref<1x40x128xi32, #tpu.memory_space<hbm>> -> memref<40x128xi32, #tpu.memory_space<hbm>>
        tpu.wait_dma2 semaphore(%run_scoped3A : memref<!tpu.dma_semaphore, #tpu.memory_space<semaphore_mem>>) src(%dma_wait3A_78 : memref<40x128xi32, #tpu.memory_space<hbm>>) dst(%arg12 : memref<40x128xi32, #tpu.memory_space<vmem>>)
        tpu.yield
      }) : () -> ()
      "tpu.region"() ({
        %run_scoped3A = tpu.sem_alloc : memref<!tpu.dma_semaphore, #tpu.memory_space<semaphore_mem>>
        %dma_start3A_64 = arith.constant 0 : i32
        %dma_start3A_65 = arith.constant 0 : i32
        %dma_start3A_66 = tpu.memref_slice %arg7[%arg1, %dma_start3A_64, %dma_start3A_65] : memref<16x80x128xi32, #tpu.memory_space<hbm>> -> memref<1x40x128xi32, #tpu.memory_space<hbm>>
        %dma_start3A_67 = tpu.memref_squeeze %dma_start3A_66 : memref<1x40x128xi32, #tpu.memory_space<hbm>> -> memref<40x128xi32, #tpu.memory_space<hbm>>
        %dma_start3A_68 = arith.constant 0 : i32
        %dma_start3A_69 = arith.constant 0 : i32
        %dma_start3A_70 = tpu.memref_slice %arg7[%arg1, %dma_start3A_68, %dma_start3A_69] : memref<16x80x128xi32, #tpu.memory_space<hbm>> -> memref<1x40x128xi32, #tpu.memory_space<hbm>>
        %dma_start3A_71 = tpu.memref_squeeze %dma_start3A_70 : memref<1x40x128xi32, #tpu.memory_space<hbm>> -> memref<40x128xi32, #tpu.memory_space<hbm>>
        tpu.enqueue_dma source(%dma_start3A_71 : memref<40x128xi32, #tpu.memory_space<hbm>>) target(%arg13 : memref<40x128xi32, #tpu.memory_space<vmem>>) target_semaphore(%run_scoped3A : memref<!tpu.dma_semaphore, #tpu.memory_space<semaphore_mem>>)
        %dma_wait3A = arith.constant 0 : i32
        %dma_wait3A_72 = arith.constant 0 : i32
        %dma_wait3A_73 = tpu.memref_slice %arg7[%arg1, %dma_wait3A, %dma_wait3A_72] : memref<16x80x128xi32, #tpu.memory_space<hbm>> -> memref<1x40x128xi32, #tpu.memory_space<hbm>>
        %dma_wait3A_74 = tpu.memref_squeeze %dma_wait3A_73 : memref<1x40x128xi32, #tpu.memory_space<hbm>> -> memref<40x128xi32, #tpu.memory_space<hbm>>
        %dma_wait3A_75 = arith.constant 0 : i32
        %dma_wait3A_76 = arith.constant 0 : i32
        %dma_wait3A_77 = tpu.memref_slice %arg7[%arg1, %dma_wait3A_75, %dma_wait3A_76] : memref<16x80x128xi32, #tpu.memory_space<hbm>> -> memref<1x40x128xi32, #tpu.memory_space<hbm>>
        %dma_wait3A_78 = tpu.memref_squeeze %dma_wait3A_77 : memref<1x40x128xi32, #tpu.memory_space<hbm>> -> memref<40x128xi32, #tpu.memory_space<hbm>>
        tpu.wait_dma2 semaphore(%run_scoped3A : memref<!tpu.dma_semaphore, #tpu.memory_space<semaphore_mem>>) src(%dma_wait3A_78 : memref<40x128xi32, #tpu.memory_space<hbm>>) dst(%arg13 : memref<40x128xi32, #tpu.memory_space<vmem>>)
        tpu.yield
      }) : () -> ()
      %dma_start3A = arith.constant 0 : i32
      %dma_start3A_8 = arith.constant 0 : i32
      %dma_start3A_9 = tpu.memref_slice %arg12[%dma_start3A, %dma_start3A_8] : memref<40x128xi32, #tpu.memory_space<vmem>> -> memref<1x128xi32, #tpu.memory_space<vmem>>
      %dma_start3A_10 = tpu.memref_squeeze %dma_start3A_9 : memref<1x128xi32, #tpu.memory_space<vmem>> -> memref<128xi32, #tpu.memory_space<vmem>>
      %dma_start3A_11 = arith.constant 0 : i32
      %dma_start3A_12 = arith.constant 0 : i32
      %dma_start3A_13 = tpu.memref_slice %arg2[%dma_start3A_11, %dma_start3A_12] : memref<10240x128xf32, #tpu.memory_space<hbm>> -> memref<10240x128xf32, #tpu.memory_space<hbm>>
      tpu.enqueue_indirect_dma source(%dma_start3A_13 : memref<10240x128xf32, #tpu.memory_space<hbm>>) target(%arg14 : memref<128x128xf32, #tpu.memory_space<vmem>>) offsets(%dma_start3A_10 : memref<128xi32, #tpu.memory_space<vmem>>) semaphore(%arg17 : memref<!tpu.dma_semaphore, #tpu.memory_space<semaphore_mem>>)
      %scan3A = arith.constant 0 : i32
      %scan3A_14 = arith.constant 0 : i32
      %scan3A_15 = arith.constant 20 : i32
      %scan3A_16 = arith.addi %scan3A_14, %scan3A_15 : i32
      %scan3A_17 = arith.constant 1 : i32
      scf.for %scan3A_64 = %scan3A_14 to %scan3A_16 step %scan3A_17  : i32 {
        %mul3A_65 = arith.constant 2 : i32
        %mul3A_66 = arith.muli %mul3A_65, %scan3A_64 : i32
        %add3A = arith.constant 1 : i32
        %add3A_67 = arith.addi %mul3A_66, %add3A : i32
        %dma_start3A_68 = arith.constant 0 : i32
        %dma_start3A_69 = tpu.memref_slice %arg12[%add3A_67, %dma_start3A_68] : memref<40x128xi32, #tpu.memory_space<vmem>> -> memref<1x128xi32, #tpu.memory_space<vmem>>
        %dma_start3A_70 = tpu.memref_squeeze %dma_start3A_69 : memref<1x128xi32, #tpu.memory_space<vmem>> -> memref<128xi32, #tpu.memory_space<vmem>>
        %dma_start3A_71 = arith.constant 0 : i32
        %dma_start3A_72 = arith.constant 0 : i32
        %dma_start3A_73 = tpu.memref_slice %arg2[%dma_start3A_71, %dma_start3A_72] : memref<10240x128xf32, #tpu.memory_space<hbm>> -> memref<10240x128xf32, #tpu.memory_space<hbm>>
        tpu.enqueue_indirect_dma source(%dma_start3A_73 : memref<10240x128xf32, #tpu.memory_space<hbm>>) target(%arg15 : memref<128x128xf32, #tpu.memory_space<vmem>>) offsets(%dma_start3A_70 : memref<128xi32, #tpu.memory_space<vmem>>) semaphore(%arg18 : memref<!tpu.dma_semaphore, #tpu.memory_space<semaphore_mem>>)
        %dma_wait3A = arith.constant 0 : i32
        %dma_wait3A_74 = tpu.memref_slice %arg12[%mul3A_66, %dma_wait3A] : memref<40x128xi32, #tpu.memory_space<vmem>> -> memref<1x128xi32, #tpu.memory_space<vmem>>
        %dma_wait3A_75 = tpu.memref_squeeze %dma_wait3A_74 : memref<1x128xi32, #tpu.memory_space<vmem>> -> memref<128xi32, #tpu.memory_space<vmem>>
        %dma_wait3A_76 = arith.constant 0 : i32
        %dma_wait3A_77 = arith.constant 0 : i32
        %dma_wait3A_78 = tpu.memref_slice %arg2[%dma_wait3A_76, %dma_wait3A_77] : memref<10240x128xf32, #tpu.memory_space<hbm>> -> memref<10240x128xf32, #tpu.memory_space<hbm>>
        tpu.wait_indirect_dma semaphore(%arg17 : memref<!tpu.dma_semaphore, #tpu.memory_space<semaphore_mem>>) src(%dma_wait3A_78 : memref<10240x128xf32, #tpu.memory_space<hbm>>) dst(%arg14 : memref<128x128xf32, #tpu.memory_space<vmem>>)
        "tpu.region"() ({
          %run_scoped3A = tpu.sem_alloc : memref<!tpu.dma_semaphore, #tpu.memory_space<semaphore_mem>>
          %dma_start3A_95 = arith.constant 0 : i32
          %dma_start3A_96 = tpu.memref_slice %arg13[%mul3A_66, %dma_start3A_95] : memref<40x128xi32, #tpu.memory_space<vmem>> -> memref<1x128xi32, #tpu.memory_space<vmem>>
          %dma_start3A_97 = tpu.memref_squeeze %dma_start3A_96 : memref<1x128xi32, #tpu.memory_space<vmem>> -> memref<128xi32, #tpu.memory_space<vmem>>
          %dma_start3A_98 = arith.constant 0 : i32
          %dma_start3A_99 = arith.constant 0 : i32
          %dma_start3A_100 = tpu.memref_slice %arg16[%dma_start3A_98, %dma_start3A_99] : memref<10240x128xf32, #tpu.memory_space<vmem_shared>> -> memref<10240x128xf32, #tpu.memory_space<vmem_shared>>
          tpu.enqueue_indirect_dma source(%arg14 : memref<128x128xf32, #tpu.memory_space<vmem>>) target(%dma_start3A_100 : memref<10240x128xf32, #tpu.memory_space<vmem_shared>>) offsets(%dma_start3A_97 : memref<128xi32, #tpu.memory_space<vmem>>) semaphore(%run_scoped3A : memref<!tpu.dma_semaphore, #tpu.memory_space<semaphore_mem>>) {add = true}
          %dma_wait3A_101 = arith.constant 0 : i32
          %dma_wait3A_102 = tpu.memref_slice %arg13[%mul3A_66, %dma_wait3A_101] : memref<40x128xi32, #tpu.memory_space<vmem>> -> memref<1x128xi32, #tpu.memory_space<vmem>>
          %dma_wait3A_103 = tpu.memref_squeeze %dma_wait3A_102 : memref<1x128xi32, #tpu.memory_space<vmem>> -> memref<128xi32, #tpu.memory_space<vmem>>
          %dma_wait3A_104 = arith.constant 0 : i32
          %dma_wait3A_105 = arith.constant 0 : i32
          %dma_wait3A_106 = tpu.memref_slice %arg16[%dma_wait3A_104, %dma_wait3A_105] : memref<10240x128xf32, #tpu.memory_space<vmem_shared>> -> memref<10240x128xf32, #tpu.memory_space<vmem_shared>>
          tpu.wait_indirect_dma semaphore(%run_scoped3A : memref<!tpu.dma_semaphore, #tpu.memory_space<semaphore_mem>>) src(%arg14 : memref<128x128xf32, #tpu.memory_space<vmem>>) dst(%dma_wait3A_106 : memref<10240x128xf32, #tpu.memory_space<vmem_shared>>)
          tpu.yield
        }) : () -> ()
        %add3A_79 = arith.constant 2 : i32
        %add3A_80 = arith.addi %mul3A_66, %add3A_79 : i32
        %lt3A = arith.constant 40 : i32
        %lt3A_81 = arith.cmpi slt, %add3A_80, %lt3A : i32
        %convert_element_type3A_82 = arith.extui %lt3A_81 : i1 to i32
        %cond3A_83 = arith.constant 0 : i32
        %cond3A_84 = arith.cmpi ne, %convert_element_type3A_82, %cond3A_83 : i32
        scf.if %cond3A_84 {
          %add3A_95 = arith.constant 2 : i32
          %add3A_96 = arith.addi %mul3A_66, %add3A_95 : i32
          %dma_start3A_97 = arith.constant 0 : i32
          %dma_start3A_98 = tpu.memref_slice %arg12[%add3A_96, %dma_start3A_97] : memref<40x128xi32, #tpu.memory_space<vmem>> -> memref<1x128xi32, #tpu.memory_space<vmem>>
          %dma_start3A_99 = tpu.memref_squeeze %dma_start3A_98 : memref<1x128xi32, #tpu.memory_space<vmem>> -> memref<128xi32, #tpu.memory_space<vmem>>
          %dma_start3A_100 = arith.constant 0 : i32
          %dma_start3A_101 = arith.constant 0 : i32
          %dma_start3A_102 = tpu.memref_slice %arg2[%dma_start3A_100, %dma_start3A_101] : memref<10240x128xf32, #tpu.memory_space<hbm>> -> memref<10240x128xf32, #tpu.memory_space<hbm>>
          tpu.enqueue_indirect_dma source(%dma_start3A_102 : memref<10240x128xf32, #tpu.memory_space<hbm>>) target(%arg14 : memref<128x128xf32, #tpu.memory_space<vmem>>) offsets(%dma_start3A_99 : memref<128xi32, #tpu.memory_space<vmem>>) semaphore(%arg17 : memref<!tpu.dma_semaphore, #tpu.memory_space<semaphore_mem>>)
        } else {
        }
        %add3A_85 = arith.constant 1 : i32
        %add3A_86 = arith.addi %mul3A_66, %add3A_85 : i32
        %dma_wait3A_87 = arith.constant 0 : i32
        %dma_wait3A_88 = tpu.memref_slice %arg12[%add3A_86, %dma_wait3A_87] : memref<40x128xi32, #tpu.memory_space<vmem>> -> memref<1x128xi32, #tpu.memory_space<vmem>>
        %dma_wait3A_89 = tpu.memref_squeeze %dma_wait3A_88 : memref<1x128xi32, #tpu.memory_space<vmem>> -> memref<128xi32, #tpu.memory_space<vmem>>
        %dma_wait3A_90 = arith.constant 0 : i32
        %dma_wait3A_91 = arith.constant 0 : i32
        %dma_wait3A_92 = tpu.memref_slice %arg2[%dma_wait3A_90, %dma_wait3A_91] : memref<10240x128xf32, #tpu.memory_space<hbm>> -> memref<10240x128xf32, #tpu.memory_space<hbm>>
        tpu.wait_indirect_dma semaphore(%arg18 : memref<!tpu.dma_semaphore, #tpu.memory_space<semaphore_mem>>) src(%dma_wait3A_92 : memref<10240x128xf32, #tpu.memory_space<hbm>>) dst(%arg15 : memref<128x128xf32, #tpu.memory_space<vmem>>)
        %add3A_93 = arith.constant 1 : i32
        %add3A_94 = arith.addi %mul3A_66, %add3A_93 : i32
        "tpu.region"() ({
          %run_scoped3A = tpu.sem_alloc : memref<!tpu.dma_semaphore, #tpu.memory_space<semaphore_mem>>
          %dma_start3A_95 = arith.constant 0 : i32
          %dma_start3A_96 = tpu.memref_slice %arg13[%add3A_94, %dma_start3A_95] : memref<40x128xi32, #tpu.memory_space<vmem>> -> memref<1x128xi32, #tpu.memory_space<vmem>>
          %dma_start3A_97 = tpu.memref_squeeze %dma_start3A_96 : memref<1x128xi32, #tpu.memory_space<vmem>> -> memref<128xi32, #tpu.memory_space<vmem>>
          %dma_start3A_98 = arith.constant 0 : i32
          %dma_start3A_99 = arith.constant 0 : i32
          %dma_start3A_100 = tpu.memref_slice %arg16[%dma_start3A_98, %dma_start3A_99] : memref<10240x128xf32, #tpu.memory_space<vmem_shared>> -> memref<10240x128xf32, #tpu.memory_space<vmem_shared>>
          tpu.enqueue_indirect_dma source(%arg15 : memref<128x128xf32, #tpu.memory_space<vmem>>) target(%dma_start3A_100 : memref<10240x128xf32, #tpu.memory_space<vmem_shared>>) offsets(%dma_start3A_97 : memref<128xi32, #tpu.memory_space<vmem>>) semaphore(%run_scoped3A : memref<!tpu.dma_semaphore, #tpu.memory_space<semaphore_mem>>) {add = true}
          %dma_wait3A_101 = arith.constant 0 : i32
          %dma_wait3A_102 = tpu.memref_slice %arg13[%add3A_94, %dma_wait3A_101] : memref<40x128xi32, #tpu.memory_space<vmem>> -> memref<1x128xi32, #tpu.memory_space<vmem>>
          %dma_wait3A_103 = tpu.memref_squeeze %dma_wait3A_102 : memref<1x128xi32, #tpu.memory_space<vmem>> -> memref<128xi32, #tpu.memory_space<vmem>>
          %dma_wait3A_104 = arith.constant 0 : i32
          %dma_wait3A_105 = arith.constant 0 : i32
          %dma_wait3A_106 = tpu.memref_slice %arg16[%dma_wait3A_104, %dma_wait3A_105] : memref<10240x128xf32, #tpu.memory_space<vmem_shared>> -> memref<10240x128xf32, #tpu.memory_space<vmem_shared>>
          tpu.wait_indirect_dma semaphore(%run_scoped3A : memref<!tpu.dma_semaphore, #tpu.memory_space<semaphore_mem>>) src(%arg15 : memref<128x128xf32, #tpu.memory_space<vmem>>) dst(%dma_wait3A_106 : memref<10240x128xf32, #tpu.memory_space<vmem_shared>>)
          tpu.yield
        }) : () -> ()
      }
      %scan3A_18 = arith.constant 20 : i32
      "tpu.region"() ({
        %run_scoped3A = tpu.sem_alloc : memref<!tpu.dma_semaphore, #tpu.memory_space<semaphore_mem>>
        %dma_start3A_64 = arith.constant 40 : i32
        %dma_start3A_65 = arith.constant 0 : i32
        %dma_start3A_66 = tpu.memref_slice %arg6[%arg1, %dma_start3A_64, %dma_start3A_65] : memref<16x80x128xi32, #tpu.memory_space<hbm>> -> memref<1x40x128xi32, #tpu.memory_space<hbm>>
        %dma_start3A_67 = tpu.memref_squeeze %dma_start3A_66 : memref<1x40x128xi32, #tpu.memory_space<hbm>> -> memref<40x128xi32, #tpu.memory_space<hbm>>
        %dma_start3A_68 = arith.constant 40 : i32
        %dma_start3A_69 = arith.constant 0 : i32
        %dma_start3A_70 = tpu.memref_slice %arg6[%arg1, %dma_start3A_68, %dma_start3A_69] : memref<16x80x128xi32, #tpu.memory_space<hbm>> -> memref<1x40x128xi32, #tpu.memory_space<hbm>>
        %dma_start3A_71 = tpu.memref_squeeze %dma_start3A_70 : memref<1x40x128xi32, #tpu.memory_space<hbm>> -> memref<40x128xi32, #tpu.memory_space<hbm>>
        tpu.enqueue_dma source(%dma_start3A_71 : memref<40x128xi32, #tpu.memory_space<hbm>>) target(%arg12 : memref<40x128xi32, #tpu.memory_space<vmem>>) target_semaphore(%run_scoped3A : memref<!tpu.dma_semaphore, #tpu.memory_space<semaphore_mem>>)
        %dma_wait3A = arith.constant 40 : i32
        %dma_wait3A_72 = arith.constant 0 : i32
        %dma_wait3A_73 = tpu.memref_slice %arg6[%arg1, %dma_wait3A, %dma_wait3A_72] : memref<16x80x128xi32, #tpu.memory_space<hbm>> -> memref<1x40x128xi32, #tpu.memory_space<hbm>>
        %dma_wait3A_74 = tpu.memref_squeeze %dma_wait3A_73 : memref<1x40x128xi32, #tpu.memory_space<hbm>> -> memref<40x128xi32, #tpu.memory_space<hbm>>
        %dma_wait3A_75 = arith.constant 40 : i32
        %dma_wait3A_76 = arith.constant 0 : i32
        %dma_wait3A_77 = tpu.memref_slice %arg6[%arg1, %dma_wait3A_75, %dma_wait3A_76] : memref<16x80x128xi32, #tpu.memory_space<hbm>> -> memref<1x40x128xi32, #tpu.memory_space<hbm>>
        %dma_wait3A_78 = tpu.memref_squeeze %dma_wait3A_77 : memref<1x40x128xi32, #tpu.memory_space<hbm>> -> memref<40x128xi32, #tpu.memory_space<hbm>>
        tpu.wait_dma2 semaphore(%run_scoped3A : memref<!tpu.dma_semaphore, #tpu.memory_space<semaphore_mem>>) src(%dma_wait3A_78 : memref<40x128xi32, #tpu.memory_space<hbm>>) dst(%arg12 : memref<40x128xi32, #tpu.memory_space<vmem>>)
        tpu.yield
      }) : () -> ()
      "tpu.region"() ({
        %run_scoped3A = tpu.sem_alloc : memref<!tpu.dma_semaphore, #tpu.memory_space<semaphore_mem>>
        %dma_start3A_64 = arith.constant 40 : i32
        %dma_start3A_65 = arith.constant 0 : i32
        %dma_start3A_66 = tpu.memref_slice %arg7[%arg1, %dma_start3A_64, %dma_start3A_65] : memref<16x80x128xi32, #tpu.memory_space<hbm>> -> memref<1x40x128xi32, #tpu.memory_space<hbm>>
        %dma_start3A_67 = tpu.memref_squeeze %dma_start3A_66 : memref<1x40x128xi32, #tpu.memory_space<hbm>> -> memref<40x128xi32, #tpu.memory_space<hbm>>
        %dma_start3A_68 = arith.constant 40 : i32
        %dma_start3A_69 = arith.constant 0 : i32
        %dma_start3A_70 = tpu.memref_slice %arg7[%arg1, %dma_start3A_68, %dma_start3A_69] : memref<16x80x128xi32, #tpu.memory_space<hbm>> -> memref<1x40x128xi32, #tpu.memory_space<hbm>>
        %dma_start3A_71 = tpu.memref_squeeze %dma_start3A_70 : memref<1x40x128xi32, #tpu.memory_space<hbm>> -> memref<40x128xi32, #tpu.memory_space<hbm>>
        tpu.enqueue_dma source(%dma_start3A_71 : memref<40x128xi32, #tpu.memory_space<hbm>>) target(%arg13 : memref<40x128xi32, #tpu.memory_space<vmem>>) target_semaphore(%run_scoped3A : memref<!tpu.dma_semaphore, #tpu.memory_space<semaphore_mem>>)
        %dma_wait3A = arith.constant 40 : i32
        %dma_wait3A_72 = arith.constant 0 : i32
        %dma_wait3A_73 = tpu.memref_slice %arg7[%arg1, %dma_wait3A, %dma_wait3A_72] : memref<16x80x128xi32, #tpu.memory_space<hbm>> -> memref<1x40x128xi32, #tpu.memory_space<hbm>>
        %dma_wait3A_74 = tpu.memref_squeeze %dma_wait3A_73 : memref<1x40x128xi32, #tpu.memory_space<hbm>> -> memref<40x128xi32, #tpu.memory_space<hbm>>
        %dma_wait3A_75 = arith.constant 40 : i32
        %dma_wait3A_76 = arith.constant 0 : i32
        %dma_wait3A_77 = tpu.memref_slice %arg7[%arg1, %dma_wait3A_75, %dma_wait3A_76] : memref<16x80x128xi32, #tpu.memory_space<hbm>> -> memref<1x40x128xi32, #tpu.memory_space<hbm>>
        %dma_wait3A_78 = tpu.memref_squeeze %dma_wait3A_77 : memref<1x40x128xi32, #tpu.memory_space<hbm>> -> memref<40x128xi32, #tpu.memory_space<hbm>>
        tpu.wait_dma2 semaphore(%run_scoped3A : memref<!tpu.dma_semaphore, #tpu.memory_space<semaphore_mem>>) src(%dma_wait3A_78 : memref<40x128xi32, #tpu.memory_space<hbm>>) dst(%arg13 : memref<40x128xi32, #tpu.memory_space<vmem>>)
        tpu.yield
      }) : () -> ()
      %dma_start3A_19 = arith.constant 0 : i32
      %dma_start3A_20 = arith.constant 0 : i32
      %dma_start3A_21 = tpu.memref_slice %arg12[%dma_start3A_19, %dma_start3A_20] : memref<40x128xi32, #tpu.memory_space<vmem>> -> memref<1x128xi32, #tpu.memory_space<vmem>>
      %dma_start3A_22 = tpu.memref_squeeze %dma_start3A_21 : memref<1x128xi32, #tpu.memory_space<vmem>> -> memref<128xi32, #tpu.memory_space<vmem>>
      %dma_start3A_23 = arith.constant 0 : i32
      %dma_start3A_24 = arith.constant 0 : i32
      %dma_start3A_25 = tpu.memref_slice %arg2[%dma_start3A_23, %dma_start3A_24] : memref<10240x128xf32, #tpu.memory_space<hbm>> -> memref<10240x128xf32, #tpu.memory_space<hbm>>
      tpu.enqueue_indirect_dma source(%dma_start3A_25 : memref<10240x128xf32, #tpu.memory_space<hbm>>) target(%arg14 : memref<128x128xf32, #tpu.memory_space<vmem>>) offsets(%dma_start3A_22 : memref<128xi32, #tpu.memory_space<vmem>>) semaphore(%arg17 : memref<!tpu.dma_semaphore, #tpu.memory_space<semaphore_mem>>)
      %scan3A_26 = arith.constant 0 : i32
      %scan3A_27 = arith.constant 0 : i32
      %scan3A_28 = arith.constant 20 : i32
      %scan3A_29 = arith.addi %scan3A_27, %scan3A_28 : i32
      %scan3A_30 = arith.constant 1 : i32
      scf.for %scan3A_64 = %scan3A_27 to %scan3A_29 step %scan3A_30  : i32 {
        %mul3A_65 = arith.constant 2 : i32
        %mul3A_66 = arith.muli %mul3A_65, %scan3A_64 : i32
        %add3A = arith.constant 1 : i32
        %add3A_67 = arith.addi %mul3A_66, %add3A : i32
        %dma_start3A_68 = arith.constant 0 : i32
        %dma_start3A_69 = tpu.memref_slice %arg12[%add3A_67, %dma_start3A_68] : memref<40x128xi32, #tpu.memory_space<vmem>> -> memref<1x128xi32, #tpu.memory_space<vmem>>
        %dma_start3A_70 = tpu.memref_squeeze %dma_start3A_69 : memref<1x128xi32, #tpu.memory_space<vmem>> -> memref<128xi32, #tpu.memory_space<vmem>>
        %dma_start3A_71 = arith.constant 0 : i32
        %dma_start3A_72 = arith.constant 0 : i32
        %dma_start3A_73 = tpu.memref_slice %arg2[%dma_start3A_71, %dma_start3A_72] : memref<10240x128xf32, #tpu.memory_space<hbm>> -> memref<10240x128xf32, #tpu.memory_space<hbm>>
        tpu.enqueue_indirect_dma source(%dma_start3A_73 : memref<10240x128xf32, #tpu.memory_space<hbm>>) target(%arg15 : memref<128x128xf32, #tpu.memory_space<vmem>>) offsets(%dma_start3A_70 : memref<128xi32, #tpu.memory_space<vmem>>) semaphore(%arg18 : memref<!tpu.dma_semaphore, #tpu.memory_space<semaphore_mem>>)
        %dma_wait3A = arith.constant 0 : i32
        %dma_wait3A_74 = tpu.memref_slice %arg12[%mul3A_66, %dma_wait3A] : memref<40x128xi32, #tpu.memory_space<vmem>> -> memref<1x128xi32, #tpu.memory_space<vmem>>
        %dma_wait3A_75 = tpu.memref_squeeze %dma_wait3A_74 : memref<1x128xi32, #tpu.memory_space<vmem>> -> memref<128xi32, #tpu.memory_space<vmem>>
        %dma_wait3A_76 = arith.constant 0 : i32
        %dma_wait3A_77 = arith.constant 0 : i32
        %dma_wait3A_78 = tpu.memref_slice %arg2[%dma_wait3A_76, %dma_wait3A_77] : memref<10240x128xf32, #tpu.memory_space<hbm>> -> memref<10240x128xf32, #tpu.memory_space<hbm>>
        tpu.wait_indirect_dma semaphore(%arg17 : memref<!tpu.dma_semaphore, #tpu.memory_space<semaphore_mem>>) src(%dma_wait3A_78 : memref<10240x128xf32, #tpu.memory_space<hbm>>) dst(%arg14 : memref<128x128xf32, #tpu.memory_space<vmem>>)
        "tpu.region"() ({
          %run_scoped3A = tpu.sem_alloc : memref<!tpu.dma_semaphore, #tpu.memory_space<semaphore_mem>>
          %dma_start3A_95 = arith.constant 0 : i32
          %dma_start3A_96 = tpu.memref_slice %arg13[%mul3A_66, %dma_start3A_95] : memref<40x128xi32, #tpu.memory_space<vmem>> -> memref<1x128xi32, #tpu.memory_space<vmem>>
          %dma_start3A_97 = tpu.memref_squeeze %dma_start3A_96 : memref<1x128xi32, #tpu.memory_space<vmem>> -> memref<128xi32, #tpu.memory_space<vmem>>
          %dma_start3A_98 = arith.constant 0 : i32
          %dma_start3A_99 = arith.constant 0 : i32
          %dma_start3A_100 = tpu.memref_slice %arg16[%dma_start3A_98, %dma_start3A_99] : memref<10240x128xf32, #tpu.memory_space<vmem_shared>> -> memref<10240x128xf32, #tpu.memory_space<vmem_shared>>
          tpu.enqueue_indirect_dma source(%arg14 : memref<128x128xf32, #tpu.memory_space<vmem>>) target(%dma_start3A_100 : memref<10240x128xf32, #tpu.memory_space<vmem_shared>>) offsets(%dma_start3A_97 : memref<128xi32, #tpu.memory_space<vmem>>) semaphore(%run_scoped3A : memref<!tpu.dma_semaphore, #tpu.memory_space<semaphore_mem>>) {add = true}
          %dma_wait3A_101 = arith.constant 0 : i32
          %dma_wait3A_102 = tpu.memref_slice %arg13[%mul3A_66, %dma_wait3A_101] : memref<40x128xi32, #tpu.memory_space<vmem>> -> memref<1x128xi32, #tpu.memory_space<vmem>>
          %dma_wait3A_103 = tpu.memref_squeeze %dma_wait3A_102 : memref<1x128xi32, #tpu.memory_space<vmem>> -> memref<128xi32, #tpu.memory_space<vmem>>
          %dma_wait3A_104 = arith.constant 0 : i32
          %dma_wait3A_105 = arith.constant 0 : i32
          %dma_wait3A_106 = tpu.memref_slice %arg16[%dma_wait3A_104, %dma_wait3A_105] : memref<10240x128xf32, #tpu.memory_space<vmem_shared>> -> memref<10240x128xf32, #tpu.memory_space<vmem_shared>>
          tpu.wait_indirect_dma semaphore(%run_scoped3A : memref<!tpu.dma_semaphore, #tpu.memory_space<semaphore_mem>>) src(%arg14 : memref<128x128xf32, #tpu.memory_space<vmem>>) dst(%dma_wait3A_106 : memref<10240x128xf32, #tpu.memory_space<vmem_shared>>)
          tpu.yield
        }) : () -> ()
        %add3A_79 = arith.constant 2 : i32
        %add3A_80 = arith.addi %mul3A_66, %add3A_79 : i32
        %lt3A = arith.constant 40 : i32
        %lt3A_81 = arith.cmpi slt, %add3A_80, %lt3A : i32
        %convert_element_type3A_82 = arith.extui %lt3A_81 : i1 to i32
        %cond3A_83 = arith.constant 0 : i32
        %cond3A_84 = arith.cmpi ne, %convert_element_type3A_82, %cond3A_83 : i32
        scf.if %cond3A_84 {
          %add3A_95 = arith.constant 2 : i32
          %add3A_96 = arith.addi %mul3A_66, %add3A_95 : i32
          %dma_start3A_97 = arith.constant 0 : i32
          %dma_start3A_98 = tpu.memref_slice %arg12[%add3A_96, %dma_start3A_97] : memref<40x128xi32, #tpu.memory_space<vmem>> -> memref<1x128xi32, #tpu.memory_space<vmem>>
          %dma_start3A_99 = tpu.memref_squeeze %dma_start3A_98 : memref<1x128xi32, #tpu.memory_space<vmem>> -> memref<128xi32, #tpu.memory_space<vmem>>
          %dma_start3A_100 = arith.constant 0 : i32
          %dma_start3A_101 = arith.constant 0 : i32
          %dma_start3A_102 = tpu.memref_slice %arg2[%dma_start3A_100, %dma_start3A_101] : memref<10240x128xf32, #tpu.memory_space<hbm>> -> memref<10240x128xf32, #tpu.memory_space<hbm>>
          tpu.enqueue_indirect_dma source(%dma_start3A_102 : memref<10240x128xf32, #tpu.memory_space<hbm>>) target(%arg14 : memref<128x128xf32, #tpu.memory_space<vmem>>) offsets(%dma_start3A_99 : memref<128xi32, #tpu.memory_space<vmem>>) semaphore(%arg17 : memref<!tpu.dma_semaphore, #tpu.memory_space<semaphore_mem>>)
        } else {
        }
        %add3A_85 = arith.constant 1 : i32
        %add3A_86 = arith.addi %mul3A_66, %add3A_85 : i32
        %dma_wait3A_87 = arith.constant 0 : i32
        %dma_wait3A_88 = tpu.memref_slice %arg12[%add3A_86, %dma_wait3A_87] : memref<40x128xi32, #tpu.memory_space<vmem>> -> memref<1x128xi32, #tpu.memory_space<vmem>>
        %dma_wait3A_89 = tpu.memref_squeeze %dma_wait3A_88 : memref<1x128xi32, #tpu.memory_space<vmem>> -> memref<128xi32, #tpu.memory_space<vmem>>
        %dma_wait3A_90 = arith.constant 0 : i32
        %dma_wait3A_91 = arith.constant 0 : i32
        %dma_wait3A_92 = tpu.memref_slice %arg2[%dma_wait3A_90, %dma_wait3A_91] : memref<10240x128xf32, #tpu.memory_space<hbm>> -> memref<10240x128xf32, #tpu.memory_space<hbm>>
        tpu.wait_indirect_dma semaphore(%arg18 : memref<!tpu.dma_semaphore, #tpu.memory_space<semaphore_mem>>) src(%dma_wait3A_92 : memref<10240x128xf32, #tpu.memory_space<hbm>>) dst(%arg15 : memref<128x128xf32, #tpu.memory_space<vmem>>)
        %add3A_93 = arith.constant 1 : i32
        %add3A_94 = arith.addi %mul3A_66, %add3A_93 : i32
        "tpu.region"() ({
          %run_scoped3A = tpu.sem_alloc : memref<!tpu.dma_semaphore, #tpu.memory_space<semaphore_mem>>
          %dma_start3A_95 = arith.constant 0 : i32
          %dma_start3A_96 = tpu.memref_slice %arg13[%add3A_94, %dma_start3A_95] : memref<40x128xi32, #tpu.memory_space<vmem>> -> memref<1x128xi32, #tpu.memory_space<vmem>>
          %dma_start3A_97 = tpu.memref_squeeze %dma_start3A_96 : memref<1x128xi32, #tpu.memory_space<vmem>> -> memref<128xi32, #tpu.memory_space<vmem>>
          %dma_start3A_98 = arith.constant 0 : i32
          %dma_start3A_99 = arith.constant 0 : i32
          %dma_start3A_100 = tpu.memref_slice %arg16[%dma_start3A_98, %dma_start3A_99] : memref<10240x128xf32, #tpu.memory_space<vmem_shared>> -> memref<10240x128xf32, #tpu.memory_space<vmem_shared>>
          tpu.enqueue_indirect_dma source(%arg15 : memref<128x128xf32, #tpu.memory_space<vmem>>) target(%dma_start3A_100 : memref<10240x128xf32, #tpu.memory_space<vmem_shared>>) offsets(%dma_start3A_97 : memref<128xi32, #tpu.memory_space<vmem>>) semaphore(%run_scoped3A : memref<!tpu.dma_semaphore, #tpu.memory_space<semaphore_mem>>) {add = true}
          %dma_wait3A_101 = arith.constant 0 : i32
          %dma_wait3A_102 = tpu.memref_slice %arg13[%add3A_94, %dma_wait3A_101] : memref<40x128xi32, #tpu.memory_space<vmem>> -> memref<1x128xi32, #tpu.memory_space<vmem>>
          %dma_wait3A_103 = tpu.memref_squeeze %dma_wait3A_102 : memref<1x128xi32, #tpu.memory_space<vmem>> -> memref<128xi32, #tpu.memory_space<vmem>>
          %dma_wait3A_104 = arith.constant 0 : i32
          %dma_wait3A_105 = arith.constant 0 : i32
          %dma_wait3A_106 = tpu.memref_slice %arg16[%dma_wait3A_104, %dma_wait3A_105] : memref<10240x128xf32, #tpu.memory_space<vmem_shared>> -> memref<10240x128xf32, #tpu.memory_space<vmem_shared>>
          tpu.wait_indirect_dma semaphore(%run_scoped3A : memref<!tpu.dma_semaphore, #tpu.memory_space<semaphore_mem>>) src(%arg15 : memref<128x128xf32, #tpu.memory_space<vmem>>) dst(%dma_wait3A_106 : memref<10240x128xf32, #tpu.memory_space<vmem_shared>>)
          tpu.yield
        }) : () -> ()
      }
      %scan3A_31 = arith.constant 20 : i32
      %barrier3A_32 = arith.constant 0 : index
      tpu.barrier barrier_id(%barrier3A_32)
      "tpu.region"() ({
        %run_scoped3A = tpu.sem_alloc : memref<!tpu.dma_semaphore, #tpu.memory_space<semaphore_mem>>
        %dma_start3A_64 = arith.constant 0 : i32
        %dma_start3A_65 = tpu.memref_slice %arg8[%mul3A_7, %dma_start3A_64] : memref<10240x128xf32, #tpu.memory_space<hbm>> -> memref<640x128xf32, #tpu.memory_space<hbm>>
        %dma_start3A_66 = arith.constant 0 : i32
        %dma_start3A_67 = tpu.memref_slice %arg16[%mul3A_7, %dma_start3A_66] : memref<10240x128xf32, #tpu.memory_space<vmem_shared>> -> memref<640x128xf32, #tpu.memory_space<vmem_shared>>
        tpu.enqueue_dma source(%dma_start3A_67 : memref<640x128xf32, #tpu.memory_space<vmem_shared>>) target(%dma_start3A_65 : memref<640x128xf32, #tpu.memory_space<hbm>>) target_semaphore(%run_scoped3A : memref<!tpu.dma_semaphore, #tpu.memory_space<semaphore_mem>>)
        %dma_wait3A = arith.constant 0 : i32
        %dma_wait3A_68 = tpu.memref_slice %arg8[%mul3A_7, %dma_wait3A] : memref<10240x128xf32, #tpu.memory_space<hbm>> -> memref<640x128xf32, #tpu.memory_space<hbm>>
        %dma_wait3A_69 = arith.constant 0 : i32
        %dma_wait3A_70 = tpu.memref_slice %arg16[%mul3A_7, %dma_wait3A_69] : memref<10240x128xf32, #tpu.memory_space<vmem_shared>> -> memref<640x128xf32, #tpu.memory_space<vmem_shared>>
        tpu.wait_dma2 semaphore(%run_scoped3A : memref<!tpu.dma_semaphore, #tpu.memory_space<semaphore_mem>>) src(%dma_wait3A_70 : memref<640x128xf32, #tpu.memory_space<vmem_shared>>) dst(%dma_wait3A_68 : memref<640x128xf32, #tpu.memory_space<hbm>>)
        tpu.yield
      }) : () -> ()
      %barrier3A_33 = arith.constant 0 : index
      tpu.barrier barrier_id(%barrier3A_33)
      %mul3A_34 = arith.constant 640 : i32
      %mul3A_35 = arith.muli %arg1, %mul3A_34 : i32
      "tpu.region"() ({
        %run_scoped3A = tpu.sem_alloc : memref<!tpu.dma_semaphore, #tpu.memory_space<semaphore_mem>>
        %dma_start3A_64 = arith.constant 0 : i32
        %dma_start3A_65 = tpu.memref_slice %arg16[%mul3A_35, %dma_start3A_64] : memref<10240x128xf32, #tpu.memory_space<vmem_shared>> -> memref<640x128xf32, #tpu.memory_space<vmem_shared>>
        %dma_start3A_66 = arith.constant 0 : i32
        %dma_start3A_67 = tpu.memref_slice %arg3[%mul3A_35, %dma_start3A_66] : memref<10240x128xf32, #tpu.memory_space<hbm>> -> memref<640x128xf32, #tpu.memory_space<hbm>>
        tpu.enqueue_dma source(%dma_start3A_67 : memref<640x128xf32, #tpu.memory_space<hbm>>) target(%dma_start3A_65 : memref<640x128xf32, #tpu.memory_space<vmem_shared>>) target_semaphore(%run_scoped3A : memref<!tpu.dma_semaphore, #tpu.memory_space<semaphore_mem>>)
        %dma_wait3A = arith.constant 0 : i32
        %dma_wait3A_68 = tpu.memref_slice %arg16[%mul3A_35, %dma_wait3A] : memref<10240x128xf32, #tpu.memory_space<vmem_shared>> -> memref<640x128xf32, #tpu.memory_space<vmem_shared>>
        %dma_wait3A_69 = arith.constant 0 : i32
        %dma_wait3A_70 = tpu.memref_slice %arg3[%mul3A_35, %dma_wait3A_69] : memref<10240x128xf32, #tpu.memory_space<hbm>> -> memref<640x128xf32, #tpu.memory_space<hbm>>
        tpu.wait_dma2 semaphore(%run_scoped3A : memref<!tpu.dma_semaphore, #tpu.memory_space<semaphore_mem>>) src(%dma_wait3A_70 : memref<640x128xf32, #tpu.memory_space<hbm>>) dst(%dma_wait3A_68 : memref<640x128xf32, #tpu.memory_space<vmem_shared>>)
        tpu.yield
      }) : () -> ()
      %barrier3A_36 = arith.constant 0 : index
      tpu.barrier barrier_id(%barrier3A_36)
      "tpu.region"() ({
        %run_scoped3A = tpu.sem_alloc : memref<!tpu.dma_semaphore, #tpu.memory_space<semaphore_mem>>
        %dma_start3A_64 = arith.constant 0 : i32
        %dma_start3A_65 = arith.constant 0 : i32
        %dma_start3A_66 = tpu.memref_slice %arg6[%arg1, %dma_start3A_64, %dma_start3A_65] : memref<16x80x128xi32, #tpu.memory_space<hbm>> -> memref<1x40x128xi32, #tpu.memory_space<hbm>>
        %dma_start3A_67 = tpu.memref_squeeze %dma_start3A_66 : memref<1x40x128xi32, #tpu.memory_space<hbm>> -> memref<40x128xi32, #tpu.memory_space<hbm>>
        %dma_start3A_68 = arith.constant 0 : i32
        %dma_start3A_69 = arith.constant 0 : i32
        %dma_start3A_70 = tpu.memref_slice %arg6[%arg1, %dma_start3A_68, %dma_start3A_69] : memref<16x80x128xi32, #tpu.memory_space<hbm>> -> memref<1x40x128xi32, #tpu.memory_space<hbm>>
        %dma_start3A_71 = tpu.memref_squeeze %dma_start3A_70 : memref<1x40x128xi32, #tpu.memory_space<hbm>> -> memref<40x128xi32, #tpu.memory_space<hbm>>
        tpu.enqueue_dma source(%dma_start3A_71 : memref<40x128xi32, #tpu.memory_space<hbm>>) target(%arg12 : memref<40x128xi32, #tpu.memory_space<vmem>>) target_semaphore(%run_scoped3A : memref<!tpu.dma_semaphore, #tpu.memory_space<semaphore_mem>>)
        %dma_wait3A = arith.constant 0 : i32
        %dma_wait3A_72 = arith.constant 0 : i32
        %dma_wait3A_73 = tpu.memref_slice %arg6[%arg1, %dma_wait3A, %dma_wait3A_72] : memref<16x80x128xi32, #tpu.memory_space<hbm>> -> memref<1x40x128xi32, #tpu.memory_space<hbm>>
        %dma_wait3A_74 = tpu.memref_squeeze %dma_wait3A_73 : memref<1x40x128xi32, #tpu.memory_space<hbm>> -> memref<40x128xi32, #tpu.memory_space<hbm>>
        %dma_wait3A_75 = arith.constant 0 : i32
        %dma_wait3A_76 = arith.constant 0 : i32
        %dma_wait3A_77 = tpu.memref_slice %arg6[%arg1, %dma_wait3A_75, %dma_wait3A_76] : memref<16x80x128xi32, #tpu.memory_space<hbm>> -> memref<1x40x128xi32, #tpu.memory_space<hbm>>
        %dma_wait3A_78 = tpu.memref_squeeze %dma_wait3A_77 : memref<1x40x128xi32, #tpu.memory_space<hbm>> -> memref<40x128xi32, #tpu.memory_space<hbm>>
        tpu.wait_dma2 semaphore(%run_scoped3A : memref<!tpu.dma_semaphore, #tpu.memory_space<semaphore_mem>>) src(%dma_wait3A_78 : memref<40x128xi32, #tpu.memory_space<hbm>>) dst(%arg12 : memref<40x128xi32, #tpu.memory_space<vmem>>)
        tpu.yield
      }) : () -> ()
      "tpu.region"() ({
        %run_scoped3A = tpu.sem_alloc : memref<!tpu.dma_semaphore, #tpu.memory_space<semaphore_mem>>
        %dma_start3A_64 = arith.constant 0 : i32
        %dma_start3A_65 = arith.constant 0 : i32
        %dma_start3A_66 = tpu.memref_slice %arg7[%arg1, %dma_start3A_64, %dma_start3A_65] : memref<16x80x128xi32, #tpu.memory_space<hbm>> -> memref<1x40x128xi32, #tpu.memory_space<hbm>>
        %dma_start3A_67 = tpu.memref_squeeze %dma_start3A_66 : memref<1x40x128xi32, #tpu.memory_space<hbm>> -> memref<40x128xi32, #tpu.memory_space<hbm>>
        %dma_start3A_68 = arith.constant 0 : i32
        %dma_start3A_69 = arith.constant 0 : i32
        %dma_start3A_70 = tpu.memref_slice %arg7[%arg1, %dma_start3A_68, %dma_start3A_69] : memref<16x80x128xi32, #tpu.memory_space<hbm>> -> memref<1x40x128xi32, #tpu.memory_space<hbm>>
        %dma_start3A_71 = tpu.memref_squeeze %dma_start3A_70 : memref<1x40x128xi32, #tpu.memory_space<hbm>> -> memref<40x128xi32, #tpu.memory_space<hbm>>
        tpu.enqueue_dma source(%dma_start3A_71 : memref<40x128xi32, #tpu.memory_space<hbm>>) target(%arg13 : memref<40x128xi32, #tpu.memory_space<vmem>>) target_semaphore(%run_scoped3A : memref<!tpu.dma_semaphore, #tpu.memory_space<semaphore_mem>>)
        %dma_wait3A = arith.constant 0 : i32
        %dma_wait3A_72 = arith.constant 0 : i32
        %dma_wait3A_73 = tpu.memref_slice %arg7[%arg1, %dma_wait3A, %dma_wait3A_72] : memref<16x80x128xi32, #tpu.memory_space<hbm>> -> memref<1x40x128xi32, #tpu.memory_space<hbm>>
        %dma_wait3A_74 = tpu.memref_squeeze %dma_wait3A_73 : memref<1x40x128xi32, #tpu.memory_space<hbm>> -> memref<40x128xi32, #tpu.memory_space<hbm>>
        %dma_wait3A_75 = arith.constant 0 : i32
        %dma_wait3A_76 = arith.constant 0 : i32
        %dma_wait3A_77 = tpu.memref_slice %arg7[%arg1, %dma_wait3A_75, %dma_wait3A_76] : memref<16x80x128xi32, #tpu.memory_space<hbm>> -> memref<1x40x128xi32, #tpu.memory_space<hbm>>
        %dma_wait3A_78 = tpu.memref_squeeze %dma_wait3A_77 : memref<1x40x128xi32, #tpu.memory_space<hbm>> -> memref<40x128xi32, #tpu.memory_space<hbm>>
        tpu.wait_dma2 semaphore(%run_scoped3A : memref<!tpu.dma_semaphore, #tpu.memory_space<semaphore_mem>>) src(%dma_wait3A_78 : memref<40x128xi32, #tpu.memory_space<hbm>>) dst(%arg13 : memref<40x128xi32, #tpu.memory_space<vmem>>)
        tpu.yield
      }) : () -> ()
      %dma_start3A_37 = arith.constant 0 : i32
      %dma_start3A_38 = arith.constant 0 : i32
      %dma_start3A_39 = tpu.memref_slice %arg12[%dma_start3A_37, %dma_start3A_38] : memref<40x128xi32, #tpu.memory_space<vmem>> -> memref<1x128xi32, #tpu.memory_space<vmem>>
      %dma_start3A_40 = tpu.memref_squeeze %dma_start3A_39 : memref<1x128xi32, #tpu.memory_space<vmem>> -> memref<128xi32, #tpu.memory_space<vmem>>
      %dma_start3A_41 = arith.constant 0 : i32
      %dma_start3A_42 = arith.constant 0 : i32
      %dma_start3A_43 = tpu.memref_slice %arg3[%dma_start3A_41, %dma_start3A_42] : memref<10240x128xf32, #tpu.memory_space<hbm>> -> memref<10240x128xf32, #tpu.memory_space<hbm>>
      tpu.enqueue_indirect_dma source(%dma_start3A_43 : memref<10240x128xf32, #tpu.memory_space<hbm>>) target(%arg14 : memref<128x128xf32, #tpu.memory_space<vmem>>) offsets(%dma_start3A_40 : memref<128xi32, #tpu.memory_space<vmem>>) semaphore(%arg17 : memref<!tpu.dma_semaphore, #tpu.memory_space<semaphore_mem>>)
      %scan3A_44 = arith.constant 0 : i32
      %scan3A_45 = arith.constant 0 : i32
      %scan3A_46 = arith.constant 20 : i32
      %scan3A_47 = arith.addi %scan3A_45, %scan3A_46 : i32
      %scan3A_48 = arith.constant 1 : i32
      scf.for %scan3A_64 = %scan3A_45 to %scan3A_47 step %scan3A_48  : i32 {
        %mul3A_65 = arith.constant 2 : i32
        %mul3A_66 = arith.muli %mul3A_65, %scan3A_64 : i32
        %add3A = arith.constant 1 : i32
        %add3A_67 = arith.addi %mul3A_66, %add3A : i32
        %dma_start3A_68 = arith.constant 0 : i32
        %dma_start3A_69 = tpu.memref_slice %arg12[%add3A_67, %dma_start3A_68] : memref<40x128xi32, #tpu.memory_space<vmem>> -> memref<1x128xi32, #tpu.memory_space<vmem>>
        %dma_start3A_70 = tpu.memref_squeeze %dma_start3A_69 : memref<1x128xi32, #tpu.memory_space<vmem>> -> memref<128xi32, #tpu.memory_space<vmem>>
        %dma_start3A_71 = arith.constant 0 : i32
        %dma_start3A_72 = arith.constant 0 : i32
        %dma_start3A_73 = tpu.memref_slice %arg3[%dma_start3A_71, %dma_start3A_72] : memref<10240x128xf32, #tpu.memory_space<hbm>> -> memref<10240x128xf32, #tpu.memory_space<hbm>>
        tpu.enqueue_indirect_dma source(%dma_start3A_73 : memref<10240x128xf32, #tpu.memory_space<hbm>>) target(%arg15 : memref<128x128xf32, #tpu.memory_space<vmem>>) offsets(%dma_start3A_70 : memref<128xi32, #tpu.memory_space<vmem>>) semaphore(%arg18 : memref<!tpu.dma_semaphore, #tpu.memory_space<semaphore_mem>>)
        %dma_wait3A = arith.constant 0 : i32
        %dma_wait3A_74 = tpu.memref_slice %arg12[%mul3A_66, %dma_wait3A] : memref<40x128xi32, #tpu.memory_space<vmem>> -> memref<1x128xi32, #tpu.memory_space<vmem>>
        %dma_wait3A_75 = tpu.memref_squeeze %dma_wait3A_74 : memref<1x128xi32, #tpu.memory_space<vmem>> -> memref<128xi32, #tpu.memory_space<vmem>>
        %dma_wait3A_76 = arith.constant 0 : i32
        %dma_wait3A_77 = arith.constant 0 : i32
        %dma_wait3A_78 = tpu.memref_slice %arg3[%dma_wait3A_76, %dma_wait3A_77] : memref<10240x128xf32, #tpu.memory_space<hbm>> -> memref<10240x128xf32, #tpu.memory_space<hbm>>
        tpu.wait_indirect_dma semaphore(%arg17 : memref<!tpu.dma_semaphore, #tpu.memory_space<semaphore_mem>>) src(%dma_wait3A_78 : memref<10240x128xf32, #tpu.memory_space<hbm>>) dst(%arg14 : memref<128x128xf32, #tpu.memory_space<vmem>>)
        "tpu.region"() ({
          %run_scoped3A = tpu.sem_alloc : memref<!tpu.dma_semaphore, #tpu.memory_space<semaphore_mem>>
          %dma_start3A_95 = arith.constant 0 : i32
          %dma_start3A_96 = tpu.memref_slice %arg13[%mul3A_66, %dma_start3A_95] : memref<40x128xi32, #tpu.memory_space<vmem>> -> memref<1x128xi32, #tpu.memory_space<vmem>>
          %dma_start3A_97 = tpu.memref_squeeze %dma_start3A_96 : memref<1x128xi32, #tpu.memory_space<vmem>> -> memref<128xi32, #tpu.memory_space<vmem>>
          %dma_start3A_98 = arith.constant 0 : i32
          %dma_start3A_99 = arith.constant 0 : i32
          %dma_start3A_100 = tpu.memref_slice %arg16[%dma_start3A_98, %dma_start3A_99] : memref<10240x128xf32, #tpu.memory_space<vmem_shared>> -> memref<10240x128xf32, #tpu.memory_space<vmem_shared>>
          tpu.enqueue_indirect_dma source(%arg14 : memref<128x128xf32, #tpu.memory_space<vmem>>) target(%dma_start3A_100 : memref<10240x128xf32, #tpu.memory_space<vmem_shared>>) offsets(%dma_start3A_97 : memref<128xi32, #tpu.memory_space<vmem>>) semaphore(%run_scoped3A : memref<!tpu.dma_semaphore, #tpu.memory_space<semaphore_mem>>) {add = true}
          %dma_wait3A_101 = arith.constant 0 : i32
          %dma_wait3A_102 = tpu.memref_slice %arg13[%mul3A_66, %dma_wait3A_101] : memref<40x128xi32, #tpu.memory_space<vmem>> -> memref<1x128xi32, #tpu.memory_space<vmem>>
          %dma_wait3A_103 = tpu.memref_squeeze %dma_wait3A_102 : memref<1x128xi32, #tpu.memory_space<vmem>> -> memref<128xi32, #tpu.memory_space<vmem>>
          %dma_wait3A_104 = arith.constant 0 : i32
          %dma_wait3A_105 = arith.constant 0 : i32
          %dma_wait3A_106 = tpu.memref_slice %arg16[%dma_wait3A_104, %dma_wait3A_105] : memref<10240x128xf32, #tpu.memory_space<vmem_shared>> -> memref<10240x128xf32, #tpu.memory_space<vmem_shared>>
          tpu.wait_indirect_dma semaphore(%run_scoped3A : memref<!tpu.dma_semaphore, #tpu.memory_space<semaphore_mem>>) src(%arg14 : memref<128x128xf32, #tpu.memory_space<vmem>>) dst(%dma_wait3A_106 : memref<10240x128xf32, #tpu.memory_space<vmem_shared>>)
          tpu.yield
        }) : () -> ()
        %add3A_79 = arith.constant 2 : i32
        %add3A_80 = arith.addi %mul3A_66, %add3A_79 : i32
        %lt3A = arith.constant 40 : i32
        %lt3A_81 = arith.cmpi slt, %add3A_80, %lt3A : i32
        %convert_element_type3A_82 = arith.extui %lt3A_81 : i1 to i32
        %cond3A_83 = arith.constant 0 : i32
        %cond3A_84 = arith.cmpi ne, %convert_element_type3A_82, %cond3A_83 : i32
        scf.if %cond3A_84 {
          %add3A_95 = arith.constant 2 : i32
          %add3A_96 = arith.addi %mul3A_66, %add3A_95 : i32
          %dma_start3A_97 = arith.constant 0 : i32
          %dma_start3A_98 = tpu.memref_slice %arg12[%add3A_96, %dma_start3A_97] : memref<40x128xi32, #tpu.memory_space<vmem>> -> memref<1x128xi32, #tpu.memory_space<vmem>>
          %dma_start3A_99 = tpu.memref_squeeze %dma_start3A_98 : memref<1x128xi32, #tpu.memory_space<vmem>> -> memref<128xi32, #tpu.memory_space<vmem>>
          %dma_start3A_100 = arith.constant 0 : i32
          %dma_start3A_101 = arith.constant 0 : i32
          %dma_start3A_102 = tpu.memref_slice %arg3[%dma_start3A_100, %dma_start3A_101] : memref<10240x128xf32, #tpu.memory_space<hbm>> -> memref<10240x128xf32, #tpu.memory_space<hbm>>
          tpu.enqueue_indirect_dma source(%dma_start3A_102 : memref<10240x128xf32, #tpu.memory_space<hbm>>) target(%arg14 : memref<128x128xf32, #tpu.memory_space<vmem>>) offsets(%dma_start3A_99 : memref<128xi32, #tpu.memory_space<vmem>>) semaphore(%arg17 : memref<!tpu.dma_semaphore, #tpu.memory_space<semaphore_mem>>)
        } else {
        }
        %add3A_85 = arith.constant 1 : i32
        %add3A_86 = arith.addi %mul3A_66, %add3A_85 : i32
        %dma_wait3A_87 = arith.constant 0 : i32
        %dma_wait3A_88 = tpu.memref_slice %arg12[%add3A_86, %dma_wait3A_87] : memref<40x128xi32, #tpu.memory_space<vmem>> -> memref<1x128xi32, #tpu.memory_space<vmem>>
        %dma_wait3A_89 = tpu.memref_squeeze %dma_wait3A_88 : memref<1x128xi32, #tpu.memory_space<vmem>> -> memref<128xi32, #tpu.memory_space<vmem>>
        %dma_wait3A_90 = arith.constant 0 : i32
        %dma_wait3A_91 = arith.constant 0 : i32
        %dma_wait3A_92 = tpu.memref_slice %arg3[%dma_wait3A_90, %dma_wait3A_91] : memref<10240x128xf32, #tpu.memory_space<hbm>> -> memref<10240x128xf32, #tpu.memory_space<hbm>>
        tpu.wait_indirect_dma semaphore(%arg18 : memref<!tpu.dma_semaphore, #tpu.memory_space<semaphore_mem>>) src(%dma_wait3A_92 : memref<10240x128xf32, #tpu.memory_space<hbm>>) dst(%arg15 : memref<128x128xf32, #tpu.memory_space<vmem>>)
        %add3A_93 = arith.constant 1 : i32
        %add3A_94 = arith.addi %mul3A_66, %add3A_93 : i32
        "tpu.region"() ({
          %run_scoped3A = tpu.sem_alloc : memref<!tpu.dma_semaphore, #tpu.memory_space<semaphore_mem>>
          %dma_start3A_95 = arith.constant 0 : i32
          %dma_start3A_96 = tpu.memref_slice %arg13[%add3A_94, %dma_start3A_95] : memref<40x128xi32, #tpu.memory_space<vmem>> -> memref<1x128xi32, #tpu.memory_space<vmem>>
          %dma_start3A_97 = tpu.memref_squeeze %dma_start3A_96 : memref<1x128xi32, #tpu.memory_space<vmem>> -> memref<128xi32, #tpu.memory_space<vmem>>
          %dma_start3A_98 = arith.constant 0 : i32
          %dma_start3A_99 = arith.constant 0 : i32
          %dma_start3A_100 = tpu.memref_slice %arg16[%dma_start3A_98, %dma_start3A_99] : memref<10240x128xf32, #tpu.memory_space<vmem_shared>> -> memref<10240x128xf32, #tpu.memory_space<vmem_shared>>
          tpu.enqueue_indirect_dma source(%arg15 : memref<128x128xf32, #tpu.memory_space<vmem>>) target(%dma_start3A_100 : memref<10240x128xf32, #tpu.memory_space<vmem_shared>>) offsets(%dma_start3A_97 : memref<128xi32, #tpu.memory_space<vmem>>) semaphore(%run_scoped3A : memref<!tpu.dma_semaphore, #tpu.memory_space<semaphore_mem>>) {add = true}
          %dma_wait3A_101 = arith.constant 0 : i32
          %dma_wait3A_102 = tpu.memref_slice %arg13[%add3A_94, %dma_wait3A_101] : memref<40x128xi32, #tpu.memory_space<vmem>> -> memref<1x128xi32, #tpu.memory_space<vmem>>
          %dma_wait3A_103 = tpu.memref_squeeze %dma_wait3A_102 : memref<1x128xi32, #tpu.memory_space<vmem>> -> memref<128xi32, #tpu.memory_space<vmem>>
          %dma_wait3A_104 = arith.constant 0 : i32
          %dma_wait3A_105 = arith.constant 0 : i32
          %dma_wait3A_106 = tpu.memref_slice %arg16[%dma_wait3A_104, %dma_wait3A_105] : memref<10240x128xf32, #tpu.memory_space<vmem_shared>> -> memref<10240x128xf32, #tpu.memory_space<vmem_shared>>
          tpu.wait_indirect_dma semaphore(%run_scoped3A : memref<!tpu.dma_semaphore, #tpu.memory_space<semaphore_mem>>) src(%arg15 : memref<128x128xf32, #tpu.memory_space<vmem>>) dst(%dma_wait3A_106 : memref<10240x128xf32, #tpu.memory_space<vmem_shared>>)
          tpu.yield
        }) : () -> ()
      }
      %scan3A_49 = arith.constant 20 : i32
      "tpu.region"() ({
        %run_scoped3A = tpu.sem_alloc : memref<!tpu.dma_semaphore, #tpu.memory_space<semaphore_mem>>
        %dma_start3A_64 = arith.constant 40 : i32
        %dma_start3A_65 = arith.constant 0 : i32
        %dma_start3A_66 = tpu.memref_slice %arg6[%arg1, %dma_start3A_64, %dma_start3A_65] : memref<16x80x128xi32, #tpu.memory_space<hbm>> -> memref<1x40x128xi32, #tpu.memory_space<hbm>>
        %dma_start3A_67 = tpu.memref_squeeze %dma_start3A_66 : memref<1x40x128xi32, #tpu.memory_space<hbm>> -> memref<40x128xi32, #tpu.memory_space<hbm>>
        %dma_start3A_68 = arith.constant 40 : i32
        %dma_start3A_69 = arith.constant 0 : i32
        %dma_start3A_70 = tpu.memref_slice %arg6[%arg1, %dma_start3A_68, %dma_start3A_69] : memref<16x80x128xi32, #tpu.memory_space<hbm>> -> memref<1x40x128xi32, #tpu.memory_space<hbm>>
        %dma_start3A_71 = tpu.memref_squeeze %dma_start3A_70 : memref<1x40x128xi32, #tpu.memory_space<hbm>> -> memref<40x128xi32, #tpu.memory_space<hbm>>
        tpu.enqueue_dma source(%dma_start3A_71 : memref<40x128xi32, #tpu.memory_space<hbm>>) target(%arg12 : memref<40x128xi32, #tpu.memory_space<vmem>>) target_semaphore(%run_scoped3A : memref<!tpu.dma_semaphore, #tpu.memory_space<semaphore_mem>>)
        %dma_wait3A = arith.constant 40 : i32
        %dma_wait3A_72 = arith.constant 0 : i32
        %dma_wait3A_73 = tpu.memref_slice %arg6[%arg1, %dma_wait3A, %dma_wait3A_72] : memref<16x80x128xi32, #tpu.memory_space<hbm>> -> memref<1x40x128xi32, #tpu.memory_space<hbm>>
        %dma_wait3A_74 = tpu.memref_squeeze %dma_wait3A_73 : memref<1x40x128xi32, #tpu.memory_space<hbm>> -> memref<40x128xi32, #tpu.memory_space<hbm>>
        %dma_wait3A_75 = arith.constant 40 : i32
        %dma_wait3A_76 = arith.constant 0 : i32
        %dma_wait3A_77 = tpu.memref_slice %arg6[%arg1, %dma_wait3A_75, %dma_wait3A_76] : memref<16x80x128xi32, #tpu.memory_space<hbm>> -> memref<1x40x128xi32, #tpu.memory_space<hbm>>
        %dma_wait3A_78 = tpu.memref_squeeze %dma_wait3A_77 : memref<1x40x128xi32, #tpu.memory_space<hbm>> -> memref<40x128xi32, #tpu.memory_space<hbm>>
        tpu.wait_dma2 semaphore(%run_scoped3A : memref<!tpu.dma_semaphore, #tpu.memory_space<semaphore_mem>>) src(%dma_wait3A_78 : memref<40x128xi32, #tpu.memory_space<hbm>>) dst(%arg12 : memref<40x128xi32, #tpu.memory_space<vmem>>)
        tpu.yield
      }) : () -> ()
      "tpu.region"() ({
        %run_scoped3A = tpu.sem_alloc : memref<!tpu.dma_semaphore, #tpu.memory_space<semaphore_mem>>
        %dma_start3A_64 = arith.constant 40 : i32
        %dma_start3A_65 = arith.constant 0 : i32
        %dma_start3A_66 = tpu.memref_slice %arg7[%arg1, %dma_start3A_64, %dma_start3A_65] : memref<16x80x128xi32, #tpu.memory_space<hbm>> -> memref<1x40x128xi32, #tpu.memory_space<hbm>>
        %dma_start3A_67 = tpu.memref_squeeze %dma_start3A_66 : memref<1x40x128xi32, #tpu.memory_space<hbm>> -> memref<40x128xi32, #tpu.memory_space<hbm>>
        %dma_start3A_68 = arith.constant 40 : i32
        %dma_start3A_69 = arith.constant 0 : i32
        %dma_start3A_70 = tpu.memref_slice %arg7[%arg1, %dma_start3A_68, %dma_start3A_69] : memref<16x80x128xi32, #tpu.memory_space<hbm>> -> memref<1x40x128xi32, #tpu.memory_space<hbm>>
        %dma_start3A_71 = tpu.memref_squeeze %dma_start3A_70 : memref<1x40x128xi32, #tpu.memory_space<hbm>> -> memref<40x128xi32, #tpu.memory_space<hbm>>
        tpu.enqueue_dma source(%dma_start3A_71 : memref<40x128xi32, #tpu.memory_space<hbm>>) target(%arg13 : memref<40x128xi32, #tpu.memory_space<vmem>>) target_semaphore(%run_scoped3A : memref<!tpu.dma_semaphore, #tpu.memory_space<semaphore_mem>>)
        %dma_wait3A = arith.constant 40 : i32
        %dma_wait3A_72 = arith.constant 0 : i32
        %dma_wait3A_73 = tpu.memref_slice %arg7[%arg1, %dma_wait3A, %dma_wait3A_72] : memref<16x80x128xi32, #tpu.memory_space<hbm>> -> memref<1x40x128xi32, #tpu.memory_space<hbm>>
        %dma_wait3A_74 = tpu.memref_squeeze %dma_wait3A_73 : memref<1x40x128xi32, #tpu.memory_space<hbm>> -> memref<40x128xi32, #tpu.memory_space<hbm>>
        %dma_wait3A_75 = arith.constant 40 : i32
        %dma_wait3A_76 = arith.constant 0 : i32
        %dma_wait3A_77 = tpu.memref_slice %arg7[%arg1, %dma_wait3A_75, %dma_wait3A_76] : memref<16x80x128xi32, #tpu.memory_space<hbm>> -> memref<1x40x128xi32, #tpu.memory_space<hbm>>
        %dma_wait3A_78 = tpu.memref_squeeze %dma_wait3A_77 : memref<1x40x128xi32, #tpu.memory_space<hbm>> -> memref<40x128xi32, #tpu.memory_space<hbm>>
        tpu.wait_dma2 semaphore(%run_scoped3A : memref<!tpu.dma_semaphore, #tpu.memory_space<semaphore_mem>>) src(%dma_wait3A_78 : memref<40x128xi32, #tpu.memory_space<hbm>>) dst(%arg13 : memref<40x128xi32, #tpu.memory_space<vmem>>)
        tpu.yield
      }) : () -> ()
      %dma_start3A_50 = arith.constant 0 : i32
      %dma_start3A_51 = arith.constant 0 : i32
      %dma_start3A_52 = tpu.memref_slice %arg12[%dma_start3A_50, %dma_start3A_51] : memref<40x128xi32, #tpu.memory_space<vmem>> -> memref<1x128xi32, #tpu.memory_space<vmem>>
      %dma_start3A_53 = tpu.memref_squeeze %dma_start3A_52 : memref<1x128xi32, #tpu.memory_space<vmem>> -> memref<128xi32, #tpu.memory_space<vmem>>
      %dma_start3A_54 = arith.constant 0 : i32
      %dma_start3A_55 = arith.constant 0 : i32
      %dma_start3A_56 = tpu.memref_slice %arg3[%dma_start3A_54, %dma_start3A_55] : memref<10240x128xf32, #tpu.memory_space<hbm>> -> memref<10240x128xf32, #tpu.memory_space<hbm>>
      tpu.enqueue_indirect_dma source(%dma_start3A_56 : memref<10240x128xf32, #tpu.memory_space<hbm>>) target(%arg14 : memref<128x128xf32, #tpu.memory_space<vmem>>) offsets(%dma_start3A_53 : memref<128xi32, #tpu.memory_space<vmem>>) semaphore(%arg17 : memref<!tpu.dma_semaphore, #tpu.memory_space<semaphore_mem>>)
      %scan3A_57 = arith.constant 0 : i32
      %scan3A_58 = arith.constant 0 : i32
      %scan3A_59 = arith.constant 20 : i32
      %scan3A_60 = arith.addi %scan3A_58, %scan3A_59 : i32
      %scan3A_61 = arith.constant 1 : i32
      scf.for %scan3A_64 = %scan3A_58 to %scan3A_60 step %scan3A_61  : i32 {
        %mul3A_65 = arith.constant 2 : i32
        %mul3A_66 = arith.muli %mul3A_65, %scan3A_64 : i32
        %add3A = arith.constant 1 : i32
        %add3A_67 = arith.addi %mul3A_66, %add3A : i32
        %dma_start3A_68 = arith.constant 0 : i32
        %dma_start3A_69 = tpu.memref_slice %arg12[%add3A_67, %dma_start3A_68] : memref<40x128xi32, #tpu.memory_space<vmem>> -> memref<1x128xi32, #tpu.memory_space<vmem>>
        %dma_start3A_70 = tpu.memref_squeeze %dma_start3A_69 : memref<1x128xi32, #tpu.memory_space<vmem>> -> memref<128xi32, #tpu.memory_space<vmem>>
        %dma_start3A_71 = arith.constant 0 : i32
        %dma_start3A_72 = arith.constant 0 : i32
        %dma_start3A_73 = tpu.memref_slice %arg3[%dma_start3A_71, %dma_start3A_72] : memref<10240x128xf32, #tpu.memory_space<hbm>> -> memref<10240x128xf32, #tpu.memory_space<hbm>>
        tpu.enqueue_indirect_dma source(%dma_start3A_73 : memref<10240x128xf32, #tpu.memory_space<hbm>>) target(%arg15 : memref<128x128xf32, #tpu.memory_space<vmem>>) offsets(%dma_start3A_70 : memref<128xi32, #tpu.memory_space<vmem>>) semaphore(%arg18 : memref<!tpu.dma_semaphore, #tpu.memory_space<semaphore_mem>>)
        %dma_wait3A = arith.constant 0 : i32
        %dma_wait3A_74 = tpu.memref_slice %arg12[%mul3A_66, %dma_wait3A] : memref<40x128xi32, #tpu.memory_space<vmem>> -> memref<1x128xi32, #tpu.memory_space<vmem>>
        %dma_wait3A_75 = tpu.memref_squeeze %dma_wait3A_74 : memref<1x128xi32, #tpu.memory_space<vmem>> -> memref<128xi32, #tpu.memory_space<vmem>>
        %dma_wait3A_76 = arith.constant 0 : i32
        %dma_wait3A_77 = arith.constant 0 : i32
        %dma_wait3A_78 = tpu.memref_slice %arg3[%dma_wait3A_76, %dma_wait3A_77] : memref<10240x128xf32, #tpu.memory_space<hbm>> -> memref<10240x128xf32, #tpu.memory_space<hbm>>
        tpu.wait_indirect_dma semaphore(%arg17 : memref<!tpu.dma_semaphore, #tpu.memory_space<semaphore_mem>>) src(%dma_wait3A_78 : memref<10240x128xf32, #tpu.memory_space<hbm>>) dst(%arg14 : memref<128x128xf32, #tpu.memory_space<vmem>>)
        "tpu.region"() ({
          %run_scoped3A = tpu.sem_alloc : memref<!tpu.dma_semaphore, #tpu.memory_space<semaphore_mem>>
          %dma_start3A_95 = arith.constant 0 : i32
          %dma_start3A_96 = tpu.memref_slice %arg13[%mul3A_66, %dma_start3A_95] : memref<40x128xi32, #tpu.memory_space<vmem>> -> memref<1x128xi32, #tpu.memory_space<vmem>>
          %dma_start3A_97 = tpu.memref_squeeze %dma_start3A_96 : memref<1x128xi32, #tpu.memory_space<vmem>> -> memref<128xi32, #tpu.memory_space<vmem>>
          %dma_start3A_98 = arith.constant 0 : i32
          %dma_start3A_99 = arith.constant 0 : i32
          %dma_start3A_100 = tpu.memref_slice %arg16[%dma_start3A_98, %dma_start3A_99] : memref<10240x128xf32, #tpu.memory_space<vmem_shared>> -> memref<10240x128xf32, #tpu.memory_space<vmem_shared>>
          tpu.enqueue_indirect_dma source(%arg14 : memref<128x128xf32, #tpu.memory_space<vmem>>) target(%dma_start3A_100 : memref<10240x128xf32, #tpu.memory_space<vmem_shared>>) offsets(%dma_start3A_97 : memref<128xi32, #tpu.memory_space<vmem>>) semaphore(%run_scoped3A : memref<!tpu.dma_semaphore, #tpu.memory_space<semaphore_mem>>) {add = true}
          %dma_wait3A_101 = arith.constant 0 : i32
          %dma_wait3A_102 = tpu.memref_slice %arg13[%mul3A_66, %dma_wait3A_101] : memref<40x128xi32, #tpu.memory_space<vmem>> -> memref<1x128xi32, #tpu.memory_space<vmem>>
          %dma_wait3A_103 = tpu.memref_squeeze %dma_wait3A_102 : memref<1x128xi32, #tpu.memory_space<vmem>> -> memref<128xi32, #tpu.memory_space<vmem>>
          %dma_wait3A_104 = arith.constant 0 : i32
          %dma_wait3A_105 = arith.constant 0 : i32
          %dma_wait3A_106 = tpu.memref_slice %arg16[%dma_wait3A_104, %dma_wait3A_105] : memref<10240x128xf32, #tpu.memory_space<vmem_shared>> -> memref<10240x128xf32, #tpu.memory_space<vmem_shared>>
          tpu.wait_indirect_dma semaphore(%run_scoped3A : memref<!tpu.dma_semaphore, #tpu.memory_space<semaphore_mem>>) src(%arg14 : memref<128x128xf32, #tpu.memory_space<vmem>>) dst(%dma_wait3A_106 : memref<10240x128xf32, #tpu.memory_space<vmem_shared>>)
          tpu.yield
        }) : () -> ()
        %add3A_79 = arith.constant 2 : i32
        %add3A_80 = arith.addi %mul3A_66, %add3A_79 : i32
        %lt3A = arith.constant 40 : i32
        %lt3A_81 = arith.cmpi slt, %add3A_80, %lt3A : i32
        %convert_element_type3A_82 = arith.extui %lt3A_81 : i1 to i32
        %cond3A_83 = arith.constant 0 : i32
        %cond3A_84 = arith.cmpi ne, %convert_element_type3A_82, %cond3A_83 : i32
        scf.if %cond3A_84 {
          %add3A_95 = arith.constant 2 : i32
          %add3A_96 = arith.addi %mul3A_66, %add3A_95 : i32
          %dma_start3A_97 = arith.constant 0 : i32
          %dma_start3A_98 = tpu.memref_slice %arg12[%add3A_96, %dma_start3A_97] : memref<40x128xi32, #tpu.memory_space<vmem>> -> memref<1x128xi32, #tpu.memory_space<vmem>>
          %dma_start3A_99 = tpu.memref_squeeze %dma_start3A_98 : memref<1x128xi32, #tpu.memory_space<vmem>> -> memref<128xi32, #tpu.memory_space<vmem>>
          %dma_start3A_100 = arith.constant 0 : i32
          %dma_start3A_101 = arith.constant 0 : i32
          %dma_start3A_102 = tpu.memref_slice %arg3[%dma_start3A_100, %dma_start3A_101] : memref<10240x128xf32, #tpu.memory_space<hbm>> -> memref<10240x128xf32, #tpu.memory_space<hbm>>
          tpu.enqueue_indirect_dma source(%dma_start3A_102 : memref<10240x128xf32, #tpu.memory_space<hbm>>) target(%arg14 : memref<128x128xf32, #tpu.memory_space<vmem>>) offsets(%dma_start3A_99 : memref<128xi32, #tpu.memory_space<vmem>>) semaphore(%arg17 : memref<!tpu.dma_semaphore, #tpu.memory_space<semaphore_mem>>)
        } else {
        }
        %add3A_85 = arith.constant 1 : i32
        %add3A_86 = arith.addi %mul3A_66, %add3A_85 : i32
        %dma_wait3A_87 = arith.constant 0 : i32
        %dma_wait3A_88 = tpu.memref_slice %arg12[%add3A_86, %dma_wait3A_87] : memref<40x128xi32, #tpu.memory_space<vmem>> -> memref<1x128xi32, #tpu.memory_space<vmem>>
        %dma_wait3A_89 = tpu.memref_squeeze %dma_wait3A_88 : memref<1x128xi32, #tpu.memory_space<vmem>> -> memref<128xi32, #tpu.memory_space<vmem>>
        %dma_wait3A_90 = arith.constant 0 : i32
        %dma_wait3A_91 = arith.constant 0 : i32
        %dma_wait3A_92 = tpu.memref_slice %arg3[%dma_wait3A_90, %dma_wait3A_91] : memref<10240x128xf32, #tpu.memory_space<hbm>> -> memref<10240x128xf32, #tpu.memory_space<hbm>>
        tpu.wait_indirect_dma semaphore(%arg18 : memref<!tpu.dma_semaphore, #tpu.memory_space<semaphore_mem>>) src(%dma_wait3A_92 : memref<10240x128xf32, #tpu.memory_space<hbm>>) dst(%arg15 : memref<128x128xf32, #tpu.memory_space<vmem>>)
        %add3A_93 = arith.constant 1 : i32
        %add3A_94 = arith.addi %mul3A_66, %add3A_93 : i32
        "tpu.region"() ({
          %run_scoped3A = tpu.sem_alloc : memref<!tpu.dma_semaphore, #tpu.memory_space<semaphore_mem>>
          %dma_start3A_95 = arith.constant 0 : i32
          %dma_start3A_96 = tpu.memref_slice %arg13[%add3A_94, %dma_start3A_95] : memref<40x128xi32, #tpu.memory_space<vmem>> -> memref<1x128xi32, #tpu.memory_space<vmem>>
          %dma_start3A_97 = tpu.memref_squeeze %dma_start3A_96 : memref<1x128xi32, #tpu.memory_space<vmem>> -> memref<128xi32, #tpu.memory_space<vmem>>
          %dma_start3A_98 = arith.constant 0 : i32
          %dma_start3A_99 = arith.constant 0 : i32
          %dma_start3A_100 = tpu.memref_slice %arg16[%dma_start3A_98, %dma_start3A_99] : memref<10240x128xf32, #tpu.memory_space<vmem_shared>> -> memref<10240x128xf32, #tpu.memory_space<vmem_shared>>
          tpu.enqueue_indirect_dma source(%arg15 : memref<128x128xf32, #tpu.memory_space<vmem>>) target(%dma_start3A_100 : memref<10240x128xf32, #tpu.memory_space<vmem_shared>>) offsets(%dma_start3A_97 : memref<128xi32, #tpu.memory_space<vmem>>) semaphore(%run_scoped3A : memref<!tpu.dma_semaphore, #tpu.memory_space<semaphore_mem>>) {add = true}
          %dma_wait3A_101 = arith.constant 0 : i32
          %dma_wait3A_102 = tpu.memref_slice %arg13[%add3A_94, %dma_wait3A_101] : memref<40x128xi32, #tpu.memory_space<vmem>> -> memref<1x128xi32, #tpu.memory_space<vmem>>
          %dma_wait3A_103 = tpu.memref_squeeze %dma_wait3A_102 : memref<1x128xi32, #tpu.memory_space<vmem>> -> memref<128xi32, #tpu.memory_space<vmem>>
          %dma_wait3A_104 = arith.constant 0 : i32
          %dma_wait3A_105 = arith.constant 0 : i32
          %dma_wait3A_106 = tpu.memref_slice %arg16[%dma_wait3A_104, %dma_wait3A_105] : memref<10240x128xf32, #tpu.memory_space<vmem_shared>> -> memref<10240x128xf32, #tpu.memory_space<vmem_shared>>
          tpu.wait_indirect_dma semaphore(%run_scoped3A : memref<!tpu.dma_semaphore, #tpu.memory_space<semaphore_mem>>) src(%arg15 : memref<128x128xf32, #tpu.memory_space<vmem>>) dst(%dma_wait3A_106 : memref<10240x128xf32, #tpu.memory_space<vmem_shared>>)
          tpu.yield
        }) : () -> ()
      }
      %scan3A_62 = arith.constant 20 : i32
      %barrier3A_63 = arith.constant 0 : index
      tpu.barrier barrier_id(%barrier3A_63)
      "tpu.region"() ({
        %run_scoped3A = tpu.sem_alloc : memref<!tpu.dma_semaphore, #tpu.memory_space<semaphore_mem>>
        %dma_start3A_64 = arith.constant 0 : i32
        %dma_start3A_65 = tpu.memref_slice %arg9[%mul3A_35, %dma_start3A_64] : memref<10240x128xf32, #tpu.memory_space<hbm>> -> memref<640x128xf32, #tpu.memory_space<hbm>>
        %dma_start3A_66 = arith.constant 0 : i32
        %dma_start3A_67 = tpu.memref_slice %arg16[%mul3A_35, %dma_start3A_66] : memref<10240x128xf32, #tpu.memory_space<vmem_shared>> -> memref<640x128xf32, #tpu.memory_space<vmem_shared>>
        tpu.enqueue_dma source(%dma_start3A_67 : memref<640x128xf32, #tpu.memory_space<vmem_shared>>) target(%dma_start3A_65 : memref<640x128xf32, #tpu.memory_space<hbm>>) target_semaphore(%run_scoped3A : memref<!tpu.dma_semaphore, #tpu.memory_space<semaphore_mem>>)
        %dma_wait3A = arith.constant 0 : i32
        %dma_wait3A_68 = tpu.memref_slice %arg9[%mul3A_35, %dma_wait3A] : memref<10240x128xf32, #tpu.memory_space<hbm>> -> memref<640x128xf32, #tpu.memory_space<hbm>>
        %dma_wait3A_69 = arith.constant 0 : i32
        %dma_wait3A_70 = tpu.memref_slice %arg16[%mul3A_35, %dma_wait3A_69] : memref<10240x128xf32, #tpu.memory_space<vmem_shared>> -> memref<640x128xf32, #tpu.memory_space<vmem_shared>>
        tpu.wait_dma2 semaphore(%run_scoped3A : memref<!tpu.dma_semaphore, #tpu.memory_space<semaphore_mem>>) src(%dma_wait3A_70 : memref<640x128xf32, #tpu.memory_space<vmem_shared>>) dst(%dma_wait3A_68 : memref<640x128xf32, #tpu.memory_space<hbm>>)
        tpu.yield
      }) : () -> ()
    } else {
    }
    %eq3A_2 = arith.constant 1 : i32
    %eq3A_3 = arith.cmpi eq, %arg0, %eq3A_2 : i32
    %convert_element_type3A_4 = arith.extui %eq3A_3 : i1 to i32
    %cond3A_5 = arith.constant 0 : i32
    %cond3A_6 = arith.cmpi ne, %convert_element_type3A_4, %cond3A_5 : i32
    scf.if %cond3A_6 {
      %mul3A = arith.constant 640 : i32
      %mul3A_7 = arith.muli %arg1, %mul3A : i32
      "tpu.region"() ({
        %run_scoped3A = tpu.sem_alloc : memref<!tpu.dma_semaphore, #tpu.memory_space<semaphore_mem>>
        %dma_start3A_64 = arith.constant 0 : i32
        %dma_start3A_65 = tpu.memref_slice %arg16[%mul3A_7, %dma_start3A_64] : memref<10240x128xf32, #tpu.memory_space<vmem_shared>> -> memref<640x128xf32, #tpu.memory_space<vmem_shared>>
        %dma_start3A_66 = arith.constant 0 : i32
        %dma_start3A_67 = tpu.memref_slice %arg4[%mul3A_7, %dma_start3A_66] : memref<10240x128xf32, #tpu.memory_space<hbm>> -> memref<640x128xf32, #tpu.memory_space<hbm>>
        tpu.enqueue_dma source(%dma_start3A_67 : memref<640x128xf32, #tpu.memory_space<hbm>>) target(%dma_start3A_65 : memref<640x128xf32, #tpu.memory_space<vmem_shared>>) target_semaphore(%run_scoped3A : memref<!tpu.dma_semaphore, #tpu.memory_space<semaphore_mem>>)
        %dma_wait3A = arith.constant 0 : i32
        %dma_wait3A_68 = tpu.memref_slice %arg16[%mul3A_7, %dma_wait3A] : memref<10240x128xf32, #tpu.memory_space<vmem_shared>> -> memref<640x128xf32, #tpu.memory_space<vmem_shared>>
        %dma_wait3A_69 = arith.constant 0 : i32
        %dma_wait3A_70 = tpu.memref_slice %arg4[%mul3A_7, %dma_wait3A_69] : memref<10240x128xf32, #tpu.memory_space<hbm>> -> memref<640x128xf32, #tpu.memory_space<hbm>>
        tpu.wait_dma2 semaphore(%run_scoped3A : memref<!tpu.dma_semaphore, #tpu.memory_space<semaphore_mem>>) src(%dma_wait3A_70 : memref<640x128xf32, #tpu.memory_space<hbm>>) dst(%dma_wait3A_68 : memref<640x128xf32, #tpu.memory_space<vmem_shared>>)
        tpu.yield
      }) : () -> ()
      %barrier3A = arith.constant 0 : index
      tpu.barrier barrier_id(%barrier3A)
      "tpu.region"() ({
        %run_scoped3A = tpu.sem_alloc : memref<!tpu.dma_semaphore, #tpu.memory_space<semaphore_mem>>
        %dma_start3A_64 = arith.constant 0 : i32
        %dma_start3A_65 = arith.constant 0 : i32
        %dma_start3A_66 = tpu.memref_slice %arg6[%arg1, %dma_start3A_64, %dma_start3A_65] : memref<16x80x128xi32, #tpu.memory_space<hbm>> -> memref<1x40x128xi32, #tpu.memory_space<hbm>>
        %dma_start3A_67 = tpu.memref_squeeze %dma_start3A_66 : memref<1x40x128xi32, #tpu.memory_space<hbm>> -> memref<40x128xi32, #tpu.memory_space<hbm>>
        %dma_start3A_68 = arith.constant 0 : i32
        %dma_start3A_69 = arith.constant 0 : i32
        %dma_start3A_70 = tpu.memref_slice %arg6[%arg1, %dma_start3A_68, %dma_start3A_69] : memref<16x80x128xi32, #tpu.memory_space<hbm>> -> memref<1x40x128xi32, #tpu.memory_space<hbm>>
        %dma_start3A_71 = tpu.memref_squeeze %dma_start3A_70 : memref<1x40x128xi32, #tpu.memory_space<hbm>> -> memref<40x128xi32, #tpu.memory_space<hbm>>
        tpu.enqueue_dma source(%dma_start3A_71 : memref<40x128xi32, #tpu.memory_space<hbm>>) target(%arg12 : memref<40x128xi32, #tpu.memory_space<vmem>>) target_semaphore(%run_scoped3A : memref<!tpu.dma_semaphore, #tpu.memory_space<semaphore_mem>>)
        %dma_wait3A = arith.constant 0 : i32
        %dma_wait3A_72 = arith.constant 0 : i32
        %dma_wait3A_73 = tpu.memref_slice %arg6[%arg1, %dma_wait3A, %dma_wait3A_72] : memref<16x80x128xi32, #tpu.memory_space<hbm>> -> memref<1x40x128xi32, #tpu.memory_space<hbm>>
        %dma_wait3A_74 = tpu.memref_squeeze %dma_wait3A_73 : memref<1x40x128xi32, #tpu.memory_space<hbm>> -> memref<40x128xi32, #tpu.memory_space<hbm>>
        %dma_wait3A_75 = arith.constant 0 : i32
        %dma_wait3A_76 = arith.constant 0 : i32
        %dma_wait3A_77 = tpu.memref_slice %arg6[%arg1, %dma_wait3A_75, %dma_wait3A_76] : memref<16x80x128xi32, #tpu.memory_space<hbm>> -> memref<1x40x128xi32, #tpu.memory_space<hbm>>
        %dma_wait3A_78 = tpu.memref_squeeze %dma_wait3A_77 : memref<1x40x128xi32, #tpu.memory_space<hbm>> -> memref<40x128xi32, #tpu.memory_space<hbm>>
        tpu.wait_dma2 semaphore(%run_scoped3A : memref<!tpu.dma_semaphore, #tpu.memory_space<semaphore_mem>>) src(%dma_wait3A_78 : memref<40x128xi32, #tpu.memory_space<hbm>>) dst(%arg12 : memref<40x128xi32, #tpu.memory_space<vmem>>)
        tpu.yield
      }) : () -> ()
      "tpu.region"() ({
        %run_scoped3A = tpu.sem_alloc : memref<!tpu.dma_semaphore, #tpu.memory_space<semaphore_mem>>
        %dma_start3A_64 = arith.constant 0 : i32
        %dma_start3A_65 = arith.constant 0 : i32
        %dma_start3A_66 = tpu.memref_slice %arg7[%arg1, %dma_start3A_64, %dma_start3A_65] : memref<16x80x128xi32, #tpu.memory_space<hbm>> -> memref<1x40x128xi32, #tpu.memory_space<hbm>>
        %dma_start3A_67 = tpu.memref_squeeze %dma_start3A_66 : memref<1x40x128xi32, #tpu.memory_space<hbm>> -> memref<40x128xi32, #tpu.memory_space<hbm>>
        %dma_start3A_68 = arith.constant 0 : i32
        %dma_start3A_69 = arith.constant 0 : i32
        %dma_start3A_70 = tpu.memref_slice %arg7[%arg1, %dma_start3A_68, %dma_start3A_69] : memref<16x80x128xi32, #tpu.memory_space<hbm>> -> memref<1x40x128xi32, #tpu.memory_space<hbm>>
        %dma_start3A_71 = tpu.memref_squeeze %dma_start3A_70 : memref<1x40x128xi32, #tpu.memory_space<hbm>> -> memref<40x128xi32, #tpu.memory_space<hbm>>
        tpu.enqueue_dma source(%dma_start3A_71 : memref<40x128xi32, #tpu.memory_space<hbm>>) target(%arg13 : memref<40x128xi32, #tpu.memory_space<vmem>>) target_semaphore(%run_scoped3A : memref<!tpu.dma_semaphore, #tpu.memory_space<semaphore_mem>>)
        %dma_wait3A = arith.constant 0 : i32
        %dma_wait3A_72 = arith.constant 0 : i32
        %dma_wait3A_73 = tpu.memref_slice %arg7[%arg1, %dma_wait3A, %dma_wait3A_72] : memref<16x80x128xi32, #tpu.memory_space<hbm>> -> memref<1x40x128xi32, #tpu.memory_space<hbm>>
        %dma_wait3A_74 = tpu.memref_squeeze %dma_wait3A_73 : memref<1x40x128xi32, #tpu.memory_space<hbm>> -> memref<40x128xi32, #tpu.memory_space<hbm>>
        %dma_wait3A_75 = arith.constant 0 : i32
        %dma_wait3A_76 = arith.constant 0 : i32
        %dma_wait3A_77 = tpu.memref_slice %arg7[%arg1, %dma_wait3A_75, %dma_wait3A_76] : memref<16x80x128xi32, #tpu.memory_space<hbm>> -> memref<1x40x128xi32, #tpu.memory_space<hbm>>
        %dma_wait3A_78 = tpu.memref_squeeze %dma_wait3A_77 : memref<1x40x128xi32, #tpu.memory_space<hbm>> -> memref<40x128xi32, #tpu.memory_space<hbm>>
        tpu.wait_dma2 semaphore(%run_scoped3A : memref<!tpu.dma_semaphore, #tpu.memory_space<semaphore_mem>>) src(%dma_wait3A_78 : memref<40x128xi32, #tpu.memory_space<hbm>>) dst(%arg13 : memref<40x128xi32, #tpu.memory_space<vmem>>)
        tpu.yield
      }) : () -> ()
      %dma_start3A = arith.constant 0 : i32
      %dma_start3A_8 = arith.constant 0 : i32
      %dma_start3A_9 = tpu.memref_slice %arg12[%dma_start3A, %dma_start3A_8] : memref<40x128xi32, #tpu.memory_space<vmem>> -> memref<1x128xi32, #tpu.memory_space<vmem>>
      %dma_start3A_10 = tpu.memref_squeeze %dma_start3A_9 : memref<1x128xi32, #tpu.memory_space<vmem>> -> memref<128xi32, #tpu.memory_space<vmem>>
      %dma_start3A_11 = arith.constant 0 : i32
      %dma_start3A_12 = arith.constant 0 : i32
      %dma_start3A_13 = tpu.memref_slice %arg4[%dma_start3A_11, %dma_start3A_12] : memref<10240x128xf32, #tpu.memory_space<hbm>> -> memref<10240x128xf32, #tpu.memory_space<hbm>>
      tpu.enqueue_indirect_dma source(%dma_start3A_13 : memref<10240x128xf32, #tpu.memory_space<hbm>>) target(%arg14 : memref<128x128xf32, #tpu.memory_space<vmem>>) offsets(%dma_start3A_10 : memref<128xi32, #tpu.memory_space<vmem>>) semaphore(%arg17 : memref<!tpu.dma_semaphore, #tpu.memory_space<semaphore_mem>>)
      %scan3A = arith.constant 0 : i32
      %scan3A_14 = arith.constant 0 : i32
      %scan3A_15 = arith.constant 20 : i32
      %scan3A_16 = arith.addi %scan3A_14, %scan3A_15 : i32
      %scan3A_17 = arith.constant 1 : i32
      scf.for %scan3A_64 = %scan3A_14 to %scan3A_16 step %scan3A_17  : i32 {
        %mul3A_65 = arith.constant 2 : i32
        %mul3A_66 = arith.muli %mul3A_65, %scan3A_64 : i32
        %add3A = arith.constant 1 : i32
        %add3A_67 = arith.addi %mul3A_66, %add3A : i32
        %dma_start3A_68 = arith.constant 0 : i32
        %dma_start3A_69 = tpu.memref_slice %arg12[%add3A_67, %dma_start3A_68] : memref<40x128xi32, #tpu.memory_space<vmem>> -> memref<1x128xi32, #tpu.memory_space<vmem>>
        %dma_start3A_70 = tpu.memref_squeeze %dma_start3A_69 : memref<1x128xi32, #tpu.memory_space<vmem>> -> memref<128xi32, #tpu.memory_space<vmem>>
        %dma_start3A_71 = arith.constant 0 : i32
        %dma_start3A_72 = arith.constant 0 : i32
        %dma_start3A_73 = tpu.memref_slice %arg4[%dma_start3A_71, %dma_start3A_72] : memref<10240x128xf32, #tpu.memory_space<hbm>> -> memref<10240x128xf32, #tpu.memory_space<hbm>>
        tpu.enqueue_indirect_dma source(%dma_start3A_73 : memref<10240x128xf32, #tpu.memory_space<hbm>>) target(%arg15 : memref<128x128xf32, #tpu.memory_space<vmem>>) offsets(%dma_start3A_70 : memref<128xi32, #tpu.memory_space<vmem>>) semaphore(%arg18 : memref<!tpu.dma_semaphore, #tpu.memory_space<semaphore_mem>>)
        %dma_wait3A = arith.constant 0 : i32
        %dma_wait3A_74 = tpu.memref_slice %arg12[%mul3A_66, %dma_wait3A] : memref<40x128xi32, #tpu.memory_space<vmem>> -> memref<1x128xi32, #tpu.memory_space<vmem>>
        %dma_wait3A_75 = tpu.memref_squeeze %dma_wait3A_74 : memref<1x128xi32, #tpu.memory_space<vmem>> -> memref<128xi32, #tpu.memory_space<vmem>>
        %dma_wait3A_76 = arith.constant 0 : i32
        %dma_wait3A_77 = arith.constant 0 : i32
        %dma_wait3A_78 = tpu.memref_slice %arg4[%dma_wait3A_76, %dma_wait3A_77] : memref<10240x128xf32, #tpu.memory_space<hbm>> -> memref<10240x128xf32, #tpu.memory_space<hbm>>
        tpu.wait_indirect_dma semaphore(%arg17 : memref<!tpu.dma_semaphore, #tpu.memory_space<semaphore_mem>>) src(%dma_wait3A_78 : memref<10240x128xf32, #tpu.memory_space<hbm>>) dst(%arg14 : memref<128x128xf32, #tpu.memory_space<vmem>>)
        "tpu.region"() ({
          %run_scoped3A = tpu.sem_alloc : memref<!tpu.dma_semaphore, #tpu.memory_space<semaphore_mem>>
          %dma_start3A_95 = arith.constant 0 : i32
          %dma_start3A_96 = tpu.memref_slice %arg13[%mul3A_66, %dma_start3A_95] : memref<40x128xi32, #tpu.memory_space<vmem>> -> memref<1x128xi32, #tpu.memory_space<vmem>>
          %dma_start3A_97 = tpu.memref_squeeze %dma_start3A_96 : memref<1x128xi32, #tpu.memory_space<vmem>> -> memref<128xi32, #tpu.memory_space<vmem>>
          %dma_start3A_98 = arith.constant 0 : i32
          %dma_start3A_99 = arith.constant 0 : i32
          %dma_start3A_100 = tpu.memref_slice %arg16[%dma_start3A_98, %dma_start3A_99] : memref<10240x128xf32, #tpu.memory_space<vmem_shared>> -> memref<10240x128xf32, #tpu.memory_space<vmem_shared>>
          tpu.enqueue_indirect_dma source(%arg14 : memref<128x128xf32, #tpu.memory_space<vmem>>) target(%dma_start3A_100 : memref<10240x128xf32, #tpu.memory_space<vmem_shared>>) offsets(%dma_start3A_97 : memref<128xi32, #tpu.memory_space<vmem>>) semaphore(%run_scoped3A : memref<!tpu.dma_semaphore, #tpu.memory_space<semaphore_mem>>) {add = true}
          %dma_wait3A_101 = arith.constant 0 : i32
          %dma_wait3A_102 = tpu.memref_slice %arg13[%mul3A_66, %dma_wait3A_101] : memref<40x128xi32, #tpu.memory_space<vmem>> -> memref<1x128xi32, #tpu.memory_space<vmem>>
          %dma_wait3A_103 = tpu.memref_squeeze %dma_wait3A_102 : memref<1x128xi32, #tpu.memory_space<vmem>> -> memref<128xi32, #tpu.memory_space<vmem>>
          %dma_wait3A_104 = arith.constant 0 : i32
          %dma_wait3A_105 = arith.constant 0 : i32
          %dma_wait3A_106 = tpu.memref_slice %arg16[%dma_wait3A_104, %dma_wait3A_105] : memref<10240x128xf32, #tpu.memory_space<vmem_shared>> -> memref<10240x128xf32, #tpu.memory_space<vmem_shared>>
          tpu.wait_indirect_dma semaphore(%run_scoped3A : memref<!tpu.dma_semaphore, #tpu.memory_space<semaphore_mem>>) src(%arg14 : memref<128x128xf32, #tpu.memory_space<vmem>>) dst(%dma_wait3A_106 : memref<10240x128xf32, #tpu.memory_space<vmem_shared>>)
          tpu.yield
        }) : () -> ()
        %add3A_79 = arith.constant 2 : i32
        %add3A_80 = arith.addi %mul3A_66, %add3A_79 : i32
        %lt3A = arith.constant 40 : i32
        %lt3A_81 = arith.cmpi slt, %add3A_80, %lt3A : i32
        %convert_element_type3A_82 = arith.extui %lt3A_81 : i1 to i32
        %cond3A_83 = arith.constant 0 : i32
        %cond3A_84 = arith.cmpi ne, %convert_element_type3A_82, %cond3A_83 : i32
        scf.if %cond3A_84 {
          %add3A_95 = arith.constant 2 : i32
          %add3A_96 = arith.addi %mul3A_66, %add3A_95 : i32
          %dma_start3A_97 = arith.constant 0 : i32
          %dma_start3A_98 = tpu.memref_slice %arg12[%add3A_96, %dma_start3A_97] : memref<40x128xi32, #tpu.memory_space<vmem>> -> memref<1x128xi32, #tpu.memory_space<vmem>>
          %dma_start3A_99 = tpu.memref_squeeze %dma_start3A_98 : memref<1x128xi32, #tpu.memory_space<vmem>> -> memref<128xi32, #tpu.memory_space<vmem>>
          %dma_start3A_100 = arith.constant 0 : i32
          %dma_start3A_101 = arith.constant 0 : i32
          %dma_start3A_102 = tpu.memref_slice %arg4[%dma_start3A_100, %dma_start3A_101] : memref<10240x128xf32, #tpu.memory_space<hbm>> -> memref<10240x128xf32, #tpu.memory_space<hbm>>
          tpu.enqueue_indirect_dma source(%dma_start3A_102 : memref<10240x128xf32, #tpu.memory_space<hbm>>) target(%arg14 : memref<128x128xf32, #tpu.memory_space<vmem>>) offsets(%dma_start3A_99 : memref<128xi32, #tpu.memory_space<vmem>>) semaphore(%arg17 : memref<!tpu.dma_semaphore, #tpu.memory_space<semaphore_mem>>)
        } else {
        }
        %add3A_85 = arith.constant 1 : i32
        %add3A_86 = arith.addi %mul3A_66, %add3A_85 : i32
        %dma_wait3A_87 = arith.constant 0 : i32
        %dma_wait3A_88 = tpu.memref_slice %arg12[%add3A_86, %dma_wait3A_87] : memref<40x128xi32, #tpu.memory_space<vmem>> -> memref<1x128xi32, #tpu.memory_space<vmem>>
        %dma_wait3A_89 = tpu.memref_squeeze %dma_wait3A_88 : memref<1x128xi32, #tpu.memory_space<vmem>> -> memref<128xi32, #tpu.memory_space<vmem>>
        %dma_wait3A_90 = arith.constant 0 : i32
        %dma_wait3A_91 = arith.constant 0 : i32
        %dma_wait3A_92 = tpu.memref_slice %arg4[%dma_wait3A_90, %dma_wait3A_91] : memref<10240x128xf32, #tpu.memory_space<hbm>> -> memref<10240x128xf32, #tpu.memory_space<hbm>>
        tpu.wait_indirect_dma semaphore(%arg18 : memref<!tpu.dma_semaphore, #tpu.memory_space<semaphore_mem>>) src(%dma_wait3A_92 : memref<10240x128xf32, #tpu.memory_space<hbm>>) dst(%arg15 : memref<128x128xf32, #tpu.memory_space<vmem>>)
        %add3A_93 = arith.constant 1 : i32
        %add3A_94 = arith.addi %mul3A_66, %add3A_93 : i32
        "tpu.region"() ({
          %run_scoped3A = tpu.sem_alloc : memref<!tpu.dma_semaphore, #tpu.memory_space<semaphore_mem>>
          %dma_start3A_95 = arith.constant 0 : i32
          %dma_start3A_96 = tpu.memref_slice %arg13[%add3A_94, %dma_start3A_95] : memref<40x128xi32, #tpu.memory_space<vmem>> -> memref<1x128xi32, #tpu.memory_space<vmem>>
          %dma_start3A_97 = tpu.memref_squeeze %dma_start3A_96 : memref<1x128xi32, #tpu.memory_space<vmem>> -> memref<128xi32, #tpu.memory_space<vmem>>
          %dma_start3A_98 = arith.constant 0 : i32
          %dma_start3A_99 = arith.constant 0 : i32
          %dma_start3A_100 = tpu.memref_slice %arg16[%dma_start3A_98, %dma_start3A_99] : memref<10240x128xf32, #tpu.memory_space<vmem_shared>> -> memref<10240x128xf32, #tpu.memory_space<vmem_shared>>
          tpu.enqueue_indirect_dma source(%arg15 : memref<128x128xf32, #tpu.memory_space<vmem>>) target(%dma_start3A_100 : memref<10240x128xf32, #tpu.memory_space<vmem_shared>>) offsets(%dma_start3A_97 : memref<128xi32, #tpu.memory_space<vmem>>) semaphore(%run_scoped3A : memref<!tpu.dma_semaphore, #tpu.memory_space<semaphore_mem>>) {add = true}
          %dma_wait3A_101 = arith.constant 0 : i32
          %dma_wait3A_102 = tpu.memref_slice %arg13[%add3A_94, %dma_wait3A_101] : memref<40x128xi32, #tpu.memory_space<vmem>> -> memref<1x128xi32, #tpu.memory_space<vmem>>
          %dma_wait3A_103 = tpu.memref_squeeze %dma_wait3A_102 : memref<1x128xi32, #tpu.memory_space<vmem>> -> memref<128xi32, #tpu.memory_space<vmem>>
          %dma_wait3A_104 = arith.constant 0 : i32
          %dma_wait3A_105 = arith.constant 0 : i32
          %dma_wait3A_106 = tpu.memref_slice %arg16[%dma_wait3A_104, %dma_wait3A_105] : memref<10240x128xf32, #tpu.memory_space<vmem_shared>> -> memref<10240x128xf32, #tpu.memory_space<vmem_shared>>
          tpu.wait_indirect_dma semaphore(%run_scoped3A : memref<!tpu.dma_semaphore, #tpu.memory_space<semaphore_mem>>) src(%arg15 : memref<128x128xf32, #tpu.memory_space<vmem>>) dst(%dma_wait3A_106 : memref<10240x128xf32, #tpu.memory_space<vmem_shared>>)
          tpu.yield
        }) : () -> ()
      }
      %scan3A_18 = arith.constant 20 : i32
      "tpu.region"() ({
        %run_scoped3A = tpu.sem_alloc : memref<!tpu.dma_semaphore, #tpu.memory_space<semaphore_mem>>
        %dma_start3A_64 = arith.constant 40 : i32
        %dma_start3A_65 = arith.constant 0 : i32
        %dma_start3A_66 = tpu.memref_slice %arg6[%arg1, %dma_start3A_64, %dma_start3A_65] : memref<16x80x128xi32, #tpu.memory_space<hbm>> -> memref<1x40x128xi32, #tpu.memory_space<hbm>>
        %dma_start3A_67 = tpu.memref_squeeze %dma_start3A_66 : memref<1x40x128xi32, #tpu.memory_space<hbm>> -> memref<40x128xi32, #tpu.memory_space<hbm>>
        %dma_start3A_68 = arith.constant 40 : i32
        %dma_start3A_69 = arith.constant 0 : i32
        %dma_start3A_70 = tpu.memref_slice %arg6[%arg1, %dma_start3A_68, %dma_start3A_69] : memref<16x80x128xi32, #tpu.memory_space<hbm>> -> memref<1x40x128xi32, #tpu.memory_space<hbm>>
        %dma_start3A_71 = tpu.memref_squeeze %dma_start3A_70 : memref<1x40x128xi32, #tpu.memory_space<hbm>> -> memref<40x128xi32, #tpu.memory_space<hbm>>
        tpu.enqueue_dma source(%dma_start3A_71 : memref<40x128xi32, #tpu.memory_space<hbm>>) target(%arg12 : memref<40x128xi32, #tpu.memory_space<vmem>>) target_semaphore(%run_scoped3A : memref<!tpu.dma_semaphore, #tpu.memory_space<semaphore_mem>>)
        %dma_wait3A = arith.constant 40 : i32
        %dma_wait3A_72 = arith.constant 0 : i32
        %dma_wait3A_73 = tpu.memref_slice %arg6[%arg1, %dma_wait3A, %dma_wait3A_72] : memref<16x80x128xi32, #tpu.memory_space<hbm>> -> memref<1x40x128xi32, #tpu.memory_space<hbm>>
        %dma_wait3A_74 = tpu.memref_squeeze %dma_wait3A_73 : memref<1x40x128xi32, #tpu.memory_space<hbm>> -> memref<40x128xi32, #tpu.memory_space<hbm>>
        %dma_wait3A_75 = arith.constant 40 : i32
        %dma_wait3A_76 = arith.constant 0 : i32
        %dma_wait3A_77 = tpu.memref_slice %arg6[%arg1, %dma_wait3A_75, %dma_wait3A_76] : memref<16x80x128xi32, #tpu.memory_space<hbm>> -> memref<1x40x128xi32, #tpu.memory_space<hbm>>
        %dma_wait3A_78 = tpu.memref_squeeze %dma_wait3A_77 : memref<1x40x128xi32, #tpu.memory_space<hbm>> -> memref<40x128xi32, #tpu.memory_space<hbm>>
        tpu.wait_dma2 semaphore(%run_scoped3A : memref<!tpu.dma_semaphore, #tpu.memory_space<semaphore_mem>>) src(%dma_wait3A_78 : memref<40x128xi32, #tpu.memory_space<hbm>>) dst(%arg12 : memref<40x128xi32, #tpu.memory_space<vmem>>)
        tpu.yield
      }) : () -> ()
      "tpu.region"() ({
        %run_scoped3A = tpu.sem_alloc : memref<!tpu.dma_semaphore, #tpu.memory_space<semaphore_mem>>
        %dma_start3A_64 = arith.constant 40 : i32
        %dma_start3A_65 = arith.constant 0 : i32
        %dma_start3A_66 = tpu.memref_slice %arg7[%arg1, %dma_start3A_64, %dma_start3A_65] : memref<16x80x128xi32, #tpu.memory_space<hbm>> -> memref<1x40x128xi32, #tpu.memory_space<hbm>>
        %dma_start3A_67 = tpu.memref_squeeze %dma_start3A_66 : memref<1x40x128xi32, #tpu.memory_space<hbm>> -> memref<40x128xi32, #tpu.memory_space<hbm>>
        %dma_start3A_68 = arith.constant 40 : i32
        %dma_start3A_69 = arith.constant 0 : i32
        %dma_start3A_70 = tpu.memref_slice %arg7[%arg1, %dma_start3A_68, %dma_start3A_69] : memref<16x80x128xi32, #tpu.memory_space<hbm>> -> memref<1x40x128xi32, #tpu.memory_space<hbm>>
        %dma_start3A_71 = tpu.memref_squeeze %dma_start3A_70 : memref<1x40x128xi32, #tpu.memory_space<hbm>> -> memref<40x128xi32, #tpu.memory_space<hbm>>
        tpu.enqueue_dma source(%dma_start3A_71 : memref<40x128xi32, #tpu.memory_space<hbm>>) target(%arg13 : memref<40x128xi32, #tpu.memory_space<vmem>>) target_semaphore(%run_scoped3A : memref<!tpu.dma_semaphore, #tpu.memory_space<semaphore_mem>>)
        %dma_wait3A = arith.constant 40 : i32
        %dma_wait3A_72 = arith.constant 0 : i32
        %dma_wait3A_73 = tpu.memref_slice %arg7[%arg1, %dma_wait3A, %dma_wait3A_72] : memref<16x80x128xi32, #tpu.memory_space<hbm>> -> memref<1x40x128xi32, #tpu.memory_space<hbm>>
        %dma_wait3A_74 = tpu.memref_squeeze %dma_wait3A_73 : memref<1x40x128xi32, #tpu.memory_space<hbm>> -> memref<40x128xi32, #tpu.memory_space<hbm>>
        %dma_wait3A_75 = arith.constant 40 : i32
        %dma_wait3A_76 = arith.constant 0 : i32
        %dma_wait3A_77 = tpu.memref_slice %arg7[%arg1, %dma_wait3A_75, %dma_wait3A_76] : memref<16x80x128xi32, #tpu.memory_space<hbm>> -> memref<1x40x128xi32, #tpu.memory_space<hbm>>
        %dma_wait3A_78 = tpu.memref_squeeze %dma_wait3A_77 : memref<1x40x128xi32, #tpu.memory_space<hbm>> -> memref<40x128xi32, #tpu.memory_space<hbm>>
        tpu.wait_dma2 semaphore(%run_scoped3A : memref<!tpu.dma_semaphore, #tpu.memory_space<semaphore_mem>>) src(%dma_wait3A_78 : memref<40x128xi32, #tpu.memory_space<hbm>>) dst(%arg13 : memref<40x128xi32, #tpu.memory_space<vmem>>)
        tpu.yield
      }) : () -> ()
      %dma_start3A_19 = arith.constant 0 : i32
      %dma_start3A_20 = arith.constant 0 : i32
      %dma_start3A_21 = tpu.memref_slice %arg12[%dma_start3A_19, %dma_start3A_20] : memref<40x128xi32, #tpu.memory_space<vmem>> -> memref<1x128xi32, #tpu.memory_space<vmem>>
      %dma_start3A_22 = tpu.memref_squeeze %dma_start3A_21 : memref<1x128xi32, #tpu.memory_space<vmem>> -> memref<128xi32, #tpu.memory_space<vmem>>
      %dma_start3A_23 = arith.constant 0 : i32
      %dma_start3A_24 = arith.constant 0 : i32
      %dma_start3A_25 = tpu.memref_slice %arg4[%dma_start3A_23, %dma_start3A_24] : memref<10240x128xf32, #tpu.memory_space<hbm>> -> memref<10240x128xf32, #tpu.memory_space<hbm>>
      tpu.enqueue_indirect_dma source(%dma_start3A_25 : memref<10240x128xf32, #tpu.memory_space<hbm>>) target(%arg14 : memref<128x128xf32, #tpu.memory_space<vmem>>) offsets(%dma_start3A_22 : memref<128xi32, #tpu.memory_space<vmem>>) semaphore(%arg17 : memref<!tpu.dma_semaphore, #tpu.memory_space<semaphore_mem>>)
      %scan3A_26 = arith.constant 0 : i32
      %scan3A_27 = arith.constant 0 : i32
      %scan3A_28 = arith.constant 20 : i32
      %scan3A_29 = arith.addi %scan3A_27, %scan3A_28 : i32
      %scan3A_30 = arith.constant 1 : i32
      scf.for %scan3A_64 = %scan3A_27 to %scan3A_29 step %scan3A_30  : i32 {
        %mul3A_65 = arith.constant 2 : i32
        %mul3A_66 = arith.muli %mul3A_65, %scan3A_64 : i32
        %add3A = arith.constant 1 : i32
        %add3A_67 = arith.addi %mul3A_66, %add3A : i32
        %dma_start3A_68 = arith.constant 0 : i32
        %dma_start3A_69 = tpu.memref_slice %arg12[%add3A_67, %dma_start3A_68] : memref<40x128xi32, #tpu.memory_space<vmem>> -> memref<1x128xi32, #tpu.memory_space<vmem>>
        %dma_start3A_70 = tpu.memref_squeeze %dma_start3A_69 : memref<1x128xi32, #tpu.memory_space<vmem>> -> memref<128xi32, #tpu.memory_space<vmem>>
        %dma_start3A_71 = arith.constant 0 : i32
        %dma_start3A_72 = arith.constant 0 : i32
        %dma_start3A_73 = tpu.memref_slice %arg4[%dma_start3A_71, %dma_start3A_72] : memref<10240x128xf32, #tpu.memory_space<hbm>> -> memref<10240x128xf32, #tpu.memory_space<hbm>>
        tpu.enqueue_indirect_dma source(%dma_start3A_73 : memref<10240x128xf32, #tpu.memory_space<hbm>>) target(%arg15 : memref<128x128xf32, #tpu.memory_space<vmem>>) offsets(%dma_start3A_70 : memref<128xi32, #tpu.memory_space<vmem>>) semaphore(%arg18 : memref<!tpu.dma_semaphore, #tpu.memory_space<semaphore_mem>>)
        %dma_wait3A = arith.constant 0 : i32
        %dma_wait3A_74 = tpu.memref_slice %arg12[%mul3A_66, %dma_wait3A] : memref<40x128xi32, #tpu.memory_space<vmem>> -> memref<1x128xi32, #tpu.memory_space<vmem>>
        %dma_wait3A_75 = tpu.memref_squeeze %dma_wait3A_74 : memref<1x128xi32, #tpu.memory_space<vmem>> -> memref<128xi32, #tpu.memory_space<vmem>>
        %dma_wait3A_76 = arith.constant 0 : i32
        %dma_wait3A_77 = arith.constant 0 : i32
        %dma_wait3A_78 = tpu.memref_slice %arg4[%dma_wait3A_76, %dma_wait3A_77] : memref<10240x128xf32, #tpu.memory_space<hbm>> -> memref<10240x128xf32, #tpu.memory_space<hbm>>
        tpu.wait_indirect_dma semaphore(%arg17 : memref<!tpu.dma_semaphore, #tpu.memory_space<semaphore_mem>>) src(%dma_wait3A_78 : memref<10240x128xf32, #tpu.memory_space<hbm>>) dst(%arg14 : memref<128x128xf32, #tpu.memory_space<vmem>>)
        "tpu.region"() ({
          %run_scoped3A = tpu.sem_alloc : memref<!tpu.dma_semaphore, #tpu.memory_space<semaphore_mem>>
          %dma_start3A_95 = arith.constant 0 : i32
          %dma_start3A_96 = tpu.memref_slice %arg13[%mul3A_66, %dma_start3A_95] : memref<40x128xi32, #tpu.memory_space<vmem>> -> memref<1x128xi32, #tpu.memory_space<vmem>>
          %dma_start3A_97 = tpu.memref_squeeze %dma_start3A_96 : memref<1x128xi32, #tpu.memory_space<vmem>> -> memref<128xi32, #tpu.memory_space<vmem>>
          %dma_start3A_98 = arith.constant 0 : i32
          %dma_start3A_99 = arith.constant 0 : i32
          %dma_start3A_100 = tpu.memref_slice %arg16[%dma_start3A_98, %dma_start3A_99] : memref<10240x128xf32, #tpu.memory_space<vmem_shared>> -> memref<10240x128xf32, #tpu.memory_space<vmem_shared>>
          tpu.enqueue_indirect_dma source(%arg14 : memref<128x128xf32, #tpu.memory_space<vmem>>) target(%dma_start3A_100 : memref<10240x128xf32, #tpu.memory_space<vmem_shared>>) offsets(%dma_start3A_97 : memref<128xi32, #tpu.memory_space<vmem>>) semaphore(%run_scoped3A : memref<!tpu.dma_semaphore, #tpu.memory_space<semaphore_mem>>) {add = true}
          %dma_wait3A_101 = arith.constant 0 : i32
          %dma_wait3A_102 = tpu.memref_slice %arg13[%mul3A_66, %dma_wait3A_101] : memref<40x128xi32, #tpu.memory_space<vmem>> -> memref<1x128xi32, #tpu.memory_space<vmem>>
          %dma_wait3A_103 = tpu.memref_squeeze %dma_wait3A_102 : memref<1x128xi32, #tpu.memory_space<vmem>> -> memref<128xi32, #tpu.memory_space<vmem>>
          %dma_wait3A_104 = arith.constant 0 : i32
          %dma_wait3A_105 = arith.constant 0 : i32
          %dma_wait3A_106 = tpu.memref_slice %arg16[%dma_wait3A_104, %dma_wait3A_105] : memref<10240x128xf32, #tpu.memory_space<vmem_shared>> -> memref<10240x128xf32, #tpu.memory_space<vmem_shared>>
          tpu.wait_indirect_dma semaphore(%run_scoped3A : memref<!tpu.dma_semaphore, #tpu.memory_space<semaphore_mem>>) src(%arg14 : memref<128x128xf32, #tpu.memory_space<vmem>>) dst(%dma_wait3A_106 : memref<10240x128xf32, #tpu.memory_space<vmem_shared>>)
          tpu.yield
        }) : () -> ()
        %add3A_79 = arith.constant 2 : i32
        %add3A_80 = arith.addi %mul3A_66, %add3A_79 : i32
        %lt3A = arith.constant 40 : i32
        %lt3A_81 = arith.cmpi slt, %add3A_80, %lt3A : i32
        %convert_element_type3A_82 = arith.extui %lt3A_81 : i1 to i32
        %cond3A_83 = arith.constant 0 : i32
        %cond3A_84 = arith.cmpi ne, %convert_element_type3A_82, %cond3A_83 : i32
        scf.if %cond3A_84 {
          %add3A_95 = arith.constant 2 : i32
          %add3A_96 = arith.addi %mul3A_66, %add3A_95 : i32
          %dma_start3A_97 = arith.constant 0 : i32
          %dma_start3A_98 = tpu.memref_slice %arg12[%add3A_96, %dma_start3A_97] : memref<40x128xi32, #tpu.memory_space<vmem>> -> memref<1x128xi32, #tpu.memory_space<vmem>>
          %dma_start3A_99 = tpu.memref_squeeze %dma_start3A_98 : memref<1x128xi32, #tpu.memory_space<vmem>> -> memref<128xi32, #tpu.memory_space<vmem>>
          %dma_start3A_100 = arith.constant 0 : i32
          %dma_start3A_101 = arith.constant 0 : i32
          %dma_start3A_102 = tpu.memref_slice %arg4[%dma_start3A_100, %dma_start3A_101] : memref<10240x128xf32, #tpu.memory_space<hbm>> -> memref<10240x128xf32, #tpu.memory_space<hbm>>
          tpu.enqueue_indirect_dma source(%dma_start3A_102 : memref<10240x128xf32, #tpu.memory_space<hbm>>) target(%arg14 : memref<128x128xf32, #tpu.memory_space<vmem>>) offsets(%dma_start3A_99 : memref<128xi32, #tpu.memory_space<vmem>>) semaphore(%arg17 : memref<!tpu.dma_semaphore, #tpu.memory_space<semaphore_mem>>)
        } else {
        }
        %add3A_85 = arith.constant 1 : i32
        %add3A_86 = arith.addi %mul3A_66, %add3A_85 : i32
        %dma_wait3A_87 = arith.constant 0 : i32
        %dma_wait3A_88 = tpu.memref_slice %arg12[%add3A_86, %dma_wait3A_87] : memref<40x128xi32, #tpu.memory_space<vmem>> -> memref<1x128xi32, #tpu.memory_space<vmem>>
        %dma_wait3A_89 = tpu.memref_squeeze %dma_wait3A_88 : memref<1x128xi32, #tpu.memory_space<vmem>> -> memref<128xi32, #tpu.memory_space<vmem>>
        %dma_wait3A_90 = arith.constant 0 : i32
        %dma_wait3A_91 = arith.constant 0 : i32
        %dma_wait3A_92 = tpu.memref_slice %arg4[%dma_wait3A_90, %dma_wait3A_91] : memref<10240x128xf32, #tpu.memory_space<hbm>> -> memref<10240x128xf32, #tpu.memory_space<hbm>>
        tpu.wait_indirect_dma semaphore(%arg18 : memref<!tpu.dma_semaphore, #tpu.memory_space<semaphore_mem>>) src(%dma_wait3A_92 : memref<10240x128xf32, #tpu.memory_space<hbm>>) dst(%arg15 : memref<128x128xf32, #tpu.memory_space<vmem>>)
        %add3A_93 = arith.constant 1 : i32
        %add3A_94 = arith.addi %mul3A_66, %add3A_93 : i32
        "tpu.region"() ({
          %run_scoped3A = tpu.sem_alloc : memref<!tpu.dma_semaphore, #tpu.memory_space<semaphore_mem>>
          %dma_start3A_95 = arith.constant 0 : i32
          %dma_start3A_96 = tpu.memref_slice %arg13[%add3A_94, %dma_start3A_95] : memref<40x128xi32, #tpu.memory_space<vmem>> -> memref<1x128xi32, #tpu.memory_space<vmem>>
          %dma_start3A_97 = tpu.memref_squeeze %dma_start3A_96 : memref<1x128xi32, #tpu.memory_space<vmem>> -> memref<128xi32, #tpu.memory_space<vmem>>
          %dma_start3A_98 = arith.constant 0 : i32
          %dma_start3A_99 = arith.constant 0 : i32
          %dma_start3A_100 = tpu.memref_slice %arg16[%dma_start3A_98, %dma_start3A_99] : memref<10240x128xf32, #tpu.memory_space<vmem_shared>> -> memref<10240x128xf32, #tpu.memory_space<vmem_shared>>
          tpu.enqueue_indirect_dma source(%arg15 : memref<128x128xf32, #tpu.memory_space<vmem>>) target(%dma_start3A_100 : memref<10240x128xf32, #tpu.memory_space<vmem_shared>>) offsets(%dma_start3A_97 : memref<128xi32, #tpu.memory_space<vmem>>) semaphore(%run_scoped3A : memref<!tpu.dma_semaphore, #tpu.memory_space<semaphore_mem>>) {add = true}
          %dma_wait3A_101 = arith.constant 0 : i32
          %dma_wait3A_102 = tpu.memref_slice %arg13[%add3A_94, %dma_wait3A_101] : memref<40x128xi32, #tpu.memory_space<vmem>> -> memref<1x128xi32, #tpu.memory_space<vmem>>
          %dma_wait3A_103 = tpu.memref_squeeze %dma_wait3A_102 : memref<1x128xi32, #tpu.memory_space<vmem>> -> memref<128xi32, #tpu.memory_space<vmem>>
          %dma_wait3A_104 = arith.constant 0 : i32
          %dma_wait3A_105 = arith.constant 0 : i32
          %dma_wait3A_106 = tpu.memref_slice %arg16[%dma_wait3A_104, %dma_wait3A_105] : memref<10240x128xf32, #tpu.memory_space<vmem_shared>> -> memref<10240x128xf32, #tpu.memory_space<vmem_shared>>
          tpu.wait_indirect_dma semaphore(%run_scoped3A : memref<!tpu.dma_semaphore, #tpu.memory_space<semaphore_mem>>) src(%arg15 : memref<128x128xf32, #tpu.memory_space<vmem>>) dst(%dma_wait3A_106 : memref<10240x128xf32, #tpu.memory_space<vmem_shared>>)
          tpu.yield
        }) : () -> ()
      }
      %scan3A_31 = arith.constant 20 : i32
      %barrier3A_32 = arith.constant 0 : index
      tpu.barrier barrier_id(%barrier3A_32)
      "tpu.region"() ({
        %run_scoped3A = tpu.sem_alloc : memref<!tpu.dma_semaphore, #tpu.memory_space<semaphore_mem>>
        %dma_start3A_64 = arith.constant 0 : i32
        %dma_start3A_65 = tpu.memref_slice %arg10[%mul3A_7, %dma_start3A_64] : memref<10240x128xf32, #tpu.memory_space<hbm>> -> memref<640x128xf32, #tpu.memory_space<hbm>>
        %dma_start3A_66 = arith.constant 0 : i32
        %dma_start3A_67 = tpu.memref_slice %arg16[%mul3A_7, %dma_start3A_66] : memref<10240x128xf32, #tpu.memory_space<vmem_shared>> -> memref<640x128xf32, #tpu.memory_space<vmem_shared>>
        tpu.enqueue_dma source(%dma_start3A_67 : memref<640x128xf32, #tpu.memory_space<vmem_shared>>) target(%dma_start3A_65 : memref<640x128xf32, #tpu.memory_space<hbm>>) target_semaphore(%run_scoped3A : memref<!tpu.dma_semaphore, #tpu.memory_space<semaphore_mem>>)
        %dma_wait3A = arith.constant 0 : i32
        %dma_wait3A_68 = tpu.memref_slice %arg10[%mul3A_7, %dma_wait3A] : memref<10240x128xf32, #tpu.memory_space<hbm>> -> memref<640x128xf32, #tpu.memory_space<hbm>>
        %dma_wait3A_69 = arith.constant 0 : i32
        %dma_wait3A_70 = tpu.memref_slice %arg16[%mul3A_7, %dma_wait3A_69] : memref<10240x128xf32, #tpu.memory_space<vmem_shared>> -> memref<640x128xf32, #tpu.memory_space<vmem_shared>>
        tpu.wait_dma2 semaphore(%run_scoped3A : memref<!tpu.dma_semaphore, #tpu.memory_space<semaphore_mem>>) src(%dma_wait3A_70 : memref<640x128xf32, #tpu.memory_space<vmem_shared>>) dst(%dma_wait3A_68 : memref<640x128xf32, #tpu.memory_space<hbm>>)
        tpu.yield
      }) : () -> ()
      %barrier3A_33 = arith.constant 0 : index
      tpu.barrier barrier_id(%barrier3A_33)
      %mul3A_34 = arith.constant 640 : i32
      %mul3A_35 = arith.muli %arg1, %mul3A_34 : i32
      "tpu.region"() ({
        %run_scoped3A = tpu.sem_alloc : memref<!tpu.dma_semaphore, #tpu.memory_space<semaphore_mem>>
        %dma_start3A_64 = arith.constant 0 : i32
        %dma_start3A_65 = tpu.memref_slice %arg16[%mul3A_35, %dma_start3A_64] : memref<10240x128xf32, #tpu.memory_space<vmem_shared>> -> memref<640x128xf32, #tpu.memory_space<vmem_shared>>
        %dma_start3A_66 = arith.constant 0 : i32
        %dma_start3A_67 = tpu.memref_slice %arg5[%mul3A_35, %dma_start3A_66] : memref<10240x128xf32, #tpu.memory_space<hbm>> -> memref<640x128xf32, #tpu.memory_space<hbm>>
        tpu.enqueue_dma source(%dma_start3A_67 : memref<640x128xf32, #tpu.memory_space<hbm>>) target(%dma_start3A_65 : memref<640x128xf32, #tpu.memory_space<vmem_shared>>) target_semaphore(%run_scoped3A : memref<!tpu.dma_semaphore, #tpu.memory_space<semaphore_mem>>)
        %dma_wait3A = arith.constant 0 : i32
        %dma_wait3A_68 = tpu.memref_slice %arg16[%mul3A_35, %dma_wait3A] : memref<10240x128xf32, #tpu.memory_space<vmem_shared>> -> memref<640x128xf32, #tpu.memory_space<vmem_shared>>
        %dma_wait3A_69 = arith.constant 0 : i32
        %dma_wait3A_70 = tpu.memref_slice %arg5[%mul3A_35, %dma_wait3A_69] : memref<10240x128xf32, #tpu.memory_space<hbm>> -> memref<640x128xf32, #tpu.memory_space<hbm>>
        tpu.wait_dma2 semaphore(%run_scoped3A : memref<!tpu.dma_semaphore, #tpu.memory_space<semaphore_mem>>) src(%dma_wait3A_70 : memref<640x128xf32, #tpu.memory_space<hbm>>) dst(%dma_wait3A_68 : memref<640x128xf32, #tpu.memory_space<vmem_shared>>)
        tpu.yield
      }) : () -> ()
      %barrier3A_36 = arith.constant 0 : index
      tpu.barrier barrier_id(%barrier3A_36)
      "tpu.region"() ({
        %run_scoped3A = tpu.sem_alloc : memref<!tpu.dma_semaphore, #tpu.memory_space<semaphore_mem>>
        %dma_start3A_64 = arith.constant 0 : i32
        %dma_start3A_65 = arith.constant 0 : i32
        %dma_start3A_66 = tpu.memref_slice %arg6[%arg1, %dma_start3A_64, %dma_start3A_65] : memref<16x80x128xi32, #tpu.memory_space<hbm>> -> memref<1x40x128xi32, #tpu.memory_space<hbm>>
        %dma_start3A_67 = tpu.memref_squeeze %dma_start3A_66 : memref<1x40x128xi32, #tpu.memory_space<hbm>> -> memref<40x128xi32, #tpu.memory_space<hbm>>
        %dma_start3A_68 = arith.constant 0 : i32
        %dma_start3A_69 = arith.constant 0 : i32
        %dma_start3A_70 = tpu.memref_slice %arg6[%arg1, %dma_start3A_68, %dma_start3A_69] : memref<16x80x128xi32, #tpu.memory_space<hbm>> -> memref<1x40x128xi32, #tpu.memory_space<hbm>>
        %dma_start3A_71 = tpu.memref_squeeze %dma_start3A_70 : memref<1x40x128xi32, #tpu.memory_space<hbm>> -> memref<40x128xi32, #tpu.memory_space<hbm>>
        tpu.enqueue_dma source(%dma_start3A_71 : memref<40x128xi32, #tpu.memory_space<hbm>>) target(%arg12 : memref<40x128xi32, #tpu.memory_space<vmem>>) target_semaphore(%run_scoped3A : memref<!tpu.dma_semaphore, #tpu.memory_space<semaphore_mem>>)
        %dma_wait3A = arith.constant 0 : i32
        %dma_wait3A_72 = arith.constant 0 : i32
        %dma_wait3A_73 = tpu.memref_slice %arg6[%arg1, %dma_wait3A, %dma_wait3A_72] : memref<16x80x128xi32, #tpu.memory_space<hbm>> -> memref<1x40x128xi32, #tpu.memory_space<hbm>>
        %dma_wait3A_74 = tpu.memref_squeeze %dma_wait3A_73 : memref<1x40x128xi32, #tpu.memory_space<hbm>> -> memref<40x128xi32, #tpu.memory_space<hbm>>
        %dma_wait3A_75 = arith.constant 0 : i32
        %dma_wait3A_76 = arith.constant 0 : i32
        %dma_wait3A_77 = tpu.memref_slice %arg6[%arg1, %dma_wait3A_75, %dma_wait3A_76] : memref<16x80x128xi32, #tpu.memory_space<hbm>> -> memref<1x40x128xi32, #tpu.memory_space<hbm>>
        %dma_wait3A_78 = tpu.memref_squeeze %dma_wait3A_77 : memref<1x40x128xi32, #tpu.memory_space<hbm>> -> memref<40x128xi32, #tpu.memory_space<hbm>>
        tpu.wait_dma2 semaphore(%run_scoped3A : memref<!tpu.dma_semaphore, #tpu.memory_space<semaphore_mem>>) src(%dma_wait3A_78 : memref<40x128xi32, #tpu.memory_space<hbm>>) dst(%arg12 : memref<40x128xi32, #tpu.memory_space<vmem>>)
        tpu.yield
      }) : () -> ()
      "tpu.region"() ({
        %run_scoped3A = tpu.sem_alloc : memref<!tpu.dma_semaphore, #tpu.memory_space<semaphore_mem>>
        %dma_start3A_64 = arith.constant 0 : i32
        %dma_start3A_65 = arith.constant 0 : i32
        %dma_start3A_66 = tpu.memref_slice %arg7[%arg1, %dma_start3A_64, %dma_start3A_65] : memref<16x80x128xi32, #tpu.memory_space<hbm>> -> memref<1x40x128xi32, #tpu.memory_space<hbm>>
        %dma_start3A_67 = tpu.memref_squeeze %dma_start3A_66 : memref<1x40x128xi32, #tpu.memory_space<hbm>> -> memref<40x128xi32, #tpu.memory_space<hbm>>
        %dma_start3A_68 = arith.constant 0 : i32
        %dma_start3A_69 = arith.constant 0 : i32
        %dma_start3A_70 = tpu.memref_slice %arg7[%arg1, %dma_start3A_68, %dma_start3A_69] : memref<16x80x128xi32, #tpu.memory_space<hbm>> -> memref<1x40x128xi32, #tpu.memory_space<hbm>>
        %dma_start3A_71 = tpu.memref_squeeze %dma_start3A_70 : memref<1x40x128xi32, #tpu.memory_space<hbm>> -> memref<40x128xi32, #tpu.memory_space<hbm>>
        tpu.enqueue_dma source(%dma_start3A_71 : memref<40x128xi32, #tpu.memory_space<hbm>>) target(%arg13 : memref<40x128xi32, #tpu.memory_space<vmem>>) target_semaphore(%run_scoped3A : memref<!tpu.dma_semaphore, #tpu.memory_space<semaphore_mem>>)
        %dma_wait3A = arith.constant 0 : i32
        %dma_wait3A_72 = arith.constant 0 : i32
        %dma_wait3A_73 = tpu.memref_slice %arg7[%arg1, %dma_wait3A, %dma_wait3A_72] : memref<16x80x128xi32, #tpu.memory_space<hbm>> -> memref<1x40x128xi32, #tpu.memory_space<hbm>>
        %dma_wait3A_74 = tpu.memref_squeeze %dma_wait3A_73 : memref<1x40x128xi32, #tpu.memory_space<hbm>> -> memref<40x128xi32, #tpu.memory_space<hbm>>
        %dma_wait3A_75 = arith.constant 0 : i32
        %dma_wait3A_76 = arith.constant 0 : i32
        %dma_wait3A_77 = tpu.memref_slice %arg7[%arg1, %dma_wait3A_75, %dma_wait3A_76] : memref<16x80x128xi32, #tpu.memory_space<hbm>> -> memref<1x40x128xi32, #tpu.memory_space<hbm>>
        %dma_wait3A_78 = tpu.memref_squeeze %dma_wait3A_77 : memref<1x40x128xi32, #tpu.memory_space<hbm>> -> memref<40x128xi32, #tpu.memory_space<hbm>>
        tpu.wait_dma2 semaphore(%run_scoped3A : memref<!tpu.dma_semaphore, #tpu.memory_space<semaphore_mem>>) src(%dma_wait3A_78 : memref<40x128xi32, #tpu.memory_space<hbm>>) dst(%arg13 : memref<40x128xi32, #tpu.memory_space<vmem>>)
        tpu.yield
      }) : () -> ()
      %dma_start3A_37 = arith.constant 0 : i32
      %dma_start3A_38 = arith.constant 0 : i32
      %dma_start3A_39 = tpu.memref_slice %arg12[%dma_start3A_37, %dma_start3A_38] : memref<40x128xi32, #tpu.memory_space<vmem>> -> memref<1x128xi32, #tpu.memory_space<vmem>>
      %dma_start3A_40 = tpu.memref_squeeze %dma_start3A_39 : memref<1x128xi32, #tpu.memory_space<vmem>> -> memref<128xi32, #tpu.memory_space<vmem>>
      %dma_start3A_41 = arith.constant 0 : i32
      %dma_start3A_42 = arith.constant 0 : i32
      %dma_start3A_43 = tpu.memref_slice %arg5[%dma_start3A_41, %dma_start3A_42] : memref<10240x128xf32, #tpu.memory_space<hbm>> -> memref<10240x128xf32, #tpu.memory_space<hbm>>
      tpu.enqueue_indirect_dma source(%dma_start3A_43 : memref<10240x128xf32, #tpu.memory_space<hbm>>) target(%arg14 : memref<128x128xf32, #tpu.memory_space<vmem>>) offsets(%dma_start3A_40 : memref<128xi32, #tpu.memory_space<vmem>>) semaphore(%arg17 : memref<!tpu.dma_semaphore, #tpu.memory_space<semaphore_mem>>)
      %scan3A_44 = arith.constant 0 : i32
      %scan3A_45 = arith.constant 0 : i32
      %scan3A_46 = arith.constant 20 : i32
      %scan3A_47 = arith.addi %scan3A_45, %scan3A_46 : i32
      %scan3A_48 = arith.constant 1 : i32
      scf.for %scan3A_64 = %scan3A_45 to %scan3A_47 step %scan3A_48  : i32 {
        %mul3A_65 = arith.constant 2 : i32
        %mul3A_66 = arith.muli %mul3A_65, %scan3A_64 : i32
        %add3A = arith.constant 1 : i32
        %add3A_67 = arith.addi %mul3A_66, %add3A : i32
        %dma_start3A_68 = arith.constant 0 : i32
        %dma_start3A_69 = tpu.memref_slice %arg12[%add3A_67, %dma_start3A_68] : memref<40x128xi32, #tpu.memory_space<vmem>> -> memref<1x128xi32, #tpu.memory_space<vmem>>
        %dma_start3A_70 = tpu.memref_squeeze %dma_start3A_69 : memref<1x128xi32, #tpu.memory_space<vmem>> -> memref<128xi32, #tpu.memory_space<vmem>>
        %dma_start3A_71 = arith.constant 0 : i32
        %dma_start3A_72 = arith.constant 0 : i32
        %dma_start3A_73 = tpu.memref_slice %arg5[%dma_start3A_71, %dma_start3A_72] : memref<10240x128xf32, #tpu.memory_space<hbm>> -> memref<10240x128xf32, #tpu.memory_space<hbm>>
        tpu.enqueue_indirect_dma source(%dma_start3A_73 : memref<10240x128xf32, #tpu.memory_space<hbm>>) target(%arg15 : memref<128x128xf32, #tpu.memory_space<vmem>>) offsets(%dma_start3A_70 : memref<128xi32, #tpu.memory_space<vmem>>) semaphore(%arg18 : memref<!tpu.dma_semaphore, #tpu.memory_space<semaphore_mem>>)
        %dma_wait3A = arith.constant 0 : i32
        %dma_wait3A_74 = tpu.memref_slice %arg12[%mul3A_66, %dma_wait3A] : memref<40x128xi32, #tpu.memory_space<vmem>> -> memref<1x128xi32, #tpu.memory_space<vmem>>
        %dma_wait3A_75 = tpu.memref_squeeze %dma_wait3A_74 : memref<1x128xi32, #tpu.memory_space<vmem>> -> memref<128xi32, #tpu.memory_space<vmem>>
        %dma_wait3A_76 = arith.constant 0 : i32
        %dma_wait3A_77 = arith.constant 0 : i32
        %dma_wait3A_78 = tpu.memref_slice %arg5[%dma_wait3A_76, %dma_wait3A_77] : memref<10240x128xf32, #tpu.memory_space<hbm>> -> memref<10240x128xf32, #tpu.memory_space<hbm>>
        tpu.wait_indirect_dma semaphore(%arg17 : memref<!tpu.dma_semaphore, #tpu.memory_space<semaphore_mem>>) src(%dma_wait3A_78 : memref<10240x128xf32, #tpu.memory_space<hbm>>) dst(%arg14 : memref<128x128xf32, #tpu.memory_space<vmem>>)
        "tpu.region"() ({
          %run_scoped3A = tpu.sem_alloc : memref<!tpu.dma_semaphore, #tpu.memory_space<semaphore_mem>>
          %dma_start3A_95 = arith.constant 0 : i32
          %dma_start3A_96 = tpu.memref_slice %arg13[%mul3A_66, %dma_start3A_95] : memref<40x128xi32, #tpu.memory_space<vmem>> -> memref<1x128xi32, #tpu.memory_space<vmem>>
          %dma_start3A_97 = tpu.memref_squeeze %dma_start3A_96 : memref<1x128xi32, #tpu.memory_space<vmem>> -> memref<128xi32, #tpu.memory_space<vmem>>
          %dma_start3A_98 = arith.constant 0 : i32
          %dma_start3A_99 = arith.constant 0 : i32
          %dma_start3A_100 = tpu.memref_slice %arg16[%dma_start3A_98, %dma_start3A_99] : memref<10240x128xf32, #tpu.memory_space<vmem_shared>> -> memref<10240x128xf32, #tpu.memory_space<vmem_shared>>
          tpu.enqueue_indirect_dma source(%arg14 : memref<128x128xf32, #tpu.memory_space<vmem>>) target(%dma_start3A_100 : memref<10240x128xf32, #tpu.memory_space<vmem_shared>>) offsets(%dma_start3A_97 : memref<128xi32, #tpu.memory_space<vmem>>) semaphore(%run_scoped3A : memref<!tpu.dma_semaphore, #tpu.memory_space<semaphore_mem>>) {add = true}
          %dma_wait3A_101 = arith.constant 0 : i32
          %dma_wait3A_102 = tpu.memref_slice %arg13[%mul3A_66, %dma_wait3A_101] : memref<40x128xi32, #tpu.memory_space<vmem>> -> memref<1x128xi32, #tpu.memory_space<vmem>>
          %dma_wait3A_103 = tpu.memref_squeeze %dma_wait3A_102 : memref<1x128xi32, #tpu.memory_space<vmem>> -> memref<128xi32, #tpu.memory_space<vmem>>
          %dma_wait3A_104 = arith.constant 0 : i32
          %dma_wait3A_105 = arith.constant 0 : i32
          %dma_wait3A_106 = tpu.memref_slice %arg16[%dma_wait3A_104, %dma_wait3A_105] : memref<10240x128xf32, #tpu.memory_space<vmem_shared>> -> memref<10240x128xf32, #tpu.memory_space<vmem_shared>>
          tpu.wait_indirect_dma semaphore(%run_scoped3A : memref<!tpu.dma_semaphore, #tpu.memory_space<semaphore_mem>>) src(%arg14 : memref<128x128xf32, #tpu.memory_space<vmem>>) dst(%dma_wait3A_106 : memref<10240x128xf32, #tpu.memory_space<vmem_shared>>)
          tpu.yield
        }) : () -> ()
        %add3A_79 = arith.constant 2 : i32
        %add3A_80 = arith.addi %mul3A_66, %add3A_79 : i32
        %lt3A = arith.constant 40 : i32
        %lt3A_81 = arith.cmpi slt, %add3A_80, %lt3A : i32
        %convert_element_type3A_82 = arith.extui %lt3A_81 : i1 to i32
        %cond3A_83 = arith.constant 0 : i32
        %cond3A_84 = arith.cmpi ne, %convert_element_type3A_82, %cond3A_83 : i32
        scf.if %cond3A_84 {
          %add3A_95 = arith.constant 2 : i32
          %add3A_96 = arith.addi %mul3A_66, %add3A_95 : i32
          %dma_start3A_97 = arith.constant 0 : i32
          %dma_start3A_98 = tpu.memref_slice %arg12[%add3A_96, %dma_start3A_97] : memref<40x128xi32, #tpu.memory_space<vmem>> -> memref<1x128xi32, #tpu.memory_space<vmem>>
          %dma_start3A_99 = tpu.memref_squeeze %dma_start3A_98 : memref<1x128xi32, #tpu.memory_space<vmem>> -> memref<128xi32, #tpu.memory_space<vmem>>
          %dma_start3A_100 = arith.constant 0 : i32
          %dma_start3A_101 = arith.constant 0 : i32
          %dma_start3A_102 = tpu.memref_slice %arg5[%dma_start3A_100, %dma_start3A_101] : memref<10240x128xf32, #tpu.memory_space<hbm>> -> memref<10240x128xf32, #tpu.memory_space<hbm>>
          tpu.enqueue_indirect_dma source(%dma_start3A_102 : memref<10240x128xf32, #tpu.memory_space<hbm>>) target(%arg14 : memref<128x128xf32, #tpu.memory_space<vmem>>) offsets(%dma_start3A_99 : memref<128xi32, #tpu.memory_space<vmem>>) semaphore(%arg17 : memref<!tpu.dma_semaphore, #tpu.memory_space<semaphore_mem>>)
        } else {
        }
        %add3A_85 = arith.constant 1 : i32
        %add3A_86 = arith.addi %mul3A_66, %add3A_85 : i32
        %dma_wait3A_87 = arith.constant 0 : i32
        %dma_wait3A_88 = tpu.memref_slice %arg12[%add3A_86, %dma_wait3A_87] : memref<40x128xi32, #tpu.memory_space<vmem>> -> memref<1x128xi32, #tpu.memory_space<vmem>>
        %dma_wait3A_89 = tpu.memref_squeeze %dma_wait3A_88 : memref<1x128xi32, #tpu.memory_space<vmem>> -> memref<128xi32, #tpu.memory_space<vmem>>
        %dma_wait3A_90 = arith.constant 0 : i32
        %dma_wait3A_91 = arith.constant 0 : i32
        %dma_wait3A_92 = tpu.memref_slice %arg5[%dma_wait3A_90, %dma_wait3A_91] : memref<10240x128xf32, #tpu.memory_space<hbm>> -> memref<10240x128xf32, #tpu.memory_space<hbm>>
        tpu.wait_indirect_dma semaphore(%arg18 : memref<!tpu.dma_semaphore, #tpu.memory_space<semaphore_mem>>) src(%dma_wait3A_92 : memref<10240x128xf32, #tpu.memory_space<hbm>>) dst(%arg15 : memref<128x128xf32, #tpu.memory_space<vmem>>)
        %add3A_93 = arith.constant 1 : i32
        %add3A_94 = arith.addi %mul3A_66, %add3A_93 : i32
        "tpu.region"() ({
          %run_scoped3A = tpu.sem_alloc : memref<!tpu.dma_semaphore, #tpu.memory_space<semaphore_mem>>
          %dma_start3A_95 = arith.constant 0 : i32
          %dma_start3A_96 = tpu.memref_slice %arg13[%add3A_94, %dma_start3A_95] : memref<40x128xi32, #tpu.memory_space<vmem>> -> memref<1x128xi32, #tpu.memory_space<vmem>>
          %dma_start3A_97 = tpu.memref_squeeze %dma_start3A_96 : memref<1x128xi32, #tpu.memory_space<vmem>> -> memref<128xi32, #tpu.memory_space<vmem>>
          %dma_start3A_98 = arith.constant 0 : i32
          %dma_start3A_99 = arith.constant 0 : i32
          %dma_start3A_100 = tpu.memref_slice %arg16[%dma_start3A_98, %dma_start3A_99] : memref<10240x128xf32, #tpu.memory_space<vmem_shared>> -> memref<10240x128xf32, #tpu.memory_space<vmem_shared>>
          tpu.enqueue_indirect_dma source(%arg15 : memref<128x128xf32, #tpu.memory_space<vmem>>) target(%dma_start3A_100 : memref<10240x128xf32, #tpu.memory_space<vmem_shared>>) offsets(%dma_start3A_97 : memref<128xi32, #tpu.memory_space<vmem>>) semaphore(%run_scoped3A : memref<!tpu.dma_semaphore, #tpu.memory_space<semaphore_mem>>) {add = true}
          %dma_wait3A_101 = arith.constant 0 : i32
          %dma_wait3A_102 = tpu.memref_slice %arg13[%add3A_94, %dma_wait3A_101] : memref<40x128xi32, #tpu.memory_space<vmem>> -> memref<1x128xi32, #tpu.memory_space<vmem>>
          %dma_wait3A_103 = tpu.memref_squeeze %dma_wait3A_102 : memref<1x128xi32, #tpu.memory_space<vmem>> -> memref<128xi32, #tpu.memory_space<vmem>>
          %dma_wait3A_104 = arith.constant 0 : i32
          %dma_wait3A_105 = arith.constant 0 : i32
          %dma_wait3A_106 = tpu.memref_slice %arg16[%dma_wait3A_104, %dma_wait3A_105] : memref<10240x128xf32, #tpu.memory_space<vmem_shared>> -> memref<10240x128xf32, #tpu.memory_space<vmem_shared>>
          tpu.wait_indirect_dma semaphore(%run_scoped3A : memref<!tpu.dma_semaphore, #tpu.memory_space<semaphore_mem>>) src(%arg15 : memref<128x128xf32, #tpu.memory_space<vmem>>) dst(%dma_wait3A_106 : memref<10240x128xf32, #tpu.memory_space<vmem_shared>>)
          tpu.yield
        }) : () -> ()
      }
      %scan3A_49 = arith.constant 20 : i32
      "tpu.region"() ({
        %run_scoped3A = tpu.sem_alloc : memref<!tpu.dma_semaphore, #tpu.memory_space<semaphore_mem>>
        %dma_start3A_64 = arith.constant 40 : i32
        %dma_start3A_65 = arith.constant 0 : i32
        %dma_start3A_66 = tpu.memref_slice %arg6[%arg1, %dma_start3A_64, %dma_start3A_65] : memref<16x80x128xi32, #tpu.memory_space<hbm>> -> memref<1x40x128xi32, #tpu.memory_space<hbm>>
        %dma_start3A_67 = tpu.memref_squeeze %dma_start3A_66 : memref<1x40x128xi32, #tpu.memory_space<hbm>> -> memref<40x128xi32, #tpu.memory_space<hbm>>
        %dma_start3A_68 = arith.constant 40 : i32
        %dma_start3A_69 = arith.constant 0 : i32
        %dma_start3A_70 = tpu.memref_slice %arg6[%arg1, %dma_start3A_68, %dma_start3A_69] : memref<16x80x128xi32, #tpu.memory_space<hbm>> -> memref<1x40x128xi32, #tpu.memory_space<hbm>>
        %dma_start3A_71 = tpu.memref_squeeze %dma_start3A_70 : memref<1x40x128xi32, #tpu.memory_space<hbm>> -> memref<40x128xi32, #tpu.memory_space<hbm>>
        tpu.enqueue_dma source(%dma_start3A_71 : memref<40x128xi32, #tpu.memory_space<hbm>>) target(%arg12 : memref<40x128xi32, #tpu.memory_space<vmem>>) target_semaphore(%run_scoped3A : memref<!tpu.dma_semaphore, #tpu.memory_space<semaphore_mem>>)
        %dma_wait3A = arith.constant 40 : i32
        %dma_wait3A_72 = arith.constant 0 : i32
        %dma_wait3A_73 = tpu.memref_slice %arg6[%arg1, %dma_wait3A, %dma_wait3A_72] : memref<16x80x128xi32, #tpu.memory_space<hbm>> -> memref<1x40x128xi32, #tpu.memory_space<hbm>>
        %dma_wait3A_74 = tpu.memref_squeeze %dma_wait3A_73 : memref<1x40x128xi32, #tpu.memory_space<hbm>> -> memref<40x128xi32, #tpu.memory_space<hbm>>
        %dma_wait3A_75 = arith.constant 40 : i32
        %dma_wait3A_76 = arith.constant 0 : i32
        %dma_wait3A_77 = tpu.memref_slice %arg6[%arg1, %dma_wait3A_75, %dma_wait3A_76] : memref<16x80x128xi32, #tpu.memory_space<hbm>> -> memref<1x40x128xi32, #tpu.memory_space<hbm>>
        %dma_wait3A_78 = tpu.memref_squeeze %dma_wait3A_77 : memref<1x40x128xi32, #tpu.memory_space<hbm>> -> memref<40x128xi32, #tpu.memory_space<hbm>>
        tpu.wait_dma2 semaphore(%run_scoped3A : memref<!tpu.dma_semaphore, #tpu.memory_space<semaphore_mem>>) src(%dma_wait3A_78 : memref<40x128xi32, #tpu.memory_space<hbm>>) dst(%arg12 : memref<40x128xi32, #tpu.memory_space<vmem>>)
        tpu.yield
      }) : () -> ()
      "tpu.region"() ({
        %run_scoped3A = tpu.sem_alloc : memref<!tpu.dma_semaphore, #tpu.memory_space<semaphore_mem>>
        %dma_start3A_64 = arith.constant 40 : i32
        %dma_start3A_65 = arith.constant 0 : i32
        %dma_start3A_66 = tpu.memref_slice %arg7[%arg1, %dma_start3A_64, %dma_start3A_65] : memref<16x80x128xi32, #tpu.memory_space<hbm>> -> memref<1x40x128xi32, #tpu.memory_space<hbm>>
        %dma_start3A_67 = tpu.memref_squeeze %dma_start3A_66 : memref<1x40x128xi32, #tpu.memory_space<hbm>> -> memref<40x128xi32, #tpu.memory_space<hbm>>
        %dma_start3A_68 = arith.constant 40 : i32
        %dma_start3A_69 = arith.constant 0 : i32
        %dma_start3A_70 = tpu.memref_slice %arg7[%arg1, %dma_start3A_68, %dma_start3A_69] : memref<16x80x128xi32, #tpu.memory_space<hbm>> -> memref<1x40x128xi32, #tpu.memory_space<hbm>>
        %dma_start3A_71 = tpu.memref_squeeze %dma_start3A_70 : memref<1x40x128xi32, #tpu.memory_space<hbm>> -> memref<40x128xi32, #tpu.memory_space<hbm>>
        tpu.enqueue_dma source(%dma_start3A_71 : memref<40x128xi32, #tpu.memory_space<hbm>>) target(%arg13 : memref<40x128xi32, #tpu.memory_space<vmem>>) target_semaphore(%run_scoped3A : memref<!tpu.dma_semaphore, #tpu.memory_space<semaphore_mem>>)
        %dma_wait3A = arith.constant 40 : i32
        %dma_wait3A_72 = arith.constant 0 : i32
        %dma_wait3A_73 = tpu.memref_slice %arg7[%arg1, %dma_wait3A, %dma_wait3A_72] : memref<16x80x128xi32, #tpu.memory_space<hbm>> -> memref<1x40x128xi32, #tpu.memory_space<hbm>>
        %dma_wait3A_74 = tpu.memref_squeeze %dma_wait3A_73 : memref<1x40x128xi32, #tpu.memory_space<hbm>> -> memref<40x128xi32, #tpu.memory_space<hbm>>
        %dma_wait3A_75 = arith.constant 40 : i32
        %dma_wait3A_76 = arith.constant 0 : i32
        %dma_wait3A_77 = tpu.memref_slice %arg7[%arg1, %dma_wait3A_75, %dma_wait3A_76] : memref<16x80x128xi32, #tpu.memory_space<hbm>> -> memref<1x40x128xi32, #tpu.memory_space<hbm>>
        %dma_wait3A_78 = tpu.memref_squeeze %dma_wait3A_77 : memref<1x40x128xi32, #tpu.memory_space<hbm>> -> memref<40x128xi32, #tpu.memory_space<hbm>>
        tpu.wait_dma2 semaphore(%run_scoped3A : memref<!tpu.dma_semaphore, #tpu.memory_space<semaphore_mem>>) src(%dma_wait3A_78 : memref<40x128xi32, #tpu.memory_space<hbm>>) dst(%arg13 : memref<40x128xi32, #tpu.memory_space<vmem>>)
        tpu.yield
      }) : () -> ()
      %dma_start3A_50 = arith.constant 0 : i32
      %dma_start3A_51 = arith.constant 0 : i32
      %dma_start3A_52 = tpu.memref_slice %arg12[%dma_start3A_50, %dma_start3A_51] : memref<40x128xi32, #tpu.memory_space<vmem>> -> memref<1x128xi32, #tpu.memory_space<vmem>>
      %dma_start3A_53 = tpu.memref_squeeze %dma_start3A_52 : memref<1x128xi32, #tpu.memory_space<vmem>> -> memref<128xi32, #tpu.memory_space<vmem>>
      %dma_start3A_54 = arith.constant 0 : i32
      %dma_start3A_55 = arith.constant 0 : i32
      %dma_start3A_56 = tpu.memref_slice %arg5[%dma_start3A_54, %dma_start3A_55] : memref<10240x128xf32, #tpu.memory_space<hbm>> -> memref<10240x128xf32, #tpu.memory_space<hbm>>
      tpu.enqueue_indirect_dma source(%dma_start3A_56 : memref<10240x128xf32, #tpu.memory_space<hbm>>) target(%arg14 : memref<128x128xf32, #tpu.memory_space<vmem>>) offsets(%dma_start3A_53 : memref<128xi32, #tpu.memory_space<vmem>>) semaphore(%arg17 : memref<!tpu.dma_semaphore, #tpu.memory_space<semaphore_mem>>)
      %scan3A_57 = arith.constant 0 : i32
      %scan3A_58 = arith.constant 0 : i32
      %scan3A_59 = arith.constant 20 : i32
      %scan3A_60 = arith.addi %scan3A_58, %scan3A_59 : i32
      %scan3A_61 = arith.constant 1 : i32
      scf.for %scan3A_64 = %scan3A_58 to %scan3A_60 step %scan3A_61  : i32 {
        %mul3A_65 = arith.constant 2 : i32
        %mul3A_66 = arith.muli %mul3A_65, %scan3A_64 : i32
        %add3A = arith.constant 1 : i32
        %add3A_67 = arith.addi %mul3A_66, %add3A : i32
        %dma_start3A_68 = arith.constant 0 : i32
        %dma_start3A_69 = tpu.memref_slice %arg12[%add3A_67, %dma_start3A_68] : memref<40x128xi32, #tpu.memory_space<vmem>> -> memref<1x128xi32, #tpu.memory_space<vmem>>
        %dma_start3A_70 = tpu.memref_squeeze %dma_start3A_69 : memref<1x128xi32, #tpu.memory_space<vmem>> -> memref<128xi32, #tpu.memory_space<vmem>>
        %dma_start3A_71 = arith.constant 0 : i32
        %dma_start3A_72 = arith.constant 0 : i32
        %dma_start3A_73 = tpu.memref_slice %arg5[%dma_start3A_71, %dma_start3A_72] : memref<10240x128xf32, #tpu.memory_space<hbm>> -> memref<10240x128xf32, #tpu.memory_space<hbm>>
        tpu.enqueue_indirect_dma source(%dma_start3A_73 : memref<10240x128xf32, #tpu.memory_space<hbm>>) target(%arg15 : memref<128x128xf32, #tpu.memory_space<vmem>>) offsets(%dma_start3A_70 : memref<128xi32, #tpu.memory_space<vmem>>) semaphore(%arg18 : memref<!tpu.dma_semaphore, #tpu.memory_space<semaphore_mem>>)
        %dma_wait3A = arith.constant 0 : i32
        %dma_wait3A_74 = tpu.memref_slice %arg12[%mul3A_66, %dma_wait3A] : memref<40x128xi32, #tpu.memory_space<vmem>> -> memref<1x128xi32, #tpu.memory_space<vmem>>
        %dma_wait3A_75 = tpu.memref_squeeze %dma_wait3A_74 : memref<1x128xi32, #tpu.memory_space<vmem>> -> memref<128xi32, #tpu.memory_space<vmem>>
        %dma_wait3A_76 = arith.constant 0 : i32
        %dma_wait3A_77 = arith.constant 0 : i32
        %dma_wait3A_78 = tpu.memref_slice %arg5[%dma_wait3A_76, %dma_wait3A_77] : memref<10240x128xf32, #tpu.memory_space<hbm>> -> memref<10240x128xf32, #tpu.memory_space<hbm>>
        tpu.wait_indirect_dma semaphore(%arg17 : memref<!tpu.dma_semaphore, #tpu.memory_space<semaphore_mem>>) src(%dma_wait3A_78 : memref<10240x128xf32, #tpu.memory_space<hbm>>) dst(%arg14 : memref<128x128xf32, #tpu.memory_space<vmem>>)
        "tpu.region"() ({
          %run_scoped3A = tpu.sem_alloc : memref<!tpu.dma_semaphore, #tpu.memory_space<semaphore_mem>>
          %dma_start3A_95 = arith.constant 0 : i32
          %dma_start3A_96 = tpu.memref_slice %arg13[%mul3A_66, %dma_start3A_95] : memref<40x128xi32, #tpu.memory_space<vmem>> -> memref<1x128xi32, #tpu.memory_space<vmem>>
          %dma_start3A_97 = tpu.memref_squeeze %dma_start3A_96 : memref<1x128xi32, #tpu.memory_space<vmem>> -> memref<128xi32, #tpu.memory_space<vmem>>
          %dma_start3A_98 = arith.constant 0 : i32
          %dma_start3A_99 = arith.constant 0 : i32
          %dma_start3A_100 = tpu.memref_slice %arg16[%dma_start3A_98, %dma_start3A_99] : memref<10240x128xf32, #tpu.memory_space<vmem_shared>> -> memref<10240x128xf32, #tpu.memory_space<vmem_shared>>
          tpu.enqueue_indirect_dma source(%arg14 : memref<128x128xf32, #tpu.memory_space<vmem>>) target(%dma_start3A_100 : memref<10240x128xf32, #tpu.memory_space<vmem_shared>>) offsets(%dma_start3A_97 : memref<128xi32, #tpu.memory_space<vmem>>) semaphore(%run_scoped3A : memref<!tpu.dma_semaphore, #tpu.memory_space<semaphore_mem>>) {add = true}
          %dma_wait3A_101 = arith.constant 0 : i32
          %dma_wait3A_102 = tpu.memref_slice %arg13[%mul3A_66, %dma_wait3A_101] : memref<40x128xi32, #tpu.memory_space<vmem>> -> memref<1x128xi32, #tpu.memory_space<vmem>>
          %dma_wait3A_103 = tpu.memref_squeeze %dma_wait3A_102 : memref<1x128xi32, #tpu.memory_space<vmem>> -> memref<128xi32, #tpu.memory_space<vmem>>
          %dma_wait3A_104 = arith.constant 0 : i32
          %dma_wait3A_105 = arith.constant 0 : i32
          %dma_wait3A_106 = tpu.memref_slice %arg16[%dma_wait3A_104, %dma_wait3A_105] : memref<10240x128xf32, #tpu.memory_space<vmem_shared>> -> memref<10240x128xf32, #tpu.memory_space<vmem_shared>>
          tpu.wait_indirect_dma semaphore(%run_scoped3A : memref<!tpu.dma_semaphore, #tpu.memory_space<semaphore_mem>>) src(%arg14 : memref<128x128xf32, #tpu.memory_space<vmem>>) dst(%dma_wait3A_106 : memref<10240x128xf32, #tpu.memory_space<vmem_shared>>)
          tpu.yield
        }) : () -> ()
        %add3A_79 = arith.constant 2 : i32
        %add3A_80 = arith.addi %mul3A_66, %add3A_79 : i32
        %lt3A = arith.constant 40 : i32
        %lt3A_81 = arith.cmpi slt, %add3A_80, %lt3A : i32
        %convert_element_type3A_82 = arith.extui %lt3A_81 : i1 to i32
        %cond3A_83 = arith.constant 0 : i32
        %cond3A_84 = arith.cmpi ne, %convert_element_type3A_82, %cond3A_83 : i32
        scf.if %cond3A_84 {
          %add3A_95 = arith.constant 2 : i32
          %add3A_96 = arith.addi %mul3A_66, %add3A_95 : i32
          %dma_start3A_97 = arith.constant 0 : i32
          %dma_start3A_98 = tpu.memref_slice %arg12[%add3A_96, %dma_start3A_97] : memref<40x128xi32, #tpu.memory_space<vmem>> -> memref<1x128xi32, #tpu.memory_space<vmem>>
          %dma_start3A_99 = tpu.memref_squeeze %dma_start3A_98 : memref<1x128xi32, #tpu.memory_space<vmem>> -> memref<128xi32, #tpu.memory_space<vmem>>
          %dma_start3A_100 = arith.constant 0 : i32
          %dma_start3A_101 = arith.constant 0 : i32
          %dma_start3A_102 = tpu.memref_slice %arg5[%dma_start3A_100, %dma_start3A_101] : memref<10240x128xf32, #tpu.memory_space<hbm>> -> memref<10240x128xf32, #tpu.memory_space<hbm>>
          tpu.enqueue_indirect_dma source(%dma_start3A_102 : memref<10240x128xf32, #tpu.memory_space<hbm>>) target(%arg14 : memref<128x128xf32, #tpu.memory_space<vmem>>) offsets(%dma_start3A_99 : memref<128xi32, #tpu.memory_space<vmem>>) semaphore(%arg17 : memref<!tpu.dma_semaphore, #tpu.memory_space<semaphore_mem>>)
        } else {
        }
        %add3A_85 = arith.constant 1 : i32
        %add3A_86 = arith.addi %mul3A_66, %add3A_85 : i32
        %dma_wait3A_87 = arith.constant 0 : i32
        %dma_wait3A_88 = tpu.memref_slice %arg12[%add3A_86, %dma_wait3A_87] : memref<40x128xi32, #tpu.memory_space<vmem>> -> memref<1x128xi32, #tpu.memory_space<vmem>>
        %dma_wait3A_89 = tpu.memref_squeeze %dma_wait3A_88 : memref<1x128xi32, #tpu.memory_space<vmem>> -> memref<128xi32, #tpu.memory_space<vmem>>
        %dma_wait3A_90 = arith.constant 0 : i32
        %dma_wait3A_91 = arith.constant 0 : i32
        %dma_wait3A_92 = tpu.memref_slice %arg5[%dma_wait3A_90, %dma_wait3A_91] : memref<10240x128xf32, #tpu.memory_space<hbm>> -> memref<10240x128xf32, #tpu.memory_space<hbm>>
        tpu.wait_indirect_dma semaphore(%arg18 : memref<!tpu.dma_semaphore, #tpu.memory_space<semaphore_mem>>) src(%dma_wait3A_92 : memref<10240x128xf32, #tpu.memory_space<hbm>>) dst(%arg15 : memref<128x128xf32, #tpu.memory_space<vmem>>)
        %add3A_93 = arith.constant 1 : i32
        %add3A_94 = arith.addi %mul3A_66, %add3A_93 : i32
        "tpu.region"() ({
          %run_scoped3A = tpu.sem_alloc : memref<!tpu.dma_semaphore, #tpu.memory_space<semaphore_mem>>
          %dma_start3A_95 = arith.constant 0 : i32
          %dma_start3A_96 = tpu.memref_slice %arg13[%add3A_94, %dma_start3A_95] : memref<40x128xi32, #tpu.memory_space<vmem>> -> memref<1x128xi32, #tpu.memory_space<vmem>>
          %dma_start3A_97 = tpu.memref_squeeze %dma_start3A_96 : memref<1x128xi32, #tpu.memory_space<vmem>> -> memref<128xi32, #tpu.memory_space<vmem>>
          %dma_start3A_98 = arith.constant 0 : i32
          %dma_start3A_99 = arith.constant 0 : i32
          %dma_start3A_100 = tpu.memref_slice %arg16[%dma_start3A_98, %dma_start3A_99] : memref<10240x128xf32, #tpu.memory_space<vmem_shared>> -> memref<10240x128xf32, #tpu.memory_space<vmem_shared>>
          tpu.enqueue_indirect_dma source(%arg15 : memref<128x128xf32, #tpu.memory_space<vmem>>) target(%dma_start3A_100 : memref<10240x128xf32, #tpu.memory_space<vmem_shared>>) offsets(%dma_start3A_97 : memref<128xi32, #tpu.memory_space<vmem>>) semaphore(%run_scoped3A : memref<!tpu.dma_semaphore, #tpu.memory_space<semaphore_mem>>) {add = true}
          %dma_wait3A_101 = arith.constant 0 : i32
          %dma_wait3A_102 = tpu.memref_slice %arg13[%add3A_94, %dma_wait3A_101] : memref<40x128xi32, #tpu.memory_space<vmem>> -> memref<1x128xi32, #tpu.memory_space<vmem>>
          %dma_wait3A_103 = tpu.memref_squeeze %dma_wait3A_102 : memref<1x128xi32, #tpu.memory_space<vmem>> -> memref<128xi32, #tpu.memory_space<vmem>>
          %dma_wait3A_104 = arith.constant 0 : i32
          %dma_wait3A_105 = arith.constant 0 : i32
          %dma_wait3A_106 = tpu.memref_slice %arg16[%dma_wait3A_104, %dma_wait3A_105] : memref<10240x128xf32, #tpu.memory_space<vmem_shared>> -> memref<10240x128xf32, #tpu.memory_space<vmem_shared>>
          tpu.wait_indirect_dma semaphore(%run_scoped3A : memref<!tpu.dma_semaphore, #tpu.memory_space<semaphore_mem>>) src(%arg15 : memref<128x128xf32, #tpu.memory_space<vmem>>) dst(%dma_wait3A_106 : memref<10240x128xf32, #tpu.memory_space<vmem_shared>>)
          tpu.yield
        }) : () -> ()
      }
      %scan3A_62 = arith.constant 20 : i32
      %barrier3A_63 = arith.constant 0 : index
      tpu.barrier barrier_id(%barrier3A_63)
      "tpu.region"() ({
        %run_scoped3A = tpu.sem_alloc : memref<!tpu.dma_semaphore, #tpu.memory_space<semaphore_mem>>
        %dma_start3A_64 = arith.constant 0 : i32
        %dma_start3A_65 = tpu.memref_slice %arg11[%mul3A_35, %dma_start3A_64] : memref<10240x128xf32, #tpu.memory_space<hbm>> -> memref<640x128xf32, #tpu.memory_space<hbm>>
        %dma_start3A_66 = arith.constant 0 : i32
        %dma_start3A_67 = tpu.memref_slice %arg16[%mul3A_35, %dma_start3A_66] : memref<10240x128xf32, #tpu.memory_space<vmem_shared>> -> memref<640x128xf32, #tpu.memory_space<vmem_shared>>
        tpu.enqueue_dma source(%dma_start3A_67 : memref<640x128xf32, #tpu.memory_space<vmem_shared>>) target(%dma_start3A_65 : memref<640x128xf32, #tpu.memory_space<hbm>>) target_semaphore(%run_scoped3A : memref<!tpu.dma_semaphore, #tpu.memory_space<semaphore_mem>>)
        %dma_wait3A = arith.constant 0 : i32
        %dma_wait3A_68 = tpu.memref_slice %arg11[%mul3A_35, %dma_wait3A] : memref<10240x128xf32, #tpu.memory_space<hbm>> -> memref<640x128xf32, #tpu.memory_space<hbm>>
        %dma_wait3A_69 = arith.constant 0 : i32
        %dma_wait3A_70 = tpu.memref_slice %arg16[%mul3A_35, %dma_wait3A_69] : memref<10240x128xf32, #tpu.memory_space<vmem_shared>> -> memref<640x128xf32, #tpu.memory_space<vmem_shared>>
        tpu.wait_dma2 semaphore(%run_scoped3A : memref<!tpu.dma_semaphore, #tpu.memory_space<semaphore_mem>>) src(%dma_wait3A_70 : memref<640x128xf32, #tpu.memory_space<vmem_shared>>) dst(%dma_wait3A_68 : memref<640x128xf32, #tpu.memory_space<hbm>>)
        tpu.yield
      }) : () -> ()
    } else {
    }
    return
  }
}

module attributes {stable_mosaic.version = 14 : i64} {
  func.func @body(%arg0: i32, %arg1: memref<1024x128xf32, #tpu.memory_space<vmem>>, %arg2: memref<1024x128xf32, #tpu.memory_space<vmem>>, %arg3: memref<1024x256xf32, #tpu.memory_space<vmem>>, %arg4: memref<1024x16xf32, #tpu.memory_space<vmem>>, %arg5: memref<1024x128xf32, #tpu.memory_space<vmem>>, %arg6: memref<1024x128xf32, #tpu.memory_space<vmem>>) attributes {dimension_semantics = [#tpu.dimension_semantics<arbitrary>], iteration_bounds = array<i64: 10>, scalar_prefetch = 0 : i64, scratch_operands = 0 : i64, tpu.core_type = #tpu.core_type<tc>, window_params = [{transform_indices = @transform_0, window_bounds = array<i64: 1024, 128>}, {transform_indices = @transform_1, window_bounds = array<i64: 1024, 128>}, {transform_indices = @transform_2, window_bounds = array<i64: 1024, 256>}, {transform_indices = @transform_3, window_bounds = array<i64: 1024, 16>}, {transform_indices = @transform_4, window_bounds = array<i64: 1024, 128>}, {transform_indices = @transform_5, window_bounds = array<i64: 1024, 128>}]} {
    %get3A = arith.constant 0 : index
    %get3A_0 = arith.constant 0 : index
    %get3A_1 = vector.load %arg1[%get3A, %get3A_0] : memref<1024x128xf32, #tpu.memory_space<vmem>>, vector<1024x128xf32>
    %slice3A = vector.extract_strided_slice %get3A_1 {offsets = [0, 0], sizes = [1024, 16], strides = [1, 1]} : vector<1024x128xf32> to vector<1024x16xf32>
    %get3A_2 = arith.constant 0 : index
    %get3A_3 = arith.constant 0 : index
    %get3A_4 = vector.load %arg2[%get3A_2, %get3A_3] : memref<1024x128xf32, #tpu.memory_space<vmem>>, vector<1024x128xf32>
    %slice3A_5 = vector.extract_strided_slice %get3A_4 {offsets = [0, 0], sizes = [1024, 16], strides = [1, 1]} : vector<1024x128xf32> to vector<1024x16xf32>
    %add3A = arith.addf %slice3A, %slice3A_5 : vector<1024x16xf32>
    %add3A_6 = arith.constant 1.000000e+00 : f32
    %add3A_7 = vector.broadcast %add3A_6 : f32 to vector<1024x16xf32>
    %add3A_8 = arith.addf %add3A, %add3A_7 : vector<1024x16xf32>
    %iota3A = tpu.iota {dimensions = array<i32: 0>} : vector<1024x16xi32>
    %mul3A = arith.constant 1024 : i32
    %mul3A_9 = arith.muli %arg0, %mul3A : i32
    %add3A_10 = vector.broadcast %mul3A_9 : i32 to vector<1024x16xi32>
    %add3A_11 = arith.addi %iota3A, %add3A_10 : vector<1024x16xi32>
    %lt3A = arith.constant 10000 : i32
    %lt3A_12 = vector.broadcast %lt3A : i32 to vector<1024x16xi32>
    %lt3A_13 = arith.cmpi slt, %add3A_11, %lt3A_12 : vector<1024x16xi32>
    %rsqrt3A = math.rsqrt %add3A_8 : vector<1024x16xf32>
    %jit3A = arith.constant 0.000000e+00 : f32
    %broadcast_in_dim3A = vector.broadcast %jit3A : f32 to vector<1024x16xf32>
    %select_n3A = arith.select %lt3A_13, %rsqrt3A, %broadcast_in_dim3A : vector<1024x16xi1>, vector<1024x16xf32>
    %swap3A = arith.constant 0 : index
    %swap3A_14 = arith.constant 0 : index
    %swap3A_15 = vector.load %arg4[%swap3A, %swap3A_14] : memref<1024x16xf32, #tpu.memory_space<vmem>>, vector<1024x16xf32>
    tpu.vector_store %arg4[%swap3A, %swap3A_14], %select_n3A {strides = array<i32>} : memref<1024x16xf32, #tpu.memory_space<vmem>>, vector<1024x16xf32>,
    %slice3A_16 = vector.extract_strided_slice %select_n3A {offsets = [0, 0], sizes = [1024, 1], strides = [1, 1]} : vector<1024x16xf32> to vector<1024x1xf32>
    %get3A_17 = arith.constant 0 : index
    %get3A_18 = arith.constant 0 : index
    %get3A_19 = vector.load %arg3[%get3A_17, %get3A_18] : memref<1024x256xf32, #tpu.memory_space<vmem>>, vector<1024x256xf32>
    %slice3A_20 = vector.extract_strided_slice %get3A_19 {offsets = [0, 0], sizes = [1024, 128], strides = [1, 1]} : vector<1024x256xf32> to vector<1024x128xf32>
    %mul3A_21 = vector.broadcast %slice3A_16 : vector<1024x1xf32> to vector<1024x128xf32>
    %mul3A_22 = arith.mulf %slice3A_20, %mul3A_21 : vector<1024x128xf32>
    %swap3A_23 = arith.constant 0 : index
    %swap3A_24 = arith.constant 0 : index
    %swap3A_25 = vector.load %arg5[%swap3A_23, %swap3A_24] : memref<1024x128xf32, #tpu.memory_space<vmem>>, vector<1024x128xf32>
    tpu.vector_store %arg5[%swap3A_23, %swap3A_24], %mul3A_22 {strides = array<i32>} : memref<1024x128xf32, #tpu.memory_space<vmem>>, vector<1024x128xf32>,
    %slice3A_26 = vector.extract_strided_slice %get3A_19 {offsets = [0, 128], sizes = [1024, 128], strides = [1, 1]} : vector<1024x256xf32> to vector<1024x128xf32>
    %mul3A_27 = vector.broadcast %slice3A_16 : vector<1024x1xf32> to vector<1024x128xf32>
    %mul3A_28 = arith.mulf %slice3A_26, %mul3A_27 : vector<1024x128xf32>
    %swap3A_29 = arith.constant 0 : index
    %swap3A_30 = arith.constant 0 : index
    %swap3A_31 = vector.load %arg6[%swap3A_29, %swap3A_30] : memref<1024x128xf32, #tpu.memory_space<vmem>>, vector<1024x128xf32>
    tpu.vector_store %arg6[%swap3A_29, %swap3A_30], %mul3A_28 {strides = array<i32>} : memref<1024x128xf32, #tpu.memory_space<vmem>>, vector<1024x128xf32>,
    return
  }
  func.func @transform_0(%arg0: i32) -> (i32, i32) {
    %c0_i32 = arith.constant 0 : i32
    %c0_i32_0 = arith.constant 0 : i32
    return %arg0, %c0_i32 : i32, i32
  }
  func.func @transform_1(%arg0: i32) -> (i32, i32) {
    %c0_i32 = arith.constant 0 : i32
    %c0_i32_0 = arith.constant 0 : i32
    return %arg0, %c0_i32 : i32, i32
  }
  func.func @transform_2(%arg0: i32) -> (i32, i32) {
    %c0_i32 = arith.constant 0 : i32
    %c0_i32_0 = arith.constant 0 : i32
    return %arg0, %c0_i32 : i32, i32
  }
  func.func @transform_3(%arg0: i32) -> (i32, i32) {
    %c0_i32 = arith.constant 0 : i32
    %c0_i32_0 = arith.constant 0 : i32
    return %arg0, %c0_i32 : i32, i32
  }
  func.func @transform_4(%arg0: i32) -> (i32, i32) {
    %c0_i32 = arith.constant 0 : i32
    %c0_i32_0 = arith.constant 0 : i32
    return %arg0, %c0_i32 : i32, i32
  }
  func.func @transform_5(%arg0: i32) -> (i32, i32) {
    %c0_i32 = arith.constant 0 : i32
    %c0_i32_0 = arith.constant 0 : i32
    return %arg0, %c0_i32 : i32, i32
  }
}

module attributes {stable_mosaic.version = 14 : i64} {
  func.func @body(%arg0: i32, %arg1: memref<256x128xf32, #tpu.memory_space<vmem>>, %arg2: memref<256x128xf32, #tpu.memory_space<vmem>>, %arg3: memref<256x16xf32, #tpu.memory_space<vmem>>, %arg4: memref<256x512xf32, #tpu.memory_space<vmem>>, %arg5: memref<1x512xf32, #tpu.memory_space<vmem>>, %arg6: memref<256x128xf32, #tpu.memory_space<vmem>>, %arg7: memref<256x128xf32, #tpu.memory_space<vmem>>, %arg8: memref<256x128xf32, #tpu.memory_space<vmem>>, %arg9: memref<256x128xf32, #tpu.memory_space<vmem>>) attributes {dimension_semantics = [#tpu.dimension_semantics<arbitrary>], iteration_bounds = array<i64: 40>, scalar_prefetch = 0 : i64, scratch_operands = 0 : i64, tpu.core_type = #tpu.core_type<tc>, window_params = [{transform_indices = @transform_0, window_bounds = array<i64: 256, 128>}, {transform_indices = @transform_1, window_bounds = array<i64: 256, 128>}, {transform_indices = @transform_2, window_bounds = array<i64: 256, 16>}, {pipeline_mode = #tpu.pipeline_mode<synchronous>, transform_indices = @transform_3, window_bounds = array<i64: 256, 512>}, {pipeline_mode = #tpu.pipeline_mode<synchronous>, transform_indices = @transform_4, window_bounds = array<i64: 1, 512>}, {transform_indices = @transform_5, window_bounds = array<i64: 256, 128>}, {transform_indices = @transform_6, window_bounds = array<i64: 256, 128>}, {transform_indices = @transform_7, window_bounds = array<i64: 256, 128>}, {transform_indices = @transform_8, window_bounds = array<i64: 256, 128>}]} {
    %get3A = arith.constant 0 : index
    %get3A_0 = arith.constant 0 : index
    %get3A_1 = vector.load %arg3[%get3A, %get3A_0] : memref<256x16xf32, #tpu.memory_space<vmem>>, vector<256x16xf32>
    %slice3A = vector.extract_strided_slice %get3A_1 {offsets = [0, 0], sizes = [256, 1], strides = [1, 1]} : vector<256x16xf32> to vector<256x1xf32>
    %get3A_2 = arith.constant 0 : index
    %get3A_3 = arith.constant 0 : index
    %get3A_4 = vector.load %arg1[%get3A_2, %get3A_3] : memref<256x128xf32, #tpu.memory_space<vmem>>, vector<256x128xf32>
    %mul3A = vector.broadcast %slice3A : vector<256x1xf32> to vector<256x128xf32>
    %mul3A_5 = arith.mulf %get3A_4, %mul3A : vector<256x128xf32>
    %convert_element_type3A = arith.truncf %mul3A_5 : vector<256x128xf32> to vector<256x128xbf16>
    %get3A_6 = arith.constant 0 : index
    %get3A_7 = arith.constant 0 : index
    %get3A_8 = vector.load %arg2[%get3A_6, %get3A_7] : memref<256x128xf32, #tpu.memory_space<vmem>>, vector<256x128xf32>
    %mul3A_9 = vector.broadcast %slice3A : vector<256x1xf32> to vector<256x128xf32>
    %mul3A_10 = arith.mulf %get3A_8, %mul3A_9 : vector<256x128xf32>
    %convert_element_type3A_11 = arith.truncf %mul3A_10 : vector<256x128xf32> to vector<256x128xbf16>
    %get3A_12 = arith.constant 0 : index
    %get3A_13 = arith.constant 0 : index
    %get3A_14 = vector.load %arg4[%get3A_12, %get3A_13] : memref<256x512xf32, #tpu.memory_space<vmem>>, vector<256x512xf32>
    %convert_element_type3A_15 = arith.truncf %get3A_14 : vector<256x512xf32> to vector<256x512xbf16>
    %slice3A_16 = vector.extract_strided_slice %convert_element_type3A_15 {offsets = [0, 0], sizes = [128, 512], strides = [1, 1]} : vector<256x512xbf16> to vector<128x512xbf16>
    %dot_general3A = arith.constant dense<0.000000e+00> : vector<256x512xf32>
    %dot_general3A_17 = tpu.matmul %convert_element_type3A, %slice3A_16, %dot_general3A {dimension_numbers = #tpu.dot_dimension_numbers<[1], [0], [0], [1], [0, 0, 1, 1], [], []>, transpose_lhs_hint = false} : vector<256x128xbf16>, vector<128x512xbf16>, vector<256x512xf32> -> vector<256x512xf32>
    %slice3A_18 = vector.extract_strided_slice %convert_element_type3A_15 {offsets = [128, 0], sizes = [128, 512], strides = [1, 1]} : vector<256x512xbf16> to vector<128x512xbf16>
    %dot_general3A_19 = arith.constant dense<0.000000e+00> : vector<256x512xf32>
    %dot_general3A_20 = tpu.matmul %convert_element_type3A_11, %slice3A_18, %dot_general3A_19 {dimension_numbers = #tpu.dot_dimension_numbers<[1], [0], [0], [1], [0, 0, 1, 1], [], []>, transpose_lhs_hint = false} : vector<256x128xbf16>, vector<128x512xbf16>, vector<256x512xf32> -> vector<256x512xf32>
    %add3A = arith.addf %dot_general3A_17, %dot_general3A_20 : vector<256x512xf32>
    %get3A_21 = arith.constant 0 : index
    %get3A_22 = arith.constant 0 : index
    %get3A_23 = vector.load %arg5[%get3A_21, %get3A_22] : memref<1x512xf32, #tpu.memory_space<vmem>>, vector<1x512xf32>
    %add3A_24 = vector.broadcast %get3A_23 : vector<1x512xf32> to vector<256x512xf32>
    %add3A_25 = arith.addf %add3A, %add3A_24 : vector<256x512xf32>
    %max3A = arith.constant 0.000000e+00 : f32
    %max3A_26 = vector.broadcast %max3A : f32 to vector<256x512xf32>
    %max3A_27 = arith.maximumf %add3A_25, %max3A_26 : vector<256x512xf32>
    %mul3A_28 = vector.broadcast %slice3A : vector<256x1xf32> to vector<256x512xf32>
    %mul3A_29 = arith.mulf %max3A_27, %mul3A_28 : vector<256x512xf32>
    %slice3A_30 = vector.extract_strided_slice %mul3A_29 {offsets = [0, 0], sizes = [256, 128], strides = [1, 1]} : vector<256x512xf32> to vector<256x128xf32>
    %swap3A = arith.constant 0 : index
    %swap3A_31 = arith.constant 0 : index
    %swap3A_32 = vector.load %arg6[%swap3A, %swap3A_31] : memref<256x128xf32, #tpu.memory_space<vmem>>, vector<256x128xf32>
    tpu.vector_store %arg6[%swap3A, %swap3A_31], %slice3A_30 {strides = array<i32>} : memref<256x128xf32, #tpu.memory_space<vmem>>, vector<256x128xf32>,
    %slice3A_33 = vector.extract_strided_slice %mul3A_29 {offsets = [0, 128], sizes = [256, 128], strides = [1, 1]} : vector<256x512xf32> to vector<256x128xf32>
    %swap3A_34 = arith.constant 0 : index
    %swap3A_35 = arith.constant 0 : index
    %swap3A_36 = vector.load %arg7[%swap3A_34, %swap3A_35] : memref<256x128xf32, #tpu.memory_space<vmem>>, vector<256x128xf32>
    tpu.vector_store %arg7[%swap3A_34, %swap3A_35], %slice3A_33 {strides = array<i32>} : memref<256x128xf32, #tpu.memory_space<vmem>>, vector<256x128xf32>,
    %slice3A_37 = vector.extract_strided_slice %mul3A_29 {offsets = [0, 256], sizes = [256, 128], strides = [1, 1]} : vector<256x512xf32> to vector<256x128xf32>
    %swap3A_38 = arith.constant 0 : index
    %swap3A_39 = arith.constant 0 : index
    %swap3A_40 = vector.load %arg8[%swap3A_38, %swap3A_39] : memref<256x128xf32, #tpu.memory_space<vmem>>, vector<256x128xf32>
    tpu.vector_store %arg8[%swap3A_38, %swap3A_39], %slice3A_37 {strides = array<i32>} : memref<256x128xf32, #tpu.memory_space<vmem>>, vector<256x128xf32>,
    %slice3A_41 = vector.extract_strided_slice %mul3A_29 {offsets = [0, 384], sizes = [256, 128], strides = [1, 1]} : vector<256x512xf32> to vector<256x128xf32>
    %swap3A_42 = arith.constant 0 : index
    %swap3A_43 = arith.constant 0 : index
    %swap3A_44 = vector.load %arg9[%swap3A_42, %swap3A_43] : memref<256x128xf32, #tpu.memory_space<vmem>>, vector<256x128xf32>
    tpu.vector_store %arg9[%swap3A_42, %swap3A_43], %slice3A_41 {strides = array<i32>} : memref<256x128xf32, #tpu.memory_space<vmem>>, vector<256x128xf32>,
    return
  }
  func.func @transform_0(%arg0: i32) -> (i32, i32) {
    %c0_i32 = arith.constant 0 : i32
    %c0_i32_0 = arith.constant 0 : i32
    return %arg0, %c0_i32 : i32, i32
  }
  func.func @transform_1(%arg0: i32) -> (i32, i32) {
    %c0_i32 = arith.constant 0 : i32
    %c0_i32_0 = arith.constant 0 : i32
    return %arg0, %c0_i32 : i32, i32
  }
  func.func @transform_2(%arg0: i32) -> (i32, i32) {
    %c0_i32 = arith.constant 0 : i32
    %c0_i32_0 = arith.constant 0 : i32
    return %arg0, %c0_i32 : i32, i32
  }
  func.func @transform_3(%arg0: i32) -> (i32, i32) {
    %c0_i32 = arith.constant 0 : i32
    %c0_i32_0 = arith.constant 0 : i32
    %c0_i32_1 = arith.constant 0 : i32
    return %c0_i32, %c0_i32_0 : i32, i32
  }
  func.func @transform_4(%arg0: i32) -> (i32, i32) {
    %c0_i32 = arith.constant 0 : i32
    %c0_i32_0 = arith.constant 0 : i32
    %c0_i32_1 = arith.constant 0 : i32
    return %c0_i32, %c0_i32_0 : i32, i32
  }
  func.func @transform_5(%arg0: i32) -> (i32, i32) {
    %c0_i32 = arith.constant 0 : i32
    %c0_i32_0 = arith.constant 0 : i32
    return %arg0, %c0_i32 : i32, i32
  }
  func.func @transform_6(%arg0: i32) -> (i32, i32) {
    %c0_i32 = arith.constant 0 : i32
    %c0_i32_0 = arith.constant 0 : i32
    return %arg0, %c0_i32 : i32, i32
  }
  func.func @transform_7(%arg0: i32) -> (i32, i32) {
    %c0_i32 = arith.constant 0 : i32
    %c0_i32_0 = arith.constant 0 : i32
    return %arg0, %c0_i32 : i32, i32
  }
  func.func @transform_8(%arg0: i32) -> (i32, i32) {
    %c0_i32 = arith.constant 0 : i32
    %c0_i32_0 = arith.constant 0 : i32
    return %arg0, %c0_i32 : i32, i32
  }
}

module attributes {stable_mosaic.version = 14 : i64} {
  func.func @body(%arg0: i32, %arg1: memref<256x128xf32, #tpu.memory_space<vmem>>, %arg2: memref<256x128xf32, #tpu.memory_space<vmem>>, %arg3: memref<256x128xf32, #tpu.memory_space<vmem>>, %arg4: memref<256x128xf32, #tpu.memory_space<vmem>>, %arg5: memref<256x16xf32, #tpu.memory_space<vmem>>, %arg6: memref<512x512xf32, #tpu.memory_space<vmem>>, %arg7: memref<1x512xf32, #tpu.memory_space<vmem>>, %arg8: memref<512x32xf32, #tpu.memory_space<vmem>>, %arg9: memref<256x128xf32, #tpu.memory_space<vmem>>) attributes {dimension_semantics = [#tpu.dimension_semantics<arbitrary>], iteration_bounds = array<i64: 40>, scalar_prefetch = 0 : i64, scratch_operands = 0 : i64, tpu.core_type = #tpu.core_type<tc>, window_params = [{transform_indices = @transform_0, window_bounds = array<i64: 256, 128>}, {transform_indices = @transform_1, window_bounds = array<i64: 256, 128>}, {transform_indices = @transform_2, window_bounds = array<i64: 256, 128>}, {transform_indices = @transform_3, window_bounds = array<i64: 256, 128>}, {transform_indices = @transform_4, window_bounds = array<i64: 256, 16>}, {pipeline_mode = #tpu.pipeline_mode<synchronous>, transform_indices = @transform_5, window_bounds = array<i64: 512, 512>}, {pipeline_mode = #tpu.pipeline_mode<synchronous>, transform_indices = @transform_6, window_bounds = array<i64: 1, 512>}, {pipeline_mode = #tpu.pipeline_mode<synchronous>, transform_indices = @transform_7, window_bounds = array<i64: 512, 32>}, {transform_indices = @transform_8, window_bounds = array<i64: 256, 128>}]} {
    %get3A = arith.constant 0 : index
    %get3A_0 = arith.constant 0 : index
    %get3A_1 = vector.load %arg5[%get3A, %get3A_0] : memref<256x16xf32, #tpu.memory_space<vmem>>, vector<256x16xf32>
    %slice3A = vector.extract_strided_slice %get3A_1 {offsets = [0, 0], sizes = [256, 1], strides = [1, 1]} : vector<256x16xf32> to vector<256x1xf32>
    %get3A_2 = arith.constant 0 : index
    %get3A_3 = arith.constant 0 : index
    %get3A_4 = vector.load %arg6[%get3A_2, %get3A_3] : memref<512x512xf32, #tpu.memory_space<vmem>>, vector<512x512xf32>
    %convert_element_type3A = arith.truncf %get3A_4 : vector<512x512xf32> to vector<512x512xbf16>
    %get3A_5 = arith.constant 0 : index
    %get3A_6 = arith.constant 0 : index
    %get3A_7 = vector.load %arg7[%get3A_5, %get3A_6] : memref<1x512xf32, #tpu.memory_space<vmem>>, vector<1x512xf32>
    %broadcast_in_dim3A = arith.constant 0.000000e+00 : f32
    %broadcast_in_dim3A_8 = vector.broadcast %broadcast_in_dim3A : f32 to vector<256x512xf32>
    %add3A = vector.broadcast %get3A_7 : vector<1x512xf32> to vector<256x512xf32>
    %add3A_9 = arith.addf %add3A, %broadcast_in_dim3A_8 : vector<256x512xf32>
    %get3A_10 = arith.constant 0 : index
    %get3A_11 = arith.constant 0 : index
    %get3A_12 = vector.load %arg1[%get3A_10, %get3A_11] : memref<256x128xf32, #tpu.memory_space<vmem>>, vector<256x128xf32>
    %mul3A = vector.broadcast %slice3A : vector<256x1xf32> to vector<256x128xf32>
    %mul3A_13 = arith.mulf %get3A_12, %mul3A : vector<256x128xf32>
    %convert_element_type3A_14 = arith.truncf %mul3A_13 : vector<256x128xf32> to vector<256x128xbf16>
    %slice3A_15 = vector.extract_strided_slice %convert_element_type3A {offsets = [0, 0], sizes = [128, 512], strides = [1, 1]} : vector<512x512xbf16> to vector<128x512xbf16>
    %dot_general3A = arith.constant dense<0.000000e+00> : vector<256x512xf32>
    %dot_general3A_16 = tpu.matmul %convert_element_type3A_14, %slice3A_15, %dot_general3A {dimension_numbers = #tpu.dot_dimension_numbers<[1], [0], [0], [1], [0, 0, 1, 1], [], []>, transpose_lhs_hint = false} : vector<256x128xbf16>, vector<128x512xbf16>, vector<256x512xf32> -> vector<256x512xf32>
    %add3A_17 = arith.addf %add3A_9, %dot_general3A_16 : vector<256x512xf32>
    %get3A_18 = arith.constant 0 : index
    %get3A_19 = arith.constant 0 : index
    %get3A_20 = vector.load %arg2[%get3A_18, %get3A_19] : memref<256x128xf32, #tpu.memory_space<vmem>>, vector<256x128xf32>
    %mul3A_21 = vector.broadcast %slice3A : vector<256x1xf32> to vector<256x128xf32>
    %mul3A_22 = arith.mulf %get3A_20, %mul3A_21 : vector<256x128xf32>
    %convert_element_type3A_23 = arith.truncf %mul3A_22 : vector<256x128xf32> to vector<256x128xbf16>
    %slice3A_24 = vector.extract_strided_slice %convert_element_type3A {offsets = [128, 0], sizes = [128, 512], strides = [1, 1]} : vector<512x512xbf16> to vector<128x512xbf16>
    %dot_general3A_25 = arith.constant dense<0.000000e+00> : vector<256x512xf32>
    %dot_general3A_26 = tpu.matmul %convert_element_type3A_23, %slice3A_24, %dot_general3A_25 {dimension_numbers = #tpu.dot_dimension_numbers<[1], [0], [0], [1], [0, 0, 1, 1], [], []>, transpose_lhs_hint = false} : vector<256x128xbf16>, vector<128x512xbf16>, vector<256x512xf32> -> vector<256x512xf32>
    %add3A_27 = arith.addf %add3A_17, %dot_general3A_26 : vector<256x512xf32>
    %get3A_28 = arith.constant 0 : index
    %get3A_29 = arith.constant 0 : index
    %get3A_30 = vector.load %arg3[%get3A_28, %get3A_29] : memref<256x128xf32, #tpu.memory_space<vmem>>, vector<256x128xf32>
    %mul3A_31 = vector.broadcast %slice3A : vector<256x1xf32> to vector<256x128xf32>
    %mul3A_32 = arith.mulf %get3A_30, %mul3A_31 : vector<256x128xf32>
    %convert_element_type3A_33 = arith.truncf %mul3A_32 : vector<256x128xf32> to vector<256x128xbf16>
    %slice3A_34 = vector.extract_strided_slice %convert_element_type3A {offsets = [256, 0], sizes = [128, 512], strides = [1, 1]} : vector<512x512xbf16> to vector<128x512xbf16>
    %dot_general3A_35 = arith.constant dense<0.000000e+00> : vector<256x512xf32>
    %dot_general3A_36 = tpu.matmul %convert_element_type3A_33, %slice3A_34, %dot_general3A_35 {dimension_numbers = #tpu.dot_dimension_numbers<[1], [0], [0], [1], [0, 0, 1, 1], [], []>, transpose_lhs_hint = false} : vector<256x128xbf16>, vector<128x512xbf16>, vector<256x512xf32> -> vector<256x512xf32>
    %add3A_37 = arith.addf %add3A_27, %dot_general3A_36 : vector<256x512xf32>
    %get3A_38 = arith.constant 0 : index
    %get3A_39 = arith.constant 0 : index
    %get3A_40 = vector.load %arg4[%get3A_38, %get3A_39] : memref<256x128xf32, #tpu.memory_space<vmem>>, vector<256x128xf32>
    %mul3A_41 = vector.broadcast %slice3A : vector<256x1xf32> to vector<256x128xf32>
    %mul3A_42 = arith.mulf %get3A_40, %mul3A_41 : vector<256x128xf32>
    %convert_element_type3A_43 = arith.truncf %mul3A_42 : vector<256x128xf32> to vector<256x128xbf16>
    %slice3A_44 = vector.extract_strided_slice %convert_element_type3A {offsets = [384, 0], sizes = [128, 512], strides = [1, 1]} : vector<512x512xbf16> to vector<128x512xbf16>
    %dot_general3A_45 = arith.constant dense<0.000000e+00> : vector<256x512xf32>
    %dot_general3A_46 = tpu.matmul %convert_element_type3A_43, %slice3A_44, %dot_general3A_45 {dimension_numbers = #tpu.dot_dimension_numbers<[1], [0], [0], [1], [0, 0, 1, 1], [], []>, transpose_lhs_hint = false} : vector<256x128xbf16>, vector<128x512xbf16>, vector<256x512xf32> -> vector<256x512xf32>
    %add3A_47 = arith.addf %add3A_37, %dot_general3A_46 : vector<256x512xf32>
    %max3A = arith.constant 0.000000e+00 : f32
    %max3A_48 = vector.broadcast %max3A : f32 to vector<256x512xf32>
    %max3A_49 = arith.maximumf %add3A_47, %max3A_48 : vector<256x512xf32>
    %convert_element_type3A_50 = arith.truncf %max3A_49 : vector<256x512xf32> to vector<256x512xbf16>
    %get3A_51 = arith.constant 0 : index
    %get3A_52 = arith.constant 0 : index
    %get3A_53 = vector.load %arg8[%get3A_51, %get3A_52] : memref<512x32xf32, #tpu.memory_space<vmem>>, vector<512x32xf32>
    %convert_element_type3A_54 = arith.truncf %get3A_53 : vector<512x32xf32> to vector<512x32xbf16>
    %dot_general3A_55 = arith.constant dense<0.000000e+00> : vector<256x32xf32>
    %dot_general3A_56 = tpu.matmul %convert_element_type3A_50, %convert_element_type3A_54, %dot_general3A_55 {dimension_numbers = #tpu.dot_dimension_numbers<[1], [0], [0], [1], [0, 0, 1, 1], [], []>, transpose_lhs_hint = false} : vector<256x512xbf16>, vector<512x32xbf16>, vector<256x32xf32> -> vector<256x32xf32>
    %mul3A_57 = vector.broadcast %slice3A : vector<256x1xf32> to vector<256x32xf32>
    %mul3A_58 = arith.mulf %dot_general3A_56, %mul3A_57 : vector<256x32xf32>
    %swap3A = arith.constant 0 : index
    %swap3A_59 = arith.constant 0 : index
    %swap3A_60 = vector.load %arg9[%swap3A, %swap3A_59] : memref<256x128xf32, #tpu.memory_space<vmem>>, vector<256x32xf32>
    tpu.vector_store %arg9[%swap3A, %swap3A_59], %mul3A_58 {strides = array<i32>} : memref<256x128xf32, #tpu.memory_space<vmem>>, vector<256x32xf32>,
    %broadcast_in_dim3A_61 = arith.constant 0.000000e+00 : f32
    %broadcast_in_dim3A_62 = vector.broadcast %broadcast_in_dim3A_61 : f32 to vector<256x96xf32>
    %swap3A_63 = arith.constant 0 : index
    %swap3A_64 = arith.constant 32 : index
    %swap3A_65 = vector.load %arg9[%swap3A_63, %swap3A_64] : memref<256x128xf32, #tpu.memory_space<vmem>>, vector<256x96xf32>
    tpu.vector_store %arg9[%swap3A_63, %swap3A_64], %broadcast_in_dim3A_62 {strides = array<i32>} : memref<256x128xf32, #tpu.memory_space<vmem>>, vector<256x96xf32>,
    return
  }
  func.func @transform_0(%arg0: i32) -> (i32, i32) {
    %c0_i32 = arith.constant 0 : i32
    %c0_i32_0 = arith.constant 0 : i32
    return %arg0, %c0_i32 : i32, i32
  }
  func.func @transform_1(%arg0: i32) -> (i32, i32) {
    %c0_i32 = arith.constant 0 : i32
    %c0_i32_0 = arith.constant 0 : i32
    return %arg0, %c0_i32 : i32, i32
  }
  func.func @transform_2(%arg0: i32) -> (i32, i32) {
    %c0_i32 = arith.constant 0 : i32
    %c0_i32_0 = arith.constant 0 : i32
    return %arg0, %c0_i32 : i32, i32
  }
  func.func @transform_3(%arg0: i32) -> (i32, i32) {
    %c0_i32 = arith.constant 0 : i32
    %c0_i32_0 = arith.constant 0 : i32
    return %arg0, %c0_i32 : i32, i32
  }
  func.func @transform_4(%arg0: i32) -> (i32, i32) {
    %c0_i32 = arith.constant 0 : i32
    %c0_i32_0 = arith.constant 0 : i32
    return %arg0, %c0_i32 : i32, i32
  }
  func.func @transform_5(%arg0: i32) -> (i32, i32) {
    %c0_i32 = arith.constant 0 : i32
    %c0_i32_0 = arith.constant 0 : i32
    %c0_i32_1 = arith.constant 0 : i32
    return %c0_i32, %c0_i32_0 : i32, i32
  }
  func.func @transform_6(%arg0: i32) -> (i32, i32) {
    %c0_i32 = arith.constant 0 : i32
    %c0_i32_0 = arith.constant 0 : i32
    %c0_i32_1 = arith.constant 0 : i32
    return %c0_i32, %c0_i32_0 : i32, i32
  }
  func.func @transform_7(%arg0: i32) -> (i32, i32) {
    %c0_i32 = arith.constant 0 : i32
    %c0_i32_0 = arith.constant 0 : i32
    %c0_i32_1 = arith.constant 0 : i32
    return %c0_i32, %c0_i32_0 : i32, i32
  }
  func.func @transform_8(%arg0: i32) -> (i32, i32) {
    %c0_i32 = arith.constant 0 : i32
    %c0_i32_0 = arith.constant 0 : i32
    return %arg0, %c0_i32 : i32, i32
  }
}

module attributes {stable_mosaic.version = 14 : i64} {
  func.func @body(%arg0: i32, %arg1: memref<1024x128xf32, #tpu.memory_space<vmem>>, %arg2: memref<1024x128xf32, #tpu.memory_space<vmem>>, %arg3: memref<1024x16xf32, #tpu.memory_space<vmem>>, %arg4: memref<1x32xf32, #tpu.memory_space<vmem>>, %arg5: memref<1024x32xf32, #tpu.memory_space<vmem>>) attributes {dimension_semantics = [#tpu.dimension_semantics<arbitrary>], iteration_bounds = array<i64: 10>, scalar_prefetch = 0 : i64, scratch_operands = 0 : i64, tpu.core_type = #tpu.core_type<tc>, window_params = [{transform_indices = @transform_0, window_bounds = array<i64: 1024, 128>}, {transform_indices = @transform_1, window_bounds = array<i64: 1024, 128>}, {transform_indices = @transform_2, window_bounds = array<i64: 1024, 16>}, {pipeline_mode = #tpu.pipeline_mode<synchronous>, transform_indices = @transform_3, window_bounds = array<i64: 1, 32>}, {transform_indices = @transform_4, window_bounds = array<i64: 1024, 32>}]} {
    %get3A = arith.constant 0 : index
    %get3A_0 = arith.constant 0 : index
    %get3A_1 = vector.load %arg3[%get3A, %get3A_0] : memref<1024x16xf32, #tpu.memory_space<vmem>>, vector<1024x16xf32>
    %slice3A = vector.extract_strided_slice %get3A_1 {offsets = [0, 0], sizes = [1024, 1], strides = [1, 1]} : vector<1024x16xf32> to vector<1024x1xf32>
    %get3A_2 = arith.constant 0 : index
    %get3A_3 = arith.constant 0 : index
    %get3A_4 = vector.load %arg1[%get3A_2, %get3A_3] : memref<1024x128xf32, #tpu.memory_space<vmem>>, vector<1024x128xf32>
    %slice3A_5 = vector.extract_strided_slice %get3A_4 {offsets = [0, 0], sizes = [1024, 32], strides = [1, 1]} : vector<1024x128xf32> to vector<1024x32xf32>
    %get3A_6 = arith.constant 0 : index
    %get3A_7 = arith.constant 0 : index
    %get3A_8 = vector.load %arg2[%get3A_6, %get3A_7] : memref<1024x128xf32, #tpu.memory_space<vmem>>, vector<1024x128xf32>
    %slice3A_9 = vector.extract_strided_slice %get3A_8 {offsets = [0, 0], sizes = [1024, 32], strides = [1, 1]} : vector<1024x128xf32> to vector<1024x32xf32>
    %add3A = arith.addf %slice3A_5, %slice3A_9 : vector<1024x32xf32>
    %mul3A = vector.broadcast %slice3A : vector<1024x1xf32> to vector<1024x32xf32>
    %mul3A_10 = arith.mulf %add3A, %mul3A : vector<1024x32xf32>
    %get3A_11 = arith.constant 0 : index
    %get3A_12 = arith.constant 0 : index
    %get3A_13 = vector.load %arg4[%get3A_11, %get3A_12] : memref<1x32xf32, #tpu.memory_space<vmem>>, vector<1x32xf32>
    %add3A_14 = vector.broadcast %get3A_13 : vector<1x32xf32> to vector<1024x32xf32>
    %add3A_15 = arith.addf %mul3A_10, %add3A_14 : vector<1024x32xf32>
    %swap3A = arith.constant 0 : index
    %swap3A_16 = arith.constant 0 : index
    %swap3A_17 = vector.load %arg5[%swap3A, %swap3A_16] : memref<1024x32xf32, #tpu.memory_space<vmem>>, vector<1024x32xf32>
    tpu.vector_store %arg5[%swap3A, %swap3A_16], %add3A_15 {strides = array<i32>} : memref<1024x32xf32, #tpu.memory_space<vmem>>, vector<1024x32xf32>,
    return
  }
  func.func @transform_0(%arg0: i32) -> (i32, i32) {
    %c0_i32 = arith.constant 0 : i32
    %c0_i32_0 = arith.constant 0 : i32
    return %arg0, %c0_i32 : i32, i32
  }
  func.func @transform_1(%arg0: i32) -> (i32, i32) {
    %c0_i32 = arith.constant 0 : i32
    %c0_i32_0 = arith.constant 0 : i32
    return %arg0, %c0_i32 : i32, i32
  }
  func.func @transform_2(%arg0: i32) -> (i32, i32) {
    %c0_i32 = arith.constant 0 : i32
    %c0_i32_0 = arith.constant 0 : i32
    return %arg0, %c0_i32 : i32, i32
  }
  func.func @transform_3(%arg0: i32) -> (i32, i32) {
    %c0_i32 = arith.constant 0 : i32
    %c0_i32_0 = arith.constant 0 : i32
    %c0_i32_1 = arith.constant 0 : i32
    return %c0_i32, %c0_i32_0 : i32, i32
  }
  func.func @transform_4(%arg0: i32) -> (i32, i32) {
    %c0_i32 = arith.constant 0 : i32
    %c0_i32_0 = arith.constant 0 : i32
    return %arg0, %c0_i32 : i32, i32
  }
}

</mosaic_0001>

<sc_bundles>
// kernel: kernel.10.cloned.1.call-start
scs
__scs_entry_jumppad:
0x0: {  	(pc) =	sbr.rel $0x88, $3  }
0x1: {  	(tag) =	ssettag $0x0;
	lr =	simm.s32 $0x1  }
0x2: {  	[smem:$0x3F99] =	sst lr;
	_ =	strace $0xD0000000  }
0x3: {  	_ = 	snop  }
0x4: {  	_ = 	snop  }
0x5: {  	_ = 	snop  }
0x6: {  	_ = 	snop  }
0x7: {  	_ = 	snop  }
__scs_overlays_trampoline_lowered:
0x8: {  	[smem:$0x3FA8] =	sst s0  }
0x9: {  	[smem:$0x3FA9] =	sst s1  }
0xa: {  	[smem:$0x3FAA] =	sst s2  }
0xb: {  	[smem:$0x3FAB] =	sst s3  }
0xc: {  	[smem:$0x3FAC] =	sst s4  }
0xd: {  	[smem:$0x3FAD] =	sst s5  }
0xe: {  	[smem:$0x3FAE] =	sst s6  }
0xf: {  	[smem:$0x3FAF] =	sst s7  }
0x10: {  	[smem:$0x3FB0] =	sst s8  }
0x11: {  	[smem:$0x3FB1] =	sst s9;
	s0 =	simm.s32 @!p0 $0x0  }
0x12: {  	s1 =	sld [smem:$0x3F97];
	s0 =	simm.s32 @p0 $0x1  }
0x13: {  	[smem:$0x3FB2] =	sst s0;
	s0 =	simm.s32 @!p1 $0x0  }
0x14: {  	s2 =	sld [smem:$0x3F96];
	s0 =	simm.s32 @p1 $0x1  }
0x15: {  	[smem:$0x3FB3] =	sst s0;
	s0 =	simm.s32 @!p2 $0x0  }
0x16: {  	s3 =	sld [smem:$0x3FDB];
	s0 =	simm.s32 @p2 $0x1  }
0x17: {  	s4 =	simm.s32 $0x1BF5;
	[smem:$0x3FB5] =	sst s0  }
0x18: {  	s0 =	sld [smem:$0x3F98];
	_ =	swait.ge [sflag:s4], $0x0  }
0x19: {  	s7 =	sld [smem:$0x3F99]  }
0x1a: {  	s8 =	sadd.s32 $0xFFFFE003, lr  }
0x1b: {  	s9 =	sadd.s32 $0xFFFFFEF7, lr;
	s5 =	simm.s32 $0xFFFFFFFF;
	p2 =	slt.u32 s8, $0xFFFFF086  }
0x1c: {  	p1 =	slt.u32 s9, $0xF7A;
	s5 =	simm.s32 @!p2 $0x0  }
0x1d: {  	s5 =	simm.s32 @p1 $0x1;
	p0 =	seq.s32 s7, s2  }
0x1e: {  	s7 =	smul.u32 @!p0 $0xF7A, s2;
	p2 =	seq.s32 @!p0 s5, $0x0  }
0x1f: {  	s9 =	smul.u32 $0xF7A, s1;
	s8 =	simm.s32 @!p0 $0x1BF5;
	p2 =	por !p2, p0  }
0x20: {  	[sflag:s8] =	ssyncset.s32 @!p0 $0xFFFFF086;
	s6 =	sadd.s32 @!p0 s3, s7;
	s7 =	simm.s32 @!p0 $0x108  }
0x21: {  	s3 =	sadd.s32 s3, s9;
	s6 =	sadd.s32 @!p0 $0x88, s6;
	s7 =	simm.s32 @p2 $0x1082  }
0x22: {  	[simem:s7], [sflag:s8] =	dma.local @!p0 [hbm:s6], $0xF7A  }
0x23: {  	s9 =	sor.u32 $0xD0000000, s2;
	s6 =	simm.s32 $0x108;
	_ =	swait.ge @!p0 [sflag:s8], $0x0  }
0x24: {  	s3 =	sadd.s32 $0x88, s3;
	s6 =	simm.s32 @!p1 $0x1082;
	[sflag:s4] =	ssyncset.s32 $0xFFFFF086  }
0x25: {  	[simem:s6], [sflag:s4] =	dma.local [hbm:s3], $0xF7A  }
0x26: {  	[smem:$0x3F99] =	sst s1;
	(tag) =	ssettag s2;
	_ =	strace s9  }
0x27: {  	s1 =	sld [smem:$0x3FA9]  }
0x28: {  	s2 =	sld [smem:$0x3FAA]  }
0x29: {  	s4 =	sld [smem:$0x3FAC]  }
0x2a: {  	p0 =	seq.s32 s5, $0x0;
	s5 =	sld [smem:$0x3FAD]  }
0x2b: {  	s6 =	sld [smem:$0x3FAE]  }
0x2c: {  	s7 =	sld [smem:$0x3FAF]  }
0x2d: {  	s3 =	simm.s32 $0x108;
	s8 =	sld [smem:$0x3FB0]  }
0x2e: {  	s3 =	simm.s32 @!p0 $0x1082;
	s9 =	sld [smem:$0x3FB1]  }
0x2f: {  	lr =	sadd.s32 s0, s3;
	s0 =	sld [smem:$0x3FA8]  }
0x30: {  	s3 =	sld [smem:$0x3FAB]  }
0x31: {  	[smem:$0x3FB4] =	sst s10  }
0x32: {  	s10 =	sld [smem:$0x3FB2];
	_ =	sdelay $0x3  }
0x33: {  	p0 =	seq.s32 s10, $0x1;
	s10 =	sld [smem:$0x3FB4];
	_ =	sdelay $0x3  }
0x34: {  	[smem:$0x3FB4] =	sst s10  }
0x35: {  	s10 =	sld [smem:$0x3FB3];
	_ =	sdelay $0x3  }
0x36: {  	p1 =	seq.s32 s10, $0x1;
	s10 =	sld [smem:$0x3FB4];
	_ =	sdelay $0x3  }
0x37: {  	[smem:$0x3FB4] =	sst s10  }
0x38: {  	s10 =	sld [smem:$0x3FB5]  }
0x39: {  	_ = 	snop;
	(pc) =	sbr.ind lr, $3  }
0x3a: {  	_ = 	snop  }
0x3b: {  	_ = 	snop  }
0x3c: {  	p2 =	seq.s32 s10, $0x1;
	s10 =	sld [smem:$0x3FB4]  }
0x3d: {  	_ =	shalt  }
0x3e: {  	_ =	shalt  }
0x3f: {  	_ =	shalt  }
0x40: {  	_ =	shalt  }
0x41: {  	_ =	shalt  }
0x42: {  	_ =	shalt  }
0x43: {  	_ =	shalt  }
0x44: {  	_ =	shalt  }
0x45: {  	_ =	shalt  }
0x46: {  	_ =	shalt  }
0x47: {  	_ =	shalt  }
0x48: {  	_ =	shalt  }
0x49: {  	_ =	shalt  }
0x4a: {  	_ =	shalt  }
0x4b: {  	_ =	shalt  }
0x4c: {  	_ =	shalt  }
0x4d: {  	_ =	shalt  }
0x4e: {  	_ =	shalt  }
0x4f: {  	_ =	shalt  }
0x50: {  	_ =	shalt  }
0x51: {  	_ =	shalt  }
0x52: {  	_ =	shalt  }
0x53: {  	_ =	shalt  }
0x54: {  	_ =	shalt  }
0x55: {  	_ =	shalt  }
0x56: {  	_ =	shalt  }
0x57: {  	_ =	shalt  }
0x58: {  	_ =	shalt  }
0x59: {  	_ =	shalt  }
0x5a: {  	_ =	shalt  }
0x5b: {  	_ =	shalt  }
0x5c: {  	_ =	shalt  }
0x5d: {  	_ =	shalt  }
0x5e: {  	_ =	shalt  }
0x5f: {  	_ =	shalt  }
0x60: {  	_ =	shalt  }
0x61: {  	_ =	shalt  }
0x62: {  	_ =	shalt  }
0x63: {  	_ =	shalt  }
0x64: {  	_ =	shalt  }
0x65: {  	_ =	shalt  }
0x66: {  	_ =	shalt  }
0x67: {  	_ =	shalt  }
0x68: {  	_ =	shalt  }
0x69: {  	_ =	shalt  }
0x6a: {  	_ =	shalt  }
0x6b: {  	_ =	shalt  }
0x6c: {  	_ =	shalt  }
0x6d: {  	_ =	shalt  }
0x6e: {  	_ =	shalt  }
0x6f: {  	_ =	shalt  }
0x70: {  	_ =	shalt  }
0x71: {  	_ =	shalt  }
0x72: {  	_ =	shalt  }
0x73: {  	_ =	shalt  }
0x74: {  	_ =	shalt  }
0x75: {  	_ =	shalt  }
0x76: {  	_ =	shalt  }
0x77: {  	_ =	shalt  }
0x78: {  	_ =	shalt  }
0x79: {  	_ =	shalt  }
0x7a: {  	_ =	shalt  }
0x7b: {  	_ =	shalt  }
0x7c: {  	_ =	shalt  }
0x7d: {  	_ =	shalt  }
0x7e: {  	_ =	shalt  }
0x7f: {  	_ =	shalt  }
0x80: {  	_ =	shalt  }
0x81: {  	_ =	shalt  }
0x82: {  	_ =	shalt  }
0x83: {  	_ =	shalt  }
0x84: {  	_ =	shalt  }
0x85: {  	_ =	shalt  }
0x86: {  	_ =	shalt  }
0x87: {  	_ =	shalt  }
.Lfunc_end0:
.L_simem_size_0:
called_computation_lowered:
.L_overlay_start_0:
0x88: {  	s2 =	sld [smem:$0x3FD9]  }
0x89: {  	s3 =	sld [smem:$0x3FFE];
	_ =	sdelay $0x1  }
0x8a: {  	s1 =	srdreg.scid  }
0x8b: {  	s0 =	sand.u32 $0x1, s1  }
0x8c: {  	s17 =	sshll.u32 s0, $0xA;
	s2 =	sadd.s32 s3, s2  }
0x8d: {  	s2 =	sadd.s32 s2, s17  }
0x8e: {  	[smem:$0x3FC0] =	sst s2  }
0x8f: {  	_ = 	snop  }
0x90: {  	s2 =	sld [smem:$0x3FD0];
	(tm) =	ssettm $0x1  }
0x91: {  	s18 =	sld [smem:$0x3FFB];
	_ =	sdelay $0x3  }
0x92: {  	_ =	strace s18  }
0x93: {  	s3 =	sld [smem:$0x3FFC];
	_ =	sdelay $0x3  }
0x94: {  	_ =	strace s3  }
0x95: {  	s3 =	sld [smem:$0x3FFD];
	_ =	sdelay $0x3  }
0x96: {  	_ =	strace s3  }
0x97: {  	_ =	strace $0x8FFFFFFF  }
0x98: {  	s19 =	sld [smem:$0x3FDB];
	_ =	sdelay $0x1  }
0x99: {  	s4 =	simm.s32 $_scs_section_size  }
0x9a: {  	s5 =	simm.s32 $_size__tile_overlayer_lowered;
	s6 =	simm.s32 $_tile_overlayer_lowered  }
0x9b: {  	s22 =	simm.s32 $0x1BFF;
	s21 =	sshll.u32 s6, $0x1;
	s3 =	sadd.s32 s4, s19  }
0x9c: {  	s7 =	simm.s32 $0x0;
	s20 =	sshll.u32 s5, $0x1;
	s5 =	sadd.s32 s21, s3  }
0x9d: {  	[timem:s7], [sflag:s22] =	dma.local [hbm:s5], s20  }
0x9e: {  	_ =	swait.ge [sflag:s22], s20  }
0x9f: {  	s4 =	ssub.s32 $0x0, s20;
	[sflag:s22] =	ssyncset.done $0x0  }
0xa0: {  	[sflag:s22] =	ssyncadd.s32 s4;
	_ =	sdelay $0x1  }
0xa1: {  	s23 =	simm.s32 $0x1B8B  }
0xa2: {  	_ =	swait.ge [sflag:s23], $0x1  }
0xa3: {  	[sflag:s23] =	ssyncset.done $0x0  }
0xa4: {  	s25 =	simm.s32 $0x1B8E;
	s24 =	sld [smem:$0x3FFE];
	[sflag:s23] =	ssyncadd.s32 $0xFFFFFFFF  }
0xa5: {  	s26 =	simm.s32 $execute0_lowered;
	[smem:$0x3FD2] =	sst s25  }
0xa6: {  	s5 =	sshll.u32 s26, $0x1;
	_ =	strace $0x80000046;
	[dreg:$0x1] =	wrdreg $0xFFFFFFFF  }
0xa7: {  	s28 =	simm.s32 $_size_execute0_lowered;
	s3 =	sadd.s32 s3, s5;
	[dreg:$0x0] =	wrdreg $0x0  }
0xa8: {  	s5 =	sshll.u32 s28, $0x1;
	[dreg:$0x2] =	wrdreg s3  }
0xa9: {  	[dreg:$0x3] =	wrdreg s5  }
0xaa: {  	[dreg:$0x4] =	wrdreg $0xC0  }
0xab: {  	_ =	task [dreg:s7], $0x5FFFF  }
0xac: {  	[dreg:$0x1] =	wrdreg $0xFFFFFFFF  }
0xad: {  	[dreg:$0x0] =	wrdreg $0x60  }
0xae: {  	[dreg:$0x2] =	wrdreg s2  }
0xaf: {  	[dreg:$0x3] =	wrdreg s24  }
0xb0: {  	[dreg:$0x4] =	wrdreg $0x54000  }
0xb1: {  	[dreg:$0x5] =	wrdreg $0x9  }
0xb2: {  	_ =	task.clear_ibuf [dreg:s7], $0x6FFFF;
	_ =	strace $0x90000046  }
0xb3: {  	s29 =	simm.s32 $0x9;
	_ =	strace $0x80000048  }
0xb4: {  	_ =	swait.ge [sflag:s29], $0x1  }
0xb5: {  	[sflag:s29] =	ssyncadd.s32 $0xFFFFFFFF  }
0xb6: {  	_ =	strace $0x90000048  }
0xb7: {  	_ =	sfence  }
0xb8: {  	s30 =	sld [smem:$0x0];
	_ =	sdelay $0x2  }
0xb9: {  	s31 =	sshll.u32 s1, $0xD;
	s1 =	sshrl.u32 s1, $0x2  }
0xba: {  	s3 =	sand.u32 $0x4000, s31;
	s1 =	sadd.s32 s1, s30  }
0xbb: {  	s0 =	sor.u32 s3, s0;
	s1 =	sshll.u32 s1, $0x11  }
0xbc: {  	s0 =	sor.u32 s1, s0  }
0xbd: {  	s0 =	sadd.s32 $0x8F2B, s0  }
0xbe: {  	[sflag:s0] =	ssyncadd.remote.s32 $0x1  }
0xbf: {  	_ =	sfence.sel $0xFFFF  }
0xc0: {  	[dreg:$0x0] =	wrdreg $0xFFFFFFFF;
	(pc) =	sbr.abs _section_cstart, $3  }
0xc1: {  	[dreg:$0x1] =	wrdreg $0xFFFFFFFF  }
0xc2: {  	_ =	task.clear_ibuf [dreg:s7], $0x2FFFF;
	_ =	strace $0x9FFFFFFF  }
0xc3: {  	(tm) =	ssettm $0x7FFFFFFF  }
tec
execute0_lowered:
.L_overlay_start_1:
0x0: {  	(tag) =	ssettag $0x1  }
0x1: {  	s5 =	rddreg [dreg:$0x0]  }
0x2: {  	s6 =	rddreg [dreg:$0x1]  }
0x3: {  	s2 =	rddreg [dreg:$0x2]  }
0x4: {  	s0 =	stileid.u32;
	s4 =	srdreg.scid  }
0x5: {  	s1 =	rddreg [dreg:$0x3];
	s3 =	simm.s32 $0x0;
	s13 =	simm.s32 $0x80  }
0x6: {  	s14 =	simm.s32 $0x0;
	s7 =	smul.u32 $0x14000, s0;
	s8 =	sand.u32 $0x1, s4  }
0x7: {  	[smem:$0x7FF] =	sst s3;
	s4 =	sadd.s32 $0x2D400, s6;
	s28 =	smul.u32 $0x50000, s0  }
0x8: {  	s26 =	sshll.u32 s0, $0x1;
	s31 =	sshll.u32 s0, $0x6;
	s9 =	smul.u32 $0x140000, s8  }
0x9: {  	_ =	strace $0x80000047;
	s11 =	ssub.s32 $0x2, s8;
	s8 =	sor.u32 s8, s26  }
0xa: {  	s25 =	sshrl.u32 s7, $0x3;
	s12 =	sshrl.u32 s11, $0x1;
	s8 =	smul.u32 $0x280, s8  }
0xb: {  	s29 =	sshrl.u32 s28, $0x2;
	s10 =	sadd.s32 s25, s6;
	s7 =	sadd.s32 s7, s9  }
0xc: {  	s11 =	ssub.s32 s11, s12;
	s30 =	sadd.s32 s29, s2;
	s9 =	simm.s32 $0x1  }
0xd: {  	s7 =	sshrl.u32 s7, $0x3;
	s5 =	sadd.s32 s5, s8;
	s8 =	smax.u32 s11, $0x1  }
0xe: {  	s11 =	sor.u32 $0x1C01, s31;
	s12 =	sshrl.u32 s30, $0x3;
	s7 =	sadd.s32 s7, s6  }
0xf: {  	s6 =	sadd.s32 $0x5400, s10;
	s10 =	simm.s32 $0x1400;
	s7 =	sadd.s32 $0x2DC00, s7  }
.LBB2_1:
0x10: {  	[tilespmem:s3], [sflag:$0x1] =	stream.linear.gather [hbm4b:s5+s3], $0x1400, $0x38;
	[tilespmem:$0x19400] =	vst v63  }
0x11: {  	_ =	swait.ge [sflag:s9], $0x1400  }
0x12: {  	[sflag:s9] =	ssyncset.done $0x0  }
0x13: {  	[sflag:s9] =	ssyncadd.s32 $0xFFFFEC00  }
0x14: {  	[tilespmem:s10], [sflag:$0x1] =	stream.linear.gather [hbm4b:s4+s3], $0x4000, $0x38;
	[tilespmem:$0x19400] =	vst v63  }
0x15: {  	_ =	swait.ge [sflag:s9], $0x4000  }
0x16: {  	[sflag:s9] =	ssyncset.done $0x0  }
0x17: {  	[sflag:s9] =	ssyncadd.s32 $0xFFFFC000  }
0x18: {  	[spmem:s12], [sflag:s11] =	dma.local [hbm:s6], $0x2800  }
0x19: {  	_ =	swait.ge [sflag:s9], $0x2800  }
0x1a: {  	[sflag:s9] =	ssyncset.done $0x0  }
0x1b: {  	[sflag:s9] =	ssyncadd.s32 $0xFFFFD800  }
0x1c: {  	s15 =	simm.s32 $0x0;
	[bflag:$0x0] =	sbarrier.arrive $0xFFFF  }
0x1d: {  	[spmem:s2] =	stream.indirect.scatter.add.f32 [tilespmem:s10], [sflag:$0x1], $0x80, s15, s13, $0xb8;
	[tilespmem:$0x19400] =	vst v63  }
0x1e: {  	_ =	swait.ge [sflag:s9], $0x4000  }
0x1f: {  	s15 =	simm.s32 $0x200;
	[sflag:s9] =	ssyncset.done $0x0  }
.LBB2_2:
0x20: {  	s16 =	sshra.s32 s15, $0x2;
	[sflag:s9] =	ssyncadd.s32 $0xFFFFC000;
	p0 =	sne.s32 s15, $0x4E00  }
0x21: {  	[spmem:s2] =	stream.indirect.scatter.add.f32 [tilespmem:s10], [sflag:$0x1], $0x80, s16, s13, $0xb8;
	[tilespmem:$0x19400] =	vst v63  }
.Ltmp0:
0x22: {  	_ = 	snop;
	(pc) =	sbr.rel @p0 .LBB2_2-.Ltmp0, $4  }
0x23: {  	_ = 	snop  }
0x24: {  	s15 =	sadd.s32 $0x200, s15  }
0x25: {  	_ =	swait.ge [sflag:s9], $0x4000  }
0x26: {  	[sflag:s9] =	ssyncset.done $0x0  }
0x27: {  	s14 =	sadd.s32 $0x1, s14  }
0x28: {  	[sflag:s9] =	ssyncadd.s32 $0xFFFFC000;
	p0 =	sne.s32 s14, s8  }
.Ltmp1:
0x29: {  	[bflag:$0x0] =	sbarrier.arrive $0xFFFF;
	(pc) =	sbr.rel @p0 .LBB2_1-.Ltmp1, $4  }
0x2a: {  	[hbm:s7], [sflag:s11] =	dma.local [spmem:s12], $0x2800  }
0x2b: {  	_ =	swait.ge [sflag:s9], $0x2800  }
0x2c: {  	[sflag:s9] =	ssyncset.done $0x0  }
0x2d: {  	[sflag:s9] =	ssyncadd.s32 $0xFFFFD800  }
0x2e: {  	_ =	sfence.sel $0x180000  }
0x2f: {  	[bflag:$0x0] =	sbarrier.arrive $0xFFFF  }
0x30: {  	p0 =	sne.s32 s0, $0x0;
	_ =	strace $0x90000047  }
0x31: {  	s0 =	sadd.s32 @!p0 $0x100000, s1;
	[bflag:$0x2] =	sbarrier.arrive $0xFFFF  }
0x32: {  	[sflag:s0] =	ssyncadd.tile.s32 @!p0 $0x1;
	_ =	shalt  }
.Lfunc_end2:
_tile_overlayer_lowered:
.L_overlay_start_2:
0x33: {  	(tag) =	ssettag $0x2  }
0x34: {  	s0 =	rddreg [dreg:$0x0];
	s2 =	stileid.u32  }
0x35: {  	s1 =	rddreg [dreg:$0x1];
	p0 =	sne.s32 s2, $0x0  }
0x36: {  	s3 =	rddreg [dreg:$0x2];
	[bflag:$0x3] =	sbarrier.arrive $0xFFFF;
	s2 =	simm.s32 @!p0 $0x1C01  }
0x37: {  	[timem:s3], [sflag:s2] =	dma.local @!p0 [hbm:s0], s1  }
0x38: {  	s0 =	simm.s32 @!p0 $0x1  }
0x39: {  	_ =	swait.ge @!p0 [sflag:s0], s1  }
0x3a: {  	s1 =	ssub.s32 @!p0 $0x0, s1;
	[sflag:s0] =	ssyncset.done @!p0 $0x0  }
0x3b: {  	[sflag:s0] =	ssyncadd.s32 @!p0 s1  }
0x3c: {  	[bflag:$0x3] =	sbarrier.arrive $0xFFFF  }
0x3d: {  	_ =	shalt  }

// kernel: kernel.13.cloned.1.call-start
scs
__scs_entry_jumppad:
0x0: {  	(pc) =	sbr.rel $0x88, $3  }
0x1: {  	(tag) =	ssettag $0x0;
	lr =	simm.s32 $0x1  }
0x2: {  	[smem:$0x3F99] =	sst lr;
	_ =	strace $0xD0000000  }
0x3: {  	_ = 	snop  }
0x4: {  	_ = 	snop  }
0x5: {  	_ = 	snop  }
0x6: {  	_ = 	snop  }
0x7: {  	_ = 	snop  }
__scs_overlays_trampoline_lowered:
0x8: {  	[smem:$0x3FA8] =	sst s0  }
0x9: {  	[smem:$0x3FA9] =	sst s1  }
0xa: {  	[smem:$0x3FAA] =	sst s2  }
0xb: {  	[smem:$0x3FAB] =	sst s3  }
0xc: {  	[smem:$0x3FAC] =	sst s4  }
0xd: {  	[smem:$0x3FAD] =	sst s5  }
0xe: {  	[smem:$0x3FAE] =	sst s6  }
0xf: {  	[smem:$0x3FAF] =	sst s7  }
0x10: {  	[smem:$0x3FB0] =	sst s8  }
0x11: {  	[smem:$0x3FB1] =	sst s9;
	s0 =	simm.s32 @!p0 $0x0  }
0x12: {  	s1 =	sld [smem:$0x3F97];
	s0 =	simm.s32 @p0 $0x1  }
0x13: {  	[smem:$0x3FB2] =	sst s0;
	s0 =	simm.s32 @!p1 $0x0  }
0x14: {  	s2 =	sld [smem:$0x3F96];
	s0 =	simm.s32 @p1 $0x1  }
0x15: {  	[smem:$0x3FB3] =	sst s0;
	s0 =	simm.s32 @!p2 $0x0  }
0x16: {  	s3 =	sld [smem:$0x3FDB];
	s0 =	simm.s32 @p2 $0x1  }
0x17: {  	s4 =	simm.s32 $0x1BF5;
	[smem:$0x3FB5] =	sst s0  }
0x18: {  	s0 =	sld [smem:$0x3F98];
	_ =	swait.ge [sflag:s4], $0x0  }
0x19: {  	s7 =	sld [smem:$0x3F99]  }
0x1a: {  	s8 =	sadd.s32 $0xFFFFE003, lr  }
0x1b: {  	s9 =	sadd.s32 $0xFFFFFEF7, lr;
	s5 =	simm.s32 $0xFFFFFFFF;
	p2 =	slt.u32 s8, $0xFFFFF086  }
0x1c: {  	p1 =	slt.u32 s9, $0xF7A;
	s5 =	simm.s32 @!p2 $0x0  }
0x1d: {  	s5 =	simm.s32 @p1 $0x1;
	p0 =	seq.s32 s7, s2  }
0x1e: {  	s7 =	smul.u32 @!p0 $0xF7A, s2;
	p2 =	seq.s32 @!p0 s5, $0x0  }
0x1f: {  	s9 =	smul.u32 $0xF7A, s1;
	s8 =	simm.s32 @!p0 $0x1BF5;
	p2 =	por !p2, p0  }
0x20: {  	[sflag:s8] =	ssyncset.s32 @!p0 $0xFFFFF086;
	s6 =	sadd.s32 @!p0 s3, s7;
	s7 =	simm.s32 @!p0 $0x108  }
0x21: {  	s3 =	sadd.s32 s3, s9;
	s6 =	sadd.s32 @!p0 $0x88, s6;
	s7 =	simm.s32 @p2 $0x1082  }
0x22: {  	[simem:s7], [sflag:s8] =	dma.local @!p0 [hbm:s6], $0xF7A  }
0x23: {  	s9 =	sor.u32 $0xD0000000, s2;
	s6 =	simm.s32 $0x108;
	_ =	swait.ge @!p0 [sflag:s8], $0x0  }
0x24: {  	s3 =	sadd.s32 $0x88, s3;
	s6 =	simm.s32 @!p1 $0x1082;
	[sflag:s4] =	ssyncset.s32 $0xFFFFF086  }
0x25: {  	[simem:s6], [sflag:s4] =	dma.local [hbm:s3], $0xF7A  }
0x26: {  	[smem:$0x3F99] =	sst s1;
	(tag) =	ssettag s2;
	_ =	strace s9  }
0x27: {  	s1 =	sld [smem:$0x3FA9]  }
0x28: {  	s2 =	sld [smem:$0x3FAA]  }
0x29: {  	s4 =	sld [smem:$0x3FAC]  }
0x2a: {  	p0 =	seq.s32 s5, $0x0;
	s5 =	sld [smem:$0x3FAD]  }
0x2b: {  	s6 =	sld [smem:$0x3FAE]  }
0x2c: {  	s7 =	sld [smem:$0x3FAF]  }
0x2d: {  	s3 =	simm.s32 $0x108;
	s8 =	sld [smem:$0x3FB0]  }
0x2e: {  	s3 =	simm.s32 @!p0 $0x1082;
	s9 =	sld [smem:$0x3FB1]  }
0x2f: {  	lr =	sadd.s32 s0, s3;
	s0 =	sld [smem:$0x3FA8]  }
0x30: {  	s3 =	sld [smem:$0x3FAB]  }
0x31: {  	[smem:$0x3FB4] =	sst s10  }
0x32: {  	s10 =	sld [smem:$0x3FB2];
	_ =	sdelay $0x3  }
0x33: {  	p0 =	seq.s32 s10, $0x1;
	s10 =	sld [smem:$0x3FB4];
	_ =	sdelay $0x3  }
0x34: {  	[smem:$0x3FB4] =	sst s10  }
0x35: {  	s10 =	sld [smem:$0x3FB3];
	_ =	sdelay $0x3  }
0x36: {  	p1 =	seq.s32 s10, $0x1;
	s10 =	sld [smem:$0x3FB4];
	_ =	sdelay $0x3  }
0x37: {  	[smem:$0x3FB4] =	sst s10  }
0x38: {  	s10 =	sld [smem:$0x3FB5]  }
0x39: {  	_ = 	snop;
	(pc) =	sbr.ind lr, $3  }
0x3a: {  	_ = 	snop  }
0x3b: {  	_ = 	snop  }
0x3c: {  	p2 =	seq.s32 s10, $0x1;
	s10 =	sld [smem:$0x3FB4]  }
0x3d: {  	_ =	shalt  }
0x3e: {  	_ =	shalt  }
0x3f: {  	_ =	shalt  }
0x40: {  	_ =	shalt  }
0x41: {  	_ =	shalt  }
0x42: {  	_ =	shalt  }
0x43: {  	_ =	shalt  }
0x44: {  	_ =	shalt  }
0x45: {  	_ =	shalt  }
0x46: {  	_ =	shalt  }
0x47: {  	_ =	shalt  }
0x48: {  	_ =	shalt  }
0x49: {  	_ =	shalt  }
0x4a: {  	_ =	shalt  }
0x4b: {  	_ =	shalt  }
0x4c: {  	_ =	shalt  }
0x4d: {  	_ =	shalt  }
0x4e: {  	_ =	shalt  }
0x4f: {  	_ =	shalt  }
0x50: {  	_ =	shalt  }
0x51: {  	_ =	shalt  }
0x52: {  	_ =	shalt  }
0x53: {  	_ =	shalt  }
0x54: {  	_ =	shalt  }
0x55: {  	_ =	shalt  }
0x56: {  	_ =	shalt  }
0x57: {  	_ =	shalt  }
0x58: {  	_ =	shalt  }
0x59: {  	_ =	shalt  }
0x5a: {  	_ =	shalt  }
0x5b: {  	_ =	shalt  }
0x5c: {  	_ =	shalt  }
0x5d: {  	_ =	shalt  }
0x5e: {  	_ =	shalt  }
0x5f: {  	_ =	shalt  }
0x60: {  	_ =	shalt  }
0x61: {  	_ =	shalt  }
0x62: {  	_ =	shalt  }
0x63: {  	_ =	shalt  }
0x64: {  	_ =	shalt  }
0x65: {  	_ =	shalt  }
0x66: {  	_ =	shalt  }
0x67: {  	_ =	shalt  }
0x68: {  	_ =	shalt  }
0x69: {  	_ =	shalt  }
0x6a: {  	_ =	shalt  }
0x6b: {  	_ =	shalt  }
0x6c: {  	_ =	shalt  }
0x6d: {  	_ =	shalt  }
0x6e: {  	_ =	shalt  }
0x6f: {  	_ =	shalt  }
0x70: {  	_ =	shalt  }
0x71: {  	_ =	shalt  }
0x72: {  	_ =	shalt  }
0x73: {  	_ =	shalt  }
0x74: {  	_ =	shalt  }
0x75: {  	_ =	shalt  }
0x76: {  	_ =	shalt  }
0x77: {  	_ =	shalt  }
0x78: {  	_ =	shalt  }
0x79: {  	_ =	shalt  }
0x7a: {  	_ =	shalt  }
0x7b: {  	_ =	shalt  }
0x7c: {  	_ =	shalt  }
0x7d: {  	_ =	shalt  }
0x7e: {  	_ =	shalt  }
0x7f: {  	_ =	shalt  }
0x80: {  	_ =	shalt  }
0x81: {  	_ =	shalt  }
0x82: {  	_ =	shalt  }
0x83: {  	_ =	shalt  }
0x84: {  	_ =	shalt  }
0x85: {  	_ =	shalt  }
0x86: {  	_ =	shalt  }
0x87: {  	_ =	shalt  }
.Lfunc_end0:
.L_simem_size_0:
called_computation.1_lowered:
.L_overlay_start_0:
0x88: {  	s2 =	sld [smem:$0x3FD9]  }
0x89: {  	s3 =	sld [smem:$0x3FFE];
	_ =	sdelay $0x1  }
0x8a: {  	s1 =	srdreg.scid  }
0x8b: {  	s0 =	sand.u32 $0x1, s1  }
0x8c: {  	s17 =	sshll.u32 s0, $0xA;
	s2 =	sadd.s32 s3, s2  }
0x8d: {  	s2 =	sadd.s32 s2, s17  }
0x8e: {  	[smem:$0x3FC0] =	sst s2  }
0x8f: {  	_ = 	snop  }
0x90: {  	s2 =	sld [smem:$0x3FD0];
	(tm) =	ssettm $0x1  }
0x91: {  	s18 =	sld [smem:$0x3FFB];
	_ =	sdelay $0x3  }
0x92: {  	_ =	strace s18  }
0x93: {  	s3 =	sld [smem:$0x3FFC];
	_ =	sdelay $0x3  }
0x94: {  	_ =	strace s3  }
0x95: {  	s3 =	sld [smem:$0x3FFD];
	_ =	sdelay $0x3  }
0x96: {  	_ =	strace s3  }
0x97: {  	_ =	strace $0x8FFFFFFF  }
0x98: {  	s19 =	sld [smem:$0x3FDB];
	_ =	sdelay $0x1  }
0x99: {  	s4 =	simm.s32 $_scs_section_size  }
0x9a: {  	s5 =	simm.s32 $_size__tile_overlayer_lowered;
	s6 =	simm.s32 $_tile_overlayer_lowered  }
0x9b: {  	s22 =	simm.s32 $0x1BFF;
	s21 =	sshll.u32 s6, $0x1;
	s3 =	sadd.s32 s4, s19  }
0x9c: {  	s7 =	simm.s32 $0x0;
	s20 =	sshll.u32 s5, $0x1;
	s5 =	sadd.s32 s21, s3  }
0x9d: {  	[timem:s7], [sflag:s22] =	dma.local [hbm:s5], s20  }
0x9e: {  	_ =	swait.ge [sflag:s22], s20  }
0x9f: {  	s4 =	ssub.s32 $0x0, s20;
	[sflag:s22] =	ssyncset.done $0x0  }
0xa0: {  	[sflag:s22] =	ssyncadd.s32 s4;
	_ =	sdelay $0x1  }
0xa1: {  	s23 =	simm.s32 $0x1B8B  }
0xa2: {  	_ =	swait.ge [sflag:s23], $0x1  }
0xa3: {  	[sflag:s23] =	ssyncset.done $0x0  }
0xa4: {  	s25 =	simm.s32 $0x1B8E;
	s24 =	sld [smem:$0x3FFE];
	[sflag:s23] =	ssyncadd.s32 $0xFFFFFFFF  }
0xa5: {  	s26 =	simm.s32 $execute0_lowered;
	[smem:$0x3FD2] =	sst s25  }
0xa6: {  	s5 =	sshll.u32 s26, $0x1;
	_ =	strace $0x80000049;
	[dreg:$0x1] =	wrdreg $0xFFFFFFFF  }
0xa7: {  	s28 =	simm.s32 $_size_execute0_lowered;
	s3 =	sadd.s32 s3, s5;
	[dreg:$0x0] =	wrdreg $0x0  }
0xa8: {  	s5 =	sshll.u32 s28, $0x1;
	[dreg:$0x2] =	wrdreg s3  }
0xa9: {  	[dreg:$0x3] =	wrdreg s5  }
0xaa: {  	[dreg:$0x4] =	wrdreg $0xC0  }
0xab: {  	_ =	task [dreg:s7], $0x5FFFF  }
0xac: {  	[dreg:$0x1] =	wrdreg $0xFFFFFFFF  }
0xad: {  	[dreg:$0x0] =	wrdreg $0x60  }
0xae: {  	[dreg:$0x2] =	wrdreg s24  }
0xaf: {  	[dreg:$0x3] =	wrdreg s2  }
0xb0: {  	[dreg:$0x4] =	wrdreg $0xA8000  }
0xb1: {  	[dreg:$0x5] =	wrdreg $0x9  }
0xb2: {  	_ =	task.clear_ibuf [dreg:s7], $0x6FFFF;
	_ =	strace $0x90000049  }
0xb3: {  	s29 =	simm.s32 $0x9;
	_ =	strace $0x8000004B  }
0xb4: {  	_ =	swait.ge [sflag:s29], $0x1  }
0xb5: {  	[sflag:s29] =	ssyncadd.s32 $0xFFFFFFFF  }
0xb6: {  	_ =	strace $0x9000004B  }
0xb7: {  	_ =	sfence  }
0xb8: {  	s30 =	sld [smem:$0x0];
	_ =	sdelay $0x2  }
0xb9: {  	s31 =	sshll.u32 s1, $0xD;
	s1 =	sshrl.u32 s1, $0x2  }
0xba: {  	s3 =	sand.u32 $0x4000, s31;
	s1 =	sadd.s32 s1, s30  }
0xbb: {  	s0 =	sor.u32 s3, s0;
	s1 =	sshll.u32 s1, $0x11  }
0xbc: {  	s0 =	sor.u32 s1, s0  }
0xbd: {  	s0 =	sadd.s32 $0x8F2B, s0  }
0xbe: {  	[sflag:s0] =	ssyncadd.remote.s32 $0x1  }
0xbf: {  	_ =	sfence.sel $0xFFFF  }
0xc0: {  	[dreg:$0x0] =	wrdreg $0xFFFFFFFF;
	(pc) =	sbr.abs _section_cstart, $3  }
0xc1: {  	[dreg:$0x1] =	wrdreg $0xFFFFFFFF  }
0xc2: {  	_ =	task.clear_ibuf [dreg:s7], $0x2FFFF;
	_ =	strace $0x9FFFFFFF  }
0xc3: {  	(tm) =	ssettm $0x7FFFFFFF  }
tec
execute0_lowered:
.L_overlay_start_1:
0x0: {  	(tag) =	ssettag $0x1  }
0x1: {  	s0 =	rddreg [dreg:$0x0]  }
0x2: {  	s13 =	rddreg [dreg:$0x1]  }
0x3: {  	s1 =	rddreg [dreg:$0x2];
	s2 =	simm.s32 $0x0;
	s6 =	srdreg.scid  }
0x4: {  	s3 =	stileid.u32;
	s19 =	simm.s32 $0x3;
	s20 =	simm.s32 $0x1400  }
0x5: {  	s21 =	simm.s32 $0x80;
	s22 =	simm.s32 $0x2800;
	s23 =	simm.s32 $0x6800  }
0x6: {  	s28 =	simm.s32 $0x2700;
	s29 =	simm.s32 $0x2780;
	[smem:$0x7FF] =	sst s2  }
0x7: {  	s4 =	sadd.s32 $0x2D400, s0;
	s5 =	sadd.s32 $0x55400, s0;
	s9 =	sand.u32 $0x1, s6  }
0x8: {  	s12 =	sadd.s32 $0xCDC00, s0;
	s11 =	smul.u32 $0x50000, s3;
	s24 =	sadd.s32 $0xA5400, s0  }
0x9: {  	s7 =	smul.u32 $0x2800, s3;
	s0 =	sadd.s32 $0xD2C00, s0;
	s16 =	sshll.u32 s3, $0x6  }
0xa: {  	_ =	strace $0x8000004A;
	s10 =	ssub.s32 $0x2, s9;
	[dreg:$0x4] =	wrdreg s24  }
0xb: {  	[dreg:$0x5] =	wrdreg s0;
	p0 =	seq.s32 s9, $0x1;
	s17 =	sor.u32 $0x1C03, s16  }
0xc: {  	s24 =	simm.s32 $0x1;
	s14 =	sshrl.u32 s10, $0x1;
	s26 =	sshrl.u32 s11, $0x2  }
.Ltmp0:
0xd: {  	s30 =	sshrl.u32 s7, $0x3;
	s9 =	sadd.s32 s4, s7;
	(pc) =	sbr.rel .LBB2_1-.Ltmp0, $4  }
0xe: {  	s25 =	ssub.s32 s10, s14;
	s18 =	sadd.s32 s26, s1;
	s10 =	sadd.s32 s12, s30  }
0xf: {  	s31 =	sadd.s32 $0x280, s30;
	s11 =	sadd.s32 s13, s30;
	s14 =	sadd.s32 s5, s7  }
0x10: {  	s26 =	simm.s32 $0x1380;
	s12 =	sadd.s32 s12, s31;
	s13 =	sadd.s32 s13, s31  }
0x11: {  	s15 =	smax.u32 s25, $0x1;
	s18 =	sshrl.u32 s18, $0x3;
	s25 =	simm.s32 $0x2  }
.LBB2_11:
0x12: {  	s0 =	sadd.s32 $0x80, s30;
	[sflag:s19] =	ssyncadd.s32 $0xFFFFC000  }
0x13: {  	[tilespmem:s23], [sflag:$0x2] =	stream.indirect.gather [hbm4b:s5+s21], $0x80, s0, s21, $0xb8;
	[tilespmem:$0x1E800] =	vst v63  }
0x14: {  	_ =	swait.ge [sflag:s24], $0x4000  }
0x15: {  	[sflag:s24] =	ssyncset.done $0x0  }
0x16: {  	s3 =	sadd.s32 $0x1400, s30;
	[sflag:s24] =	ssyncadd.s32 $0xFFFFC000  }
0x17: {  	[spmem:s1] =	stream.indirect.scatter.add.f32 [tilespmem:s22], [sflag:$0x3], $0x80, s3, s21, $0xb8;
	[tilespmem:$0x1E800] =	vst v63  }
0x18: {  	_ =	swait.ge [sflag:s19], $0x4000  }
0x19: {  	[sflag:s19] =	ssyncset.done $0x0  }
0x1a: {  	s6 =	sadd.s32 $0x100, s30;
	[sflag:s19] =	ssyncadd.s32 $0xFFFFC000  }
0x1b: {  	[tilespmem:s22], [sflag:$0x1] =	stream.indirect.gather [hbm4b:s5+s21], $0x80, s6, s21, $0xb8;
	[tilespmem:$0x1E800] =	vst v63  }
0x1c: {  	_ =	swait.ge [sflag:s25], $0x4000  }
0x1d: {  	[sflag:s25] =	ssyncset.done $0x0  }
0x1e: {  	s8 =	sadd.s32 $0x1480, s30;
	[sflag:s25] =	ssyncadd.s32 $0xFFFFC000  }
0x1f: {  	[spmem:s1] =	stream.indirect.scatter.add.f32 [tilespmem:s23], [sflag:$0x3], $0x80, s8, s21, $0xb8;
	[tilespmem:$0x1E800] =	vst v63  }
0x20: {  	_ =	swait.ge [sflag:s19], $0x4000  }
0x21: {  	[sflag:s19] =	ssyncset.done $0x0  }
0x22: {  	s30 =	smov.u32 s17;
	s31 =	rddreg [dreg:$0x5];
	[sflag:s19] =	ssyncadd.s32 $0xFFFFC000  }
0x23: {  	[tilespmem:s23], [sflag:$0x2] =	stream.indirect.gather [hbm4b:s5+s21], $0x80, s26, s21, $0xb8;
	[tilespmem:$0x1E800] =	vst v63  }
.LBB2_12:
0x24: {  	_ =	swait.ge [sflag:s24], $0x4000  }
0x25: {  	[sflag:s24] =	ssyncset.done $0x0  }
0x26: {  	[sflag:s24] =	ssyncadd.s32 $0xFFFFC000  }
0x27: {  	[spmem:s1] =	stream.indirect.scatter.add.f32 [tilespmem:s22], [sflag:$0x3], $0x80, s28, s21, $0xb8;
	[tilespmem:$0x1E800] =	vst v63  }
0x28: {  	_ =	swait.ge [sflag:s19], $0x4000  }
0x29: {  	[sflag:s19] =	ssyncset.done $0x0  }
0x2a: {  	[sflag:s19] =	ssyncadd.s32 $0xFFFFC000  }
0x2b: {  	_ =	swait.ge [sflag:s25], $0x4000  }
0x2c: {  	[sflag:s25] =	ssyncset.done $0x0  }
0x2d: {  	[sflag:s25] =	ssyncadd.s32 $0xFFFFC000  }
0x2e: {  	[spmem:s1] =	stream.indirect.scatter.add.f32 [tilespmem:s23], [sflag:$0x3], $0x80, s29, s21, $0xb8;
	[tilespmem:$0x1E800] =	vst v63  }
0x2f: {  	_ =	swait.ge [sflag:s19], $0x4000  }
0x30: {  	s2 =	sadd.s32 $0x1, s2;
	[sflag:s19] =	ssyncset.done $0x0  }
0x31: {  	p1 =	sne.s32 s2, s15;
	[sflag:s19] =	ssyncadd.s32 $0xFFFFC000  }
.Ltmp1:
0x32: {  	s0 =	sadd.s32 s31, s7;
	[bflag:$0x0] =	sbarrier.arrive $0xFFFF;
	(pc) =	sbr.rel @!p1 .LBB2_13-.Ltmp1, $4  }
0x33: {  	[hbm:s0], [sflag:s30] =	dma.local [spmem:s18], $0x2800  }
0x34: {  	_ =	swait.ge [sflag:s19], $0x2800  }
0x35: {  	[sflag:s19] =	ssyncset.done $0x0  }
0x36: {  	[sflag:s19] =	ssyncadd.s32 $0xFFFFD800  }
.LBB2_1:
.Ltmp2:
0x37: {  	(pc) =	sbr.rel @!p0 .LBB2_2-.Ltmp2, $1  }
0x38: {  	_ =	sdelay $0x3  }
0x39: {  	[spmem:s18], [sflag:s17] =	dma.local [hbm:s14], $0x2800  }
0x3a: {  	_ =	swait.ge [sflag:s19], $0x2800  }
0x3b: {  	[sflag:s19] =	ssyncset.done $0x0  }
0x3c: {  	[sflag:s19] =	ssyncadd.s32 $0xFFFFD800  }
0x3d: {  	s0 =	simm.s32 $0x0;
	[bflag:$0x0] =	sbarrier.arrive $0xFFFF  }
0x3e: {  	[tilespmem:s0], [sflag:$0x3] =	stream.linear.gather [hbm4b:s10+s0], $0x1400, $0x38;
	[tilespmem:$0x1E800] =	vst v63  }
0x3f: {  	_ =	swait.ge [sflag:s19], $0x1400  }
0x40: {  	[sflag:s19] =	ssyncset.done $0x0  }
0x41: {  	[sflag:s19] =	ssyncadd.s32 $0xFFFFEC00  }
0x42: {  	[tilespmem:s20], [sflag:$0x3] =	stream.linear.gather [hbm4b:s11+s0], $0x1400, $0x38;
	[tilespmem:$0x1E800] =	vst v63  }
0x43: {  	_ =	swait.ge [sflag:s19], $0x1400  }
0x44: {  	[sflag:s19] =	ssyncset.done $0x0  }
0x45: {  	[sflag:s19] =	ssyncadd.s32 $0xFFFFEC00  }
0x46: {  	[tilespmem:s22], [sflag:$0x1] =	stream.indirect.gather [hbm4b:s5+s21], $0x80, s0, s21, $0xb8;
	[tilespmem:$0x1E800] =	vst v63  }
0x47: {  	s3 =	simm.s32 $0x80  }
0x48: {  	[tilespmem:s23], [sflag:$0x2] =	stream.indirect.gather [hbm4b:s5+s21], $0x80, s3, s21, $0xb8;
	[tilespmem:$0x1E800] =	vst v63  }
0x49: {  	_ =	swait.ge [sflag:s24], $0x4000  }
0x4a: {  	[sflag:s24] =	ssyncset.done $0x0  }
0x4b: {  	s6 =	simm.s32 $0x1400;
	[sflag:s24] =	ssyncadd.s32 $0xFFFFC000  }
0x4c: {  	[spmem:s1] =	stream.indirect.scatter.add.f32 [tilespmem:s22], [sflag:$0x3], $0x80, s6, s21, $0xb8;
	[tilespmem:$0x1E800] =	vst v63  }
0x4d: {  	_ =	swait.ge [sflag:s19], $0x4000  }
0x4e: {  	[sflag:s19] =	ssyncset.done $0x0  }
0x4f: {  	s8 =	simm.s32 $0x100;
	[sflag:s19] =	ssyncadd.s32 $0xFFFFC000  }
0x50: {  	[tilespmem:s22], [sflag:$0x1] =	stream.indirect.gather [hbm4b:s5+s21], $0x80, s8, s21, $0xb8;
	[tilespmem:$0x1E800] =	vst v63  }
0x51: {  	_ =	swait.ge [sflag:s25], $0x4000  }
0x52: {  	[sflag:s25] =	ssyncset.done $0x0  }
0x53: {  	s31 =	simm.s32 $0x1480;
	[sflag:s25] =	ssyncadd.s32 $0xFFFFC000  }
0x54: {  	[spmem:s1] =	stream.indirect.scatter.add.f32 [tilespmem:s23], [sflag:$0x3], $0x80, s31, s21, $0xb8;
	[tilespmem:$0x1E800] =	vst v63  }
0x55: {  	_ =	swait.ge [sflag:s19], $0x4000  }
0x56: {  	s30 =	simm.s32 $0x100;
	s0 =	simm.s32 $0x800;
	[sflag:s19] =	ssyncset.done $0x0  }
.LBB2_8:
0x57: {  	s3 =	sadd.s32 $0x80, s30  }
0x58: {  	[sflag:s19] =	ssyncadd.s32 $0xFFFFC000;
	s6 =	smov.u32 s0;
	s8 =	sadd.s32 $0x400, s0  }
0x59: {  	[tilespmem:s23], [sflag:$0x2] =	stream.indirect.gather [hbm4b:s5+s21], $0x80, s3, s21, $0xb8;
	[tilespmem:$0x1E800] =	vst v63  }
0x5a: {  	p1 =	sne.s32 s0, $0x4800;
	_ =	swait.ge [sflag:s24], $0x4000  }
0x5b: {  	[sflag:s24] =	ssyncset.done $0x0  }
0x5c: {  	s0 =	sadd.s32 $0x1400, s30;
	[sflag:s24] =	ssyncadd.s32 $0xFFFFC000  }
0x5d: {  	[spmem:s1] =	stream.indirect.scatter.add.f32 [tilespmem:s22], [sflag:$0x3], $0x80, s0, s21, $0xb8;
	[tilespmem:$0x1E800] =	vst v63  }
0x5e: {  	_ =	swait.ge [sflag:s19], $0x4000  }
0x5f: {  	[sflag:s19] =	ssyncset.done $0x0  }
0x60: {  	s0 =	sadd.s32 $0x100, s30;
	[sflag:s19] =	ssyncadd.s32 $0xFFFFC000  }
0x61: {  	[tilespmem:s22], [sflag:$0x1] =	stream.indirect.gather [hbm4b:s5+s21], $0x80, s0, s21, $0xb8;
	[tilespmem:$0x1E800] =	vst v63  }
0x62: {  	_ =	swait.ge [sflag:s25], $0x4000  }
.Ltmp3:
0x63: {  	[sflag:s25] =	ssyncset.done $0x0;
	(pc) =	sbr.rel @p1 .LBB2_8-.Ltmp3, $4  }
0x64: {  	s0 =	sadd.s32 $0x1480, s30;
	[sflag:s25] =	ssyncadd.s32 $0xFFFFC000  }
0x65: {  	[spmem:s1] =	stream.indirect.scatter.add.f32 [tilespmem:s23], [sflag:$0x3], $0x80, s0, s21, $0xb8;
	[tilespmem:$0x1E800] =	vst v63  }
0x66: {  	_ =	swait.ge [sflag:s19], $0x4000  }
0x67: {  	s30 =	sshra.s32 s6, $0x2;
	s0 =	smov.u32 s8;
	[sflag:s19] =	ssyncset.done $0x0  }
0x68: {  	s0 =	sadd.s32 $0x80, s30;
	[sflag:s19] =	ssyncadd.s32 $0xFFFFC000  }
0x69: {  	[tilespmem:s23], [sflag:$0x2] =	stream.indirect.gather [hbm4b:s5+s21], $0x80, s0, s21, $0xb8;
	[tilespmem:$0x1E800] =	vst v63  }
0x6a: {  	_ =	swait.ge [sflag:s24], $0x4000  }
0x6b: {  	[sflag:s24] =	ssyncset.done $0x0  }
0x6c: {  	s3 =	sadd.s32 $0x1400, s30;
	[sflag:s24] =	ssyncadd.s32 $0xFFFFC000  }
0x6d: {  	[spmem:s1] =	stream.indirect.scatter.add.f32 [tilespmem:s22], [sflag:$0x3], $0x80, s3, s21, $0xb8;
	[tilespmem:$0x1E800] =	vst v63  }
0x6e: {  	_ =	swait.ge [sflag:s19], $0x4000  }
0x6f: {  	[sflag:s19] =	ssyncset.done $0x0  }
0x70: {  	s6 =	sadd.s32 $0x100, s30;
	[sflag:s19] =	ssyncadd.s32 $0xFFFFC000  }
0x71: {  	[tilespmem:s22], [sflag:$0x1] =	stream.indirect.gather [hbm4b:s5+s21], $0x80, s6, s21, $0xb8;
	[tilespmem:$0x1E800] =	vst v63  }
0x72: {  	_ =	swait.ge [sflag:s25], $0x4000  }
0x73: {  	[sflag:s25] =	ssyncset.done $0x0  }
0x74: {  	s8 =	sadd.s32 $0x1480, s30;
	[sflag:s25] =	ssyncadd.s32 $0xFFFFC000  }
0x75: {  	[spmem:s1] =	stream.indirect.scatter.add.f32 [tilespmem:s23], [sflag:$0x3], $0x80, s8, s21, $0xb8;
	[tilespmem:$0x1E800] =	vst v63  }
0x76: {  	_ =	swait.ge [sflag:s19], $0x4000  }
0x77: {  	[sflag:s19] =	ssyncset.done $0x0  }
0x78: {  	[sflag:s19] =	ssyncadd.s32 $0xFFFFC000  }
0x79: {  	[tilespmem:s23], [sflag:$0x2] =	stream.indirect.gather [hbm4b:s5+s21], $0x80, s26, s21, $0xb8;
	[tilespmem:$0x1E800] =	vst v63  }
0x7a: {  	_ =	swait.ge [sflag:s24], $0x4000  }
0x7b: {  	[sflag:s24] =	ssyncset.done $0x0  }
0x7c: {  	[sflag:s24] =	ssyncadd.s32 $0xFFFFC000  }
0x7d: {  	[spmem:s1] =	stream.indirect.scatter.add.f32 [tilespmem:s22], [sflag:$0x3], $0x80, s28, s21, $0xb8;
	[tilespmem:$0x1E800] =	vst v63  }
0x7e: {  	_ =	swait.ge [sflag:s19], $0x4000  }
0x7f: {  	[sflag:s19] =	ssyncset.done $0x0  }
0x80: {  	[sflag:s19] =	ssyncadd.s32 $0xFFFFC000  }
0x81: {  	_ =	swait.ge [sflag:s25], $0x4000  }
0x82: {  	[sflag:s25] =	ssyncset.done $0x0  }
0x83: {  	[sflag:s25] =	ssyncadd.s32 $0xFFFFC000  }
0x84: {  	[spmem:s1] =	stream.indirect.scatter.add.f32 [tilespmem:s23], [sflag:$0x3], $0x80, s29, s21, $0xb8;
	[tilespmem:$0x1E800] =	vst v63  }
0x85: {  	_ =	swait.ge [sflag:s19], $0x4000  }
0x86: {  	[sflag:s19] =	ssyncset.done $0x0  }
0x87: {  	s31 =	simm.s32 $0x0;
	[sflag:s19] =	ssyncadd.s32 $0xFFFFC000  }
0x88: {  	[tilespmem:s31], [sflag:$0x3] =	stream.linear.gather [hbm4b:s12+s31], $0x1400, $0x38;
	[tilespmem:$0x1E800] =	vst v63  }
0x89: {  	_ =	swait.ge [sflag:s19], $0x1400  }
0x8a: {  	[sflag:s19] =	ssyncset.done $0x0  }
0x8b: {  	[sflag:s19] =	ssyncadd.s32 $0xFFFFEC00  }
0x8c: {  	[tilespmem:s20], [sflag:$0x3] =	stream.linear.gather [hbm4b:s13+s31], $0x1400, $0x38;
	[tilespmem:$0x1E800] =	vst v63  }
0x8d: {  	_ =	swait.ge [sflag:s19], $0x1400  }
0x8e: {  	[sflag:s19] =	ssyncset.done $0x0  }
0x8f: {  	[sflag:s19] =	ssyncadd.s32 $0xFFFFEC00  }
0x90: {  	[tilespmem:s22], [sflag:$0x1] =	stream.indirect.gather [hbm4b:s5+s21], $0x80, s31, s21, $0xb8;
	[tilespmem:$0x1E800] =	vst v63  }
0x91: {  	s3 =	simm.s32 $0x80  }
0x92: {  	[tilespmem:s23], [sflag:$0x2] =	stream.indirect.gather [hbm4b:s5+s21], $0x80, s3, s21, $0xb8;
	[tilespmem:$0x1E800] =	vst v63  }
0x93: {  	_ =	swait.ge [sflag:s24], $0x4000  }
0x94: {  	[sflag:s24] =	ssyncset.done $0x0  }
0x95: {  	s6 =	simm.s32 $0x1400;
	[sflag:s24] =	ssyncadd.s32 $0xFFFFC000  }
0x96: {  	[spmem:s1] =	stream.indirect.scatter.add.f32 [tilespmem:s22], [sflag:$0x3], $0x80, s6, s21, $0xb8;
	[tilespmem:$0x1E800] =	vst v63  }
0x97: {  	_ =	swait.ge [sflag:s19], $0x4000  }
0x98: {  	[sflag:s19] =	ssyncset.done $0x0  }
0x99: {  	s8 =	simm.s32 $0x100;
	[sflag:s19] =	ssyncadd.s32 $0xFFFFC000  }
0x9a: {  	[tilespmem:s22], [sflag:$0x1] =	stream.indirect.gather [hbm4b:s5+s21], $0x80, s8, s21, $0xb8;
	[tilespmem:$0x1E800] =	vst v63  }
0x9b: {  	_ =	swait.ge [sflag:s25], $0x4000  }
0x9c: {  	[sflag:s25] =	ssyncset.done $0x0  }
0x9d: {  	s31 =	simm.s32 $0x1480;
	[sflag:s25] =	ssyncadd.s32 $0xFFFFC000  }
0x9e: {  	[spmem:s1] =	stream.indirect.scatter.add.f32 [tilespmem:s23], [sflag:$0x3], $0x80, s31, s21, $0xb8;
	[tilespmem:$0x1E800] =	vst v63  }
0x9f: {  	_ =	swait.ge [sflag:s19], $0x4000  }
0xa0: {  	s30 =	simm.s32 $0x100;
	s0 =	simm.s32 $0x800;
	[sflag:s19] =	ssyncset.done $0x0  }
.LBB2_10:
0xa1: {  	s3 =	sadd.s32 $0x80, s30  }
0xa2: {  	[sflag:s19] =	ssyncadd.s32 $0xFFFFC000;
	s6 =	smov.u32 s0;
	s8 =	sadd.s32 $0x400, s0  }
0xa3: {  	[tilespmem:s23], [sflag:$0x2] =	stream.indirect.gather [hbm4b:s5+s21], $0x80, s3, s21, $0xb8;
	[tilespmem:$0x1E800] =	vst v63  }
0xa4: {  	p1 =	sne.s32 s0, $0x4800;
	_ =	swait.ge [sflag:s24], $0x4000  }
0xa5: {  	[sflag:s24] =	ssyncset.done $0x0  }
0xa6: {  	s0 =	sadd.s32 $0x1400, s30;
	[sflag:s24] =	ssyncadd.s32 $0xFFFFC000  }
0xa7: {  	[spmem:s1] =	stream.indirect.scatter.add.f32 [tilespmem:s22], [sflag:$0x3], $0x80, s0, s21, $0xb8;
	[tilespmem:$0x1E800] =	vst v63  }
0xa8: {  	_ =	swait.ge [sflag:s19], $0x4000  }
0xa9: {  	[sflag:s19] =	ssyncset.done $0x0  }
0xaa: {  	s0 =	sadd.s32 $0x100, s30;
	[sflag:s19] =	ssyncadd.s32 $0xFFFFC000  }
0xab: {  	[tilespmem:s22], [sflag:$0x1] =	stream.indirect.gather [hbm4b:s5+s21], $0x80, s0, s21, $0xb8;
	[tilespmem:$0x1E800] =	vst v63  }
0xac: {  	_ =	swait.ge [sflag:s25], $0x4000  }
.Ltmp4:
0xad: {  	[sflag:s25] =	ssyncset.done $0x0;
	(pc) =	sbr.rel @p1 .LBB2_10-.Ltmp4, $4  }
0xae: {  	s0 =	sadd.s32 $0x1480, s30;
	[sflag:s25] =	ssyncadd.s32 $0xFFFFC000  }
0xaf: {  	[spmem:s1] =	stream.indirect.scatter.add.f32 [tilespmem:s23], [sflag:$0x3], $0x80, s0, s21, $0xb8;
	[tilespmem:$0x1E800] =	vst v63  }
0xb0: {  	_ =	swait.ge [sflag:s19], $0x4000  }
0xb1: {  	s30 =	sshra.s32 s6, $0x2;
	s0 =	smov.u32 s8;
	[sflag:s19] =	ssyncset.done $0x0  }
.Ltmp5:
0xb2: {  	_ = 	snop;
	(pc) =	sbr.rel .LBB2_11-.Ltmp5, $1  }
0xb3: {  	_ =	sdelay $0x3  }
.LBB2_2:
0xb4: {  	s30 =	sor.u32 $0x1C03, s16  }
0xb5: {  	[spmem:s18], [sflag:s30] =	dma.local [hbm:s9], $0x2800  }
0xb6: {  	_ =	swait.ge [sflag:s19], $0x2800  }
0xb7: {  	[sflag:s19] =	ssyncset.done $0x0  }
0xb8: {  	[sflag:s19] =	ssyncadd.s32 $0xFFFFD800  }
0xb9: {  	s0 =	simm.s32 $0x0;
	[bflag:$0x0] =	sbarrier.arrive $0xFFFF  }
0xba: {  	[tilespmem:s0], [sflag:$0x3] =	stream.linear.gather [hbm4b:s10+s0], $0x1400, $0x38;
	[tilespmem:$0x1E800] =	vst v63  }
0xbb: {  	_ =	swait.ge [sflag:s19], $0x1400  }
0xbc: {  	[sflag:s19] =	ssyncset.done $0x0  }
0xbd: {  	[sflag:s19] =	ssyncadd.s32 $0xFFFFEC00  }
0xbe: {  	[tilespmem:s20], [sflag:$0x3] =	stream.linear.gather [hbm4b:s11+s0], $0x1400, $0x38;
	[tilespmem:$0x1E800] =	vst v63  }
0xbf: {  	_ =	swait.ge [sflag:s19], $0x1400  }
0xc0: {  	[sflag:s19] =	ssyncset.done $0x0  }
0xc1: {  	[sflag:s19] =	ssyncadd.s32 $0xFFFFEC00  }
0xc2: {  	[tilespmem:s22], [sflag:$0x1] =	stream.indirect.gather [hbm4b:s4+s21], $0x80, s0, s21, $0xb8;
	[tilespmem:$0x1E800] =	vst v63  }
0xc3: {  	s8 =	simm.s32 $0x80  }
0xc4: {  	[tilespmem:s23], [sflag:$0x2] =	stream.indirect.gather [hbm4b:s4+s21], $0x80, s8, s21, $0xb8;
	[tilespmem:$0x1E800] =	vst v63  }
0xc5: {  	_ =	swait.ge [sflag:s24], $0x4000  }
0xc6: {  	[sflag:s24] =	ssyncset.done $0x0  }
0xc7: {  	s3 =	simm.s32 $0x1400;
	[sflag:s24] =	ssyncadd.s32 $0xFFFFC000  }
0xc8: {  	[spmem:s1] =	stream.indirect.scatter.add.f32 [tilespmem:s22], [sflag:$0x3], $0x80, s3, s21, $0xb8;
	[tilespmem:$0x1E800] =	vst v63  }
0xc9: {  	_ =	swait.ge [sflag:s19], $0x4000  }
0xca: {  	[sflag:s19] =	ssyncset.done $0x0  }
0xcb: {  	s6 =	simm.s32 $0x100;
	[sflag:s19] =	ssyncadd.s32 $0xFFFFC000  }
0xcc: {  	[tilespmem:s22], [sflag:$0x1] =	stream.indirect.gather [hbm4b:s4+s21], $0x80, s6, s21, $0xb8;
	[tilespmem:$0x1E800] =	vst v63  }
0xcd: {  	_ =	swait.ge [sflag:s25], $0x4000  }
0xce: {  	[sflag:s25] =	ssyncset.done $0x0  }
0xcf: {  	s8 =	simm.s32 $0x1480;
	[sflag:s25] =	ssyncadd.s32 $0xFFFFC000  }
0xd0: {  	[spmem:s1] =	stream.indirect.scatter.add.f32 [tilespmem:s23], [sflag:$0x3], $0x80, s8, s21, $0xb8;
	[tilespmem:$0x1E800] =	vst v63  }
0xd1: {  	_ =	swait.ge [sflag:s19], $0x4000  }
0xd2: {  	s31 =	simm.s32 $0x100;
	s0 =	simm.s32 $0x800;
	[sflag:s19] =	ssyncset.done $0x0  }
.LBB2_3:
0xd3: {  	s3 =	sadd.s32 $0x80, s31  }
0xd4: {  	[sflag:s19] =	ssyncadd.s32 $0xFFFFC000;
	s6 =	smov.u32 s0;
	s8 =	sadd.s32 $0x400, s0  }
0xd5: {  	[tilespmem:s23], [sflag:$0x2] =	stream.indirect.gather [hbm4b:s4+s21], $0x80, s3, s21, $0xb8;
	[tilespmem:$0x1E800] =	vst v63  }
0xd6: {  	p1 =	sne.s32 s0, $0x4800;
	_ =	swait.ge [sflag:s24], $0x4000  }
0xd7: {  	[sflag:s24] =	ssyncset.done $0x0  }
0xd8: {  	s0 =	sadd.s32 $0x1400, s31;
	[sflag:s24] =	ssyncadd.s32 $0xFFFFC000  }
0xd9: {  	[spmem:s1] =	stream.indirect.scatter.add.f32 [tilespmem:s22], [sflag:$0x3], $0x80, s0, s21, $0xb8;
	[tilespmem:$0x1E800] =	vst v63  }
0xda: {  	_ =	swait.ge [sflag:s19], $0x4000  }
0xdb: {  	[sflag:s19] =	ssyncset.done $0x0  }
0xdc: {  	s0 =	sadd.s32 $0x100, s31;
	[sflag:s19] =	ssyncadd.s32 $0xFFFFC000  }
0xdd: {  	[tilespmem:s22], [sflag:$0x1] =	stream.indirect.gather [hbm4b:s4+s21], $0x80, s0, s21, $0xb8;
	[tilespmem:$0x1E800] =	vst v63  }
0xde: {  	_ =	swait.ge [sflag:s25], $0x4000  }
.Ltmp6:
0xdf: {  	[sflag:s25] =	ssyncset.done $0x0;
	(pc) =	sbr.rel @p1 .LBB2_3-.Ltmp6, $4  }
0xe0: {  	s0 =	sadd.s32 $0x1480, s31;
	[sflag:s25] =	ssyncadd.s32 $0xFFFFC000  }
0xe1: {  	[spmem:s1] =	stream.indirect.scatter.add.f32 [tilespmem:s23], [sflag:$0x3], $0x80, s0, s21, $0xb8;
	[tilespmem:$0x1E800] =	vst v63  }
0xe2: {  	_ =	swait.ge [sflag:s19], $0x4000  }
0xe3: {  	s31 =	sshra.s32 s6, $0x2;
	s0 =	smov.u32 s8;
	[sflag:s19] =	ssyncset.done $0x0  }
0xe4: {  	s0 =	sadd.s32 $0x80, s31;
	[sflag:s19] =	ssyncadd.s32 $0xFFFFC000  }
0xe5: {  	[tilespmem:s23], [sflag:$0x2] =	stream.indirect.gather [hbm4b:s4+s21], $0x80, s0, s21, $0xb8;
	[tilespmem:$0x1E800] =	vst v63  }
0xe6: {  	_ =	swait.ge [sflag:s24], $0x4000  }
0xe7: {  	[sflag:s24] =	ssyncset.done $0x0  }
0xe8: {  	s6 =	sadd.s32 $0x1400, s31;
	[sflag:s24] =	ssyncadd.s32 $0xFFFFC000  }
0xe9: {  	[spmem:s1] =	stream.indirect.scatter.add.f32 [tilespmem:s22], [sflag:$0x3], $0x80, s6, s21, $0xb8;
	[tilespmem:$0x1E800] =	vst v63  }
0xea: {  	_ =	swait.ge [sflag:s19], $0x4000  }
0xeb: {  	[sflag:s19] =	ssyncset.done $0x0  }
0xec: {  	s8 =	sadd.s32 $0x100, s31;
	[sflag:s19] =	ssyncadd.s32 $0xFFFFC000  }
0xed: {  	[tilespmem:s22], [sflag:$0x1] =	stream.indirect.gather [hbm4b:s4+s21], $0x80, s8, s21, $0xb8;
	[tilespmem:$0x1E800] =	vst v63  }
0xee: {  	_ =	swait.ge [sflag:s25], $0x4000  }
0xef: {  	[sflag:s25] =	ssyncset.done $0x0  }
0xf0: {  	s3 =	sadd.s32 $0x1480, s31;
	[sflag:s25] =	ssyncadd.s32 $0xFFFFC000  }
0xf1: {  	[spmem:s1] =	stream.indirect.scatter.add.f32 [tilespmem:s23], [sflag:$0x3], $0x80, s3, s21, $0xb8;
	[tilespmem:$0x1E800] =	vst v63  }
0xf2: {  	_ =	swait.ge [sflag:s19], $0x4000  }
0xf3: {  	[sflag:s19] =	ssyncset.done $0x0  }
0xf4: {  	[sflag:s19] =	ssyncadd.s32 $0xFFFFC000  }
0xf5: {  	[tilespmem:s23], [sflag:$0x2] =	stream.indirect.gather [hbm4b:s4+s21], $0x80, s26, s21, $0xb8;
	[tilespmem:$0x1E800] =	vst v63  }
0xf6: {  	_ =	swait.ge [sflag:s24], $0x4000  }
0xf7: {  	[sflag:s24] =	ssyncset.done $0x0  }
0xf8: {  	[sflag:s24] =	ssyncadd.s32 $0xFFFFC000  }
0xf9: {  	[spmem:s1] =	stream.indirect.scatter.add.f32 [tilespmem:s22], [sflag:$0x3], $0x80, s28, s21, $0xb8;
	[tilespmem:$0x1E800] =	vst v63  }
0xfa: {  	_ =	swait.ge [sflag:s19], $0x4000  }
0xfb: {  	[sflag:s19] =	ssyncset.done $0x0  }
0xfc: {  	[sflag:s19] =	ssyncadd.s32 $0xFFFFC000  }
0xfd: {  	_ =	swait.ge [sflag:s25], $0x4000  }
0xfe: {  	[sflag:s25] =	ssyncset.done $0x0  }
0xff: {  	[sflag:s25] =	ssyncadd.s32 $0xFFFFC000  }
0x100: {  	[spmem:s1] =	stream.indirect.scatter.add.f32 [tilespmem:s23], [sflag:$0x3], $0x80, s29, s21, $0xb8;
	[tilespmem:$0x1E800] =	vst v63  }
0x101: {  	_ =	swait.ge [sflag:s19], $0x4000  }
0x102: {  	[sflag:s19] =	ssyncset.done $0x0  }
0x103: {  	s6 =	simm.s32 $0x0;
	[sflag:s19] =	ssyncadd.s32 $0xFFFFC000  }
0x104: {  	[tilespmem:s6], [sflag:$0x3] =	stream.linear.gather [hbm4b:s12+s6], $0x1400, $0x38;
	[tilespmem:$0x1E800] =	vst v63  }
0x105: {  	_ =	swait.ge [sflag:s19], $0x1400  }
0x106: {  	[sflag:s19] =	ssyncset.done $0x0  }
0x107: {  	[sflag:s19] =	ssyncadd.s32 $0xFFFFEC00  }
0x108: {  	[tilespmem:s20], [sflag:$0x3] =	stream.linear.gather [hbm4b:s13+s6], $0x1400, $0x38;
	[tilespmem:$0x1E800] =	vst v63  }
0x109: {  	_ =	swait.ge [sflag:s19], $0x1400  }
0x10a: {  	[sflag:s19] =	ssyncset.done $0x0  }
0x10b: {  	[sflag:s19] =	ssyncadd.s32 $0xFFFFEC00  }
0x10c: {  	[tilespmem:s22], [sflag:$0x1] =	stream.indirect.gather [hbm4b:s4+s21], $0x80, s6, s21, $0xb8;
	[tilespmem:$0x1E800] =	vst v63  }
0x10d: {  	s8 =	simm.s32 $0x80  }
0x10e: {  	[tilespmem:s23], [sflag:$0x2] =	stream.indirect.gather [hbm4b:s4+s21], $0x80, s8, s21, $0xb8;
	[tilespmem:$0x1E800] =	vst v63  }
0x10f: {  	_ =	swait.ge [sflag:s24], $0x4000  }
0x110: {  	[sflag:s24] =	ssyncset.done $0x0  }
0x111: {  	s3 =	simm.s32 $0x1400;
	[sflag:s24] =	ssyncadd.s32 $0xFFFFC000  }
0x112: {  	[spmem:s1] =	stream.indirect.scatter.add.f32 [tilespmem:s22], [sflag:$0x3], $0x80, s3, s21, $0xb8;
	[tilespmem:$0x1E800] =	vst v63  }
0x113: {  	_ =	swait.ge [sflag:s19], $0x4000  }
0x114: {  	[sflag:s19] =	ssyncset.done $0x0  }
0x115: {  	s6 =	simm.s32 $0x100;
	[sflag:s19] =	ssyncadd.s32 $0xFFFFC000  }
0x116: {  	[tilespmem:s22], [sflag:$0x1] =	stream.indirect.gather [hbm4b:s4+s21], $0x80, s6, s21, $0xb8;
	[tilespmem:$0x1E800] =	vst v63  }
0x117: {  	_ =	swait.ge [sflag:s25], $0x4000  }
0x118: {  	[sflag:s25] =	ssyncset.done $0x0  }
0x119: {  	s8 =	simm.s32 $0x1480;
	[sflag:s25] =	ssyncadd.s32 $0xFFFFC000  }
0x11a: {  	[spmem:s1] =	stream.indirect.scatter.add.f32 [tilespmem:s23], [sflag:$0x3], $0x80, s8, s21, $0xb8;
	[tilespmem:$0x1E800] =	vst v63  }
0x11b: {  	_ =	swait.ge [sflag:s19], $0x4000  }
0x11c: {  	s31 =	simm.s32 $0x100;
	s0 =	simm.s32 $0x800;
	[sflag:s19] =	ssyncset.done $0x0  }
.LBB2_5:
0x11d: {  	s3 =	sadd.s32 $0x80, s31  }
0x11e: {  	[sflag:s19] =	ssyncadd.s32 $0xFFFFC000;
	s6 =	smov.u32 s0;
	s8 =	sadd.s32 $0x400, s0  }
0x11f: {  	[tilespmem:s23], [sflag:$0x2] =	stream.indirect.gather [hbm4b:s4+s21], $0x80, s3, s21, $0xb8;
	[tilespmem:$0x1E800] =	vst v63  }
0x120: {  	p1 =	sne.s32 s0, $0x4800;
	_ =	swait.ge [sflag:s24], $0x4000  }
0x121: {  	[sflag:s24] =	ssyncset.done $0x0  }
0x122: {  	s0 =	sadd.s32 $0x1400, s31;
	[sflag:s24] =	ssyncadd.s32 $0xFFFFC000  }
0x123: {  	[spmem:s1] =	stream.indirect.scatter.add.f32 [tilespmem:s22], [sflag:$0x3], $0x80, s0, s21, $0xb8;
	[tilespmem:$0x1E800] =	vst v63  }
0x124: {  	_ =	swait.ge [sflag:s19], $0x4000  }
0x125: {  	[sflag:s19] =	ssyncset.done $0x0  }
0x126: {  	s0 =	sadd.s32 $0x100, s31;
	[sflag:s19] =	ssyncadd.s32 $0xFFFFC000  }
0x127: {  	[tilespmem:s22], [sflag:$0x1] =	stream.indirect.gather [hbm4b:s4+s21], $0x80, s0, s21, $0xb8;
	[tilespmem:$0x1E800] =	vst v63  }
0x128: {  	_ =	swait.ge [sflag:s25], $0x4000  }
.Ltmp7:
0x129: {  	[sflag:s25] =	ssyncset.done $0x0;
	(pc) =	sbr.rel @p1 .LBB2_5-.Ltmp7, $4  }
0x12a: {  	s0 =	sadd.s32 $0x1480, s31;
	[sflag:s25] =	ssyncadd.s32 $0xFFFFC000  }
0x12b: {  	[spmem:s1] =	stream.indirect.scatter.add.f32 [tilespmem:s23], [sflag:$0x3], $0x80, s0, s21, $0xb8;
	[tilespmem:$0x1E800] =	vst v63  }
0x12c: {  	_ =	swait.ge [sflag:s19], $0x4000  }
0x12d: {  	s31 =	sshra.s32 s6, $0x2;
	s0 =	smov.u32 s8;
	[sflag:s19] =	ssyncset.done $0x0  }
0x12e: {  	s0 =	sadd.s32 $0x80, s31;
	[sflag:s19] =	ssyncadd.s32 $0xFFFFC000  }
0x12f: {  	[tilespmem:s23], [sflag:$0x2] =	stream.indirect.gather [hbm4b:s4+s21], $0x80, s0, s21, $0xb8;
	[tilespmem:$0x1E800] =	vst v63  }
0x130: {  	_ =	swait.ge [sflag:s24], $0x4000  }
0x131: {  	[sflag:s24] =	ssyncset.done $0x0  }
0x132: {  	s3 =	sadd.s32 $0x1400, s31;
	[sflag:s24] =	ssyncadd.s32 $0xFFFFC000  }
0x133: {  	[spmem:s1] =	stream.indirect.scatter.add.f32 [tilespmem:s22], [sflag:$0x3], $0x80, s3, s21, $0xb8;
	[tilespmem:$0x1E800] =	vst v63  }
0x134: {  	_ =	swait.ge [sflag:s19], $0x4000  }
0x135: {  	[sflag:s19] =	ssyncset.done $0x0  }
0x136: {  	s6 =	sadd.s32 $0x100, s31;
	[sflag:s19] =	ssyncadd.s32 $0xFFFFC000  }
0x137: {  	[tilespmem:s22], [sflag:$0x1] =	stream.indirect.gather [hbm4b:s4+s21], $0x80, s6, s21, $0xb8;
	[tilespmem:$0x1E800] =	vst v63  }
0x138: {  	_ =	swait.ge [sflag:s25], $0x4000  }
0x139: {  	[sflag:s25] =	ssyncset.done $0x0  }
0x13a: {  	s8 =	sadd.s32 $0x1480, s31;
	[sflag:s25] =	ssyncadd.s32 $0xFFFFC000  }
0x13b: {  	[spmem:s1] =	stream.indirect.scatter.add.f32 [tilespmem:s23], [sflag:$0x3], $0x80, s8, s21, $0xb8;
	[tilespmem:$0x1E800] =	vst v63  }
.Ltmp8:
0x13c: {  	_ = 	snop;
	(pc) =	sbr.rel .LBB2_12-.Ltmp8, $4  }
0x13d: {  	_ =	swait.ge [sflag:s19], $0x4000  }
0x13e: {  	[sflag:s19] =	ssyncset.done $0x0  }
0x13f: {  	s31 =	rddreg [dreg:$0x4];
	[sflag:s19] =	ssyncadd.s32 $0xFFFFC000  }
0x140: {  	[tilespmem:s23], [sflag:$0x2] =	stream.indirect.gather [hbm4b:s4+s21], $0x80, s26, s21, $0xb8;
	[tilespmem:$0x1E800] =	vst v63  }
.LBB2_13:
0x141: {  	_ =	sfence.sel $0x180000  }
0x142: {  	[bflag:$0x0] =	sbarrier.arrive $0xFFFF  }
0x143: {  	_ =	strace $0x9000004A  }
0x144: {  	s0 =	stileid.u32;
	[bflag:$0x2] =	sbarrier.arrive $0xFFFF  }
0x145: {  	p0 =	sne.s32 s0, $0x0;
	s0 =	rddreg [dreg:$0x3]  }
0x146: {  	s0 =	sadd.s32 @!p0 $0x100000, s0  }
0x147: {  	[sflag:s0] =	ssyncadd.tile.s32 @!p0 $0x1;
	_ =	shalt  }
.Lfunc_end2:
_tile_overlayer_lowered:
.L_overlay_start_2:
0x148: {  	(tag) =	ssettag $0x2  }
0x149: {  	s0 =	rddreg [dreg:$0x0];
	s2 =	stileid.u32  }
0x14a: {  	s1 =	rddreg [dreg:$0x1];
	p0 =	sne.s32 s2, $0x0  }
0x14b: {  	s3 =	rddreg [dreg:$0x2];
	[bflag:$0x3] =	sbarrier.arrive $0xFFFF;
	s2 =	simm.s32 @!p0 $0x1C03  }
0x14c: {  	[timem:s3], [sflag:s2] =	dma.local @!p0 [hbm:s0], s1  }
0x14d: {  	s0 =	simm.s32 @!p0 $0x3  }
0x14e: {  	_ =	swait.ge @!p0 [sflag:s0], s1  }
0x14f: {  	s1 =	ssub.s32 @!p0 $0x0, s1;
	[sflag:s0] =	ssyncset.done @!p0 $0x0  }
0x150: {  	[sflag:s0] =	ssyncadd.s32 @!p0 s1  }
0x151: {  	[bflag:$0x3] =	sbarrier.arrive $0xFFFF  }
0x152: {  	_ =	shalt  }

// kernel: kernel.16.cloned.1.call-start
scs
__scs_entry_jumppad:
0x0: {  	(pc) =	sbr.rel $0x88, $3  }
0x1: {  	(tag) =	ssettag $0x0;
	lr =	simm.s32 $0x1  }
0x2: {  	[smem:$0x3F99] =	sst lr;
	_ =	strace $0xD0000000  }
0x3: {  	_ = 	snop  }
0x4: {  	_ = 	snop  }
0x5: {  	_ = 	snop  }
0x6: {  	_ = 	snop  }
0x7: {  	_ = 	snop  }
__scs_overlays_trampoline_lowered:
0x8: {  	[smem:$0x3FA8] =	sst s0  }
0x9: {  	[smem:$0x3FA9] =	sst s1  }
0xa: {  	[smem:$0x3FAA] =	sst s2  }
0xb: {  	[smem:$0x3FAB] =	sst s3  }
0xc: {  	[smem:$0x3FAC] =	sst s4  }
0xd: {  	[smem:$0x3FAD] =	sst s5  }
0xe: {  	[smem:$0x3FAE] =	sst s6  }
0xf: {  	[smem:$0x3FAF] =	sst s7  }
0x10: {  	[smem:$0x3FB0] =	sst s8  }
0x11: {  	[smem:$0x3FB1] =	sst s9;
	s0 =	simm.s32 @!p0 $0x0  }
0x12: {  	s1 =	sld [smem:$0x3F97];
	s0 =	simm.s32 @p0 $0x1  }
0x13: {  	[smem:$0x3FB2] =	sst s0;
	s0 =	simm.s32 @!p1 $0x0  }
0x14: {  	s2 =	sld [smem:$0x3F96];
	s0 =	simm.s32 @p1 $0x1  }
0x15: {  	[smem:$0x3FB3] =	sst s0;
	s0 =	simm.s32 @!p2 $0x0  }
0x16: {  	s3 =	sld [smem:$0x3FDB];
	s0 =	simm.s32 @p2 $0x1  }
0x17: {  	s4 =	simm.s32 $0x1BF5;
	[smem:$0x3FB5] =	sst s0  }
0x18: {  	s0 =	sld [smem:$0x3F98];
	_ =	swait.ge [sflag:s4], $0x0  }
0x19: {  	s7 =	sld [smem:$0x3F99]  }
0x1a: {  	s8 =	sadd.s32 $0xFFFFE003, lr  }
0x1b: {  	s9 =	sadd.s32 $0xFFFFFEF7, lr;
	s5 =	simm.s32 $0xFFFFFFFF;
	p2 =	slt.u32 s8, $0xFFFFF086  }
0x1c: {  	p1 =	slt.u32 s9, $0xF7A;
	s5 =	simm.s32 @!p2 $0x0  }
0x1d: {  	s5 =	simm.s32 @p1 $0x1;
	p0 =	seq.s32 s7, s2  }
0x1e: {  	s7 =	smul.u32 @!p0 $0xF7A, s2;
	p2 =	seq.s32 @!p0 s5, $0x0  }
0x1f: {  	s9 =	smul.u32 $0xF7A, s1;
	s8 =	simm.s32 @!p0 $0x1BF5;
	p2 =	por !p2, p0  }
0x20: {  	[sflag:s8] =	ssyncset.s32 @!p0 $0xFFFFF086;
	s6 =	sadd.s32 @!p0 s3, s7;
	s7 =	simm.s32 @!p0 $0x108  }
0x21: {  	s3 =	sadd.s32 s3, s9;
	s6 =	sadd.s32 @!p0 $0x88, s6;
	s7 =	simm.s32 @p2 $0x1082  }
0x22: {  	[simem:s7], [sflag:s8] =	dma.local @!p0 [hbm:s6], $0xF7A  }
0x23: {  	s9 =	sor.u32 $0xD0000000, s2;
	s6 =	simm.s32 $0x108;
	_ =	swait.ge @!p0 [sflag:s8], $0x0  }
0x24: {  	s3 =	sadd.s32 $0x88, s3;
	s6 =	simm.s32 @!p1 $0x1082;
	[sflag:s4] =	ssyncset.s32 $0xFFFFF086  }
0x25: {  	[simem:s6], [sflag:s4] =	dma.local [hbm:s3], $0xF7A  }
0x26: {  	[smem:$0x3F99] =	sst s1;
	(tag) =	ssettag s2;
	_ =	strace s9  }
0x27: {  	s1 =	sld [smem:$0x3FA9]  }
0x28: {  	s2 =	sld [smem:$0x3FAA]  }
0x29: {  	s4 =	sld [smem:$0x3FAC]  }
0x2a: {  	p0 =	seq.s32 s5, $0x0;
	s5 =	sld [smem:$0x3FAD]  }
0x2b: {  	s6 =	sld [smem:$0x3FAE]  }
0x2c: {  	s7 =	sld [smem:$0x3FAF]  }
0x2d: {  	s3 =	simm.s32 $0x108;
	s8 =	sld [smem:$0x3FB0]  }
0x2e: {  	s3 =	simm.s32 @!p0 $0x1082;
	s9 =	sld [smem:$0x3FB1]  }
0x2f: {  	lr =	sadd.s32 s0, s3;
	s0 =	sld [smem:$0x3FA8]  }
0x30: {  	s3 =	sld [smem:$0x3FAB]  }
0x31: {  	[smem:$0x3FB4] =	sst s10  }
0x32: {  	s10 =	sld [smem:$0x3FB2];
	_ =	sdelay $0x3  }
0x33: {  	p0 =	seq.s32 s10, $0x1;
	s10 =	sld [smem:$0x3FB4];
	_ =	sdelay $0x3  }
0x34: {  	[smem:$0x3FB4] =	sst s10  }
0x35: {  	s10 =	sld [smem:$0x3FB3];
	_ =	sdelay $0x3  }
0x36: {  	p1 =	seq.s32 s10, $0x1;
	s10 =	sld [smem:$0x3FB4];
	_ =	sdelay $0x3  }
0x37: {  	[smem:$0x3FB4] =	sst s10  }
0x38: {  	s10 =	sld [smem:$0x3FB5]  }
0x39: {  	_ = 	snop;
	(pc) =	sbr.ind lr, $3  }
0x3a: {  	_ = 	snop  }
0x3b: {  	_ = 	snop  }
0x3c: {  	p2 =	seq.s32 s10, $0x1;
	s10 =	sld [smem:$0x3FB4]  }
0x3d: {  	_ =	shalt  }
0x3e: {  	_ =	shalt  }
0x3f: {  	_ =	shalt  }
0x40: {  	_ =	shalt  }
0x41: {  	_ =	shalt  }
0x42: {  	_ =	shalt  }
0x43: {  	_ =	shalt  }
0x44: {  	_ =	shalt  }
0x45: {  	_ =	shalt  }
0x46: {  	_ =	shalt  }
0x47: {  	_ =	shalt  }
0x48: {  	_ =	shalt  }
0x49: {  	_ =	shalt  }
0x4a: {  	_ =	shalt  }
0x4b: {  	_ =	shalt  }
0x4c: {  	_ =	shalt  }
0x4d: {  	_ =	shalt  }
0x4e: {  	_ =	shalt  }
0x4f: {  	_ =	shalt  }
0x50: {  	_ =	shalt  }
0x51: {  	_ =	shalt  }
0x52: {  	_ =	shalt  }
0x53: {  	_ =	shalt  }
0x54: {  	_ =	shalt  }
0x55: {  	_ =	shalt  }
0x56: {  	_ =	shalt  }
0x57: {  	_ =	shalt  }
0x58: {  	_ =	shalt  }
0x59: {  	_ =	shalt  }
0x5a: {  	_ =	shalt  }
0x5b: {  	_ =	shalt  }
0x5c: {  	_ =	shalt  }
0x5d: {  	_ =	shalt  }
0x5e: {  	_ =	shalt  }
0x5f: {  	_ =	shalt  }
0x60: {  	_ =	shalt  }
0x61: {  	_ =	shalt  }
0x62: {  	_ =	shalt  }
0x63: {  	_ =	shalt  }
0x64: {  	_ =	shalt  }
0x65: {  	_ =	shalt  }
0x66: {  	_ =	shalt  }
0x67: {  	_ =	shalt  }
0x68: {  	_ =	shalt  }
0x69: {  	_ =	shalt  }
0x6a: {  	_ =	shalt  }
0x6b: {  	_ =	shalt  }
0x6c: {  	_ =	shalt  }
0x6d: {  	_ =	shalt  }
0x6e: {  	_ =	shalt  }
0x6f: {  	_ =	shalt  }
0x70: {  	_ =	shalt  }
0x71: {  	_ =	shalt  }
0x72: {  	_ =	shalt  }
0x73: {  	_ =	shalt  }
0x74: {  	_ =	shalt  }
0x75: {  	_ =	shalt  }
0x76: {  	_ =	shalt  }
0x77: {  	_ =	shalt  }
0x78: {  	_ =	shalt  }
0x79: {  	_ =	shalt  }
0x7a: {  	_ =	shalt  }
0x7b: {  	_ =	shalt  }
0x7c: {  	_ =	shalt  }
0x7d: {  	_ =	shalt  }
0x7e: {  	_ =	shalt  }
0x7f: {  	_ =	shalt  }
0x80: {  	_ =	shalt  }
0x81: {  	_ =	shalt  }
0x82: {  	_ =	shalt  }
0x83: {  	_ =	shalt  }
0x84: {  	_ =	shalt  }
0x85: {  	_ =	shalt  }
0x86: {  	_ =	shalt  }
0x87: {  	_ =	shalt  }
.Lfunc_end0:
.L_simem_size_0:
called_computation.2_lowered:
.L_overlay_start_0:
0x88: {  	s2 =	sld [smem:$0x3FD9]  }
0x89: {  	s3 =	sld [smem:$0x3FFE];
	_ =	sdelay $0x1  }
0x8a: {  	s1 =	srdreg.scid  }
0x8b: {  	s0 =	sand.u32 $0x1, s1  }
0x8c: {  	s17 =	sshll.u32 s0, $0xA;
	s2 =	sadd.s32 s3, s2  }
0x8d: {  	s2 =	sadd.s32 s2, s17  }
0x8e: {  	[smem:$0x3FC0] =	sst s2  }
0x8f: {  	_ = 	snop  }
0x90: {  	s2 =	sld [smem:$0x3FD0];
	(tm) =	ssettm $0x1  }
0x91: {  	s18 =	sld [smem:$0x3FFB];
	_ =	sdelay $0x3  }
0x92: {  	_ =	strace s18  }
0x93: {  	s3 =	sld [smem:$0x3FFC];
	_ =	sdelay $0x3  }
0x94: {  	_ =	strace s3  }
0x95: {  	s3 =	sld [smem:$0x3FFD];
	_ =	sdelay $0x3  }
0x96: {  	_ =	strace s3  }
0x97: {  	_ =	strace $0x8FFFFFFF  }
0x98: {  	s19 =	sld [smem:$0x3FDB];
	_ =	sdelay $0x1  }
0x99: {  	s4 =	simm.s32 $_scs_section_size  }
0x9a: {  	s5 =	simm.s32 $_size__tile_overlayer_lowered;
	s6 =	simm.s32 $_tile_overlayer_lowered  }
0x9b: {  	s22 =	simm.s32 $0x1BFF;
	s21 =	sshll.u32 s6, $0x1;
	s3 =	sadd.s32 s4, s19  }
0x9c: {  	s7 =	simm.s32 $0x0;
	s20 =	sshll.u32 s5, $0x1;
	s5 =	sadd.s32 s21, s3  }
0x9d: {  	[timem:s7], [sflag:s22] =	dma.local [hbm:s5], s20  }
0x9e: {  	_ =	swait.ge [sflag:s22], s20  }
0x9f: {  	s4 =	ssub.s32 $0x0, s20;
	[sflag:s22] =	ssyncset.done $0x0  }
0xa0: {  	[sflag:s22] =	ssyncadd.s32 s4;
	_ =	sdelay $0x1  }
0xa1: {  	s23 =	simm.s32 $0x1B8B  }
0xa2: {  	_ =	swait.ge [sflag:s23], $0x1  }
0xa3: {  	[sflag:s23] =	ssyncset.done $0x0  }
0xa4: {  	s25 =	simm.s32 $0x1B8E;
	s24 =	sld [smem:$0x3FFE];
	[sflag:s23] =	ssyncadd.s32 $0xFFFFFFFF  }
0xa5: {  	s26 =	simm.s32 $execute0_lowered;
	[smem:$0x3FD2] =	sst s25  }
0xa6: {  	s5 =	sshll.u32 s26, $0x1;
	_ =	strace $0x8000004C;
	[dreg:$0x1] =	wrdreg $0xFFFFFFFF  }
0xa7: {  	s28 =	simm.s32 $_size_execute0_lowered;
	s3 =	sadd.s32 s3, s5;
	[dreg:$0x0] =	wrdreg $0x0  }
0xa8: {  	s5 =	sshll.u32 s28, $0x1;
	[dreg:$0x2] =	wrdreg s3  }
0xa9: {  	[dreg:$0x3] =	wrdreg s5  }
0xaa: {  	[dreg:$0x4] =	wrdreg $0xC0  }
0xab: {  	_ =	task [dreg:s7], $0x5FFFF  }
0xac: {  	[dreg:$0x1] =	wrdreg $0xFFFFFFFF  }
0xad: {  	[dreg:$0x0] =	wrdreg $0x60  }
0xae: {  	[dreg:$0x2] =	wrdreg s24  }
0xaf: {  	[dreg:$0x3] =	wrdreg s2  }
0xb0: {  	[dreg:$0x4] =	wrdreg $0xA8000  }
0xb1: {  	[dreg:$0x5] =	wrdreg $0x9  }
0xb2: {  	_ =	task.clear_ibuf [dreg:s7], $0x6FFFF;
	_ =	strace $0x9000004C  }
0xb3: {  	s29 =	simm.s32 $0x9;
	_ =	strace $0x8000004E  }
0xb4: {  	_ =	swait.ge [sflag:s29], $0x1  }
0xb5: {  	[sflag:s29] =	ssyncadd.s32 $0xFFFFFFFF  }
0xb6: {  	_ =	strace $0x9000004E  }
0xb7: {  	_ =	sfence  }
0xb8: {  	s30 =	sld [smem:$0x0];
	_ =	sdelay $0x2  }
0xb9: {  	s31 =	sshll.u32 s1, $0xD;
	s1 =	sshrl.u32 s1, $0x2  }
0xba: {  	s3 =	sand.u32 $0x4000, s31;
	s1 =	sadd.s32 s1, s30  }
0xbb: {  	s0 =	sor.u32 s3, s0;
	s1 =	sshll.u32 s1, $0x11  }
0xbc: {  	s0 =	sor.u32 s1, s0  }
0xbd: {  	s0 =	sadd.s32 $0x8F2B, s0  }
0xbe: {  	[sflag:s0] =	ssyncadd.remote.s32 $0x1  }
0xbf: {  	_ =	sfence.sel $0xFFFF  }
0xc0: {  	[dreg:$0x0] =	wrdreg $0xFFFFFFFF;
	(pc) =	sbr.abs _section_cstart, $3  }
0xc1: {  	[dreg:$0x1] =	wrdreg $0xFFFFFFFF  }
0xc2: {  	_ =	task.clear_ibuf [dreg:s7], $0x2FFFF;
	_ =	strace $0x9FFFFFFF  }
0xc3: {  	(tm) =	ssettm $0x7FFFFFFF  }
tec
execute0_lowered:
.L_overlay_start_1:
0x0: {  	(tag) =	ssettag $0x1  }
0x1: {  	s0 =	rddreg [dreg:$0x0]  }
0x2: {  	s9 =	rddreg [dreg:$0x1]  }
0x3: {  	s1 =	rddreg [dreg:$0x2]  }
0x4: {  	s2 =	simm.s32 $0x0;
	s3 =	stileid.u32;
	s10 =	srdreg.scid  }
0x5: {  	s28 =	simm.s32 $0x6800;
	s29 =	simm.s32 $0x1;
	s30 =	simm.s32 $0x2  }
0x6: {  	s31 =	simm.s32 $0x1380;
	[smem:$0x7FF] =	sst s2;
	s4 =	sadd.s32 $0xA5400, s0  }
0x7: {  	s5 =	sadd.s32 $0x2D400, s0;
	s6 =	sadd.s32 $0x55400, s0;
	s7 =	sadd.s32 $0xD2C00, s0  }
0x8: {  	s12 =	sadd.s32 $0xCDC00, s0;
	s8 =	smul.u32 $0x2800, s3;
	s11 =	sadd.s32 $0x122C00, s0  }
0x9: {  	s10 =	sand.u32 $0x1, s10;
	s13 =	smul.u32 $0x50000, s3;
	_ =	strace $0x8000004D  }
0xa: {  	[dreg:$0x4] =	wrdreg s11;
	s16 =	ssub.s32 $0x2, s10;
	p0 =	seq.s32 s10, $0x1  }
0xb: {  	s17 =	sadd.s32 s8, s0;
	s0 =	sadd.s32 $0x172C00, s0;
	s18 =	sshrl.u32 s16, $0x1  }
0xc: {  	s19 =	sshrl.u32 s13, $0x2;
	s20 =	sadd.s32 s4, s8;
	s21 =	sshrl.u32 s8, $0x3  }
0xd: {  	s23 =	sadd.s32 s5, s8;
	s24 =	sadd.s32 s6, s8;
	s26 =	sadd.s32 s7, s8  }
0xe: {  	[dreg:$0x5] =	wrdreg s0;
	s0 =	ssub.s32 s16, s18;
	s11 =	sadd.s32 s19, s1  }
0xf: {  	[dreg:$0x6] =	wrdreg s20;
	s13 =	sadd.s32 s12, s21;
	s14 =	sadd.s32 s9, s21  }
0x10: {  	s10 =	sadd.s32 $0x280, s21;
	s22 =	sadd.s32 $0xFAC00, s17;
	[dreg:$0x8] =	wrdreg s23  }
.Ltmp0:
0x11: {  	[dreg:$0x9] =	wrdreg s24;
	s25 =	sadd.s32 $0x14AC00, s17;
	(pc) =	sbr.rel .LBB2_1-.Ltmp0, $4  }
0x12: {  	[dreg:$0xb] =	wrdreg s26;
	s23 =	simm.s32 $0x3;
	s24 =	simm.s32 $0x1400  }
0x13: {  	s26 =	simm.s32 $0x2800;
	s15 =	sadd.s32 s12, s10;
	[dreg:$0x7] =	wrdreg s22  }
0x14: {  	s16 =	sadd.s32 s9, s10;
	[dreg:$0xa] =	wrdreg s25;
	s22 =	smax.u32 s0, $0x1  }
0x15: {  	s25 =	simm.s32 $0x80;
	s0 =	simm.s32 $0x2700;
	s9 =	simm.s32 $0x2780  }
.LBB2_19:
0x16: {  	s18 =	sadd.s32 $0x80, s17;
	[sflag:s23] =	ssyncadd.s32 $0xFFFFC000  }
0x17: {  	[tilespmem:s28], [sflag:$0x2] =	stream.indirect.gather [hbm4b:s7+s25], $0x80, s18, s25, $0xb8;
	[tilespmem:$0x1E800] =	vst v63  }
0x18: {  	_ =	swait.ge [sflag:s29], $0x4000  }
0x19: {  	[sflag:s29] =	ssyncset.done $0x0  }
0x1a: {  	s19 =	sadd.s32 $0x1400, s17;
	[sflag:s29] =	ssyncadd.s32 $0xFFFFC000  }
0x1b: {  	[spmem:s1] =	stream.indirect.scatter.add.f32 [tilespmem:s26], [sflag:$0x3], $0x80, s19, s25, $0xb8;
	[tilespmem:$0x1E800] =	vst v63  }
0x1c: {  	_ =	swait.ge [sflag:s23], $0x4000  }
0x1d: {  	[sflag:s23] =	ssyncset.done $0x0  }
0x1e: {  	s20 =	sadd.s32 $0x100, s17;
	[sflag:s23] =	ssyncadd.s32 $0xFFFFC000  }
0x1f: {  	[tilespmem:s26], [sflag:$0x1] =	stream.indirect.gather [hbm4b:s7+s25], $0x80, s20, s25, $0xb8;
	[tilespmem:$0x1E800] =	vst v63  }
0x20: {  	_ =	swait.ge [sflag:s30], $0x4000  }
0x21: {  	[sflag:s30] =	ssyncset.done $0x0  }
0x22: {  	s21 =	sadd.s32 $0x1480, s17;
	[sflag:s30] =	ssyncadd.s32 $0xFFFFC000  }
0x23: {  	[spmem:s1] =	stream.indirect.scatter.add.f32 [tilespmem:s28], [sflag:$0x3], $0x80, s21, s25, $0xb8;
	[tilespmem:$0x1E800] =	vst v63  }
0x24: {  	_ =	swait.ge [sflag:s23], $0x4000  }
0x25: {  	[sflag:s23] =	ssyncset.done $0x0  }
0x26: {  	s17 =	rddreg [dreg:$0x5];
	[sflag:s23] =	ssyncadd.s32 $0xFFFFC000  }
0x27: {  	[tilespmem:s28], [sflag:$0x2] =	stream.indirect.gather [hbm4b:s7+s25], $0x80, s31, s25, $0xb8;
	[tilespmem:$0x1E800] =	vst v63  }
.LBB2_20:
0x28: {  	_ =	swait.ge [sflag:s29], $0x4000  }
0x29: {  	[sflag:s29] =	ssyncset.done $0x0  }
0x2a: {  	[sflag:s29] =	ssyncadd.s32 $0xFFFFC000  }
0x2b: {  	[spmem:s1] =	stream.indirect.scatter.add.f32 [tilespmem:s26], [sflag:$0x3], $0x80, s0, s25, $0xb8;
	[tilespmem:$0x1E800] =	vst v63  }
0x2c: {  	_ =	swait.ge [sflag:s23], $0x4000  }
0x2d: {  	[sflag:s23] =	ssyncset.done $0x0  }
0x2e: {  	[sflag:s23] =	ssyncadd.s32 $0xFFFFC000  }
0x2f: {  	_ =	swait.ge [sflag:s30], $0x4000  }
0x30: {  	[sflag:s30] =	ssyncset.done $0x0  }
0x31: {  	[sflag:s30] =	ssyncadd.s32 $0xFFFFC000  }
0x32: {  	[spmem:s1] =	stream.indirect.scatter.add.f32 [tilespmem:s28], [sflag:$0x3], $0x80, s9, s25, $0xb8;
	[tilespmem:$0x1E800] =	vst v63  }
0x33: {  	_ =	swait.ge [sflag:s23], $0x4000  }
0x34: {  	s2 =	sadd.s32 $0x1, s2;
	[sflag:s23] =	ssyncset.done $0x0  }
0x35: {  	p1 =	sne.s32 s2, s22;
	[sflag:s23] =	ssyncadd.s32 $0xFFFFC000  }
.Ltmp1:
0x36: {  	s17 =	sadd.s32 s17, s8;
	[bflag:$0x0] =	sbarrier.arrive $0xFFFF;
	(pc) =	sbr.rel @!p1 .LBB2_21-.Ltmp1, $4  }
0x37: {  	[hbm:s17], [sflag:s10] =	dma.local [spmem:s12], $0x2800  }
0x38: {  	_ =	swait.ge [sflag:s23], $0x2800  }
0x39: {  	[sflag:s23] =	ssyncset.done $0x0  }
0x3a: {  	[sflag:s23] =	ssyncadd.s32 $0xFFFFD800  }
.LBB2_1:
.Ltmp2:
0x3b: {  	(pc) =	sbr.rel @!p0 .LBB2_2-.Ltmp2, $3  }
0x3c: {  	_ =	sdelay $0x1  }
0x3d: {  	s17 =	sshll.u32 s3, $0x6  }
0x3e: {  	s12 =	sshrl.u32 s11, $0x3;
	s10 =	sor.u32 $0x1C03, s17  }
0x3f: {  	s10 =	sor.u32 $0x1C03, s17;
	s20 =	rddreg [dreg:$0x9]  }
0x40: {  	[spmem:s12], [sflag:s10] =	dma.local [hbm:s20], $0x2800  }
0x41: {  	_ =	swait.ge [sflag:s23], $0x2800  }
0x42: {  	[sflag:s23] =	ssyncset.done $0x0  }
0x43: {  	[sflag:s23] =	ssyncadd.s32 $0xFFFFD800  }
0x44: {  	s21 =	simm.s32 $0x0;
	[bflag:$0x0] =	sbarrier.arrive $0xFFFF  }
0x45: {  	[tilespmem:s21], [sflag:$0x3] =	stream.linear.gather [hbm4b:s13+s21], $0x1400, $0x38;
	[tilespmem:$0x1E800] =	vst v63  }
0x46: {  	_ =	swait.ge [sflag:s23], $0x1400  }
0x47: {  	[sflag:s23] =	ssyncset.done $0x0  }
0x48: {  	[sflag:s23] =	ssyncadd.s32 $0xFFFFEC00  }
0x49: {  	[tilespmem:s24], [sflag:$0x3] =	stream.linear.gather [hbm4b:s14+s21], $0x1400, $0x38;
	[tilespmem:$0x1E800] =	vst v63  }
0x4a: {  	_ =	swait.ge [sflag:s23], $0x1400  }
0x4b: {  	[sflag:s23] =	ssyncset.done $0x0  }
0x4c: {  	[sflag:s23] =	ssyncadd.s32 $0xFFFFEC00  }
0x4d: {  	[tilespmem:s26], [sflag:$0x1] =	stream.indirect.gather [hbm4b:s6+s25], $0x80, s21, s25, $0xb8;
	[tilespmem:$0x1E800] =	vst v63  }
0x4e: {  	s18 =	simm.s32 $0x80  }
0x4f: {  	[tilespmem:s28], [sflag:$0x2] =	stream.indirect.gather [hbm4b:s6+s25], $0x80, s18, s25, $0xb8;
	[tilespmem:$0x1E800] =	vst v63  }
0x50: {  	_ =	swait.ge [sflag:s29], $0x4000  }
0x51: {  	[sflag:s29] =	ssyncset.done $0x0  }
0x52: {  	s19 =	simm.s32 $0x1400;
	[sflag:s29] =	ssyncadd.s32 $0xFFFFC000  }
0x53: {  	[spmem:s1] =	stream.indirect.scatter.add.f32 [tilespmem:s26], [sflag:$0x3], $0x80, s19, s25, $0xb8;
	[tilespmem:$0x1E800] =	vst v63  }
0x54: {  	_ =	swait.ge [sflag:s23], $0x4000  }
0x55: {  	[sflag:s23] =	ssyncset.done $0x0  }
0x56: {  	s20 =	simm.s32 $0x100;
	[sflag:s23] =	ssyncadd.s32 $0xFFFFC000  }
0x57: {  	[tilespmem:s26], [sflag:$0x1] =	stream.indirect.gather [hbm4b:s6+s25], $0x80, s20, s25, $0xb8;
	[tilespmem:$0x1E800] =	vst v63  }
0x58: {  	_ =	swait.ge [sflag:s30], $0x4000  }
0x59: {  	[sflag:s30] =	ssyncset.done $0x0  }
0x5a: {  	s21 =	simm.s32 $0x1480;
	[sflag:s30] =	ssyncadd.s32 $0xFFFFC000  }
0x5b: {  	[spmem:s1] =	stream.indirect.scatter.add.f32 [tilespmem:s28], [sflag:$0x3], $0x80, s21, s25, $0xb8;
	[tilespmem:$0x1E800] =	vst v63  }
0x5c: {  	_ =	swait.ge [sflag:s23], $0x4000  }
0x5d: {  	s17 =	simm.s32 $0x100;
	s18 =	simm.s32 $0x800;
	[sflag:s23] =	ssyncset.done $0x0  }
.LBB2_12:
0x5e: {  	s19 =	sadd.s32 $0x80, s17  }
0x5f: {  	[sflag:s23] =	ssyncadd.s32 $0xFFFFC000;
	s20 =	smov.u32 s18;
	s21 =	sadd.s32 $0x400, s18  }
0x60: {  	[tilespmem:s28], [sflag:$0x2] =	stream.indirect.gather [hbm4b:s6+s25], $0x80, s19, s25, $0xb8;
	[tilespmem:$0x1E800] =	vst v63  }
0x61: {  	p1 =	sne.s32 s18, $0x4800;
	_ =	swait.ge [sflag:s29], $0x4000  }
0x62: {  	[sflag:s29] =	ssyncset.done $0x0  }
0x63: {  	s18 =	sadd.s32 $0x1400, s17;
	[sflag:s29] =	ssyncadd.s32 $0xFFFFC000  }
0x64: {  	[spmem:s1] =	stream.indirect.scatter.add.f32 [tilespmem:s26], [sflag:$0x3], $0x80, s18, s25, $0xb8;
	[tilespmem:$0x1E800] =	vst v63  }
0x65: {  	_ =	swait.ge [sflag:s23], $0x4000  }
0x66: {  	[sflag:s23] =	ssyncset.done $0x0  }
0x67: {  	s18 =	sadd.s32 $0x100, s17;
	[sflag:s23] =	ssyncadd.s32 $0xFFFFC000  }
0x68: {  	[tilespmem:s26], [sflag:$0x1] =	stream.indirect.gather [hbm4b:s6+s25], $0x80, s18, s25, $0xb8;
	[tilespmem:$0x1E800] =	vst v63  }
0x69: {  	_ =	swait.ge [sflag:s30], $0x4000  }
.Ltmp3:
0x6a: {  	[sflag:s30] =	ssyncset.done $0x0;
	(pc) =	sbr.rel @p1 .LBB2_12-.Ltmp3, $4  }
0x6b: {  	s17 =	sadd.s32 $0x1480, s17;
	[sflag:s30] =	ssyncadd.s32 $0xFFFFC000  }
0x6c: {  	[spmem:s1] =	stream.indirect.scatter.add.f32 [tilespmem:s28], [sflag:$0x3], $0x80, s17, s25, $0xb8;
	[tilespmem:$0x1E800] =	vst v63  }
0x6d: {  	_ =	swait.ge [sflag:s23], $0x4000  }
0x6e: {  	s18 =	smov.u32 s21;
	s17 =	sshra.s32 s20, $0x2;
	[sflag:s23] =	ssyncset.done $0x0  }
0x6f: {  	s18 =	sadd.s32 $0x80, s17;
	[sflag:s23] =	ssyncadd.s32 $0xFFFFC000  }
0x70: {  	[tilespmem:s28], [sflag:$0x2] =	stream.indirect.gather [hbm4b:s6+s25], $0x80, s18, s25, $0xb8;
	[tilespmem:$0x1E800] =	vst v63  }
0x71: {  	_ =	swait.ge [sflag:s29], $0x4000  }
0x72: {  	[sflag:s29] =	ssyncset.done $0x0  }
0x73: {  	s21 =	sadd.s32 $0x1400, s17;
	[sflag:s29] =	ssyncadd.s32 $0xFFFFC000  }
0x74: {  	[spmem:s1] =	stream.indirect.scatter.add.f32 [tilespmem:s26], [sflag:$0x3], $0x80, s21, s25, $0xb8;
	[tilespmem:$0x1E800] =	vst v63  }
0x75: {  	_ =	swait.ge [sflag:s23], $0x4000  }
0x76: {  	[sflag:s23] =	ssyncset.done $0x0  }
0x77: {  	s19 =	sadd.s32 $0x100, s17;
	[sflag:s23] =	ssyncadd.s32 $0xFFFFC000  }
0x78: {  	[tilespmem:s26], [sflag:$0x1] =	stream.indirect.gather [hbm4b:s6+s25], $0x80, s19, s25, $0xb8;
	[tilespmem:$0x1E800] =	vst v63  }
0x79: {  	_ =	swait.ge [sflag:s30], $0x4000  }
0x7a: {  	[sflag:s30] =	ssyncset.done $0x0  }
0x7b: {  	s20 =	sadd.s32 $0x1480, s17;
	[sflag:s30] =	ssyncadd.s32 $0xFFFFC000  }
0x7c: {  	[spmem:s1] =	stream.indirect.scatter.add.f32 [tilespmem:s28], [sflag:$0x3], $0x80, s20, s25, $0xb8;
	[tilespmem:$0x1E800] =	vst v63  }
0x7d: {  	_ =	swait.ge [sflag:s23], $0x4000  }
0x7e: {  	[sflag:s23] =	ssyncset.done $0x0  }
0x7f: {  	[sflag:s23] =	ssyncadd.s32 $0xFFFFC000  }
0x80: {  	[tilespmem:s28], [sflag:$0x2] =	stream.indirect.gather [hbm4b:s6+s25], $0x80, s31, s25, $0xb8;
	[tilespmem:$0x1E800] =	vst v63  }
0x81: {  	_ =	swait.ge [sflag:s29], $0x4000  }
0x82: {  	[sflag:s29] =	ssyncset.done $0x0  }
0x83: {  	[sflag:s29] =	ssyncadd.s32 $0xFFFFC000  }
0x84: {  	[spmem:s1] =	stream.indirect.scatter.add.f32 [tilespmem:s26], [sflag:$0x3], $0x80, s0, s25, $0xb8;
	[tilespmem:$0x1E800] =	vst v63  }
0x85: {  	_ =	swait.ge [sflag:s23], $0x4000  }
0x86: {  	[sflag:s23] =	ssyncset.done $0x0  }
0x87: {  	[sflag:s23] =	ssyncadd.s32 $0xFFFFC000  }
0x88: {  	_ =	swait.ge [sflag:s30], $0x4000  }
0x89: {  	[sflag:s30] =	ssyncset.done $0x0  }
0x8a: {  	[sflag:s30] =	ssyncadd.s32 $0xFFFFC000  }
0x8b: {  	[spmem:s1] =	stream.indirect.scatter.add.f32 [tilespmem:s28], [sflag:$0x3], $0x80, s9, s25, $0xb8;
	[tilespmem:$0x1E800] =	vst v63  }
0x8c: {  	_ =	swait.ge [sflag:s23], $0x4000  }
0x8d: {  	[sflag:s23] =	ssyncset.done $0x0  }
0x8e: {  	s21 =	simm.s32 $0x0;
	[sflag:s23] =	ssyncadd.s32 $0xFFFFC000  }
0x8f: {  	[tilespmem:s21], [sflag:$0x3] =	stream.linear.gather [hbm4b:s15+s21], $0x1400, $0x38;
	[tilespmem:$0x1E800] =	vst v63  }
0x90: {  	_ =	swait.ge [sflag:s23], $0x1400  }
0x91: {  	[sflag:s23] =	ssyncset.done $0x0  }
0x92: {  	[sflag:s23] =	ssyncadd.s32 $0xFFFFEC00  }
0x93: {  	[tilespmem:s24], [sflag:$0x3] =	stream.linear.gather [hbm4b:s16+s21], $0x1400, $0x38;
	[tilespmem:$0x1E800] =	vst v63  }
0x94: {  	_ =	swait.ge [sflag:s23], $0x1400  }
0x95: {  	[sflag:s23] =	ssyncset.done $0x0  }
0x96: {  	[sflag:s23] =	ssyncadd.s32 $0xFFFFEC00  }
0x97: {  	[tilespmem:s26], [sflag:$0x1] =	stream.indirect.gather [hbm4b:s6+s25], $0x80, s21, s25, $0xb8;
	[tilespmem:$0x1E800] =	vst v63  }
0x98: {  	s18 =	simm.s32 $0x80  }
0x99: {  	[tilespmem:s28], [sflag:$0x2] =	stream.indirect.gather [hbm4b:s6+s25], $0x80, s18, s25, $0xb8;
	[tilespmem:$0x1E800] =	vst v63  }
0x9a: {  	_ =	swait.ge [sflag:s29], $0x4000  }
0x9b: {  	[sflag:s29] =	ssyncset.done $0x0  }
0x9c: {  	s19 =	simm.s32 $0x1400;
	[sflag:s29] =	ssyncadd.s32 $0xFFFFC000  }
0x9d: {  	[spmem:s1] =	stream.indirect.scatter.add.f32 [tilespmem:s26], [sflag:$0x3], $0x80, s19, s25, $0xb8;
	[tilespmem:$0x1E800] =	vst v63  }
0x9e: {  	_ =	swait.ge [sflag:s23], $0x4000  }
0x9f: {  	[sflag:s23] =	ssyncset.done $0x0  }
0xa0: {  	s20 =	simm.s32 $0x100;
	[sflag:s23] =	ssyncadd.s32 $0xFFFFC000  }
0xa1: {  	[tilespmem:s26], [sflag:$0x1] =	stream.indirect.gather [hbm4b:s6+s25], $0x80, s20, s25, $0xb8;
	[tilespmem:$0x1E800] =	vst v63  }
0xa2: {  	_ =	swait.ge [sflag:s30], $0x4000  }
0xa3: {  	[sflag:s30] =	ssyncset.done $0x0  }
0xa4: {  	s21 =	simm.s32 $0x1480;
	[sflag:s30] =	ssyncadd.s32 $0xFFFFC000  }
0xa5: {  	[spmem:s1] =	stream.indirect.scatter.add.f32 [tilespmem:s28], [sflag:$0x3], $0x80, s21, s25, $0xb8;
	[tilespmem:$0x1E800] =	vst v63  }
0xa6: {  	_ =	swait.ge [sflag:s23], $0x4000  }
0xa7: {  	s17 =	simm.s32 $0x100;
	s18 =	simm.s32 $0x800;
	[sflag:s23] =	ssyncset.done $0x0  }
.LBB2_14:
0xa8: {  	s19 =	sadd.s32 $0x80, s17  }
0xa9: {  	[sflag:s23] =	ssyncadd.s32 $0xFFFFC000;
	s20 =	smov.u32 s18;
	s21 =	sadd.s32 $0x400, s18  }
0xaa: {  	[tilespmem:s28], [sflag:$0x2] =	stream.indirect.gather [hbm4b:s6+s25], $0x80, s19, s25, $0xb8;
	[tilespmem:$0x1E800] =	vst v63  }
0xab: {  	p1 =	sne.s32 s18, $0x4800;
	_ =	swait.ge [sflag:s29], $0x4000  }
0xac: {  	[sflag:s29] =	ssyncset.done $0x0  }
0xad: {  	s18 =	sadd.s32 $0x1400, s17;
	[sflag:s29] =	ssyncadd.s32 $0xFFFFC000  }
0xae: {  	[spmem:s1] =	stream.indirect.scatter.add.f32 [tilespmem:s26], [sflag:$0x3], $0x80, s18, s25, $0xb8;
	[tilespmem:$0x1E800] =	vst v63  }
0xaf: {  	_ =	swait.ge [sflag:s23], $0x4000  }
0xb0: {  	[sflag:s23] =	ssyncset.done $0x0  }
0xb1: {  	s18 =	sadd.s32 $0x100, s17;
	[sflag:s23] =	ssyncadd.s32 $0xFFFFC000  }
0xb2: {  	[tilespmem:s26], [sflag:$0x1] =	stream.indirect.gather [hbm4b:s6+s25], $0x80, s18, s25, $0xb8;
	[tilespmem:$0x1E800] =	vst v63  }
0xb3: {  	_ =	swait.ge [sflag:s30], $0x4000  }
.Ltmp4:
0xb4: {  	[sflag:s30] =	ssyncset.done $0x0;
	(pc) =	sbr.rel @p1 .LBB2_14-.Ltmp4, $4  }
0xb5: {  	s17 =	sadd.s32 $0x1480, s17;
	[sflag:s30] =	ssyncadd.s32 $0xFFFFC000  }
0xb6: {  	[spmem:s1] =	stream.indirect.scatter.add.f32 [tilespmem:s28], [sflag:$0x3], $0x80, s17, s25, $0xb8;
	[tilespmem:$0x1E800] =	vst v63  }
0xb7: {  	_ =	swait.ge [sflag:s23], $0x4000  }
0xb8: {  	s18 =	smov.u32 s21;
	s17 =	sshra.s32 s20, $0x2;
	[sflag:s23] =	ssyncset.done $0x0  }
0xb9: {  	s18 =	sadd.s32 $0x80, s17;
	[sflag:s23] =	ssyncadd.s32 $0xFFFFC000  }
0xba: {  	[tilespmem:s28], [sflag:$0x2] =	stream.indirect.gather [hbm4b:s6+s25], $0x80, s18, s25, $0xb8;
	[tilespmem:$0x1E800] =	vst v63  }
0xbb: {  	_ =	swait.ge [sflag:s29], $0x4000  }
0xbc: {  	[sflag:s29] =	ssyncset.done $0x0  }
0xbd: {  	s20 =	sadd.s32 $0x1400, s17;
	[sflag:s29] =	ssyncadd.s32 $0xFFFFC000  }
0xbe: {  	[spmem:s1] =	stream.indirect.scatter.add.f32 [tilespmem:s26], [sflag:$0x3], $0x80, s20, s25, $0xb8;
	[tilespmem:$0x1E800] =	vst v63  }
0xbf: {  	_ =	swait.ge [sflag:s23], $0x4000  }
0xc0: {  	[sflag:s23] =	ssyncset.done $0x0  }
0xc1: {  	s21 =	sadd.s32 $0x100, s17;
	[sflag:s23] =	ssyncadd.s32 $0xFFFFC000  }
0xc2: {  	[tilespmem:s26], [sflag:$0x1] =	stream.indirect.gather [hbm4b:s6+s25], $0x80, s21, s25, $0xb8;
	[tilespmem:$0x1E800] =	vst v63  }
0xc3: {  	_ =	swait.ge [sflag:s30], $0x4000  }
0xc4: {  	[sflag:s30] =	ssyncset.done $0x0  }
0xc5: {  	s18 =	sadd.s32 $0x1480, s17;
	[sflag:s30] =	ssyncadd.s32 $0xFFFFC000  }
0xc6: {  	[spmem:s1] =	stream.indirect.scatter.add.f32 [tilespmem:s28], [sflag:$0x3], $0x80, s18, s25, $0xb8;
	[tilespmem:$0x1E800] =	vst v63  }
0xc7: {  	_ =	swait.ge [sflag:s23], $0x4000  }
0xc8: {  	[sflag:s23] =	ssyncset.done $0x0  }
0xc9: {  	[sflag:s23] =	ssyncadd.s32 $0xFFFFC000  }
0xca: {  	[tilespmem:s28], [sflag:$0x2] =	stream.indirect.gather [hbm4b:s6+s25], $0x80, s31, s25, $0xb8;
	[tilespmem:$0x1E800] =	vst v63  }
0xcb: {  	_ =	swait.ge [sflag:s29], $0x4000  }
0xcc: {  	[sflag:s29] =	ssyncset.done $0x0  }
0xcd: {  	[sflag:s29] =	ssyncadd.s32 $0xFFFFC000  }
0xce: {  	[spmem:s1] =	stream.indirect.scatter.add.f32 [tilespmem:s26], [sflag:$0x3], $0x80, s0, s25, $0xb8;
	[tilespmem:$0x1E800] =	vst v63  }
0xcf: {  	_ =	swait.ge [sflag:s23], $0x4000  }
0xd0: {  	[sflag:s23] =	ssyncset.done $0x0  }
0xd1: {  	[sflag:s23] =	ssyncadd.s32 $0xFFFFC000  }
0xd2: {  	_ =	swait.ge [sflag:s30], $0x4000  }
0xd3: {  	[sflag:s30] =	ssyncset.done $0x0  }
0xd4: {  	[sflag:s30] =	ssyncadd.s32 $0xFFFFC000  }
0xd5: {  	[spmem:s1] =	stream.indirect.scatter.add.f32 [tilespmem:s28], [sflag:$0x3], $0x80, s9, s25, $0xb8;
	[tilespmem:$0x1E800] =	vst v63  }
0xd6: {  	_ =	swait.ge [sflag:s23], $0x4000  }
0xd7: {  	[sflag:s23] =	ssyncset.done $0x0  }
0xd8: {  	[sflag:s23] =	ssyncadd.s32 $0xFFFFC000  }
0xd9: {  	[bflag:$0x0] =	sbarrier.arrive $0xFFFF  }
0xda: {  	s19 =	rddreg [dreg:$0xa]  }
0xdb: {  	[hbm:s19], [sflag:s10] =	dma.local [spmem:s12], $0x2800  }
0xdc: {  	_ =	swait.ge [sflag:s23], $0x2800  }
0xdd: {  	[sflag:s23] =	ssyncset.done $0x0  }
0xde: {  	[sflag:s23] =	ssyncadd.s32 $0xFFFFD800  }
0xdf: {  	[bflag:$0x0] =	sbarrier.arrive $0xFFFF  }
0xe0: {  	s20 =	rddreg [dreg:$0xb]  }
0xe1: {  	[spmem:s12], [sflag:s10] =	dma.local [hbm:s20], $0x2800  }
0xe2: {  	_ =	swait.ge [sflag:s23], $0x2800  }
0xe3: {  	[sflag:s23] =	ssyncset.done $0x0  }
0xe4: {  	[sflag:s23] =	ssyncadd.s32 $0xFFFFD800  }
0xe5: {  	s21 =	simm.s32 $0x0;
	[bflag:$0x0] =	sbarrier.arrive $0xFFFF  }
0xe6: {  	[tilespmem:s21], [sflag:$0x3] =	stream.linear.gather [hbm4b:s13+s21], $0x1400, $0x38;
	[tilespmem:$0x1E800] =	vst v63  }
0xe7: {  	_ =	swait.ge [sflag:s23], $0x1400  }
0xe8: {  	[sflag:s23] =	ssyncset.done $0x0  }
0xe9: {  	[sflag:s23] =	ssyncadd.s32 $0xFFFFEC00  }
0xea: {  	[tilespmem:s24], [sflag:$0x3] =	stream.linear.gather [hbm4b:s14+s21], $0x1400, $0x38;
	[tilespmem:$0x1E800] =	vst v63  }
0xeb: {  	_ =	swait.ge [sflag:s23], $0x1400  }
0xec: {  	[sflag:s23] =	ssyncset.done $0x0  }
0xed: {  	[sflag:s23] =	ssyncadd.s32 $0xFFFFEC00  }
0xee: {  	[tilespmem:s26], [sflag:$0x1] =	stream.indirect.gather [hbm4b:s7+s25], $0x80, s21, s25, $0xb8;
	[tilespmem:$0x1E800] =	vst v63  }
0xef: {  	s18 =	simm.s32 $0x80  }
0xf0: {  	[tilespmem:s28], [sflag:$0x2] =	stream.indirect.gather [hbm4b:s7+s25], $0x80, s18, s25, $0xb8;
	[tilespmem:$0x1E800] =	vst v63  }
0xf1: {  	_ =	swait.ge [sflag:s29], $0x4000  }
0xf2: {  	[sflag:s29] =	ssyncset.done $0x0  }
0xf3: {  	s19 =	simm.s32 $0x1400;
	[sflag:s29] =	ssyncadd.s32 $0xFFFFC000  }
0xf4: {  	[spmem:s1] =	stream.indirect.scatter.add.f32 [tilespmem:s26], [sflag:$0x3], $0x80, s19, s25, $0xb8;
	[tilespmem:$0x1E800] =	vst v63  }
0xf5: {  	_ =	swait.ge [sflag:s23], $0x4000  }
0xf6: {  	[sflag:s23] =	ssyncset.done $0x0  }
0xf7: {  	s20 =	simm.s32 $0x100;
	[sflag:s23] =	ssyncadd.s32 $0xFFFFC000  }
0xf8: {  	[tilespmem:s26], [sflag:$0x1] =	stream.indirect.gather [hbm4b:s7+s25], $0x80, s20, s25, $0xb8;
	[tilespmem:$0x1E800] =	vst v63  }
0xf9: {  	_ =	swait.ge [sflag:s30], $0x4000  }
0xfa: {  	[sflag:s30] =	ssyncset.done $0x0  }
0xfb: {  	s21 =	simm.s32 $0x1480;
	[sflag:s30] =	ssyncadd.s32 $0xFFFFC000  }
0xfc: {  	[spmem:s1] =	stream.indirect.scatter.add.f32 [tilespmem:s28], [sflag:$0x3], $0x80, s21, s25, $0xb8;
	[tilespmem:$0x1E800] =	vst v63  }
0xfd: {  	_ =	swait.ge [sflag:s23], $0x4000  }
0xfe: {  	s17 =	simm.s32 $0x100;
	s18 =	simm.s32 $0x800;
	[sflag:s23] =	ssyncset.done $0x0  }
.LBB2_16:
0xff: {  	s19 =	sadd.s32 $0x80, s17  }
0x100: {  	[sflag:s23] =	ssyncadd.s32 $0xFFFFC000;
	s20 =	smov.u32 s18;
	s21 =	sadd.s32 $0x400, s18  }
0x101: {  	[tilespmem:s28], [sflag:$0x2] =	stream.indirect.gather [hbm4b:s7+s25], $0x80, s19, s25, $0xb8;
	[tilespmem:$0x1E800] =	vst v63  }
0x102: {  	p1 =	sne.s32 s18, $0x4800;
	_ =	swait.ge [sflag:s29], $0x4000  }
0x103: {  	[sflag:s29] =	ssyncset.done $0x0  }
0x104: {  	s18 =	sadd.s32 $0x1400, s17;
	[sflag:s29] =	ssyncadd.s32 $0xFFFFC000  }
0x105: {  	[spmem:s1] =	stream.indirect.scatter.add.f32 [tilespmem:s26], [sflag:$0x3], $0x80, s18, s25, $0xb8;
	[tilespmem:$0x1E800] =	vst v63  }
0x106: {  	_ =	swait.ge [sflag:s23], $0x4000  }
0x107: {  	[sflag:s23] =	ssyncset.done $0x0  }
0x108: {  	s18 =	sadd.s32 $0x100, s17;
	[sflag:s23] =	ssyncadd.s32 $0xFFFFC000  }
0x109: {  	[tilespmem:s26], [sflag:$0x1] =	stream.indirect.gather [hbm4b:s7+s25], $0x80, s18, s25, $0xb8;
	[tilespmem:$0x1E800] =	vst v63  }
0x10a: {  	_ =	swait.ge [sflag:s30], $0x4000  }
.Ltmp5:
0x10b: {  	[sflag:s30] =	ssyncset.done $0x0;
	(pc) =	sbr.rel @p1 .LBB2_16-.Ltmp5, $4  }
0x10c: {  	s17 =	sadd.s32 $0x1480, s17;
	[sflag:s30] =	ssyncadd.s32 $0xFFFFC000  }
0x10d: {  	[spmem:s1] =	stream.indirect.scatter.add.f32 [tilespmem:s28], [sflag:$0x3], $0x80, s17, s25, $0xb8;
	[tilespmem:$0x1E800] =	vst v63  }
0x10e: {  	_ =	swait.ge [sflag:s23], $0x4000  }
0x10f: {  	s18 =	smov.u32 s21;
	s17 =	sshra.s32 s20, $0x2;
	[sflag:s23] =	ssyncset.done $0x0  }
0x110: {  	s18 =	sadd.s32 $0x80, s17;
	[sflag:s23] =	ssyncadd.s32 $0xFFFFC000  }
0x111: {  	[tilespmem:s28], [sflag:$0x2] =	stream.indirect.gather [hbm4b:s7+s25], $0x80, s18, s25, $0xb8;
	[tilespmem:$0x1E800] =	vst v63  }
0x112: {  	_ =	swait.ge [sflag:s29], $0x4000  }
0x113: {  	[sflag:s29] =	ssyncset.done $0x0  }
0x114: {  	s21 =	sadd.s32 $0x1400, s17;
	[sflag:s29] =	ssyncadd.s32 $0xFFFFC000  }
0x115: {  	[spmem:s1] =	stream.indirect.scatter.add.f32 [tilespmem:s26], [sflag:$0x3], $0x80, s21, s25, $0xb8;
	[tilespmem:$0x1E800] =	vst v63  }
0x116: {  	_ =	swait.ge [sflag:s23], $0x4000  }
0x117: {  	[sflag:s23] =	ssyncset.done $0x0  }
0x118: {  	s19 =	sadd.s32 $0x100, s17;
	[sflag:s23] =	ssyncadd.s32 $0xFFFFC000  }
0x119: {  	[tilespmem:s26], [sflag:$0x1] =	stream.indirect.gather [hbm4b:s7+s25], $0x80, s19, s25, $0xb8;
	[tilespmem:$0x1E800] =	vst v63  }
0x11a: {  	_ =	swait.ge [sflag:s30], $0x4000  }
0x11b: {  	[sflag:s30] =	ssyncset.done $0x0  }
0x11c: {  	s20 =	sadd.s32 $0x1480, s17;
	[sflag:s30] =	ssyncadd.s32 $0xFFFFC000  }
0x11d: {  	[spmem:s1] =	stream.indirect.scatter.add.f32 [tilespmem:s28], [sflag:$0x3], $0x80, s20, s25, $0xb8;
	[tilespmem:$0x1E800] =	vst v63  }
0x11e: {  	_ =	swait.ge [sflag:s23], $0x4000  }
0x11f: {  	[sflag:s23] =	ssyncset.done $0x0  }
0x120: {  	[sflag:s23] =	ssyncadd.s32 $0xFFFFC000  }
0x121: {  	[tilespmem:s28], [sflag:$0x2] =	stream.indirect.gather [hbm4b:s7+s25], $0x80, s31, s25, $0xb8;
	[tilespmem:$0x1E800] =	vst v63  }
0x122: {  	_ =	swait.ge [sflag:s29], $0x4000  }
0x123: {  	[sflag:s29] =	ssyncset.done $0x0  }
0x124: {  	[sflag:s29] =	ssyncadd.s32 $0xFFFFC000  }
0x125: {  	[spmem:s1] =	stream.indirect.scatter.add.f32 [tilespmem:s26], [sflag:$0x3], $0x80, s0, s25, $0xb8;
	[tilespmem:$0x1E800] =	vst v63  }
0x126: {  	_ =	swait.ge [sflag:s23], $0x4000  }
0x127: {  	[sflag:s23] =	ssyncset.done $0x0  }
0x128: {  	[sflag:s23] =	ssyncadd.s32 $0xFFFFC000  }
0x129: {  	_ =	swait.ge [sflag:s30], $0x4000  }
0x12a: {  	[sflag:s30] =	ssyncset.done $0x0  }
0x12b: {  	[sflag:s30] =	ssyncadd.s32 $0xFFFFC000  }
0x12c: {  	[spmem:s1] =	stream.indirect.scatter.add.f32 [tilespmem:s28], [sflag:$0x3], $0x80, s9, s25, $0xb8;
	[tilespmem:$0x1E800] =	vst v63  }
0x12d: {  	_ =	swait.ge [sflag:s23], $0x4000  }
0x12e: {  	[sflag:s23] =	ssyncset.done $0x0  }
0x12f: {  	s21 =	simm.s32 $0x0;
	[sflag:s23] =	ssyncadd.s32 $0xFFFFC000  }
0x130: {  	[tilespmem:s21], [sflag:$0x3] =	stream.linear.gather [hbm4b:s15+s21], $0x1400, $0x38;
	[tilespmem:$0x1E800] =	vst v63  }
0x131: {  	_ =	swait.ge [sflag:s23], $0x1400  }
0x132: {  	[sflag:s23] =	ssyncset.done $0x0  }
0x133: {  	[sflag:s23] =	ssyncadd.s32 $0xFFFFEC00  }
0x134: {  	[tilespmem:s24], [sflag:$0x3] =	stream.linear.gather [hbm4b:s16+s21], $0x1400, $0x38;
	[tilespmem:$0x1E800] =	vst v63  }
0x135: {  	_ =	swait.ge [sflag:s23], $0x1400  }
0x136: {  	[sflag:s23] =	ssyncset.done $0x0  }
0x137: {  	[sflag:s23] =	ssyncadd.s32 $0xFFFFEC00  }
0x138: {  	[tilespmem:s26], [sflag:$0x1] =	stream.indirect.gather [hbm4b:s7+s25], $0x80, s21, s25, $0xb8;
	[tilespmem:$0x1E800] =	vst v63  }
0x139: {  	s18 =	simm.s32 $0x80  }
0x13a: {  	[tilespmem:s28], [sflag:$0x2] =	stream.indirect.gather [hbm4b:s7+s25], $0x80, s18, s25, $0xb8;
	[tilespmem:$0x1E800] =	vst v63  }
0x13b: {  	_ =	swait.ge [sflag:s29], $0x4000  }
0x13c: {  	[sflag:s29] =	ssyncset.done $0x0  }
0x13d: {  	s19 =	simm.s32 $0x1400;
	[sflag:s29] =	ssyncadd.s32 $0xFFFFC000  }
0x13e: {  	[spmem:s1] =	stream.indirect.scatter.add.f32 [tilespmem:s26], [sflag:$0x3], $0x80, s19, s25, $0xb8;
	[tilespmem:$0x1E800] =	vst v63  }
0x13f: {  	_ =	swait.ge [sflag:s23], $0x4000  }
0x140: {  	[sflag:s23] =	ssyncset.done $0x0  }
0x141: {  	s20 =	simm.s32 $0x100;
	[sflag:s23] =	ssyncadd.s32 $0xFFFFC000  }
0x142: {  	[tilespmem:s26], [sflag:$0x1] =	stream.indirect.gather [hbm4b:s7+s25], $0x80, s20, s25, $0xb8;
	[tilespmem:$0x1E800] =	vst v63  }
0x143: {  	_ =	swait.ge [sflag:s30], $0x4000  }
0x144: {  	[sflag:s30] =	ssyncset.done $0x0  }
0x145: {  	s21 =	simm.s32 $0x1480;
	[sflag:s30] =	ssyncadd.s32 $0xFFFFC000  }
0x146: {  	[spmem:s1] =	stream.indirect.scatter.add.f32 [tilespmem:s28], [sflag:$0x3], $0x80, s21, s25, $0xb8;
	[tilespmem:$0x1E800] =	vst v63  }
0x147: {  	_ =	swait.ge [sflag:s23], $0x4000  }
0x148: {  	s17 =	simm.s32 $0x100;
	s18 =	simm.s32 $0x800;
	[sflag:s23] =	ssyncset.done $0x0  }
.LBB2_18:
0x149: {  	s19 =	sadd.s32 $0x80, s17  }
0x14a: {  	[sflag:s23] =	ssyncadd.s32 $0xFFFFC000;
	s20 =	smov.u32 s18;
	s21 =	sadd.s32 $0x400, s18  }
0x14b: {  	[tilespmem:s28], [sflag:$0x2] =	stream.indirect.gather [hbm4b:s7+s25], $0x80, s19, s25, $0xb8;
	[tilespmem:$0x1E800] =	vst v63  }
0x14c: {  	p1 =	sne.s32 s18, $0x4800;
	_ =	swait.ge [sflag:s29], $0x4000  }
0x14d: {  	[sflag:s29] =	ssyncset.done $0x0  }
0x14e: {  	s18 =	sadd.s32 $0x1400, s17;
	[sflag:s29] =	ssyncadd.s32 $0xFFFFC000  }
0x14f: {  	[spmem:s1] =	stream.indirect.scatter.add.f32 [tilespmem:s26], [sflag:$0x3], $0x80, s18, s25, $0xb8;
	[tilespmem:$0x1E800] =	vst v63  }
0x150: {  	_ =	swait.ge [sflag:s23], $0x4000  }
0x151: {  	[sflag:s23] =	ssyncset.done $0x0  }
0x152: {  	s18 =	sadd.s32 $0x100, s17;
	[sflag:s23] =	ssyncadd.s32 $0xFFFFC000  }
0x153: {  	[tilespmem:s26], [sflag:$0x1] =	stream.indirect.gather [hbm4b:s7+s25], $0x80, s18, s25, $0xb8;
	[tilespmem:$0x1E800] =	vst v63  }
0x154: {  	_ =	swait.ge [sflag:s30], $0x4000  }
.Ltmp6:
0x155: {  	[sflag:s30] =	ssyncset.done $0x0;
	(pc) =	sbr.rel @p1 .LBB2_18-.Ltmp6, $4  }
0x156: {  	s17 =	sadd.s32 $0x1480, s17;
	[sflag:s30] =	ssyncadd.s32 $0xFFFFC000  }
0x157: {  	[spmem:s1] =	stream.indirect.scatter.add.f32 [tilespmem:s28], [sflag:$0x3], $0x80, s17, s25, $0xb8;
	[tilespmem:$0x1E800] =	vst v63  }
0x158: {  	_ =	swait.ge [sflag:s23], $0x4000  }
0x159: {  	s18 =	smov.u32 s21;
	s17 =	sshra.s32 s20, $0x2;
	[sflag:s23] =	ssyncset.done $0x0  }
.Ltmp7:
0x15a: {  	_ = 	snop;
	(pc) =	sbr.rel .LBB2_19-.Ltmp7, $1  }
0x15b: {  	_ =	sdelay $0x3  }
.LBB2_2:
0x15c: {  	s17 =	rddreg [dreg:$0x6]  }
0x15d: {  	[spmem:s12], [sflag:s10] =	dma.local [hbm:s17], $0x2800  }
0x15e: {  	_ =	swait.ge [sflag:s23], $0x2800  }
0x15f: {  	[sflag:s23] =	ssyncset.done $0x0  }
0x160: {  	[sflag:s23] =	ssyncadd.s32 $0xFFFFD800  }
0x161: {  	s21 =	simm.s32 $0x0;
	[bflag:$0x0] =	sbarrier.arrive $0xFFFF  }
0x162: {  	[tilespmem:s21], [sflag:$0x3] =	stream.linear.gather [hbm4b:s13+s21], $0x1400, $0x38;
	[tilespmem:$0x1E800] =	vst v63  }
0x163: {  	_ =	swait.ge [sflag:s23], $0x1400  }
0x164: {  	[sflag:s23] =	ssyncset.done $0x0  }
0x165: {  	[sflag:s23] =	ssyncadd.s32 $0xFFFFEC00  }
0x166: {  	[tilespmem:s24], [sflag:$0x3] =	stream.linear.gather [hbm4b:s14+s21], $0x1400, $0x38;
	[tilespmem:$0x1E800] =	vst v63  }
0x167: {  	_ =	swait.ge [sflag:s23], $0x1400  }
0x168: {  	[sflag:s23] =	ssyncset.done $0x0  }
0x169: {  	[sflag:s23] =	ssyncadd.s32 $0xFFFFEC00  }
0x16a: {  	[tilespmem:s26], [sflag:$0x1] =	stream.indirect.gather [hbm4b:s4+s25], $0x80, s21, s25, $0xb8;
	[tilespmem:$0x1E800] =	vst v63  }
0x16b: {  	s18 =	simm.s32 $0x80  }
0x16c: {  	[tilespmem:s28], [sflag:$0x2] =	stream.indirect.gather [hbm4b:s4+s25], $0x80, s18, s25, $0xb8;
	[tilespmem:$0x1E800] =	vst v63  }
0x16d: {  	_ =	swait.ge [sflag:s29], $0x4000  }
0x16e: {  	[sflag:s29] =	ssyncset.done $0x0  }
0x16f: {  	s19 =	simm.s32 $0x1400;
	[sflag:s29] =	ssyncadd.s32 $0xFFFFC000  }
0x170: {  	[spmem:s1] =	stream.indirect.scatter.add.f32 [tilespmem:s26], [sflag:$0x3], $0x80, s19, s25, $0xb8;
	[tilespmem:$0x1E800] =	vst v63  }
0x171: {  	_ =	swait.ge [sflag:s23], $0x4000  }
0x172: {  	[sflag:s23] =	ssyncset.done $0x0  }
0x173: {  	s20 =	simm.s32 $0x100;
	[sflag:s23] =	ssyncadd.s32 $0xFFFFC000  }
0x174: {  	[tilespmem:s26], [sflag:$0x1] =	stream.indirect.gather [hbm4b:s4+s25], $0x80, s20, s25, $0xb8;
	[tilespmem:$0x1E800] =	vst v63  }
0x175: {  	_ =	swait.ge [sflag:s30], $0x4000  }
0x176: {  	[sflag:s30] =	ssyncset.done $0x0  }
0x177: {  	s21 =	simm.s32 $0x1480;
	[sflag:s30] =	ssyncadd.s32 $0xFFFFC000  }
0x178: {  	[spmem:s1] =	stream.indirect.scatter.add.f32 [tilespmem:s28], [sflag:$0x3], $0x80, s21, s25, $0xb8;
	[tilespmem:$0x1E800] =	vst v63  }
0x179: {  	_ =	swait.ge [sflag:s23], $0x4000  }
0x17a: {  	s17 =	simm.s32 $0x100;
	s18 =	simm.s32 $0x800;
	[sflag:s23] =	ssyncset.done $0x0  }
.LBB2_3:
0x17b: {  	s19 =	sadd.s32 $0x80, s17  }
0x17c: {  	[sflag:s23] =	ssyncadd.s32 $0xFFFFC000;
	s20 =	smov.u32 s18;
	s21 =	sadd.s32 $0x400, s18  }
0x17d: {  	[tilespmem:s28], [sflag:$0x2] =	stream.indirect.gather [hbm4b:s4+s25], $0x80, s19, s25, $0xb8;
	[tilespmem:$0x1E800] =	vst v63  }
0x17e: {  	p1 =	sne.s32 s18, $0x4800;
	_ =	swait.ge [sflag:s29], $0x4000  }
0x17f: {  	[sflag:s29] =	ssyncset.done $0x0  }
0x180: {  	s18 =	sadd.s32 $0x1400, s17;
	[sflag:s29] =	ssyncadd.s32 $0xFFFFC000  }
0x181: {  	[spmem:s1] =	stream.indirect.scatter.add.f32 [tilespmem:s26], [sflag:$0x3], $0x80, s18, s25, $0xb8;
	[tilespmem:$0x1E800] =	vst v63  }
0x182: {  	_ =	swait.ge [sflag:s23], $0x4000  }
0x183: {  	[sflag:s23] =	ssyncset.done $0x0  }
0x184: {  	s18 =	sadd.s32 $0x100, s17;
	[sflag:s23] =	ssyncadd.s32 $0xFFFFC000  }
0x185: {  	[tilespmem:s26], [sflag:$0x1] =	stream.indirect.gather [hbm4b:s4+s25], $0x80, s18, s25, $0xb8;
	[tilespmem:$0x1E800] =	vst v63  }
0x186: {  	_ =	swait.ge [sflag:s30], $0x4000  }
.Ltmp8:
0x187: {  	[sflag:s30] =	ssyncset.done $0x0;
	(pc) =	sbr.rel @p1 .LBB2_3-.Ltmp8, $4  }
0x188: {  	s17 =	sadd.s32 $0x1480, s17;
	[sflag:s30] =	ssyncadd.s32 $0xFFFFC000  }
0x189: {  	[spmem:s1] =	stream.indirect.scatter.add.f32 [tilespmem:s28], [sflag:$0x3], $0x80, s17, s25, $0xb8;
	[tilespmem:$0x1E800] =	vst v63  }
0x18a: {  	_ =	swait.ge [sflag:s23], $0x4000  }
0x18b: {  	s18 =	smov.u32 s21;
	s17 =	sshra.s32 s20, $0x2;
	[sflag:s23] =	ssyncset.done $0x0  }
0x18c: {  	s18 =	sadd.s32 $0x80, s17;
	[sflag:s23] =	ssyncadd.s32 $0xFFFFC000  }
0x18d: {  	[tilespmem:s28], [sflag:$0x2] =	stream.indirect.gather [hbm4b:s4+s25], $0x80, s18, s25, $0xb8;
	[tilespmem:$0x1E800] =	vst v63  }
0x18e: {  	_ =	swait.ge [sflag:s29], $0x4000  }
0x18f: {  	[sflag:s29] =	ssyncset.done $0x0  }
0x190: {  	s21 =	sadd.s32 $0x1400, s17;
	[sflag:s29] =	ssyncadd.s32 $0xFFFFC000  }
0x191: {  	[spmem:s1] =	stream.indirect.scatter.add.f32 [tilespmem:s26], [sflag:$0x3], $0x80, s21, s25, $0xb8;
	[tilespmem:$0x1E800] =	vst v63  }
0x192: {  	_ =	swait.ge [sflag:s23], $0x4000  }
0x193: {  	[sflag:s23] =	ssyncset.done $0x0  }
0x194: {  	s19 =	sadd.s32 $0x100, s17;
	[sflag:s23] =	ssyncadd.s32 $0xFFFFC000  }
0x195: {  	[tilespmem:s26], [sflag:$0x1] =	stream.indirect.gather [hbm4b:s4+s25], $0x80, s19, s25, $0xb8;
	[tilespmem:$0x1E800] =	vst v63  }
0x196: {  	_ =	swait.ge [sflag:s30], $0x4000  }
0x197: {  	[sflag:s30] =	ssyncset.done $0x0  }
0x198: {  	s20 =	sadd.s32 $0x1480, s17;
	[sflag:s30] =	ssyncadd.s32 $0xFFFFC000  }
0x199: {  	[spmem:s1] =	stream.indirect.scatter.add.f32 [tilespmem:s28], [sflag:$0x3], $0x80, s20, s25, $0xb8;
	[tilespmem:$0x1E800] =	vst v63  }
0x19a: {  	_ =	swait.ge [sflag:s23], $0x4000  }
0x19b: {  	[sflag:s23] =	ssyncset.done $0x0  }
0x19c: {  	[sflag:s23] =	ssyncadd.s32 $0xFFFFC000  }
0x19d: {  	[tilespmem:s28], [sflag:$0x2] =	stream.indirect.gather [hbm4b:s4+s25], $0x80, s31, s25, $0xb8;
	[tilespmem:$0x1E800] =	vst v63  }
0x19e: {  	_ =	swait.ge [sflag:s29], $0x4000  }
0x19f: {  	[sflag:s29] =	ssyncset.done $0x0  }
0x1a0: {  	[sflag:s29] =	ssyncadd.s32 $0xFFFFC000  }
0x1a1: {  	[spmem:s1] =	stream.indirect.scatter.add.f32 [tilespmem:s26], [sflag:$0x3], $0x80, s0, s25, $0xb8;
	[tilespmem:$0x1E800] =	vst v63  }
0x1a2: {  	_ =	swait.ge [sflag:s23], $0x4000  }
0x1a3: {  	[sflag:s23] =	ssyncset.done $0x0  }
0x1a4: {  	[sflag:s23] =	ssyncadd.s32 $0xFFFFC000  }
0x1a5: {  	_ =	swait.ge [sflag:s30], $0x4000  }
0x1a6: {  	[sflag:s30] =	ssyncset.done $0x0  }
0x1a7: {  	[sflag:s30] =	ssyncadd.s32 $0xFFFFC000  }
0x1a8: {  	[spmem:s1] =	stream.indirect.scatter.add.f32 [tilespmem:s28], [sflag:$0x3], $0x80, s9, s25, $0xb8;
	[tilespmem:$0x1E800] =	vst v63  }
0x1a9: {  	_ =	swait.ge [sflag:s23], $0x4000  }
0x1aa: {  	[sflag:s23] =	ssyncset.done $0x0  }
0x1ab: {  	s21 =	simm.s32 $0x0;
	[sflag:s23] =	ssyncadd.s32 $0xFFFFC000  }
0x1ac: {  	[tilespmem:s21], [sflag:$0x3] =	stream.linear.gather [hbm4b:s15+s21], $0x1400, $0x38;
	[tilespmem:$0x1E800] =	vst v63  }
0x1ad: {  	_ =	swait.ge [sflag:s23], $0x1400  }
0x1ae: {  	[sflag:s23] =	ssyncset.done $0x0  }
0x1af: {  	[sflag:s23] =	ssyncadd.s32 $0xFFFFEC00  }
0x1b0: {  	[tilespmem:s24], [sflag:$0x3] =	stream.linear.gather [hbm4b:s16+s21], $0x1400, $0x38;
	[tilespmem:$0x1E800] =	vst v63  }
0x1b1: {  	_ =	swait.ge [sflag:s23], $0x1400  }
0x1b2: {  	[sflag:s23] =	ssyncset.done $0x0  }
0x1b3: {  	[sflag:s23] =	ssyncadd.s32 $0xFFFFEC00  }
0x1b4: {  	[tilespmem:s26], [sflag:$0x1] =	stream.indirect.gather [hbm4b:s4+s25], $0x80, s21, s25, $0xb8;
	[tilespmem:$0x1E800] =	vst v63  }
0x1b5: {  	s18 =	simm.s32 $0x80  }
0x1b6: {  	[tilespmem:s28], [sflag:$0x2] =	stream.indirect.gather [hbm4b:s4+s25], $0x80, s18, s25, $0xb8;
	[tilespmem:$0x1E800] =	vst v63  }
0x1b7: {  	_ =	swait.ge [sflag:s29], $0x4000  }
0x1b8: {  	[sflag:s29] =	ssyncset.done $0x0  }
0x1b9: {  	s19 =	simm.s32 $0x1400;
	[sflag:s29] =	ssyncadd.s32 $0xFFFFC000  }
0x1ba: {  	[spmem:s1] =	stream.indirect.scatter.add.f32 [tilespmem:s26], [sflag:$0x3], $0x80, s19, s25, $0xb8;
	[tilespmem:$0x1E800] =	vst v63  }
0x1bb: {  	_ =	swait.ge [sflag:s23], $0x4000  }
0x1bc: {  	[sflag:s23] =	ssyncset.done $0x0  }
0x1bd: {  	s20 =	simm.s32 $0x100;
	[sflag:s23] =	ssyncadd.s32 $0xFFFFC000  }
0x1be: {  	[tilespmem:s26], [sflag:$0x1] =	stream.indirect.gather [hbm4b:s4+s25], $0x80, s20, s25, $0xb8;
	[tilespmem:$0x1E800] =	vst v63  }
0x1bf: {  	_ =	swait.ge [sflag:s30], $0x4000  }
0x1c0: {  	[sflag:s30] =	ssyncset.done $0x0  }
0x1c1: {  	s21 =	simm.s32 $0x1480;
	[sflag:s30] =	ssyncadd.s32 $0xFFFFC000  }
0x1c2: {  	[spmem:s1] =	stream.indirect.scatter.add.f32 [tilespmem:s28], [sflag:$0x3], $0x80, s21, s25, $0xb8;
	[tilespmem:$0x1E800] =	vst v63  }
0x1c3: {  	_ =	swait.ge [sflag:s23], $0x4000  }
0x1c4: {  	s17 =	simm.s32 $0x100;
	s18 =	simm.s32 $0x800;
	[sflag:s23] =	ssyncset.done $0x0  }
.LBB2_5:
0x1c5: {  	s19 =	sadd.s32 $0x80, s17  }
0x1c6: {  	[sflag:s23] =	ssyncadd.s32 $0xFFFFC000;
	s20 =	smov.u32 s18;
	s21 =	sadd.s32 $0x400, s18  }
0x1c7: {  	[tilespmem:s28], [sflag:$0x2] =	stream.indirect.gather [hbm4b:s4+s25], $0x80, s19, s25, $0xb8;
	[tilespmem:$0x1E800] =	vst v63  }
0x1c8: {  	p1 =	sne.s32 s18, $0x4800;
	_ =	swait.ge [sflag:s29], $0x4000  }
0x1c9: {  	[sflag:s29] =	ssyncset.done $0x0  }
0x1ca: {  	s18 =	sadd.s32 $0x1400, s17;
	[sflag:s29] =	ssyncadd.s32 $0xFFFFC000  }
0x1cb: {  	[spmem:s1] =	stream.indirect.scatter.add.f32 [tilespmem:s26], [sflag:$0x3], $0x80, s18, s25, $0xb8;
	[tilespmem:$0x1E800] =	vst v63  }
0x1cc: {  	_ =	swait.ge [sflag:s23], $0x4000  }
0x1cd: {  	[sflag:s23] =	ssyncset.done $0x0  }
0x1ce: {  	s18 =	sadd.s32 $0x100, s17;
	[sflag:s23] =	ssyncadd.s32 $0xFFFFC000  }
0x1cf: {  	[tilespmem:s26], [sflag:$0x1] =	stream.indirect.gather [hbm4b:s4+s25], $0x80, s18, s25, $0xb8;
	[tilespmem:$0x1E800] =	vst v63  }
0x1d0: {  	_ =	swait.ge [sflag:s30], $0x4000  }
.Ltmp9:
0x1d1: {  	[sflag:s30] =	ssyncset.done $0x0;
	(pc) =	sbr.rel @p1 .LBB2_5-.Ltmp9, $4  }
0x1d2: {  	s17 =	sadd.s32 $0x1480, s17;
	[sflag:s30] =	ssyncadd.s32 $0xFFFFC000  }
0x1d3: {  	[spmem:s1] =	stream.indirect.scatter.add.f32 [tilespmem:s28], [sflag:$0x3], $0x80, s17, s25, $0xb8;
	[tilespmem:$0x1E800] =	vst v63  }
0x1d4: {  	_ =	swait.ge [sflag:s23], $0x4000  }
0x1d5: {  	s18 =	smov.u32 s21;
	s17 =	sshra.s32 s20, $0x2;
	[sflag:s23] =	ssyncset.done $0x0  }
0x1d6: {  	s18 =	sadd.s32 $0x80, s17;
	[sflag:s23] =	ssyncadd.s32 $0xFFFFC000  }
0x1d7: {  	[tilespmem:s28], [sflag:$0x2] =	stream.indirect.gather [hbm4b:s4+s25], $0x80, s18, s25, $0xb8;
	[tilespmem:$0x1E800] =	vst v63  }
0x1d8: {  	_ =	swait.ge [sflag:s29], $0x4000  }
0x1d9: {  	[sflag:s29] =	ssyncset.done $0x0  }
0x1da: {  	s20 =	sadd.s32 $0x1400, s17;
	[sflag:s29] =	ssyncadd.s32 $0xFFFFC000  }
0x1db: {  	[spmem:s1] =	stream.indirect.scatter.add.f32 [tilespmem:s26], [sflag:$0x3], $0x80, s20, s25, $0xb8;
	[tilespmem:$0x1E800] =	vst v63  }
0x1dc: {  	_ =	swait.ge [sflag:s23], $0x4000  }
0x1dd: {  	[sflag:s23] =	ssyncset.done $0x0  }
0x1de: {  	s21 =	sadd.s32 $0x100, s17;
	[sflag:s23] =	ssyncadd.s32 $0xFFFFC000  }
0x1df: {  	[tilespmem:s26], [sflag:$0x1] =	stream.indirect.gather [hbm4b:s4+s25], $0x80, s21, s25, $0xb8;
	[tilespmem:$0x1E800] =	vst v63  }
0x1e0: {  	_ =	swait.ge [sflag:s30], $0x4000  }
0x1e1: {  	[sflag:s30] =	ssyncset.done $0x0  }
0x1e2: {  	s18 =	sadd.s32 $0x1480, s17;
	[sflag:s30] =	ssyncadd.s32 $0xFFFFC000  }
0x1e3: {  	[spmem:s1] =	stream.indirect.scatter.add.f32 [tilespmem:s28], [sflag:$0x3], $0x80, s18, s25, $0xb8;
	[tilespmem:$0x1E800] =	vst v63  }
0x1e4: {  	_ =	swait.ge [sflag:s23], $0x4000  }
0x1e5: {  	[sflag:s23] =	ssyncset.done $0x0  }
0x1e6: {  	[sflag:s23] =	ssyncadd.s32 $0xFFFFC000  }
0x1e7: {  	[tilespmem:s28], [sflag:$0x2] =	stream.indirect.gather [hbm4b:s4+s25], $0x80, s31, s25, $0xb8;
	[tilespmem:$0x1E800] =	vst v63  }
0x1e8: {  	_ =	swait.ge [sflag:s29], $0x4000  }
0x1e9: {  	[sflag:s29] =	ssyncset.done $0x0  }
0x1ea: {  	[sflag:s29] =	ssyncadd.s32 $0xFFFFC000  }
0x1eb: {  	[spmem:s1] =	stream.indirect.scatter.add.f32 [tilespmem:s26], [sflag:$0x3], $0x80, s0, s25, $0xb8;
	[tilespmem:$0x1E800] =	vst v63  }
0x1ec: {  	_ =	swait.ge [sflag:s23], $0x4000  }
0x1ed: {  	[sflag:s23] =	ssyncset.done $0x0  }
0x1ee: {  	[sflag:s23] =	ssyncadd.s32 $0xFFFFC000  }
0x1ef: {  	_ =	swait.ge [sflag:s30], $0x4000  }
0x1f0: {  	[sflag:s30] =	ssyncset.done $0x0  }
0x1f1: {  	[sflag:s30] =	ssyncadd.s32 $0xFFFFC000  }
0x1f2: {  	[spmem:s1] =	stream.indirect.scatter.add.f32 [tilespmem:s28], [sflag:$0x3], $0x80, s9, s25, $0xb8;
	[tilespmem:$0x1E800] =	vst v63  }
0x1f3: {  	_ =	swait.ge [sflag:s23], $0x4000  }
0x1f4: {  	[sflag:s23] =	ssyncset.done $0x0  }
0x1f5: {  	[sflag:s23] =	ssyncadd.s32 $0xFFFFC000  }
0x1f6: {  	[bflag:$0x0] =	sbarrier.arrive $0xFFFF  }
0x1f7: {  	s19 =	rddreg [dreg:$0x7]  }
0x1f8: {  	[hbm:s19], [sflag:s10] =	dma.local [spmem:s12], $0x2800  }
0x1f9: {  	_ =	swait.ge [sflag:s23], $0x2800  }
0x1fa: {  	[sflag:s23] =	ssyncset.done $0x0  }
0x1fb: {  	[sflag:s23] =	ssyncadd.s32 $0xFFFFD800  }
0x1fc: {  	[bflag:$0x0] =	sbarrier.arrive $0xFFFF  }
0x1fd: {  	s20 =	rddreg [dreg:$0x8]  }
0x1fe: {  	[spmem:s12], [sflag:s10] =	dma.local [hbm:s20], $0x2800  }
0x1ff: {  	_ =	swait.ge [sflag:s23], $0x2800  }
0x200: {  	[sflag:s23] =	ssyncset.done $0x0  }
0x201: {  	[sflag:s23] =	ssyncadd.s32 $0xFFFFD800  }
0x202: {  	s21 =	simm.s32 $0x0;
	[bflag:$0x0] =	sbarrier.arrive $0xFFFF  }
0x203: {  	[tilespmem:s21], [sflag:$0x3] =	stream.linear.gather [hbm4b:s13+s21], $0x1400, $0x38;
	[tilespmem:$0x1E800] =	vst v63  }
0x204: {  	_ =	swait.ge [sflag:s23], $0x1400  }
0x205: {  	[sflag:s23] =	ssyncset.done $0x0  }
0x206: {  	[sflag:s23] =	ssyncadd.s32 $0xFFFFEC00  }
0x207: {  	[tilespmem:s24], [sflag:$0x3] =	stream.linear.gather [hbm4b:s14+s21], $0x1400, $0x38;
	[tilespmem:$0x1E800] =	vst v63  }
0x208: {  	_ =	swait.ge [sflag:s23], $0x1400  }
0x209: {  	[sflag:s23] =	ssyncset.done $0x0  }
0x20a: {  	[sflag:s23] =	ssyncadd.s32 $0xFFFFEC00  }
0x20b: {  	[tilespmem:s26], [sflag:$0x1] =	stream.indirect.gather [hbm4b:s5+s25], $0x80, s21, s25, $0xb8;
	[tilespmem:$0x1E800] =	vst v63  }
0x20c: {  	s18 =	simm.s32 $0x80  }
0x20d: {  	[tilespmem:s28], [sflag:$0x2] =	stream.indirect.gather [hbm4b:s5+s25], $0x80, s18, s25, $0xb8;
	[tilespmem:$0x1E800] =	vst v63  }
0x20e: {  	_ =	swait.ge [sflag:s29], $0x4000  }
0x20f: {  	[sflag:s29] =	ssyncset.done $0x0  }
0x210: {  	s19 =	simm.s32 $0x1400;
	[sflag:s29] =	ssyncadd.s32 $0xFFFFC000  }
0x211: {  	[spmem:s1] =	stream.indirect.scatter.add.f32 [tilespmem:s26], [sflag:$0x3], $0x80, s19, s25, $0xb8;
	[tilespmem:$0x1E800] =	vst v63  }
0x212: {  	_ =	swait.ge [sflag:s23], $0x4000  }
0x213: {  	[sflag:s23] =	ssyncset.done $0x0  }
0x214: {  	s20 =	simm.s32 $0x100;
	[sflag:s23] =	ssyncadd.s32 $0xFFFFC000  }
0x215: {  	[tilespmem:s26], [sflag:$0x1] =	stream.indirect.gather [hbm4b:s5+s25], $0x80, s20, s25, $0xb8;
	[tilespmem:$0x1E800] =	vst v63  }
0x216: {  	_ =	swait.ge [sflag:s30], $0x4000  }
0x217: {  	[sflag:s30] =	ssyncset.done $0x0  }
0x218: {  	s21 =	simm.s32 $0x1480;
	[sflag:s30] =	ssyncadd.s32 $0xFFFFC000  }
0x219: {  	[spmem:s1] =	stream.indirect.scatter.add.f32 [tilespmem:s28], [sflag:$0x3], $0x80, s21, s25, $0xb8;
	[tilespmem:$0x1E800] =	vst v63  }
0x21a: {  	_ =	swait.ge [sflag:s23], $0x4000  }
0x21b: {  	s17 =	simm.s32 $0x100;
	s18 =	simm.s32 $0x800;
	[sflag:s23] =	ssyncset.done $0x0  }
.LBB2_7:
0x21c: {  	s19 =	sadd.s32 $0x80, s17  }
0x21d: {  	[sflag:s23] =	ssyncadd.s32 $0xFFFFC000;
	s20 =	smov.u32 s18;
	s21 =	sadd.s32 $0x400, s18  }
0x21e: {  	[tilespmem:s28], [sflag:$0x2] =	stream.indirect.gather [hbm4b:s5+s25], $0x80, s19, s25, $0xb8;
	[tilespmem:$0x1E800] =	vst v63  }
0x21f: {  	p1 =	sne.s32 s18, $0x4800;
	_ =	swait.ge [sflag:s29], $0x4000  }
0x220: {  	[sflag:s29] =	ssyncset.done $0x0  }
0x221: {  	s18 =	sadd.s32 $0x1400, s17;
	[sflag:s29] =	ssyncadd.s32 $0xFFFFC000  }
0x222: {  	[spmem:s1] =	stream.indirect.scatter.add.f32 [tilespmem:s26], [sflag:$0x3], $0x80, s18, s25, $0xb8;
	[tilespmem:$0x1E800] =	vst v63  }
0x223: {  	_ =	swait.ge [sflag:s23], $0x4000  }
0x224: {  	[sflag:s23] =	ssyncset.done $0x0  }
0x225: {  	s18 =	sadd.s32 $0x100, s17;
	[sflag:s23] =	ssyncadd.s32 $0xFFFFC000  }
0x226: {  	[tilespmem:s26], [sflag:$0x1] =	stream.indirect.gather [hbm4b:s5+s25], $0x80, s18, s25, $0xb8;
	[tilespmem:$0x1E800] =	vst v63  }
0x227: {  	_ =	swait.ge [sflag:s30], $0x4000  }
.Ltmp10:
0x228: {  	[sflag:s30] =	ssyncset.done $0x0;
	(pc) =	sbr.rel @p1 .LBB2_7-.Ltmp10, $4  }
0x229: {  	s17 =	sadd.s32 $0x1480, s17;
	[sflag:s30] =	ssyncadd.s32 $0xFFFFC000  }
0x22a: {  	[spmem:s1] =	stream.indirect.scatter.add.f32 [tilespmem:s28], [sflag:$0x3], $0x80, s17, s25, $0xb8;
	[tilespmem:$0x1E800] =	vst v63  }
0x22b: {  	_ =	swait.ge [sflag:s23], $0x4000  }
0x22c: {  	s18 =	smov.u32 s21;
	s17 =	sshra.s32 s20, $0x2;
	[sflag:s23] =	ssyncset.done $0x0  }
0x22d: {  	s18 =	sadd.s32 $0x80, s17;
	[sflag:s23] =	ssyncadd.s32 $0xFFFFC000  }
0x22e: {  	[tilespmem:s28], [sflag:$0x2] =	stream.indirect.gather [hbm4b:s5+s25], $0x80, s18, s25, $0xb8;
	[tilespmem:$0x1E800] =	vst v63  }
0x22f: {  	_ =	swait.ge [sflag:s29], $0x4000  }
0x230: {  	[sflag:s29] =	ssyncset.done $0x0  }
0x231: {  	s21 =	sadd.s32 $0x1400, s17;
	[sflag:s29] =	ssyncadd.s32 $0xFFFFC000  }
0x232: {  	[spmem:s1] =	stream.indirect.scatter.add.f32 [tilespmem:s26], [sflag:$0x3], $0x80, s21, s25, $0xb8;
	[tilespmem:$0x1E800] =	vst v63  }
0x233: {  	_ =	swait.ge [sflag:s23], $0x4000  }
0x234: {  	[sflag:s23] =	ssyncset.done $0x0  }
0x235: {  	s19 =	sadd.s32 $0x100, s17;
	[sflag:s23] =	ssyncadd.s32 $0xFFFFC000  }
0x236: {  	[tilespmem:s26], [sflag:$0x1] =	stream.indirect.gather [hbm4b:s5+s25], $0x80, s19, s25, $0xb8;
	[tilespmem:$0x1E800] =	vst v63  }
0x237: {  	_ =	swait.ge [sflag:s30], $0x4000  }
0x238: {  	[sflag:s30] =	ssyncset.done $0x0  }
0x239: {  	s20 =	sadd.s32 $0x1480, s17;
	[sflag:s30] =	ssyncadd.s32 $0xFFFFC000  }
0x23a: {  	[spmem:s1] =	stream.indirect.scatter.add.f32 [tilespmem:s28], [sflag:$0x3], $0x80, s20, s25, $0xb8;
	[tilespmem:$0x1E800] =	vst v63  }
0x23b: {  	_ =	swait.ge [sflag:s23], $0x4000  }
0x23c: {  	[sflag:s23] =	ssyncset.done $0x0  }
0x23d: {  	[sflag:s23] =	ssyncadd.s32 $0xFFFFC000  }
0x23e: {  	[tilespmem:s28], [sflag:$0x2] =	stream.indirect.gather [hbm4b:s5+s25], $0x80, s31, s25, $0xb8;
	[tilespmem:$0x1E800] =	vst v63  }
0x23f: {  	_ =	swait.ge [sflag:s29], $0x4000  }
0x240: {  	[sflag:s29] =	ssyncset.done $0x0  }
0x241: {  	[sflag:s29] =	ssyncadd.s32 $0xFFFFC000  }
0x242: {  	[spmem:s1] =	stream.indirect.scatter.add.f32 [tilespmem:s26], [sflag:$0x3], $0x80, s0, s25, $0xb8;
	[tilespmem:$0x1E800] =	vst v63  }
0x243: {  	_ =	swait.ge [sflag:s23], $0x4000  }
0x244: {  	[sflag:s23] =	ssyncset.done $0x0  }
0x245: {  	[sflag:s23] =	ssyncadd.s32 $0xFFFFC000  }
0x246: {  	_ =	swait.ge [sflag:s30], $0x4000  }
0x247: {  	[sflag:s30] =	ssyncset.done $0x0  }
0x248: {  	[sflag:s30] =	ssyncadd.s32 $0xFFFFC000  }
0x249: {  	[spmem:s1] =	stream.indirect.scatter.add.f32 [tilespmem:s28], [sflag:$0x3], $0x80, s9, s25, $0xb8;
	[tilespmem:$0x1E800] =	vst v63  }
0x24a: {  	_ =	swait.ge [sflag:s23], $0x4000  }
0x24b: {  	[sflag:s23] =	ssyncset.done $0x0  }
0x24c: {  	s21 =	simm.s32 $0x0;
	[sflag:s23] =	ssyncadd.s32 $0xFFFFC000  }
0x24d: {  	[tilespmem:s21], [sflag:$0x3] =	stream.linear.gather [hbm4b:s15+s21], $0x1400, $0x38;
	[tilespmem:$0x1E800] =	vst v63  }
0x24e: {  	_ =	swait.ge [sflag:s23], $0x1400  }
0x24f: {  	[sflag:s23] =	ssyncset.done $0x0  }
0x250: {  	[sflag:s23] =	ssyncadd.s32 $0xFFFFEC00  }
0x251: {  	[tilespmem:s24], [sflag:$0x3] =	stream.linear.gather [hbm4b:s16+s21], $0x1400, $0x38;
	[tilespmem:$0x1E800] =	vst v63  }
0x252: {  	_ =	swait.ge [sflag:s23], $0x1400  }
0x253: {  	[sflag:s23] =	ssyncset.done $0x0  }
0x254: {  	[sflag:s23] =	ssyncadd.s32 $0xFFFFEC00  }
0x255: {  	[tilespmem:s26], [sflag:$0x1] =	stream.indirect.gather [hbm4b:s5+s25], $0x80, s21, s25, $0xb8;
	[tilespmem:$0x1E800] =	vst v63  }
0x256: {  	s18 =	simm.s32 $0x80  }
0x257: {  	[tilespmem:s28], [sflag:$0x2] =	stream.indirect.gather [hbm4b:s5+s25], $0x80, s18, s25, $0xb8;
	[tilespmem:$0x1E800] =	vst v63  }
0x258: {  	_ =	swait.ge [sflag:s29], $0x4000  }
0x259: {  	[sflag:s29] =	ssyncset.done $0x0  }
0x25a: {  	s19 =	simm.s32 $0x1400;
	[sflag:s29] =	ssyncadd.s32 $0xFFFFC000  }
0x25b: {  	[spmem:s1] =	stream.indirect.scatter.add.f32 [tilespmem:s26], [sflag:$0x3], $0x80, s19, s25, $0xb8;
	[tilespmem:$0x1E800] =	vst v63  }
0x25c: {  	_ =	swait.ge [sflag:s23], $0x4000  }
0x25d: {  	[sflag:s23] =	ssyncset.done $0x0  }
0x25e: {  	s20 =	simm.s32 $0x100;
	[sflag:s23] =	ssyncadd.s32 $0xFFFFC000  }
0x25f: {  	[tilespmem:s26], [sflag:$0x1] =	stream.indirect.gather [hbm4b:s5+s25], $0x80, s20, s25, $0xb8;
	[tilespmem:$0x1E800] =	vst v63  }
0x260: {  	_ =	swait.ge [sflag:s30], $0x4000  }
0x261: {  	[sflag:s30] =	ssyncset.done $0x0  }
0x262: {  	s21 =	simm.s32 $0x1480;
	[sflag:s30] =	ssyncadd.s32 $0xFFFFC000  }
0x263: {  	[spmem:s1] =	stream.indirect.scatter.add.f32 [tilespmem:s28], [sflag:$0x3], $0x80, s21, s25, $0xb8;
	[tilespmem:$0x1E800] =	vst v63  }
0x264: {  	_ =	swait.ge [sflag:s23], $0x4000  }
0x265: {  	s17 =	simm.s32 $0x100;
	s18 =	simm.s32 $0x800;
	[sflag:s23] =	ssyncset.done $0x0  }
.LBB2_9:
0x266: {  	s19 =	sadd.s32 $0x80, s17  }
0x267: {  	[sflag:s23] =	ssyncadd.s32 $0xFFFFC000;
	s20 =	smov.u32 s18;
	s21 =	sadd.s32 $0x400, s18  }
0x268: {  	[tilespmem:s28], [sflag:$0x2] =	stream.indirect.gather [hbm4b:s5+s25], $0x80, s19, s25, $0xb8;
	[tilespmem:$0x1E800] =	vst v63  }
0x269: {  	p1 =	sne.s32 s18, $0x4800;
	_ =	swait.ge [sflag:s29], $0x4000  }
0x26a: {  	[sflag:s29] =	ssyncset.done $0x0  }
0x26b: {  	s18 =	sadd.s32 $0x1400, s17;
	[sflag:s29] =	ssyncadd.s32 $0xFFFFC000  }
0x26c: {  	[spmem:s1] =	stream.indirect.scatter.add.f32 [tilespmem:s26], [sflag:$0x3], $0x80, s18, s25, $0xb8;
	[tilespmem:$0x1E800] =	vst v63  }
0x26d: {  	_ =	swait.ge [sflag:s23], $0x4000  }
0x26e: {  	[sflag:s23] =	ssyncset.done $0x0  }
0x26f: {  	s18 =	sadd.s32 $0x100, s17;
	[sflag:s23] =	ssyncadd.s32 $0xFFFFC000  }
0x270: {  	[tilespmem:s26], [sflag:$0x1] =	stream.indirect.gather [hbm4b:s5+s25], $0x80, s18, s25, $0xb8;
	[tilespmem:$0x1E800] =	vst v63  }
0x271: {  	_ =	swait.ge [sflag:s30], $0x4000  }
.Ltmp11:
0x272: {  	[sflag:s30] =	ssyncset.done $0x0;
	(pc) =	sbr.rel @p1 .LBB2_9-.Ltmp11, $4  }
0x273: {  	s17 =	sadd.s32 $0x1480, s17;
	[sflag:s30] =	ssyncadd.s32 $0xFFFFC000  }
0x274: {  	[spmem:s1] =	stream.indirect.scatter.add.f32 [tilespmem:s28], [sflag:$0x3], $0x80, s17, s25, $0xb8;
	[tilespmem:$0x1E800] =	vst v63  }
0x275: {  	_ =	swait.ge [sflag:s23], $0x4000  }
0x276: {  	s18 =	smov.u32 s21;
	s17 =	sshra.s32 s20, $0x2;
	[sflag:s23] =	ssyncset.done $0x0  }
0x277: {  	s18 =	sadd.s32 $0x80, s17;
	[sflag:s23] =	ssyncadd.s32 $0xFFFFC000  }
0x278: {  	[tilespmem:s28], [sflag:$0x2] =	stream.indirect.gather [hbm4b:s5+s25], $0x80, s18, s25, $0xb8;
	[tilespmem:$0x1E800] =	vst v63  }
0x279: {  	_ =	swait.ge [sflag:s29], $0x4000  }
0x27a: {  	[sflag:s29] =	ssyncset.done $0x0  }
0x27b: {  	s19 =	sadd.s32 $0x1400, s17;
	[sflag:s29] =	ssyncadd.s32 $0xFFFFC000  }
0x27c: {  	[spmem:s1] =	stream.indirect.scatter.add.f32 [tilespmem:s26], [sflag:$0x3], $0x80, s19, s25, $0xb8;
	[tilespmem:$0x1E800] =	vst v63  }
0x27d: {  	_ =	swait.ge [sflag:s23], $0x4000  }
0x27e: {  	[sflag:s23] =	ssyncset.done $0x0  }
0x27f: {  	s20 =	sadd.s32 $0x100, s17;
	[sflag:s23] =	ssyncadd.s32 $0xFFFFC000  }
0x280: {  	[tilespmem:s26], [sflag:$0x1] =	stream.indirect.gather [hbm4b:s5+s25], $0x80, s20, s25, $0xb8;
	[tilespmem:$0x1E800] =	vst v63  }
0x281: {  	_ =	swait.ge [sflag:s30], $0x4000  }
0x282: {  	[sflag:s30] =	ssyncset.done $0x0  }
0x283: {  	s21 =	sadd.s32 $0x1480, s17;
	[sflag:s30] =	ssyncadd.s32 $0xFFFFC000  }
0x284: {  	[spmem:s1] =	stream.indirect.scatter.add.f32 [tilespmem:s28], [sflag:$0x3], $0x80, s21, s25, $0xb8;
	[tilespmem:$0x1E800] =	vst v63  }
.Ltmp12:
0x285: {  	_ = 	snop;
	(pc) =	sbr.rel .LBB2_20-.Ltmp12, $4  }
0x286: {  	_ =	swait.ge [sflag:s23], $0x4000  }
0x287: {  	[sflag:s23] =	ssyncset.done $0x0  }
0x288: {  	s17 =	rddreg [dreg:$0x4];
	[sflag:s23] =	ssyncadd.s32 $0xFFFFC000  }
0x289: {  	[tilespmem:s28], [sflag:$0x2] =	stream.indirect.gather [hbm4b:s5+s25], $0x80, s31, s25, $0xb8;
	[tilespmem:$0x1E800] =	vst v63  }
.LBB2_21:
0x28a: {  	_ =	sfence.sel $0x180000  }
0x28b: {  	[bflag:$0x0] =	sbarrier.arrive $0xFFFF  }
0x28c: {  	_ =	strace $0x9000004D  }
0x28d: {  	[bflag:$0x2] =	sbarrier.arrive $0xFFFF  }
0x28e: {  	p0 =	sne.s32 s3, $0x0;
	s0 =	rddreg [dreg:$0x3]  }
0x28f: {  	s0 =	sadd.s32 @!p0 $0x100000, s0  }
0x290: {  	[sflag:s0] =	ssyncadd.tile.s32 @!p0 $0x1;
	_ =	shalt  }
.Lfunc_end2:
_tile_overlayer_lowered:
.L_overlay_start_2:
0x291: {  	(tag) =	ssettag $0x2  }
0x292: {  	s0 =	rddreg [dreg:$0x0];
	s2 =	stileid.u32  }
0x293: {  	s1 =	rddreg [dreg:$0x1];
	p0 =	sne.s32 s2, $0x0  }
0x294: {  	s3 =	rddreg [dreg:$0x2];
	[bflag:$0x3] =	sbarrier.arrive $0xFFFF;
	s2 =	simm.s32 @!p0 $0x1C03  }
0x295: {  	[timem:s3], [sflag:s2] =	dma.local @!p0 [hbm:s0], s1  }
0x296: {  	s0 =	simm.s32 @!p0 $0x3  }
0x297: {  	_ =	swait.ge @!p0 [sflag:s0], s1  }
0x298: {  	s1 =	ssub.s32 @!p0 $0x0, s1;
	[sflag:s0] =	ssyncset.done @!p0 $0x0  }
0x299: {  	[sflag:s0] =	ssyncadd.s32 @!p0 s1  }
0x29a: {  	[bflag:$0x3] =	sbarrier.arrive $0xFFFF  }
0x29b: {  	_ =	shalt  }

// kernel: kernel.19.cloned.1.call-start
scs
__scs_entry_jumppad:
0x0: {  	(pc) =	sbr.rel $0x88, $3  }
0x1: {  	(tag) =	ssettag $0x0;
	lr =	simm.s32 $0x1  }
0x2: {  	[smem:$0x3F99] =	sst lr;
	_ =	strace $0xD0000000  }
0x3: {  	_ = 	snop  }
0x4: {  	_ = 	snop  }
0x5: {  	_ = 	snop  }
0x6: {  	_ = 	snop  }
0x7: {  	_ = 	snop  }
__scs_overlays_trampoline_lowered:
0x8: {  	[smem:$0x3FA8] =	sst s0  }
0x9: {  	[smem:$0x3FA9] =	sst s1  }
0xa: {  	[smem:$0x3FAA] =	sst s2  }
0xb: {  	[smem:$0x3FAB] =	sst s3  }
0xc: {  	[smem:$0x3FAC] =	sst s4  }
0xd: {  	[smem:$0x3FAD] =	sst s5  }
0xe: {  	[smem:$0x3FAE] =	sst s6  }
0xf: {  	[smem:$0x3FAF] =	sst s7  }
0x10: {  	[smem:$0x3FB0] =	sst s8  }
0x11: {  	[smem:$0x3FB1] =	sst s9;
	s0 =	simm.s32 @!p0 $0x0  }
0x12: {  	s1 =	sld [smem:$0x3F97];
	s0 =	simm.s32 @p0 $0x1  }
0x13: {  	[smem:$0x3FB2] =	sst s0;
	s0 =	simm.s32 @!p1 $0x0  }
0x14: {  	s2 =	sld [smem:$0x3F96];
	s0 =	simm.s32 @p1 $0x1  }
0x15: {  	[smem:$0x3FB3] =	sst s0;
	s0 =	simm.s32 @!p2 $0x0  }
0x16: {  	s3 =	sld [smem:$0x3FDB];
	s0 =	simm.s32 @p2 $0x1  }
0x17: {  	s4 =	simm.s32 $0x1BF5;
	[smem:$0x3FB5] =	sst s0  }
0x18: {  	s0 =	sld [smem:$0x3F98];
	_ =	swait.ge [sflag:s4], $0x0  }
0x19: {  	s7 =	sld [smem:$0x3F99]  }
0x1a: {  	s8 =	sadd.s32 $0xFFFFE003, lr  }
0x1b: {  	s9 =	sadd.s32 $0xFFFFFEF7, lr;
	s5 =	simm.s32 $0xFFFFFFFF;
	p2 =	slt.u32 s8, $0xFFFFF086  }
0x1c: {  	p1 =	slt.u32 s9, $0xF7A;
	s5 =	simm.s32 @!p2 $0x0  }
0x1d: {  	s5 =	simm.s32 @p1 $0x1;
	p0 =	seq.s32 s7, s2  }
0x1e: {  	s7 =	smul.u32 @!p0 $0xF7A, s2;
	p2 =	seq.s32 @!p0 s5, $0x0  }
0x1f: {  	s9 =	smul.u32 $0xF7A, s1;
	s8 =	simm.s32 @!p0 $0x1BF5;
	p2 =	por !p2, p0  }
0x20: {  	[sflag:s8] =	ssyncset.s32 @!p0 $0xFFFFF086;
	s6 =	sadd.s32 @!p0 s3, s7;
	s7 =	simm.s32 @!p0 $0x108  }
0x21: {  	s3 =	sadd.s32 s3, s9;
	s6 =	sadd.s32 @!p0 $0x88, s6;
	s7 =	simm.s32 @p2 $0x1082  }
0x22: {  	[simem:s7], [sflag:s8] =	dma.local @!p0 [hbm:s6], $0xF7A  }
0x23: {  	s9 =	sor.u32 $0xD0000000, s2;
	s6 =	simm.s32 $0x108;
	_ =	swait.ge @!p0 [sflag:s8], $0x0  }
0x24: {  	s3 =	sadd.s32 $0x88, s3;
	s6 =	simm.s32 @!p1 $0x1082;
	[sflag:s4] =	ssyncset.s32 $0xFFFFF086  }
0x25: {  	[simem:s6], [sflag:s4] =	dma.local [hbm:s3], $0xF7A  }
0x26: {  	[smem:$0x3F99] =	sst s1;
	(tag) =	ssettag s2;
	_ =	strace s9  }
0x27: {  	s1 =	sld [smem:$0x3FA9]  }
0x28: {  	s2 =	sld [smem:$0x3FAA]  }
0x29: {  	s4 =	sld [smem:$0x3FAC]  }
0x2a: {  	p0 =	seq.s32 s5, $0x0;
	s5 =	sld [smem:$0x3FAD]  }
0x2b: {  	s6 =	sld [smem:$0x3FAE]  }
0x2c: {  	s7 =	sld [smem:$0x3FAF]  }
0x2d: {  	s3 =	simm.s32 $0x108;
	s8 =	sld [smem:$0x3FB0]  }
0x2e: {  	s3 =	simm.s32 @!p0 $0x1082;
	s9 =	sld [smem:$0x3FB1]  }
0x2f: {  	lr =	sadd.s32 s0, s3;
	s0 =	sld [smem:$0x3FA8]  }
0x30: {  	s3 =	sld [smem:$0x3FAB]  }
0x31: {  	[smem:$0x3FB4] =	sst s10  }
0x32: {  	s10 =	sld [smem:$0x3FB2];
	_ =	sdelay $0x3  }
0x33: {  	p0 =	seq.s32 s10, $0x1;
	s10 =	sld [smem:$0x3FB4];
	_ =	sdelay $0x3  }
0x34: {  	[smem:$0x3FB4] =	sst s10  }
0x35: {  	s10 =	sld [smem:$0x3FB3];
	_ =	sdelay $0x3  }
0x36: {  	p1 =	seq.s32 s10, $0x1;
	s10 =	sld [smem:$0x3FB4];
	_ =	sdelay $0x3  }
0x37: {  	[smem:$0x3FB4] =	sst s10  }
0x38: {  	s10 =	sld [smem:$0x3FB5]  }
0x39: {  	_ = 	snop;
	(pc) =	sbr.ind lr, $3  }
0x3a: {  	_ = 	snop  }
0x3b: {  	_ = 	snop  }
0x3c: {  	p2 =	seq.s32 s10, $0x1;
	s10 =	sld [smem:$0x3FB4]  }
0x3d: {  	_ =	shalt  }
0x3e: {  	_ =	shalt  }
0x3f: {  	_ =	shalt  }
0x40: {  	_ =	shalt  }
0x41: {  	_ =	shalt  }
0x42: {  	_ =	shalt  }
0x43: {  	_ =	shalt  }
0x44: {  	_ =	shalt  }
0x45: {  	_ =	shalt  }
0x46: {  	_ =	shalt  }
0x47: {  	_ =	shalt  }
0x48: {  	_ =	shalt  }
0x49: {  	_ =	shalt  }
0x4a: {  	_ =	shalt  }
0x4b: {  	_ =	shalt  }
0x4c: {  	_ =	shalt  }
0x4d: {  	_ =	shalt  }
0x4e: {  	_ =	shalt  }
0x4f: {  	_ =	shalt  }
0x50: {  	_ =	shalt  }
0x51: {  	_ =	shalt  }
0x52: {  	_ =	shalt  }
0x53: {  	_ =	shalt  }
0x54: {  	_ =	shalt  }
0x55: {  	_ =	shalt  }
0x56: {  	_ =	shalt  }
0x57: {  	_ =	shalt  }
0x58: {  	_ =	shalt  }
0x59: {  	_ =	shalt  }
0x5a: {  	_ =	shalt  }
0x5b: {  	_ =	shalt  }
0x5c: {  	_ =	shalt  }
0x5d: {  	_ =	shalt  }
0x5e: {  	_ =	shalt  }
0x5f: {  	_ =	shalt  }
0x60: {  	_ =	shalt  }
0x61: {  	_ =	shalt  }
0x62: {  	_ =	shalt  }
0x63: {  	_ =	shalt  }
0x64: {  	_ =	shalt  }
0x65: {  	_ =	shalt  }
0x66: {  	_ =	shalt  }
0x67: {  	_ =	shalt  }
0x68: {  	_ =	shalt  }
0x69: {  	_ =	shalt  }
0x6a: {  	_ =	shalt  }
0x6b: {  	_ =	shalt  }
0x6c: {  	_ =	shalt  }
0x6d: {  	_ =	shalt  }
0x6e: {  	_ =	shalt  }
0x6f: {  	_ =	shalt  }
0x70: {  	_ =	shalt  }
0x71: {  	_ =	shalt  }
0x72: {  	_ =	shalt  }
0x73: {  	_ =	shalt  }
0x74: {  	_ =	shalt  }
0x75: {  	_ =	shalt  }
0x76: {  	_ =	shalt  }
0x77: {  	_ =	shalt  }
0x78: {  	_ =	shalt  }
0x79: {  	_ =	shalt  }
0x7a: {  	_ =	shalt  }
0x7b: {  	_ =	shalt  }
0x7c: {  	_ =	shalt  }
0x7d: {  	_ =	shalt  }
0x7e: {  	_ =	shalt  }
0x7f: {  	_ =	shalt  }
0x80: {  	_ =	shalt  }
0x81: {  	_ =	shalt  }
0x82: {  	_ =	shalt  }
0x83: {  	_ =	shalt  }
0x84: {  	_ =	shalt  }
0x85: {  	_ =	shalt  }
0x86: {  	_ =	shalt  }
0x87: {  	_ =	shalt  }
.Lfunc_end0:
.L_simem_size_0:
called_computation.3_lowered:
.L_overlay_start_0:
0x88: {  	s2 =	sld [smem:$0x3FD9]  }
0x89: {  	s3 =	sld [smem:$0x3FFE];
	_ =	sdelay $0x1  }
0x8a: {  	s1 =	srdreg.scid  }
0x8b: {  	s0 =	sand.u32 $0x1, s1  }
0x8c: {  	s17 =	sshll.u32 s0, $0xA;
	s2 =	sadd.s32 s3, s2  }
0x8d: {  	s2 =	sadd.s32 s2, s17  }
0x8e: {  	[smem:$0x3FC0] =	sst s2  }
0x8f: {  	_ = 	snop  }
0x90: {  	s2 =	sld [smem:$0x3FD0];
	(tm) =	ssettm $0x1  }
0x91: {  	s18 =	sld [smem:$0x3FFB];
	_ =	sdelay $0x3  }
0x92: {  	_ =	strace s18  }
0x93: {  	s3 =	sld [smem:$0x3FFC];
	_ =	sdelay $0x3  }
0x94: {  	_ =	strace s3  }
0x95: {  	s3 =	sld [smem:$0x3FFD];
	_ =	sdelay $0x3  }
0x96: {  	_ =	strace s3  }
0x97: {  	_ =	strace $0x8FFFFFFF  }
0x98: {  	s19 =	sld [smem:$0x3FDB];
	_ =	sdelay $0x1  }
0x99: {  	s4 =	simm.s32 $_scs_section_size  }
0x9a: {  	s5 =	simm.s32 $_size__tile_overlayer_lowered;
	s6 =	simm.s32 $_tile_overlayer_lowered  }
0x9b: {  	s22 =	simm.s32 $0x1BFF;
	s21 =	sshll.u32 s6, $0x1;
	s3 =	sadd.s32 s4, s19  }
0x9c: {  	s7 =	simm.s32 $0x0;
	s20 =	sshll.u32 s5, $0x1;
	s5 =	sadd.s32 s21, s3  }
0x9d: {  	[timem:s7], [sflag:s22] =	dma.local [hbm:s5], s20  }
0x9e: {  	_ =	swait.ge [sflag:s22], s20  }
0x9f: {  	s4 =	ssub.s32 $0x0, s20;
	[sflag:s22] =	ssyncset.done $0x0  }
0xa0: {  	[sflag:s22] =	ssyncadd.s32 s4;
	_ =	sdelay $0x1  }
0xa1: {  	s23 =	simm.s32 $0x1B8B  }
0xa2: {  	_ =	swait.ge [sflag:s23], $0x1  }
0xa3: {  	[sflag:s23] =	ssyncset.done $0x0  }
0xa4: {  	s25 =	simm.s32 $0x1B8E;
	s24 =	sld [smem:$0x3FFE];
	[sflag:s23] =	ssyncadd.s32 $0xFFFFFFFF  }
0xa5: {  	s26 =	simm.s32 $execute0_lowered;
	[smem:$0x3FD2] =	sst s25  }
0xa6: {  	s5 =	sshll.u32 s26, $0x1;
	_ =	strace $0x8000004F;
	[dreg:$0x1] =	wrdreg $0xFFFFFFFF  }
0xa7: {  	s28 =	simm.s32 $_size_execute0_lowered;
	s3 =	sadd.s32 s3, s5;
	[dreg:$0x0] =	wrdreg $0x0  }
0xa8: {  	s5 =	sshll.u32 s28, $0x1;
	[dreg:$0x2] =	wrdreg s3  }
0xa9: {  	[dreg:$0x3] =	wrdreg s5  }
0xaa: {  	[dreg:$0x4] =	wrdreg $0xC0  }
0xab: {  	_ =	task [dreg:s7], $0x5FFFF  }
0xac: {  	[dreg:$0x1] =	wrdreg $0xFFFFFFFF  }
0xad: {  	[dreg:$0x0] =	wrdreg $0x60  }
0xae: {  	[dreg:$0x2] =	wrdreg s24  }
0xaf: {  	[dreg:$0x3] =	wrdreg s2  }
0xb0: {  	[dreg:$0x4] =	wrdreg $0xA8000  }
0xb1: {  	[dreg:$0x5] =	wrdreg $0x9  }
0xb2: {  	_ =	task.clear_ibuf [dreg:s7], $0x6FFFF;
	_ =	strace $0x9000004F  }
0xb3: {  	s29 =	simm.s32 $0x9;
	_ =	strace $0x80000051  }
0xb4: {  	_ =	swait.ge [sflag:s29], $0x1  }
0xb5: {  	[sflag:s29] =	ssyncadd.s32 $0xFFFFFFFF  }
0xb6: {  	_ =	strace $0x90000051  }
0xb7: {  	_ =	sfence  }
0xb8: {  	s30 =	sld [smem:$0x0];
	_ =	sdelay $0x2  }
0xb9: {  	s31 =	sshll.u32 s1, $0xD;
	s1 =	sshrl.u32 s1, $0x2  }
0xba: {  	s3 =	sand.u32 $0x4000, s31;
	s1 =	sadd.s32 s1, s30  }
0xbb: {  	s0 =	sor.u32 s3, s0;
	s1 =	sshll.u32 s1, $0x11  }
0xbc: {  	s0 =	sor.u32 s1, s0  }
0xbd: {  	s0 =	sadd.s32 $0x8F2B, s0  }
0xbe: {  	[sflag:s0] =	ssyncadd.remote.s32 $0x1  }
0xbf: {  	_ =	sfence.sel $0xFFFF  }
0xc0: {  	[dreg:$0x0] =	wrdreg $0xFFFFFFFF;
	(pc) =	sbr.abs _section_cstart, $3  }
0xc1: {  	[dreg:$0x1] =	wrdreg $0xFFFFFFFF  }
0xc2: {  	_ =	task.clear_ibuf [dreg:s7], $0x2FFFF;
	_ =	strace $0x9FFFFFFF  }
0xc3: {  	(tm) =	ssettm $0x7FFFFFFF  }
tec
execute0_lowered:
.L_overlay_start_1:
0x0: {  	(tag) =	ssettag $0x1  }
0x1: {  	s7 =	rddreg [dreg:$0x0]  }
0x2: {  	s10 =	rddreg [dreg:$0x1]  }
0x3: {  	s2 =	rddreg [dreg:$0x2]  }
0x4: {  	s1 =	stileid.u32;
	s4 =	srdreg.scid  }
0x5: {  	s3 =	simm.s32 $0x0;
	s16 =	simm.s32 $0x3;
	s17 =	simm.s32 $0x1400  }
0x6: {  	s18 =	simm.s32 $0x80;
	s19 =	simm.s32 $0x2800;
	s20 =	simm.s32 $0x6800  }
0x7: {  	s21 =	simm.s32 $0x1;
	s22 =	simm.s32 $0x2;
	s23 =	simm.s32 $0x1380  }
0x8: {  	s24 =	simm.s32 $0x2700;
	s25 =	simm.s32 $0x2780;
	s8 =	sand.u32 $0x1, s4  }
0x9: {  	s5 =	sshll.u32 s1, $0x1;
	[smem:$0x7FF] =	sst s3;
	s4 =	smul.u32 $0x2800, s1  }
0xa: {  	s9 =	smul.u32 $0x50000, s1;
	s6 =	sadd.s32 $0x2D400, s7;
	s5 =	sor.u32 s8, s5  }
0xb: {  	_ =	strace $0x80000050;
	s14 =	ssub.s32 $0x2, s8;
	p0 =	seq.s32 s8, $0x1  }
0xc: {  	s11 =	smul.u32 $0x280, s5;
	s5 =	sadd.s32 $0xA5400, s7;
	s12 =	sadd.s32 s4, s7  }
.Ltmp0:
0xd: {  	s15 =	sshrl.u32 s14, $0x1;
	s9 =	sshrl.u32 s9, $0x2;
	(pc) =	sbr.rel .LBB2_1-.Ltmp0, $4  }
0xe: {  	s14 =	ssub.s32 s14, s15;
	s31 =	sadd.s32 s9, s2;
	s8 =	sadd.s32 s5, s4  }
0xf: {  	s13 =	sadd.s32 s11, s7;
	s7 =	sadd.s32 $0x55400, s7;
	s10 =	sadd.s32 s10, s11  }
0x10: {  	s11 =	sadd.s32 $0x5400, s12;
	s9 =	sadd.s32 $0xCDC00, s13;
	s13 =	sshll.u32 s1, $0x6  }
0x11: {  	s12 =	smax.u32 s14, $0x1;
	s15 =	sshrl.u32 s31, $0x3;
	s14 =	sor.u32 $0x1C03, s13  }
.LBB2_7:
0x12: {  	s0 =	sadd.s32 $0x80, s26;
	[sflag:s16] =	ssyncadd.s32 $0xFFFFC000  }
0x13: {  	[tilespmem:s20], [sflag:$0x2] =	stream.indirect.gather [hbm4b:s5+s18], $0x80, s0, s18, $0xb8;
	[tilespmem:$0x1E800] =	vst v63  }
0x14: {  	_ =	swait.ge [sflag:s21], $0x4000  }
0x15: {  	[sflag:s21] =	ssyncset.done $0x0  }
0x16: {  	s29 =	sadd.s32 $0x1400, s26;
	[sflag:s21] =	ssyncadd.s32 $0xFFFFC000  }
0x17: {  	[spmem:s2] =	stream.indirect.scatter.add.f32 [tilespmem:s19], [sflag:$0x3], $0x80, s29, s18, $0xb8;
	[tilespmem:$0x1E800] =	vst v63  }
0x18: {  	_ =	swait.ge [sflag:s16], $0x4000  }
0x19: {  	[sflag:s16] =	ssyncset.done $0x0  }
0x1a: {  	s30 =	sadd.s32 $0x100, s26;
	[sflag:s16] =	ssyncadd.s32 $0xFFFFC000  }
0x1b: {  	[tilespmem:s19], [sflag:$0x1] =	stream.indirect.gather [hbm4b:s5+s18], $0x80, s30, s18, $0xb8;
	[tilespmem:$0x1E800] =	vst v63  }
0x1c: {  	_ =	swait.ge [sflag:s22], $0x4000  }
0x1d: {  	[sflag:s22] =	ssyncset.done $0x0  }
0x1e: {  	s31 =	sadd.s32 $0x1480, s26;
	[sflag:s22] =	ssyncadd.s32 $0xFFFFC000  }
0x1f: {  	[spmem:s2] =	stream.indirect.scatter.add.f32 [tilespmem:s20], [sflag:$0x3], $0x80, s31, s18, $0xb8;
	[tilespmem:$0x1E800] =	vst v63  }
0x20: {  	_ =	swait.ge [sflag:s16], $0x4000  }
0x21: {  	[sflag:s16] =	ssyncset.done $0x0  }
0x22: {  	s28 =	smov.u32 s7;
	s26 =	smov.u32 s14;
	[sflag:s16] =	ssyncadd.s32 $0xFFFFC000  }
.LBB2_8:
0x23: {  	[tilespmem:s20], [sflag:$0x2] =	stream.indirect.gather [hbm4b:s5+s18], $0x80, s23, s18, $0xb8;
	[tilespmem:$0x1E800] =	vst v63  }
0x24: {  	_ =	swait.ge [sflag:s21], $0x4000  }
0x25: {  	[sflag:s21] =	ssyncset.done $0x0  }
0x26: {  	[sflag:s21] =	ssyncadd.s32 $0xFFFFC000  }
0x27: {  	[spmem:s2] =	stream.indirect.scatter.add.f32 [tilespmem:s19], [sflag:$0x3], $0x80, s24, s18, $0xb8;
	[tilespmem:$0x1E800] =	vst v63  }
0x28: {  	_ =	swait.ge [sflag:s16], $0x4000  }
0x29: {  	[sflag:s16] =	ssyncset.done $0x0  }
0x2a: {  	[sflag:s16] =	ssyncadd.s32 $0xFFFFC000  }
0x2b: {  	_ =	swait.ge [sflag:s22], $0x4000  }
0x2c: {  	[sflag:s22] =	ssyncset.done $0x0  }
0x2d: {  	[sflag:s22] =	ssyncadd.s32 $0xFFFFC000  }
0x2e: {  	[spmem:s2] =	stream.indirect.scatter.add.f32 [tilespmem:s20], [sflag:$0x3], $0x80, s25, s18, $0xb8;
	[tilespmem:$0x1E800] =	vst v63  }
0x2f: {  	_ =	swait.ge [sflag:s16], $0x4000  }
0x30: {  	s3 =	sadd.s32 $0x1, s3;
	[sflag:s16] =	ssyncset.done $0x0  }
0x31: {  	p1 =	sne.s32 s3, s12;
	[sflag:s16] =	ssyncadd.s32 $0xFFFFC000  }
.Ltmp1:
0x32: {  	s0 =	sadd.s32 s28, s4;
	[bflag:$0x0] =	sbarrier.arrive $0xFFFF;
	(pc) =	sbr.rel @!p1 .LBB2_9-.Ltmp1, $4  }
0x33: {  	[hbm:s0], [sflag:s26] =	dma.local [spmem:s15], $0x2800  }
0x34: {  	_ =	swait.ge [sflag:s16], $0x2800  }
0x35: {  	[sflag:s16] =	ssyncset.done $0x0  }
0x36: {  	[sflag:s16] =	ssyncadd.s32 $0xFFFFD800  }
.LBB2_1:
.Ltmp2:
0x37: {  	(pc) =	sbr.rel @!p0 .LBB2_2-.Ltmp2, $1  }
0x38: {  	_ =	sdelay $0x3  }
0x39: {  	[spmem:s15], [sflag:s14] =	dma.local [hbm:s11], $0x2800  }
0x3a: {  	_ =	swait.ge [sflag:s16], $0x2800  }
0x3b: {  	[sflag:s16] =	ssyncset.done $0x0  }
0x3c: {  	[sflag:s16] =	ssyncadd.s32 $0xFFFFD800  }
0x3d: {  	s0 =	simm.s32 $0x0;
	[bflag:$0x0] =	sbarrier.arrive $0xFFFF  }
0x3e: {  	[tilespmem:s0], [sflag:$0x3] =	stream.linear.gather [hbm4b:s9+s0], $0x1400, $0x38;
	[tilespmem:$0x1E800] =	vst v63  }
0x3f: {  	_ =	swait.ge [sflag:s16], $0x1400  }
0x40: {  	[sflag:s16] =	ssyncset.done $0x0  }
0x41: {  	[sflag:s16] =	ssyncadd.s32 $0xFFFFEC00  }
0x42: {  	[tilespmem:s17], [sflag:$0x3] =	stream.linear.gather [hbm4b:s10+s0], $0x1400, $0x38;
	[tilespmem:$0x1E800] =	vst v63  }
0x43: {  	_ =	swait.ge [sflag:s16], $0x1400  }
0x44: {  	[sflag:s16] =	ssyncset.done $0x0  }
0x45: {  	[sflag:s16] =	ssyncadd.s32 $0xFFFFEC00  }
0x46: {  	[tilespmem:s19], [sflag:$0x1] =	stream.indirect.gather [hbm4b:s5+s18], $0x80, s0, s18, $0xb8;
	[tilespmem:$0x1E800] =	vst v63  }
0x47: {  	s26 =	simm.s32 $0x80  }
0x48: {  	[tilespmem:s20], [sflag:$0x2] =	stream.indirect.gather [hbm4b:s5+s18], $0x80, s26, s18, $0xb8;
	[tilespmem:$0x1E800] =	vst v63  }
0x49: {  	_ =	swait.ge [sflag:s21], $0x4000  }
0x4a: {  	[sflag:s21] =	ssyncset.done $0x0  }
0x4b: {  	s29 =	simm.s32 $0x1400;
	[sflag:s21] =	ssyncadd.s32 $0xFFFFC000  }
0x4c: {  	[spmem:s2] =	stream.indirect.scatter.add.f32 [tilespmem:s19], [sflag:$0x3], $0x80, s29, s18, $0xb8;
	[tilespmem:$0x1E800] =	vst v63  }
0x4d: {  	_ =	swait.ge [sflag:s16], $0x4000  }
0x4e: {  	[sflag:s16] =	ssyncset.done $0x0  }
0x4f: {  	s30 =	simm.s32 $0x100;
	[sflag:s16] =	ssyncadd.s32 $0xFFFFC000  }
0x50: {  	[tilespmem:s19], [sflag:$0x1] =	stream.indirect.gather [hbm4b:s5+s18], $0x80, s30, s18, $0xb8;
	[tilespmem:$0x1E800] =	vst v63  }
0x51: {  	_ =	swait.ge [sflag:s22], $0x4000  }
0x52: {  	[sflag:s22] =	ssyncset.done $0x0  }
0x53: {  	s31 =	simm.s32 $0x1480;
	[sflag:s22] =	ssyncadd.s32 $0xFFFFC000  }
0x54: {  	[spmem:s2] =	stream.indirect.scatter.add.f32 [tilespmem:s20], [sflag:$0x3], $0x80, s31, s18, $0xb8;
	[tilespmem:$0x1E800] =	vst v63  }
0x55: {  	_ =	swait.ge [sflag:s16], $0x4000  }
0x56: {  	s28 =	simm.s32 $0x800;
	s26 =	simm.s32 $0x100;
	[sflag:s16] =	ssyncset.done $0x0  }
.LBB2_6:
0x57: {  	s0 =	sadd.s32 $0x80, s26  }
0x58: {  	[sflag:s16] =	ssyncadd.s32 $0xFFFFC000;
	s29 =	smov.u32 s28;
	s30 =	sadd.s32 $0x400, s28  }
0x59: {  	[tilespmem:s20], [sflag:$0x2] =	stream.indirect.gather [hbm4b:s5+s18], $0x80, s0, s18, $0xb8;
	[tilespmem:$0x1E800] =	vst v63  }
0x5a: {  	p1 =	sne.s32 s28, $0x4800;
	_ =	swait.ge [sflag:s21], $0x4000  }
0x5b: {  	[sflag:s21] =	ssyncset.done $0x0  }
0x5c: {  	s0 =	sadd.s32 $0x1400, s26;
	[sflag:s21] =	ssyncadd.s32 $0xFFFFC000  }
0x5d: {  	[spmem:s2] =	stream.indirect.scatter.add.f32 [tilespmem:s19], [sflag:$0x3], $0x80, s0, s18, $0xb8;
	[tilespmem:$0x1E800] =	vst v63  }
0x5e: {  	_ =	swait.ge [sflag:s16], $0x4000  }
0x5f: {  	[sflag:s16] =	ssyncset.done $0x0  }
0x60: {  	s0 =	sadd.s32 $0x100, s26;
	[sflag:s16] =	ssyncadd.s32 $0xFFFFC000  }
0x61: {  	[tilespmem:s19], [sflag:$0x1] =	stream.indirect.gather [hbm4b:s5+s18], $0x80, s0, s18, $0xb8;
	[tilespmem:$0x1E800] =	vst v63  }
0x62: {  	_ =	swait.ge [sflag:s22], $0x4000  }
.Ltmp3:
0x63: {  	[sflag:s22] =	ssyncset.done $0x0;
	(pc) =	sbr.rel @p1 .LBB2_6-.Ltmp3, $4  }
0x64: {  	s0 =	sadd.s32 $0x1480, s26;
	[sflag:s22] =	ssyncadd.s32 $0xFFFFC000  }
0x65: {  	[spmem:s2] =	stream.indirect.scatter.add.f32 [tilespmem:s20], [sflag:$0x3], $0x80, s0, s18, $0xb8;
	[tilespmem:$0x1E800] =	vst v63  }
0x66: {  	_ =	swait.ge [sflag:s16], $0x4000  }
0x67: {  	s28 =	smov.u32 s30;
	s26 =	sshra.s32 s29, $0x2;
	[sflag:s16] =	ssyncset.done $0x0  }
.Ltmp4:
0x68: {  	_ = 	snop;
	(pc) =	sbr.rel .LBB2_7-.Ltmp4, $1  }
0x69: {  	_ =	sdelay $0x3  }
.LBB2_2:
0x6a: {  	s26 =	sor.u32 $0x1C03, s13  }
0x6b: {  	[spmem:s15], [sflag:s26] =	dma.local [hbm:s8], $0x2800  }
0x6c: {  	_ =	swait.ge [sflag:s16], $0x2800  }
0x6d: {  	[sflag:s16] =	ssyncset.done $0x0  }
0x6e: {  	[sflag:s16] =	ssyncadd.s32 $0xFFFFD800  }
0x6f: {  	s28 =	simm.s32 $0x0;
	[bflag:$0x0] =	sbarrier.arrive $0xFFFF  }
0x70: {  	[tilespmem:s28], [sflag:$0x3] =	stream.linear.gather [hbm4b:s9+s28], $0x1400, $0x38;
	[tilespmem:$0x1E800] =	vst v63  }
0x71: {  	_ =	swait.ge [sflag:s16], $0x1400  }
0x72: {  	[sflag:s16] =	ssyncset.done $0x0  }
0x73: {  	[sflag:s16] =	ssyncadd.s32 $0xFFFFEC00  }
0x74: {  	[tilespmem:s17], [sflag:$0x3] =	stream.linear.gather [hbm4b:s10+s28], $0x1400, $0x38;
	[tilespmem:$0x1E800] =	vst v63  }
0x75: {  	_ =	swait.ge [sflag:s16], $0x1400  }
0x76: {  	[sflag:s16] =	ssyncset.done $0x0  }
0x77: {  	[sflag:s16] =	ssyncadd.s32 $0xFFFFEC00  }
0x78: {  	[tilespmem:s19], [sflag:$0x1] =	stream.indirect.gather [hbm4b:s5+s18], $0x80, s28, s18, $0xb8;
	[tilespmem:$0x1E800] =	vst v63  }
0x79: {  	s28 =	simm.s32 $0x80  }
0x7a: {  	[tilespmem:s20], [sflag:$0x2] =	stream.indirect.gather [hbm4b:s5+s18], $0x80, s28, s18, $0xb8;
	[tilespmem:$0x1E800] =	vst v63  }
0x7b: {  	_ =	swait.ge [sflag:s21], $0x4000  }
0x7c: {  	[sflag:s21] =	ssyncset.done $0x0  }
0x7d: {  	s28 =	simm.s32 $0x1400;
	[sflag:s21] =	ssyncadd.s32 $0xFFFFC000  }
0x7e: {  	[spmem:s2] =	stream.indirect.scatter.add.f32 [tilespmem:s19], [sflag:$0x3], $0x80, s28, s18, $0xb8;
	[tilespmem:$0x1E800] =	vst v63  }
0x7f: {  	_ =	swait.ge [sflag:s16], $0x4000  }
0x80: {  	[sflag:s16] =	ssyncset.done $0x0  }
0x81: {  	s28 =	simm.s32 $0x100;
	[sflag:s16] =	ssyncadd.s32 $0xFFFFC000  }
0x82: {  	[tilespmem:s19], [sflag:$0x1] =	stream.indirect.gather [hbm4b:s5+s18], $0x80, s28, s18, $0xb8;
	[tilespmem:$0x1E800] =	vst v63  }
0x83: {  	_ =	swait.ge [sflag:s22], $0x4000  }
0x84: {  	[sflag:s22] =	ssyncset.done $0x0  }
0x85: {  	s28 =	simm.s32 $0x1480;
	[sflag:s22] =	ssyncadd.s32 $0xFFFFC000  }
0x86: {  	[spmem:s2] =	stream.indirect.scatter.add.f32 [tilespmem:s20], [sflag:$0x3], $0x80, s28, s18, $0xb8;
	[tilespmem:$0x1E800] =	vst v63  }
0x87: {  	_ =	swait.ge [sflag:s16], $0x4000  }
0x88: {  	s29 =	simm.s32 $0x800;
	s28 =	simm.s32 $0x100;
	[sflag:s16] =	ssyncset.done $0x0  }
.LBB2_3:
0x89: {  	s30 =	sadd.s32 $0x80, s28  }
0x8a: {  	[sflag:s16] =	ssyncadd.s32 $0xFFFFC000;
	s31 =	smov.u32 s29;
	s0 =	sadd.s32 $0x400, s29  }
0x8b: {  	[tilespmem:s20], [sflag:$0x2] =	stream.indirect.gather [hbm4b:s5+s18], $0x80, s30, s18, $0xb8;
	[tilespmem:$0x1E800] =	vst v63  }
0x8c: {  	p1 =	seq.s32 s29, $0x4800;
	_ =	swait.ge [sflag:s21], $0x4000  }
0x8d: {  	[sflag:s21] =	ssyncset.done $0x0  }
0x8e: {  	s29 =	sadd.s32 $0x1400, s28;
	[sflag:s21] =	ssyncadd.s32 $0xFFFFC000  }
0x8f: {  	[spmem:s2] =	stream.indirect.scatter.add.f32 [tilespmem:s19], [sflag:$0x3], $0x80, s29, s18, $0xb8;
	[tilespmem:$0x1E800] =	vst v63  }
0x90: {  	_ =	swait.ge [sflag:s16], $0x4000  }
0x91: {  	[sflag:s16] =	ssyncset.done $0x0  }
0x92: {  	s29 =	sadd.s32 $0x100, s28;
	[sflag:s16] =	ssyncadd.s32 $0xFFFFC000  }
0x93: {  	[tilespmem:s19], [sflag:$0x1] =	stream.indirect.gather [hbm4b:s5+s18], $0x80, s29, s18, $0xb8;
	[tilespmem:$0x1E800] =	vst v63  }
0x94: {  	_ =	swait.ge [sflag:s22], $0x4000  }
.Ltmp5:
0x95: {  	[sflag:s22] =	ssyncset.done $0x0;
	(pc) =	sbr.rel @!p1 .LBB2_3-.Ltmp5, $4  }
0x96: {  	s28 =	sadd.s32 $0x1480, s28;
	[sflag:s22] =	ssyncadd.s32 $0xFFFFC000  }
0x97: {  	[spmem:s2] =	stream.indirect.scatter.add.f32 [tilespmem:s20], [sflag:$0x3], $0x80, s28, s18, $0xb8;
	[tilespmem:$0x1E800] =	vst v63  }
0x98: {  	_ =	swait.ge [sflag:s16], $0x4000  }
0x99: {  	s29 =	smov.u32 s0;
	s28 =	sshra.s32 s31, $0x2;
	[sflag:s16] =	ssyncset.done $0x0  }
0x9a: {  	s0 =	sadd.s32 $0x80, s28;
	[sflag:s16] =	ssyncadd.s32 $0xFFFFC000  }
0x9b: {  	[tilespmem:s20], [sflag:$0x2] =	stream.indirect.gather [hbm4b:s5+s18], $0x80, s0, s18, $0xb8;
	[tilespmem:$0x1E800] =	vst v63  }
0x9c: {  	_ =	swait.ge [sflag:s21], $0x4000  }
0x9d: {  	[sflag:s21] =	ssyncset.done $0x0  }
0x9e: {  	s29 =	sadd.s32 $0x1400, s28;
	[sflag:s21] =	ssyncadd.s32 $0xFFFFC000  }
0x9f: {  	[spmem:s2] =	stream.indirect.scatter.add.f32 [tilespmem:s19], [sflag:$0x3], $0x80, s29, s18, $0xb8;
	[tilespmem:$0x1E800] =	vst v63  }
0xa0: {  	_ =	swait.ge [sflag:s16], $0x4000  }
0xa1: {  	[sflag:s16] =	ssyncset.done $0x0  }
0xa2: {  	s30 =	sadd.s32 $0x100, s28;
	[sflag:s16] =	ssyncadd.s32 $0xFFFFC000  }
0xa3: {  	[tilespmem:s19], [sflag:$0x1] =	stream.indirect.gather [hbm4b:s5+s18], $0x80, s30, s18, $0xb8;
	[tilespmem:$0x1E800] =	vst v63  }
0xa4: {  	_ =	swait.ge [sflag:s22], $0x4000  }
0xa5: {  	[sflag:s22] =	ssyncset.done $0x0  }
.Ltmp6:
0xa6: {  	s31 =	sadd.s32 $0x1480, s28;
	[sflag:s22] =	ssyncadd.s32 $0xFFFFC000;
	(pc) =	sbr.rel .LBB2_8-.Ltmp6, $4  }
0xa7: {  	[spmem:s2] =	stream.indirect.scatter.add.f32 [tilespmem:s20], [sflag:$0x3], $0x80, s31, s18, $0xb8;
	[tilespmem:$0x1E800] =	vst v63  }
0xa8: {  	_ =	swait.ge [sflag:s16], $0x4000  }
0xa9: {  	[sflag:s16] =	ssyncset.done $0x0  }
0xaa: {  	s28 =	smov.u32 s6;
	[sflag:s16] =	ssyncadd.s32 $0xFFFFC000  }
.LBB2_9:
0xab: {  	_ =	sfence.sel $0x180000  }
0xac: {  	[bflag:$0x0] =	sbarrier.arrive $0xFFFF  }
0xad: {  	_ =	strace $0x90000050  }
0xae: {  	[bflag:$0x2] =	sbarrier.arrive $0xFFFF  }
0xaf: {  	p0 =	sne.s32 s1, $0x0;
	s0 =	rddreg [dreg:$0x3]  }
0xb0: {  	s0 =	sadd.s32 @!p0 $0x100000, s0  }
0xb1: {  	[sflag:s0] =	ssyncadd.tile.s32 @!p0 $0x1;
	_ =	shalt  }
.Lfunc_end2:
_tile_overlayer_lowered:
.L_overlay_start_2:
0xb2: {  	(tag) =	ssettag $0x2  }
0xb3: {  	s0 =	rddreg [dreg:$0x0];
	s2 =	stileid.u32  }
0xb4: {  	s1 =	rddreg [dreg:$0x1];
	p0 =	sne.s32 s2, $0x0  }
0xb5: {  	s3 =	rddreg [dreg:$0x2];
	[bflag:$0x3] =	sbarrier.arrive $0xFFFF;
	s2 =	simm.s32 @!p0 $0x1C03  }
0xb6: {  	[timem:s3], [sflag:s2] =	dma.local @!p0 [hbm:s0], s1  }
0xb7: {  	s0 =	simm.s32 @!p0 $0x3  }
0xb8: {  	_ =	swait.ge @!p0 [sflag:s0], s1  }
0xb9: {  	s1 =	ssub.s32 @!p0 $0x0, s1;
	[sflag:s0] =	ssyncset.done @!p0 $0x0  }
0xba: {  	[sflag:s0] =	ssyncadd.s32 @!p0 s1  }
0xbb: {  	[bflag:$0x3] =	sbarrier.arrive $0xFFFF  }
0xbc: {  	_ =	shalt  }

</sc_bundles>
